<compile_context>
chip_gen: v7x
topology: tpu7x:2x2x1
jax: 0.10.2.dev20260603
libtpu: 0.0.44.dev20260713+nightly
codegen_flags: <defaults>
</compile_context>

<pallas_src>
import functools

import jax
import jax.numpy as jnp
from jax import lax
from jax.experimental import pallas as pl
from jax.experimental.pallas import tpu as pltpu
from jax.experimental.pallas import tpu_sc as plsc

_F32 = jnp.float32


def _sc_geometry():
    try:
        info = plsc.get_sparse_core_info()
        return int(info.num_cores), int(info.num_subcores)
    except Exception:
        return 2, 16


def _precompute_nodes(h_V, W1b, W1c, b1, nb):
    n, d = h_V.shape

    def body(hv_ref, wb_ref, wc_ref, b1_ref, a_ref, b_ref):
        hv = hv_ref[...]
        a_ref[...] = jnp.dot(hv, wb_ref[...], preferred_element_type=_F32) + b1_ref[...]
        b_ref[...] = jnp.dot(hv, wc_ref[...], preferred_element_type=_F32)

    return pl.pallas_call(
        body,
        grid=(n // nb,),
        in_specs=[
            pl.BlockSpec((nb, d), lambda i: (i, 0)),
            pl.BlockSpec((d, d), lambda i: (0, 0)),
            pl.BlockSpec((d, d), lambda i: (0, 0)),
            pl.BlockSpec((1, d), lambda i: (0, 0)),
        ],
        out_specs=[
            pl.BlockSpec((nb, d), lambda i: (i, 0)),
            pl.BlockSpec((nb, d), lambda i: (i, 0)),
        ],
        out_shape=[
            jax.ShapeDtypeStruct((n, d), _F32),
            jax.ShapeDtypeStruct((n, d), _F32),
        ],
    )(h_V, W1b, W1c, b1)


def _make_gather(n, d, nc, ns, estart, ecount, cf):
    nw = nc * ns
    ew = ecount // nw
    nfull = ew // cf
    tail = ew - nfull * cf
    mesh = plsc.VectorSubcoreMesh(core_axis_name="c", subcore_axis_name="s")

    dw = d // 2
    scratch = [
        pltpu.VMEM((ew,), jnp.int32),
        pltpu.VMEM((ew,), jnp.int32),
        pltpu.VMEM((cf, d), _F32),
        pltpu.VMEM((cf, d), _F32),
        pltpu.VMEM((cf, d), _F32),
        pltpu.VMEM((cf, d), _F32),
        pltpu.VMEM((cf, dw), jnp.int32),
        pltpu.VMEM((cf, dw), jnp.int32),
        pltpu.SemaphoreType.DMA,
        pltpu.SemaphoreType.DMA,
        pltpu.SemaphoreType.DMA,
        pltpu.SemaphoreType.DMA,
    ]
    if tail:
        scratch += [
            pltpu.VMEM((tail,), jnp.int32),
            pltpu.VMEM((tail,), jnp.int32),
            pltpu.VMEM((tail, d), _F32),
            pltpu.VMEM((tail, d), _F32),
            pltpu.VMEM((tail, dw), jnp.int32),
        ]

    _RND = jnp.int32(0x8000)
    _HIMASK = jnp.int32(-65536)

    @functools.partial(
        pl.kernel,
        out_type=jax.ShapeDtypeStruct((ecount, dw), jnp.int32),
        mesh=mesh,
        scratch_types=scratch,
    )
    def gather_kernel(a_hbm, b_hbm, src_hbm, tgt_hbm, g_hbm,
                      srcall, tgtall, ra0, ra1, rb0, rb1, go0, go1,
                      sg0, sg1, sw0, sw1, *tails):
        wid = lax.axis_index("s") * nc + lax.axis_index("c")
        base = wid * ew
        ras = (ra0, ra1)
        rbs = (rb0, rb1)
        gos = (go0, go1)
        sgs = (sg0, sg1)
        sws = (sw0, sw1)

        pltpu.sync_copy(src_hbm.at[pl.ds(estart + base, ew)], srcall)
        pltpu.sync_copy(tgt_hbm.at[pl.ds(estart + base, ew)], tgtall)

        def accumulate(ra, rb, gout, m):
            ng = dw // 16

            def row(r, carry):
                s = []
                for j in range(d // 16):
                    sl = pl.ds(j * 16, 16)
                    s.append(ra[r, sl] + rb[r, sl])
                for j in range(ng):
                    lo = jax.lax.bitcast_convert_type(s[j], jnp.int32)
                    hi = jax.lax.bitcast_convert_type(s[j + ng], jnp.int32)
                    lo_b = jax.lax.shift_right_logical(lo + _RND, 16)
                    hi_b = jnp.bitwise_and(hi + _RND, _HIMASK)
                    gout[r, pl.ds(j * 16, 16)] = jnp.bitwise_or(hi_b, lo_b)
                return carry
            lax.fori_loop(0, m, row, 0)

        def fire(i, b):
            pltpu.async_copy(a_hbm.at[srcall.at[pl.ds(i * cf, cf)]], ras[b], sgs[b])
            pltpu.async_copy(b_hbm.at[tgtall.at[pl.ds(i * cf, cf)]], rbs[b], sgs[b])

        def drain_gather(b):
            pltpu.make_async_copy(a_hbm.at[pl.ds(0, cf)], ras[b], sgs[b]).wait()
            pltpu.make_async_copy(b_hbm.at[pl.ds(0, cf)], rbs[b], sgs[b]).wait()

        def drain_write(b):
            pltpu.make_async_copy(gos[b], g_hbm.at[pl.ds(0, cf)], sws[b]).wait()

        fire(0, 0)

        def step(i, b):
            @pl.when(i + 1 < nfull)
            def _():
                fire(i + 1, 1 - b)

            drain_gather(b)

            @pl.when(i >= 2)
            def _():
                drain_write(b)

            accumulate(ras[b], rbs[b], gos[b], cf)
            pltpu.async_copy(gos[b], g_hbm.at[pl.ds(base + i * cf, cf)], sws[b])

        def outer(g, carry):
            step(2 * g, 0)
            step(2 * g + 1, 1)
            return carry

        lax.fori_loop(0, nfull // 2, outer, 0)
        if nfull % 2:
            step(nfull - 1, (nfull - 1) % 2)
        if nfull >= 2:
            drain_write(0)
            drain_write(1)
        elif nfull == 1:
            drain_write(0)

        if tail:
            sidx_t, tidx_t, rows_at, rows_bt, go_t = tails
            off = base + nfull * cf
            pltpu.sync_copy(src_hbm.at[pl.ds(estart + off, tail)], sidx_t)
            pltpu.sync_copy(tgt_hbm.at[pl.ds(estart + off, tail)], tidx_t)
            pltpu.async_copy(a_hbm.at[sidx_t], rows_at, sg0).wait()
            pltpu.async_copy(b_hbm.at[tidx_t], rows_bt, sg1).wait()
            accumulate(rows_at, rows_bt, go_t, tail)
            pltpu.sync_copy(go_t, g_hbm.at[pl.ds(off, tail)])

    return gather_kernel


def _edge_mlp(h_E, g32, W1a, W2, b2, W3, b3, eb, blk_off):
    d = h_E.shape[1]
    dw = d // 2
    ecount = g32.shape[0]

    def body(he_ref, g_ref, w1_ref, w2_ref, b2_ref, w3_ref, b3_ref, out_ref):
        _RND = jnp.int32(0x8000)
        _HIMASK = jnp.int32(-65536)
        v = g_ref[...]
        glo = jax.lax.bitcast_convert_type(jnp.left_shift(v, 16), _F32)
        ghi = jax.lax.bitcast_convert_type(jnp.bitwise_and(v, _HIMASK), _F32)
        g = jnp.concatenate([glo, ghi], axis=1)
        x = jnp.dot(he_ref[...], w1_ref[...], preferred_element_type=_F32)
        x = jnp.maximum(x + g, 0.0)
        x = jnp.maximum(jnp.dot(x, w2_ref[...], preferred_element_type=_F32) + b2_ref[...], 0.0)
        msg = jnp.dot(x, w3_ref[...], preferred_element_type=_F32) + b3_ref[...]
        mlo = jax.lax.bitcast_convert_type(msg[:, :dw], jnp.int32)
        mhi = jax.lax.bitcast_convert_type(msg[:, dw:], jnp.int32)
        out_ref[...] = jnp.bitwise_or(
            jnp.bitwise_and(mhi + _RND, _HIMASK),
            jax.lax.shift_right_logical(mlo + _RND, 16))

    blk = lambda i: (i, 0)
    rep = lambda i: (0, 0)
    return pl.pallas_call(
        body,
        grid=(ecount // eb,),
        in_specs=[
            pl.BlockSpec((eb, d), lambda i: (i + blk_off, 0)),
            pl.BlockSpec((eb, dw), blk),
            pl.BlockSpec((d, d), rep),
            pl.BlockSpec((d, d), rep),
            pl.BlockSpec((1, d), rep),
            pl.BlockSpec((d, d), rep),
            pl.BlockSpec((1, d), rep),
        ],
        out_specs=pl.BlockSpec((eb, dw), blk),
        out_shape=jax.ShapeDtypeStruct((ecount, dw), jnp.int32),
    )(h_E, g32, W1a, W2, b2, W3, b3)


def _make_scatter(n, d, nc, ns, ecount, cf):
    nw = nc * ns
    ew = ecount // nw
    nfull = ew // cf
    tail = ew - nfull * cf
    mesh = plsc.VectorSubcoreMesh(core_axis_name="c", subcore_axis_name="s")

    zrows = 1000
    nz = n // zrows
    crows = 2000
    ncz = n // crows

    dw = d // 2
    scratch = [
        pltpu.VMEM((cf,), jnp.int32),
        pltpu.VMEM((cf,), jnp.int32),
        pltpu.VMEM((cf, dw), jnp.int32),
        pltpu.VMEM((cf, d), _F32),
        pltpu.VMEM((cf,), _F32),
        pltpu.VMEM((crows,), _F32),
        pltpu.VMEM_SHARED((n, d), _F32),
        pltpu.VMEM_SHARED((n,), _F32),
        pltpu.SemaphoreType.DMA,
    ]
    if tail:
        scratch += [
            pltpu.VMEM((tail,), jnp.int32),
            pltpu.VMEM((tail, dw), jnp.int32),
        ]

    @functools.partial(
        pl.kernel,
        out_type=tuple(
            [jax.ShapeDtypeStruct((nc, n, d), _F32)]
            + [jax.ShapeDtypeStruct((n,), _F32) for _ in range(nc)]
        ),
        mesh=mesh,
        scratch_types=scratch,
    )
    def scatter_kernel(msg_hbm, tgt_hbm, znd_hbm, num_hbm, *rest):
        cnt_hbms = rest[:nc]
        (tid0, tid1, rows, rfb, ones, stage, acc, cacc, sm) = rest[nc:nc + 9]
        tails = rest[nc + 9:]
        c = lax.axis_index("c")
        s = lax.axis_index("s")
        w = s * nc + c
        base = w * ew
        tids = (tid0, tid1)
        _HIMASK = jnp.int32(-65536)

        def unpack_rows(rp, rf, m):
            def row(r, carry):
                for j in range(dw // 16):
                    v = rp[r, pl.ds(j * 16, 16)]
                    rf[r, pl.ds(j * 16, 16)] = jax.lax.bitcast_convert_type(
                        jnp.left_shift(v, 16), _F32)
                    rf[r, pl.ds(dw + j * 16, 16)] = jax.lax.bitcast_convert_type(
                        jnp.bitwise_and(v, _HIMASK), _F32)
                return carry
            lax.fori_loop(0, m, row, 0)

        for j in range(cf // 16):
            ones[pl.ds(j * 16, 16)] = jnp.full((16,), 1.0, _F32)
        for j in range(crows // 16):
            stage[pl.ds(j * 16, 16)] = jnp.zeros((16,), _F32)

        @pl.when(s < nz)
        def _():
            r0 = s * zrows
            pltpu.sync_copy(znd_hbm.at[pl.ds(r0, zrows)], acc.at[pl.ds(r0, zrows)])

        @pl.when(s < ncz)
        def _():
            r0 = s * crows
            pltpu.sync_copy(stage, cacc.at[pl.ds(r0, crows)])

        plsc.subcore_barrier()

        def fire(i, b):
            pltpu.async_copy(tgt_hbm.at[pl.ds(base + i * cf, cf)], tids[b], sm)
            pltpu.async_copy(msg_hbm.at[pl.ds(base + i * cf, cf)], rows, sm)

        def drain(b):
            pltpu.make_async_copy(tgt_hbm.at[pl.ds(0, cf)], tids[b], sm).wait()
            pltpu.make_async_copy(msg_hbm.at[pl.ds(0, cf)], rows, sm).wait()

        fire(0, 0)

        def step(i, b):
            drain(b)
            unpack_rows(rows, rfb, cf)

            @pl.when(i + 1 < nfull)
            def _():
                fire(i + 1, 1 - b)

            pltpu.sync_copy(rfb, acc.at[tids[b]], add=True)
            pltpu.sync_copy(ones, cacc.at[tids[b]], add=True)

        def outer(g, carry):
            step(2 * g, 0)
            step(2 * g + 1, 1)
            return carry

        lax.fori_loop(0, nfull // 2, outer, 0)
        if nfull % 2:
            step(nfull - 1, 0)

        if tail:
            tidx_t, rows_t = tails
            off = base + nfull * cf
            pltpu.sync_copy(tgt_hbm.at[pl.ds(off, tail)], tidx_t)
            pltpu.sync_copy(msg_hbm.at[pl.ds(off, tail)], rows_t)
            unpack_rows(rows_t, rfb, tail)
            pltpu.sync_copy(rfb.at[pl.ds(0, tail)], acc.at[tidx_t], add=True)
            pltpu.sync_copy(ones.at[pl.ds(0, tail)], cacc.at[tidx_t], add=True)

        plsc.subcore_barrier()

        @pl.when(s < nz)
        def _():
            r0 = s * zrows
            pltpu.sync_copy(acc.at[pl.ds(r0, zrows)], num_hbm.at[c, pl.ds(r0, zrows)])

        for k in range(nc):
            @pl.when((s < ncz) & (c == k))
            def _(k=k):
                r0 = s * crows
                pltpu.sync_copy(cacc.at[pl.ds(r0, crows)], stage)
                pltpu.sync_copy(stage, cnt_hbms[k].at[pl.ds(r0, crows)])

    return scatter_kernel


def _node_update(h_V, num, cnt3, Wd1, bd1, Wd2, bd2, ln0_w, ln0_b, ln1_w, ln1_b, nb):
    n, d = h_V.shape
    nparts = num.shape[0]
    dh_hid = Wd1.shape[1]

    def body(hv_ref, num_ref, cnt_ref, wd1_ref, bd1_ref, wd2_ref, bd2_ref,
             l0w_ref, l0b_ref, l1w_ref, l1b_ref, out_ref):
        acc = num_ref[0]
        cv = cnt_ref[0]
        for k in range(1, nparts):
            acc = acc + num_ref[k]
            cv = cv + cnt_ref[k]
        mask = cv > 0.0
        inv = jnp.where(mask, 1.0 / jnp.where(mask, cv, 1.0), 0.0)
        x = hv_ref[...] + acc * inv

        mu = jnp.mean(x, axis=-1, keepdims=True)
        var = jnp.mean((x - mu) ** 2, axis=-1, keepdims=True)
        x = (x - mu) * jax.lax.rsqrt(var + 1e-5) * l0w_ref[...] + l0b_ref[...]

        h = jnp.maximum(jnp.dot(x, wd1_ref[...], preferred_element_type=_F32) + bd1_ref[...], 0.0)
        y = x + jnp.dot(h, wd2_ref[...], preferred_element_type=_F32) + bd2_ref[...]

        mu2 = jnp.mean(y, axis=-1, keepdims=True)
        var2 = jnp.mean((y - mu2) ** 2, axis=-1, keepdims=True)
        out_ref[...] = (y - mu2) * jax.lax.rsqrt(var2 + 1e-5) * l1w_ref[...] + l1b_ref[...]

    blk = lambda i: (i, 0)
    rep = lambda i: (0, 0)
    return pl.pallas_call(
        body,
        grid=(n // nb,),
        in_specs=[
            pl.BlockSpec((nb, d), blk),
            pl.BlockSpec((nparts, nb, d), lambda i: (0, i, 0)),
            pl.BlockSpec((nparts, nb, 1), lambda i: (0, i, 0)),
            pl.BlockSpec((d, dh_hid), rep),
            pl.BlockSpec((1, dh_hid), rep),
            pl.BlockSpec((dh_hid, d), rep),
            pl.BlockSpec((1, d), rep),
            pl.BlockSpec((1, d), rep),
            pl.BlockSpec((1, d), rep),
            pl.BlockSpec((1, d), rep),
            pl.BlockSpec((1, d), rep),
        ],
        out_specs=pl.BlockSpec((nb, d), blk),
        out_shape=jax.ShapeDtypeStruct((n, d), _F32),
    )(h_V, num, cnt3, Wd1, bd1, Wd2, bd2, ln0_w, ln0_b, ln1_w, ln1_b)


def kernel(h_V, h_E, edge_idx, W1, b1, W2, b2, W3, b3, Wd1, bd1, Wd2, bd2,
           ln0_w, ln0_b, ln1_w, ln1_b):
    n, d = h_V.shape
    e = h_E.shape[0]
    nc, ns = _sc_geometry()
    nw = nc * ns
    cf = 128
    eb = 4000

    src = edge_idx[0]
    tgt = edge_idx[1]
    W1a = W1[:d]
    W1b = W1[d:2 * d]
    W1c = W1[2 * d:]

    A, B = _precompute_nodes(h_V, W1b, W1c, b1.reshape(1, d), nb=2000)

    g32 = _make_gather(n, d, nc, ns, 0, e, cf)(A, B, src, tgt)

    msg = _edge_mlp(h_E, g32, W1a, W2, b2.reshape(1, d), W3,
                    b3.reshape(1, d), eb, 0)

    znd = jnp.zeros((n, d), _F32)
    num, *cnts = _make_scatter(n, d, nc, ns, e, cf)(msg, tgt, znd)
    cnt = jnp.stack(cnts)

    out = _node_update(
        h_V, num, cnt.reshape(nc, n, 1),
        Wd1, bd1.reshape(1, -1), Wd2, bd2.reshape(1, d),
        ln0_w.reshape(1, d), ln0_b.reshape(1, d),
        ln1_w.reshape(1, d), ln1_b.reshape(1, d),
        nb=2000,
    )
    return out

# --- scband reference (transcript-rebuilt; emitter-appended) ---
"""Pipeline reference for scband-mpnnlayer-70334384439335 (READ-ONLY COPY).

The authoritative reference and input builder live on the scoring server;
editing this copy changes nothing except your own understanding.
"""

import jax, jax.numpy as jnp
import numpy as np

N, E, D = 10000, 320000, 128

def _lin_params(key, fin, fout):
    kw, kb = jax.random.split(key)
    lim = 1.0 / np.sqrt(fin)
    W = jax.random.uniform(kw, (fin, fout), jnp.float32, -lim, lim)
    b = jax.random.uniform(kb, (fout,), jnp.float32, -lim, lim)
    return W, b

def _layer_norm(x, w, b, eps=1e-5):
    mu = jnp.mean(x, axis=-1, keepdims=True)
    var = jnp.mean((x - mu) ** 2, axis=-1, keepdims=True)
    return (x - mu) / jnp.sqrt(var + eps) * w + b

def setup_inputs(seed: int = 0) -> dict:
    key = jax.random.key(seed)
    ks = jax.random.split(key, 10)
    h_V = jax.random.normal(ks[0], (N, D), jnp.float32)
    h_E = jax.random.normal(ks[1], (E, D), jnp.float32)
    edge_idx = jax.random.randint(ks[2], (2, E), 0, N, jnp.int32)
    W1, b1 = _lin_params(ks[3], 3 * D, D)
    W2, b2 = _lin_params(ks[4], D, D)
    W3, b3 = _lin_params(ks[5], D, D)
    Wd1, bd1 = _lin_params(ks[6], D, 4 * D)
    Wd2, bd2 = _lin_params(ks[7], 4 * D, D)
    ln0_w = jnp.ones((D,), jnp.float32); ln0_b = jnp.zeros((D,), jnp.float32)
    ln1_w = jnp.ones((D,), jnp.float32); ln1_b = jnp.zeros((D,), jnp.float32)
    return {"h_V": h_V, "h_E": h_E, "edge_idx": edge_idx,
            "W1": W1, "b1": b1, "W2": W2, "b2": b2, "W3": W3, "b3": b3,
            "Wd1": Wd1, "bd1": bd1, "Wd2": Wd2, "bd2": bd2,
            "ln0_w": ln0_w, "ln0_b": ln0_b, "ln1_w": ln1_w, "ln1_b": ln1_b}

def reference(h_V, h_E, edge_idx, W1, b1, W2, b2, W3, b3, Wd1, bd1, Wd2, bd2, ln0_w, ln0_b, ln1_w, ln1_b):
    src_idx = edge_idx[0]
    tgt_idx = edge_idx[1]
    n = h_V.shape[0]
    # gather endpoints and concat with edge features
    h_EV = jnp.concatenate([h_E, jnp.take(h_V, src_idx, axis=0), jnp.take(h_V, tgt_idx, axis=0)], axis=-1)
    # node_mlp: Linear -> ReLU -> Linear -> ReLU -> Linear
    h = jax.nn.relu(h_EV @ W1 + b1)
    h = jax.nn.relu(h @ W2 + b2)
    h_message = h @ W3 + b3
    # scatter-mean onto target nodes (dropout is identity in eval)
    counts = jax.ops.segment_sum(jnp.ones((h_E.shape[0],), jnp.float32), tgt_idx, num_segments=n)
    scatter_mask = counts > 0
    num = jax.ops.segment_sum(h_message, tgt_idx, num_segments=n)
    den = jax.ops.segment_sum(jnp.ones_like(h_message), tgt_idx, num_segments=n)
    dh = jnp.where(scatter_mask[:, None], num / jnp.where(scatter_mask[:, None], den, 1.0), 0.0)
    h_V = _layer_norm(h_V + dh, ln0_w, ln0_b)
    dh2 = jax.nn.relu(h_V @ Wd1 + bd1) @ Wd2 + bd2
    h_V = _layer_norm(h_V + dh2, ln1_w, ln1_b)
    return h_V

if __name__ == "__main__":
    import jax
    _d = setup_inputs()
    print(jax.jit(kernel)(*tuple(_d.values())))

</pallas_src>

<mosaic_0001>
#map = affine_map<(d0, d1) -> (0, 0)>
#map1 = affine_map<(d0, d1) -> (0)>
#map2 = affine_map<(d0, d1) -> (0, 0, 0)>
module attributes {stable_mosaic.version = 14 : i64} {
  func.func @scatter_kernel(%arg0: i32, %arg1: i32, %arg2: memref<320000x64xi32, #tpu.memory_space<hbm>>, %arg3: memref<320000xi32, #tpu.memory_space<hbm>>, %arg4: memref<10000x128xf32, #tpu.memory_space<hbm>>, %arg5: memref<2x10000x128xf32, #tpu.memory_space<hbm>>, %arg6: memref<10000xf32, #tpu.memory_space<hbm>>, %arg7: memref<10000xf32, #tpu.memory_space<hbm>>, %arg8: memref<128xi32, #tpu.memory_space<vmem>>, %arg9: memref<128xi32, #tpu.memory_space<vmem>>, %arg10: memref<128x64xi32, #tpu.memory_space<vmem>>, %arg11: memref<128x128xf32, #tpu.memory_space<vmem>>, %arg12: memref<128xf32, #tpu.memory_space<vmem>>, %arg13: memref<2000xf32, #tpu.memory_space<vmem>>, %arg14: memref<10000x128xf32, #tpu.memory_space<vmem_shared>>, %arg15: memref<10000xf32, #tpu.memory_space<vmem_shared>>, %arg16: memref<!tpu.dma_semaphore, #tpu.memory_space<semaphore_mem>>, %arg17: memref<16xi32, #tpu.memory_space<vmem>>, %arg18: memref<16x64xi32, #tpu.memory_space<vmem>>) attributes {dimension_semantics = [#tpu.dimension_semantics<core_parallel>, #tpu.dimension_semantics<subcore_parallel>], iteration_bounds = array<i64: 2, 16>, scalar_prefetch = 0 : i64, scratch_operands = 11 : i64, tpu.core_type = #tpu.core_type<sc_vector_subcore>, window_params = [{transform_indices = #map}, {transform_indices = #map1}, {transform_indices = #map}, {transform_indices = #map2}, {transform_indices = #map1}, {transform_indices = #map1}]} {
    %mul3A = arith.constant 2 : i32
    %mul3A_0 = arith.muli %arg1, %mul3A : i32
    %add3A = arith.addi %mul3A_0, %arg0 : i32
    %mul3A_1 = arith.constant 10000 : i32
    %mul3A_2 = arith.muli %add3A, %mul3A_1 : i32
    %broadcast_in_dim3A = arith.constant 1.000000e+00 : f32
    %broadcast_in_dim3A_3 = vector.broadcast %broadcast_in_dim3A : f32 to vector<16xf32>
    %swap3A = arith.constant 0 : index
    %swap3A_4 = tpu.vector_load %arg12[%swap3A] {strides = array<i32>} : memref<128xf32, #tpu.memory_space<vmem>>, vector<16xf32>,
    %swap3A_5 = vector.shape_cast %swap3A_4 : vector<16xf32> to vector<16xf32>
    %swap3A_6 = vector.shape_cast %broadcast_in_dim3A_3 : vector<16xf32> to vector<16xf32>
    tpu.vector_store %arg12[%swap3A], %swap3A_6 {strides = array<i32>} : memref<128xf32, #tpu.memory_space<vmem>>, vector<16xf32>,
    %broadcast_in_dim3A_7 = arith.constant 1.000000e+00 : f32
    %broadcast_in_dim3A_8 = vector.broadcast %broadcast_in_dim3A_7 : f32 to vector<16xf32>
    %swap3A_9 = arith.constant 16 : index
    %swap3A_10 = tpu.vector_load %arg12[%swap3A_9] {strides = array<i32>} : memref<128xf32, #tpu.memory_space<vmem>>, vector<16xf32>,
    %swap3A_11 = vector.shape_cast %swap3A_10 : vector<16xf32> to vector<16xf32>
    %swap3A_12 = vector.shape_cast %broadcast_in_dim3A_8 : vector<16xf32> to vector<16xf32>
    tpu.vector_store %arg12[%swap3A_9], %swap3A_12 {strides = array<i32>} : memref<128xf32, #tpu.memory_space<vmem>>, vector<16xf32>,
    %broadcast_in_dim3A_13 = arith.constant 1.000000e+00 : f32
    %broadcast_in_dim3A_14 = vector.broadcast %broadcast_in_dim3A_13 : f32 to vector<16xf32>
    %swap3A_15 = arith.constant 32 : index
    %swap3A_16 = tpu.vector_load %arg12[%swap3A_15] {strides = array<i32>} : memref<128xf32, #tpu.memory_space<vmem>>, vector<16xf32>,
    %swap3A_17 = vector.shape_cast %swap3A_16 : vector<16xf32> to vector<16xf32>
    %swap3A_18 = vector.shape_cast %broadcast_in_dim3A_14 : vector<16xf32> to vector<16xf32>
    tpu.vector_store %arg12[%swap3A_15], %swap3A_18 {strides = array<i32>} : memref<128xf32, #tpu.memory_space<vmem>>, vector<16xf32>,
    %broadcast_in_dim3A_19 = arith.constant 1.000000e+00 : f32
    %broadcast_in_dim3A_20 = vector.broadcast %broadcast_in_dim3A_19 : f32 to vector<16xf32>
    %swap3A_21 = arith.constant 48 : index
    %swap3A_22 = tpu.vector_load %arg12[%swap3A_21] {strides = array<i32>} : memref<128xf32, #tpu.memory_space<vmem>>, vector<16xf32>,
    %swap3A_23 = vector.shape_cast %swap3A_22 : vector<16xf32> to vector<16xf32>
    %swap3A_24 = vector.shape_cast %broadcast_in_dim3A_20 : vector<16xf32> to vector<16xf32>
    tpu.vector_store %arg12[%swap3A_21], %swap3A_24 {strides = array<i32>} : memref<128xf32, #tpu.memory_space<vmem>>, vector<16xf32>,
    %broadcast_in_dim3A_25 = arith.constant 1.000000e+00 : f32
    %broadcast_in_dim3A_26 = vector.broadcast %broadcast_in_dim3A_25 : f32 to vector<16xf32>
    %swap3A_27 = arith.constant 64 : index
    %swap3A_28 = tpu.vector_load %arg12[%swap3A_27] {strides = array<i32>} : memref<128xf32, #tpu.memory_space<vmem>>, vector<16xf32>,
    %swap3A_29 = vector.shape_cast %swap3A_28 : vector<16xf32> to vector<16xf32>
    %swap3A_30 = vector.shape_cast %broadcast_in_dim3A_26 : vector<16xf32> to vector<16xf32>
    tpu.vector_store %arg12[%swap3A_27], %swap3A_30 {strides = array<i32>} : memref<128xf32, #tpu.memory_space<vmem>>, vector<16xf32>,
    %broadcast_in_dim3A_31 = arith.constant 1.000000e+00 : f32
    %broadcast_in_dim3A_32 = vector.broadcast %broadcast_in_dim3A_31 : f32 to vector<16xf32>
    %swap3A_33 = arith.constant 80 : index
    %swap3A_34 = tpu.vector_load %arg12[%swap3A_33] {strides = array<i32>} : memref<128xf32, #tpu.memory_space<vmem>>, vector<16xf32>,
    %swap3A_35 = vector.shape_cast %swap3A_34 : vector<16xf32> to vector<16xf32>
    %swap3A_36 = vector.shape_cast %broadcast_in_dim3A_32 : vector<16xf32> to vector<16xf32>
    tpu.vector_store %arg12[%swap3A_33], %swap3A_36 {strides = array<i32>} : memref<128xf32, #tpu.memory_space<vmem>>, vector<16xf32>,
    %broadcast_in_dim3A_37 = arith.constant 1.000000e+00 : f32
    %broadcast_in_dim3A_38 = vector.broadcast %broadcast_in_dim3A_37 : f32 to vector<16xf32>
    %swap3A_39 = arith.constant 96 : index
    %swap3A_40 = tpu.vector_load %arg12[%swap3A_39] {strides = array<i32>} : memref<128xf32, #tpu.memory_space<vmem>>, vector<16xf32>,
    %swap3A_41 = vector.shape_cast %swap3A_40 : vector<16xf32> to vector<16xf32>
    %swap3A_42 = vector.shape_cast %broadcast_in_dim3A_38 : vector<16xf32> to vector<16xf32>
    tpu.vector_store %arg12[%swap3A_39], %swap3A_42 {strides = array<i32>} : memref<128xf32, #tpu.memory_space<vmem>>, vector<16xf32>,
    %broadcast_in_dim3A_43 = arith.constant 1.000000e+00 : f32
    %broadcast_in_dim3A_44 = vector.broadcast %broadcast_in_dim3A_43 : f32 to vector<16xf32>
    %swap3A_45 = arith.constant 112 : index
    %swap3A_46 = tpu.vector_load %arg12[%swap3A_45] {strides = array<i32>} : memref<128xf32, #tpu.memory_space<vmem>>, vector<16xf32>,
    %swap3A_47 = vector.shape_cast %swap3A_46 : vector<16xf32> to vector<16xf32>
    %swap3A_48 = vector.shape_cast %broadcast_in_dim3A_44 : vector<16xf32> to vector<16xf32>
    tpu.vector_store %arg12[%swap3A_45], %swap3A_48 {strides = array<i32>} : memref<128xf32, #tpu.memory_space<vmem>>, vector<16xf32>,
    %broadcast_in_dim3A_49 = arith.constant 0.000000e+00 : f32
    %broadcast_in_dim3A_50 = vector.broadcast %broadcast_in_dim3A_49 : f32 to vector<16xf32>
    %swap3A_51 = arith.constant 0 : index
    %swap3A_52 = tpu.vector_load %arg13[%swap3A_51] {strides = array<i32>} : memref<2000xf32, #tpu.memory_space<vmem>>, vector<16xf32>,
    %swap3A_53 = vector.shape_cast %swap3A_52 : vector<16xf32> to vector<16xf32>
    %swap3A_54 = vector.shape_cast %broadcast_in_dim3A_50 : vector<16xf32> to vector<16xf32>
    tpu.vector_store %arg13[%swap3A_51], %swap3A_54 {strides = array<i32>} : memref<2000xf32, #tpu.memory_space<vmem>>, vector<16xf32>,
    %broadcast_in_dim3A_55 = arith.constant 0.000000e+00 : f32
    %broadcast_in_dim3A_56 = vector.broadcast %broadcast_in_dim3A_55 : f32 to vector<16xf32>
    %swap3A_57 = arith.constant 16 : index
    %swap3A_58 = tpu.vector_load %arg13[%swap3A_57] {strides = array<i32>} : memref<2000xf32, #tpu.memory_space<vmem>>, vector<16xf32>,
    %swap3A_59 = vector.shape_cast %swap3A_58 : vector<16xf32> to vector<16xf32>
    %swap3A_60 = vector.shape_cast %broadcast_in_dim3A_56 : vector<16xf32> to vector<16xf32>
    tpu.vector_store %arg13[%swap3A_57], %swap3A_60 {strides = array<i32>} : memref<2000xf32, #tpu.memory_space<vmem>>, vector<16xf32>,
    %broadcast_in_dim3A_61 = arith.constant 0.000000e+00 : f32
    %broadcast_in_dim3A_62 = vector.broadcast %broadcast_in_dim3A_61 : f32 to vector<16xf32>
    %swap3A_63 = arith.constant 32 : index
    %swap3A_64 = tpu.vector_load %arg13[%swap3A_63] {strides = array<i32>} : memref<2000xf32, #tpu.memory_space<vmem>>, vector<16xf32>,
    %swap3A_65 = vector.shape_cast %swap3A_64 : vector<16xf32> to vector<16xf32>
    %swap3A_66 = vector.shape_cast %broadcast_in_dim3A_62 : vector<16xf32> to vector<16xf32>
    tpu.vector_store %arg13[%swap3A_63], %swap3A_66 {strides = array<i32>} : memref<2000xf32, #tpu.memory_space<vmem>>, vector<16xf32>,
    %broadcast_in_dim3A_67 = arith.constant 0.000000e+00 : f32
    %broadcast_in_dim3A_68 = vector.broadcast %broadcast_in_dim3A_67 : f32 to vector<16xf32>
    %swap3A_69 = arith.constant 48 : index
    %swap3A_70 = tpu.vector_load %arg13[%swap3A_69] {strides = array<i32>} : memref<2000xf32, #tpu.memory_space<vmem>>, vector<16xf32>,
    %swap3A_71 = vector.shape_cast %swap3A_70 : vector<16xf32> to vector<16xf32>
    %swap3A_72 = vector.shape_cast %broadcast_in_dim3A_68 : vector<16xf32> to vector<16xf32>
    tpu.vector_store %arg13[%swap3A_69], %swap3A_72 {strides = array<i32>} : memref<2000xf32, #tpu.memory_space<vmem>>, vector<16xf32>,
    %broadcast_in_dim3A_73 = arith.constant 0.000000e+00 : f32
    %broadcast_in_dim3A_74 = vector.broadcast %broadcast_in_dim3A_73 : f32 to vector<16xf32>
    %swap3A_75 = arith.constant 64 : index
    %swap3A_76 = tpu.vector_load %arg13[%swap3A_75] {strides = array<i32>} : memref<2000xf32, #tpu.memory_space<vmem>>, vector<16xf32>,
    %swap3A_77 = vector.shape_cast %swap3A_76 : vector<16xf32> to vector<16xf32>
    %swap3A_78 = vector.shape_cast %broadcast_in_dim3A_74 : vector<16xf32> to vector<16xf32>
    tpu.vector_store %arg13[%swap3A_75], %swap3A_78 {strides = array<i32>} : memref<2000xf32, #tpu.memory_space<vmem>>, vector<16xf32>,
    %broadcast_in_dim3A_79 = arith.constant 0.000000e+00 : f32
    %broadcast_in_dim3A_80 = vector.broadcast %broadcast_in_dim3A_79 : f32 to vector<16xf32>
    %swap3A_81 = arith.constant 80 : index
    %swap3A_82 = tpu.vector_load %arg13[%swap3A_81] {strides = array<i32>} : memref<2000xf32, #tpu.memory_space<vmem>>, vector<16xf32>,
    %swap3A_83 = vector.shape_cast %swap3A_82 : vector<16xf32> to vector<16xf32>
    %swap3A_84 = vector.shape_cast %broadcast_in_dim3A_80 : vector<16xf32> to vector<16xf32>
    tpu.vector_store %arg13[%swap3A_81], %swap3A_84 {strides = array<i32>} : memref<2000xf32, #tpu.memory_space<vmem>>, vector<16xf32>,
    %broadcast_in_dim3A_85 = arith.constant 0.000000e+00 : f32
    %broadcast_in_dim3A_86 = vector.broadcast %broadcast_in_dim3A_85 : f32 to vector<16xf32>
    %swap3A_87 = arith.constant 96 : index
    %swap3A_88 = tpu.vector_load %arg13[%swap3A_87] {strides = array<i32>} : memref<2000xf32, #tpu.memory_space<vmem>>, vector<16xf32>,
    %swap3A_89 = vector.shape_cast %swap3A_88 : vector<16xf32> to vector<16xf32>
    %swap3A_90 = vector.shape_cast %broadcast_in_dim3A_86 : vector<16xf32> to vector<16xf32>
    tpu.vector_store %arg13[%swap3A_87], %swap3A_90 {strides = array<i32>} : memref<2000xf32, #tpu.memory_space<vmem>>, vector<16xf32>,
    %broadcast_in_dim3A_91 = arith.constant 0.000000e+00 : f32
    %broadcast_in_dim3A_92 = vector.broadcast %broadcast_in_dim3A_91 : f32 to vector<16xf32>
    %swap3A_93 = arith.constant 112 : index
    %swap3A_94 = tpu.vector_load %arg13[%swap3A_93] {strides = array<i32>} : memref<2000xf32, #tpu.memory_space<vmem>>, vector<16xf32>,
    %swap3A_95 = vector.shape_cast %swap3A_94 : vector<16xf32> to vector<16xf32>
    %swap3A_96 = vector.shape_cast %broadcast_in_dim3A_92 : vector<16xf32> to vector<16xf32>
    tpu.vector_store %arg13[%swap3A_93], %swap3A_96 {strides = array<i32>} : memref<2000xf32, #tpu.memory_space<vmem>>, vector<16xf32>,
    %broadcast_in_dim3A_97 = arith.constant 0.000000e+00 : f32
    %broadcast_in_dim3A_98 = vector.broadcast %broadcast_in_dim3A_97 : f32 to vector<16xf32>
    %swap3A_99 = arith.constant 128 : index
    %swap3A_100 = tpu.vector_load %arg13[%swap3A_99] {strides = array<i32>} : memref<2000xf32, #tpu.memory_space<vmem>>, vector<16xf32>,
    %swap3A_101 = vector.shape_cast %swap3A_100 : vector<16xf32> to vector<16xf32>
    %swap3A_102 = vector.shape_cast %broadcast_in_dim3A_98 : vector<16xf32> to vector<16xf32>
    tpu.vector_store %arg13[%swap3A_99], %swap3A_102 {strides = array<i32>} : memref<2000xf32, #tpu.memory_space<vmem>>, vector<16xf32>,
    %broadcast_in_dim3A_103 = arith.constant 0.000000e+00 : f32
    %broadcast_in_dim3A_104 = vector.broadcast %broadcast_in_dim3A_103 : f32 to vector<16xf32>
    %swap3A_105 = arith.constant 144 : index
    %swap3A_106 = tpu.vector_load %arg13[%swap3A_105] {strides = array<i32>} : memref<2000xf32, #tpu.memory_space<vmem>>, vector<16xf32>,
    %swap3A_107 = vector.shape_cast %swap3A_106 : vector<16xf32> to vector<16xf32>
    %swap3A_108 = vector.shape_cast %broadcast_in_dim3A_104 : vector<16xf32> to vector<16xf32>
    tpu.vector_store %arg13[%swap3A_105], %swap3A_108 {strides = array<i32>} : memref<2000xf32, #tpu.memory_space<vmem>>, vector<16xf32>,
    %broadcast_in_dim3A_109 = arith.constant 0.000000e+00 : f32
    %broadcast_in_dim3A_110 = vector.broadcast %broadcast_in_dim3A_109 : f32 to vector<16xf32>
    %swap3A_111 = arith.constant 160 : index
    %swap3A_112 = tpu.vector_load %arg13[%swap3A_111] {strides = array<i32>} : memref<2000xf32, #tpu.memory_space<vmem>>, vector<16xf32>,
    %swap3A_113 = vector.shape_cast %swap3A_112 : vector<16xf32> to vector<16xf32>
    %swap3A_114 = vector.shape_cast %broadcast_in_dim3A_110 : vector<16xf32> to vector<16xf32>
    tpu.vector_store %arg13[%swap3A_111], %swap3A_114 {strides = array<i32>} : memref<2000xf32, #tpu.memory_space<vmem>>, vector<16xf32>,
    %broadcast_in_dim3A_115 = arith.constant 0.000000e+00 : f32
    %broadcast_in_dim3A_116 = vector.broadcast %broadcast_in_dim3A_115 : f32 to vector<16xf32>
    %swap3A_117 = arith.constant 176 : index
    %swap3A_118 = tpu.vector_load %arg13[%swap3A_117] {strides = array<i32>} : memref<2000xf32, #tpu.memory_space<vmem>>, vector<16xf32>,
    %swap3A_119 = vector.shape_cast %swap3A_118 : vector<16xf32> to vector<16xf32>
    %swap3A_120 = vector.shape_cast %broadcast_in_dim3A_116 : vector<16xf32> to vector<16xf32>
    tpu.vector_store %arg13[%swap3A_117], %swap3A_120 {strides = array<i32>} : memref<2000xf32, #tpu.memory_space<vmem>>, vector<16xf32>,
    %broadcast_in_dim3A_121 = arith.constant 0.000000e+00 : f32
    %broadcast_in_dim3A_122 = vector.broadcast %broadcast_in_dim3A_121 : f32 to vector<16xf32>
    %swap3A_123 = arith.constant 192 : index
    %swap3A_124 = tpu.vector_load %arg13[%swap3A_123] {strides = array<i32>} : memref<2000xf32, #tpu.memory_space<vmem>>, vector<16xf32>,
    %swap3A_125 = vector.shape_cast %swap3A_124 : vector<16xf32> to vector<16xf32>
    %swap3A_126 = vector.shape_cast %broadcast_in_dim3A_122 : vector<16xf32> to vector<16xf32>
    tpu.vector_store %arg13[%swap3A_123], %swap3A_126 {strides = array<i32>} : memref<2000xf32, #tpu.memory_space<vmem>>, vector<16xf32>,
    %broadcast_in_dim3A_127 = arith.constant 0.000000e+00 : f32
    %broadcast_in_dim3A_128 = vector.broadcast %broadcast_in_dim3A_127 : f32 to vector<16xf32>
    %swap3A_129 = arith.constant 208 : index
    %swap3A_130 = tpu.vector_load %arg13[%swap3A_129] {strides = array<i32>} : memref<2000xf32, #tpu.memory_space<vmem>>, vector<16xf32>,
    %swap3A_131 = vector.shape_cast %swap3A_130 : vector<16xf32> to vector<16xf32>
    %swap3A_132 = vector.shape_cast %broadcast_in_dim3A_128 : vector<16xf32> to vector<16xf32>
    tpu.vector_store %arg13[%swap3A_129], %swap3A_132 {strides = array<i32>} : memref<2000xf32, #tpu.memory_space<vmem>>, vector<16xf32>,
    %broadcast_in_dim3A_133 = arith.constant 0.000000e+00 : f32
    %broadcast_in_dim3A_134 = vector.broadcast %broadcast_in_dim3A_133 : f32 to vector<16xf32>
    %swap3A_135 = arith.constant 224 : index
    %swap3A_136 = tpu.vector_load %arg13[%swap3A_135] {strides = array<i32>} : memref<2000xf32, #tpu.memory_space<vmem>>, vector<16xf32>,
    %swap3A_137 = vector.shape_cast %swap3A_136 : vector<16xf32> to vector<16xf32>
    %swap3A_138 = vector.shape_cast %broadcast_in_dim3A_134 : vector<16xf32> to vector<16xf32>
    tpu.vector_store %arg13[%swap3A_135], %swap3A_138 {strides = array<i32>} : memref<2000xf32, #tpu.memory_space<vmem>>, vector<16xf32>,
    %broadcast_in_dim3A_139 = arith.constant 0.000000e+00 : f32
    %broadcast_in_dim3A_140 = vector.broadcast %broadcast_in_dim3A_139 : f32 to vector<16xf32>
    %swap3A_141 = arith.constant 240 : index
    %swap3A_142 = tpu.vector_load %arg13[%swap3A_141] {strides = array<i32>} : memref<2000xf32, #tpu.memory_space<vmem>>, vector<16xf32>,
    %swap3A_143 = vector.shape_cast %swap3A_142 : vector<16xf32> to vector<16xf32>
    %swap3A_144 = vector.shape_cast %broadcast_in_dim3A_140 : vector<16xf32> to vector<16xf32>
    tpu.vector_store %arg13[%swap3A_141], %swap3A_144 {strides = array<i32>} : memref<2000xf32, #tpu.memory_space<vmem>>, vector<16xf32>,
    %broadcast_in_dim3A_145 = arith.constant 0.000000e+00 : f32
    %broadcast_in_dim3A_146 = vector.broadcast %broadcast_in_dim3A_145 : f32 to vector<16xf32>
    %swap3A_147 = arith.constant 256 : index
    %swap3A_148 = tpu.vector_load %arg13[%swap3A_147] {strides = array<i32>} : memref<2000xf32, #tpu.memory_space<vmem>>, vector<16xf32>,
    %swap3A_149 = vector.shape_cast %swap3A_148 : vector<16xf32> to vector<16xf32>
    %swap3A_150 = vector.shape_cast %broadcast_in_dim3A_146 : vector<16xf32> to vector<16xf32>
    tpu.vector_store %arg13[%swap3A_147], %swap3A_150 {strides = array<i32>} : memref<2000xf32, #tpu.memory_space<vmem>>, vector<16xf32>,
    %broadcast_in_dim3A_151 = arith.constant 0.000000e+00 : f32
    %broadcast_in_dim3A_152 = vector.broadcast %broadcast_in_dim3A_151 : f32 to vector<16xf32>
    %swap3A_153 = arith.constant 272 : index
    %swap3A_154 = tpu.vector_load %arg13[%swap3A_153] {strides = array<i32>} : memref<2000xf32, #tpu.memory_space<vmem>>, vector<16xf32>,
    %swap3A_155 = vector.shape_cast %swap3A_154 : vector<16xf32> to vector<16xf32>
    %swap3A_156 = vector.shape_cast %broadcast_in_dim3A_152 : vector<16xf32> to vector<16xf32>
    tpu.vector_store %arg13[%swap3A_153], %swap3A_156 {strides = array<i32>} : memref<2000xf32, #tpu.memory_space<vmem>>, vector<16xf32>,
    %broadcast_in_dim3A_157 = arith.constant 0.000000e+00 : f32
    %broadcast_in_dim3A_158 = vector.broadcast %broadcast_in_dim3A_157 : f32 to vector<16xf32>
    %swap3A_159 = arith.constant 288 : index
    %swap3A_160 = tpu.vector_load %arg13[%swap3A_159] {strides = array<i32>} : memref<2000xf32, #tpu.memory_space<vmem>>, vector<16xf32>,
    %swap3A_161 = vector.shape_cast %swap3A_160 : vector<16xf32> to vector<16xf32>
    %swap3A_162 = vector.shape_cast %broadcast_in_dim3A_158 : vector<16xf32> to vector<16xf32>
    tpu.vector_store %arg13[%swap3A_159], %swap3A_162 {strides = array<i32>} : memref<2000xf32, #tpu.memory_space<vmem>>, vector<16xf32>,
    %broadcast_in_dim3A_163 = arith.constant 0.000000e+00 : f32
    %broadcast_in_dim3A_164 = vector.broadcast %broadcast_in_dim3A_163 : f32 to vector<16xf32>
    %swap3A_165 = arith.constant 304 : index
    %swap3A_166 = tpu.vector_load %arg13[%swap3A_165] {strides = array<i32>} : memref<2000xf32, #tpu.memory_space<vmem>>, vector<16xf32>,
    %swap3A_167 = vector.shape_cast %swap3A_166 : vector<16xf32> to vector<16xf32>
    %swap3A_168 = vector.shape_cast %broadcast_in_dim3A_164 : vector<16xf32> to vector<16xf32>
    tpu.vector_store %arg13[%swap3A_165], %swap3A_168 {strides = array<i32>} : memref<2000xf32, #tpu.memory_space<vmem>>, vector<16xf32>,
    %broadcast_in_dim3A_169 = arith.constant 0.000000e+00 : f32
    %broadcast_in_dim3A_170 = vector.broadcast %broadcast_in_dim3A_169 : f32 to vector<16xf32>
    %swap3A_171 = arith.constant 320 : index
    %swap3A_172 = tpu.vector_load %arg13[%swap3A_171] {strides = array<i32>} : memref<2000xf32, #tpu.memory_space<vmem>>, vector<16xf32>,
    %swap3A_173 = vector.shape_cast %swap3A_172 : vector<16xf32> to vector<16xf32>
    %swap3A_174 = vector.shape_cast %broadcast_in_dim3A_170 : vector<16xf32> to vector<16xf32>
    tpu.vector_store %arg13[%swap3A_171], %swap3A_174 {strides = array<i32>} : memref<2000xf32, #tpu.memory_space<vmem>>, vector<16xf32>,
    %broadcast_in_dim3A_175 = arith.constant 0.000000e+00 : f32
    %broadcast_in_dim3A_176 = vector.broadcast %broadcast_in_dim3A_175 : f32 to vector<16xf32>
    %swap3A_177 = arith.constant 336 : index
    %swap3A_178 = tpu.vector_load %arg13[%swap3A_177] {strides = array<i32>} : memref<2000xf32, #tpu.memory_space<vmem>>, vector<16xf32>,
    %swap3A_179 = vector.shape_cast %swap3A_178 : vector<16xf32> to vector<16xf32>
    %swap3A_180 = vector.shape_cast %broadcast_in_dim3A_176 : vector<16xf32> to vector<16xf32>
    tpu.vector_store %arg13[%swap3A_177], %swap3A_180 {strides = array<i32>} : memref<2000xf32, #tpu.memory_space<vmem>>, vector<16xf32>,
    %broadcast_in_dim3A_181 = arith.constant 0.000000e+00 : f32
    %broadcast_in_dim3A_182 = vector.broadcast %broadcast_in_dim3A_181 : f32 to vector<16xf32>
    %swap3A_183 = arith.constant 352 : index
    %swap3A_184 = tpu.vector_load %arg13[%swap3A_183] {strides = array<i32>} : memref<2000xf32, #tpu.memory_space<vmem>>, vector<16xf32>,
    %swap3A_185 = vector.shape_cast %swap3A_184 : vector<16xf32> to vector<16xf32>
    %swap3A_186 = vector.shape_cast %broadcast_in_dim3A_182 : vector<16xf32> to vector<16xf32>
    tpu.vector_store %arg13[%swap3A_183], %swap3A_186 {strides = array<i32>} : memref<2000xf32, #tpu.memory_space<vmem>>, vector<16xf32>,
    %broadcast_in_dim3A_187 = arith.constant 0.000000e+00 : f32
    %broadcast_in_dim3A_188 = vector.broadcast %broadcast_in_dim3A_187 : f32 to vector<16xf32>
    %swap3A_189 = arith.constant 368 : index
    %swap3A_190 = tpu.vector_load %arg13[%swap3A_189] {strides = array<i32>} : memref<2000xf32, #tpu.memory_space<vmem>>, vector<16xf32>,
    %swap3A_191 = vector.shape_cast %swap3A_190 : vector<16xf32> to vector<16xf32>
    %swap3A_192 = vector.shape_cast %broadcast_in_dim3A_188 : vector<16xf32> to vector<16xf32>
    tpu.vector_store %arg13[%swap3A_189], %swap3A_192 {strides = array<i32>} : memref<2000xf32, #tpu.memory_space<vmem>>, vector<16xf32>,
    %broadcast_in_dim3A_193 = arith.constant 0.000000e+00 : f32
    %broadcast_in_dim3A_194 = vector.broadcast %broadcast_in_dim3A_193 : f32 to vector<16xf32>
    %swap3A_195 = arith.constant 384 : index
    %swap3A_196 = tpu.vector_load %arg13[%swap3A_195] {strides = array<i32>} : memref<2000xf32, #tpu.memory_space<vmem>>, vector<16xf32>,
    %swap3A_197 = vector.shape_cast %swap3A_196 : vector<16xf32> to vector<16xf32>
    %swap3A_198 = vector.shape_cast %broadcast_in_dim3A_194 : vector<16xf32> to vector<16xf32>
    tpu.vector_store %arg13[%swap3A_195], %swap3A_198 {strides = array<i32>} : memref<2000xf32, #tpu.memory_space<vmem>>, vector<16xf32>,
    %broadcast_in_dim3A_199 = arith.constant 0.000000e+00 : f32
    %broadcast_in_dim3A_200 = vector.broadcast %broadcast_in_dim3A_199 : f32 to vector<16xf32>
    %swap3A_201 = arith.constant 400 : index
    %swap3A_202 = tpu.vector_load %arg13[%swap3A_201] {strides = array<i32>} : memref<2000xf32, #tpu.memory_space<vmem>>, vector<16xf32>,
    %swap3A_203 = vector.shape_cast %swap3A_202 : vector<16xf32> to vector<16xf32>
    %swap3A_204 = vector.shape_cast %broadcast_in_dim3A_200 : vector<16xf32> to vector<16xf32>
    tpu.vector_store %arg13[%swap3A_201], %swap3A_204 {strides = array<i32>} : memref<2000xf32, #tpu.memory_space<vmem>>, vector<16xf32>,
    %broadcast_in_dim3A_205 = arith.constant 0.000000e+00 : f32
    %broadcast_in_dim3A_206 = vector.broadcast %broadcast_in_dim3A_205 : f32 to vector<16xf32>
    %swap3A_207 = arith.constant 416 : index
    %swap3A_208 = tpu.vector_load %arg13[%swap3A_207] {strides = array<i32>} : memref<2000xf32, #tpu.memory_space<vmem>>, vector<16xf32>,
    %swap3A_209 = vector.shape_cast %swap3A_208 : vector<16xf32> to vector<16xf32>
    %swap3A_210 = vector.shape_cast %broadcast_in_dim3A_206 : vector<16xf32> to vector<16xf32>
    tpu.vector_store %arg13[%swap3A_207], %swap3A_210 {strides = array<i32>} : memref<2000xf32, #tpu.memory_space<vmem>>, vector<16xf32>,
    %broadcast_in_dim3A_211 = arith.constant 0.000000e+00 : f32
    %broadcast_in_dim3A_212 = vector.broadcast %broadcast_in_dim3A_211 : f32 to vector<16xf32>
    %swap3A_213 = arith.constant 432 : index
    %swap3A_214 = tpu.vector_load %arg13[%swap3A_213] {strides = array<i32>} : memref<2000xf32, #tpu.memory_space<vmem>>, vector<16xf32>,
    %swap3A_215 = vector.shape_cast %swap3A_214 : vector<16xf32> to vector<16xf32>
    %swap3A_216 = vector.shape_cast %broadcast_in_dim3A_212 : vector<16xf32> to vector<16xf32>
    tpu.vector_store %arg13[%swap3A_213], %swap3A_216 {strides = array<i32>} : memref<2000xf32, #tpu.memory_space<vmem>>, vector<16xf32>,
    %broadcast_in_dim3A_217 = arith.constant 0.000000e+00 : f32
    %broadcast_in_dim3A_218 = vector.broadcast %broadcast_in_dim3A_217 : f32 to vector<16xf32>
    %swap3A_219 = arith.constant 448 : index
    %swap3A_220 = tpu.vector_load %arg13[%swap3A_219] {strides = array<i32>} : memref<2000xf32, #tpu.memory_space<vmem>>, vector<16xf32>,
    %swap3A_221 = vector.shape_cast %swap3A_220 : vector<16xf32> to vector<16xf32>
    %swap3A_222 = vector.shape_cast %broadcast_in_dim3A_218 : vector<16xf32> to vector<16xf32>
    tpu.vector_store %arg13[%swap3A_219], %swap3A_222 {strides = array<i32>} : memref<2000xf32, #tpu.memory_space<vmem>>, vector<16xf32>,
    %broadcast_in_dim3A_223 = arith.constant 0.000000e+00 : f32
    %broadcast_in_dim3A_224 = vector.broadcast %broadcast_in_dim3A_223 : f32 to vector<16xf32>
    %swap3A_225 = arith.constant 464 : index
    %swap3A_226 = tpu.vector_load %arg13[%swap3A_225] {strides = array<i32>} : memref<2000xf32, #tpu.memory_space<vmem>>, vector<16xf32>,
    %swap3A_227 = vector.shape_cast %swap3A_226 : vector<16xf32> to vector<16xf32>
    %swap3A_228 = vector.shape_cast %broadcast_in_dim3A_224 : vector<16xf32> to vector<16xf32>
    tpu.vector_store %arg13[%swap3A_225], %swap3A_228 {strides = array<i32>} : memref<2000xf32, #tpu.memory_space<vmem>>, vector<16xf32>,
    %broadcast_in_dim3A_229 = arith.constant 0.000000e+00 : f32
    %broadcast_in_dim3A_230 = vector.broadcast %broadcast_in_dim3A_229 : f32 to vector<16xf32>
    %swap3A_231 = arith.constant 480 : index
    %swap3A_232 = tpu.vector_load %arg13[%swap3A_231] {strides = array<i32>} : memref<2000xf32, #tpu.memory_space<vmem>>, vector<16xf32>,
    %swap3A_233 = vector.shape_cast %swap3A_232 : vector<16xf32> to vector<16xf32>
    %swap3A_234 = vector.shape_cast %broadcast_in_dim3A_230 : vector<16xf32> to vector<16xf32>
    tpu.vector_store %arg13[%swap3A_231], %swap3A_234 {strides = array<i32>} : memref<2000xf32, #tpu.memory_space<vmem>>, vector<16xf32>,
    %broadcast_in_dim3A_235 = arith.constant 0.000000e+00 : f32
    %broadcast_in_dim3A_236 = vector.broadcast %broadcast_in_dim3A_235 : f32 to vector<16xf32>
    %swap3A_237 = arith.constant 496 : index
    %swap3A_238 = tpu.vector_load %arg13[%swap3A_237] {strides = array<i32>} : memref<2000xf32, #tpu.memory_space<vmem>>, vector<16xf32>,
    %swap3A_239 = vector.shape_cast %swap3A_238 : vector<16xf32> to vector<16xf32>
    %swap3A_240 = vector.shape_cast %broadcast_in_dim3A_236 : vector<16xf32> to vector<16xf32>
    tpu.vector_store %arg13[%swap3A_237], %swap3A_240 {strides = array<i32>} : memref<2000xf32, #tpu.memory_space<vmem>>, vector<16xf32>,
    %broadcast_in_dim3A_241 = arith.constant 0.000000e+00 : f32
    %broadcast_in_dim3A_242 = vector.broadcast %broadcast_in_dim3A_241 : f32 to vector<16xf32>
    %swap3A_243 = arith.constant 512 : index
    %swap3A_244 = tpu.vector_load %arg13[%swap3A_243] {strides = array<i32>} : memref<2000xf32, #tpu.memory_space<vmem>>, vector<16xf32>,
    %swap3A_245 = vector.shape_cast %swap3A_244 : vector<16xf32> to vector<16xf32>
    %swap3A_246 = vector.shape_cast %broadcast_in_dim3A_242 : vector<16xf32> to vector<16xf32>
    tpu.vector_store %arg13[%swap3A_243], %swap3A_246 {strides = array<i32>} : memref<2000xf32, #tpu.memory_space<vmem>>, vector<16xf32>,
    %broadcast_in_dim3A_247 = arith.constant 0.000000e+00 : f32
    %broadcast_in_dim3A_248 = vector.broadcast %broadcast_in_dim3A_247 : f32 to vector<16xf32>
    %swap3A_249 = arith.constant 528 : index
    %swap3A_250 = tpu.vector_load %arg13[%swap3A_249] {strides = array<i32>} : memref<2000xf32, #tpu.memory_space<vmem>>, vector<16xf32>,
    %swap3A_251 = vector.shape_cast %swap3A_250 : vector<16xf32> to vector<16xf32>
    %swap3A_252 = vector.shape_cast %broadcast_in_dim3A_248 : vector<16xf32> to vector<16xf32>
    tpu.vector_store %arg13[%swap3A_249], %swap3A_252 {strides = array<i32>} : memref<2000xf32, #tpu.memory_space<vmem>>, vector<16xf32>,
    %broadcast_in_dim3A_253 = arith.constant 0.000000e+00 : f32
    %broadcast_in_dim3A_254 = vector.broadcast %broadcast_in_dim3A_253 : f32 to vector<16xf32>
    %swap3A_255 = arith.constant 544 : index
    %swap3A_256 = tpu.vector_load %arg13[%swap3A_255] {strides = array<i32>} : memref<2000xf32, #tpu.memory_space<vmem>>, vector<16xf32>,
    %swap3A_257 = vector.shape_cast %swap3A_256 : vector<16xf32> to vector<16xf32>
    %swap3A_258 = vector.shape_cast %broadcast_in_dim3A_254 : vector<16xf32> to vector<16xf32>
    tpu.vector_store %arg13[%swap3A_255], %swap3A_258 {strides = array<i32>} : memref<2000xf32, #tpu.memory_space<vmem>>, vector<16xf32>,
    %broadcast_in_dim3A_259 = arith.constant 0.000000e+00 : f32
    %broadcast_in_dim3A_260 = vector.broadcast %broadcast_in_dim3A_259 : f32 to vector<16xf32>
    %swap3A_261 = arith.constant 560 : index
    %swap3A_262 = tpu.vector_load %arg13[%swap3A_261] {strides = array<i32>} : memref<2000xf32, #tpu.memory_space<vmem>>, vector<16xf32>,
    %swap3A_263 = vector.shape_cast %swap3A_262 : vector<16xf32> to vector<16xf32>
    %swap3A_264 = vector.shape_cast %broadcast_in_dim3A_260 : vector<16xf32> to vector<16xf32>
    tpu.vector_store %arg13[%swap3A_261], %swap3A_264 {strides = array<i32>} : memref<2000xf32, #tpu.memory_space<vmem>>, vector<16xf32>,
    %broadcast_in_dim3A_265 = arith.constant 0.000000e+00 : f32
    %broadcast_in_dim3A_266 = vector.broadcast %broadcast_in_dim3A_265 : f32 to vector<16xf32>
    %swap3A_267 = arith.constant 576 : index
    %swap3A_268 = tpu.vector_load %arg13[%swap3A_267] {strides = array<i32>} : memref<2000xf32, #tpu.memory_space<vmem>>, vector<16xf32>,
    %swap3A_269 = vector.shape_cast %swap3A_268 : vector<16xf32> to vector<16xf32>
    %swap3A_270 = vector.shape_cast %broadcast_in_dim3A_266 : vector<16xf32> to vector<16xf32>
    tpu.vector_store %arg13[%swap3A_267], %swap3A_270 {strides = array<i32>} : memref<2000xf32, #tpu.memory_space<vmem>>, vector<16xf32>,
    %broadcast_in_dim3A_271 = arith.constant 0.000000e+00 : f32
    %broadcast_in_dim3A_272 = vector.broadcast %broadcast_in_dim3A_271 : f32 to vector<16xf32>
    %swap3A_273 = arith.constant 592 : index
    %swap3A_274 = tpu.vector_load %arg13[%swap3A_273] {strides = array<i32>} : memref<2000xf32, #tpu.memory_space<vmem>>, vector<16xf32>,
    %swap3A_275 = vector.shape_cast %swap3A_274 : vector<16xf32> to vector<16xf32>
    %swap3A_276 = vector.shape_cast %broadcast_in_dim3A_272 : vector<16xf32> to vector<16xf32>
    tpu.vector_store %arg13[%swap3A_273], %swap3A_276 {strides = array<i32>} : memref<2000xf32, #tpu.memory_space<vmem>>, vector<16xf32>,
    %broadcast_in_dim3A_277 = arith.constant 0.000000e+00 : f32
    %broadcast_in_dim3A_278 = vector.broadcast %broadcast_in_dim3A_277 : f32 to vector<16xf32>
    %swap3A_279 = arith.constant 608 : index
    %swap3A_280 = tpu.vector_load %arg13[%swap3A_279] {strides = array<i32>} : memref<2000xf32, #tpu.memory_space<vmem>>, vector<16xf32>,
    %swap3A_281 = vector.shape_cast %swap3A_280 : vector<16xf32> to vector<16xf32>
    %swap3A_282 = vector.shape_cast %broadcast_in_dim3A_278 : vector<16xf32> to vector<16xf32>
    tpu.vector_store %arg13[%swap3A_279], %swap3A_282 {strides = array<i32>} : memref<2000xf32, #tpu.memory_space<vmem>>, vector<16xf32>,
    %broadcast_in_dim3A_283 = arith.constant 0.000000e+00 : f32
    %broadcast_in_dim3A_284 = vector.broadcast %broadcast_in_dim3A_283 : f32 to vector<16xf32>
    %swap3A_285 = arith.constant 624 : index
    %swap3A_286 = tpu.vector_load %arg13[%swap3A_285] {strides = array<i32>} : memref<2000xf32, #tpu.memory_space<vmem>>, vector<16xf32>,
    %swap3A_287 = vector.shape_cast %swap3A_286 : vector<16xf32> to vector<16xf32>
    %swap3A_288 = vector.shape_cast %broadcast_in_dim3A_284 : vector<16xf32> to vector<16xf32>
    tpu.vector_store %arg13[%swap3A_285], %swap3A_288 {strides = array<i32>} : memref<2000xf32, #tpu.memory_space<vmem>>, vector<16xf32>,
    %broadcast_in_dim3A_289 = arith.constant 0.000000e+00 : f32
    %broadcast_in_dim3A_290 = vector.broadcast %broadcast_in_dim3A_289 : f32 to vector<16xf32>
    %swap3A_291 = arith.constant 640 : index
    %swap3A_292 = tpu.vector_load %arg13[%swap3A_291] {strides = array<i32>} : memref<2000xf32, #tpu.memory_space<vmem>>, vector<16xf32>,
    %swap3A_293 = vector.shape_cast %swap3A_292 : vector<16xf32> to vector<16xf32>
    %swap3A_294 = vector.shape_cast %broadcast_in_dim3A_290 : vector<16xf32> to vector<16xf32>
    tpu.vector_store %arg13[%swap3A_291], %swap3A_294 {strides = array<i32>} : memref<2000xf32, #tpu.memory_space<vmem>>, vector<16xf32>,
    %broadcast_in_dim3A_295 = arith.constant 0.000000e+00 : f32
    %broadcast_in_dim3A_296 = vector.broadcast %broadcast_in_dim3A_295 : f32 to vector<16xf32>
    %swap3A_297 = arith.constant 656 : index
    %swap3A_298 = tpu.vector_load %arg13[%swap3A_297] {strides = array<i32>} : memref<2000xf32, #tpu.memory_space<vmem>>, vector<16xf32>,
    %swap3A_299 = vector.shape_cast %swap3A_298 : vector<16xf32> to vector<16xf32>
    %swap3A_300 = vector.shape_cast %broadcast_in_dim3A_296 : vector<16xf32> to vector<16xf32>
    tpu.vector_store %arg13[%swap3A_297], %swap3A_300 {strides = array<i32>} : memref<2000xf32, #tpu.memory_space<vmem>>, vector<16xf32>,
    %broadcast_in_dim3A_301 = arith.constant 0.000000e+00 : f32
    %broadcast_in_dim3A_302 = vector.broadcast %broadcast_in_dim3A_301 : f32 to vector<16xf32>
    %swap3A_303 = arith.constant 672 : index
    %swap3A_304 = tpu.vector_load %arg13[%swap3A_303] {strides = array<i32>} : memref<2000xf32, #tpu.memory_space<vmem>>, vector<16xf32>,
    %swap3A_305 = vector.shape_cast %swap3A_304 : vector<16xf32> to vector<16xf32>
    %swap3A_306 = vector.shape_cast %broadcast_in_dim3A_302 : vector<16xf32> to vector<16xf32>
    tpu.vector_store %arg13[%swap3A_303], %swap3A_306 {strides = array<i32>} : memref<2000xf32, #tpu.memory_space<vmem>>, vector<16xf32>,
    %broadcast_in_dim3A_307 = arith.constant 0.000000e+00 : f32
    %broadcast_in_dim3A_308 = vector.broadcast %broadcast_in_dim3A_307 : f32 to vector<16xf32>
    %swap3A_309 = arith.constant 688 : index
    %swap3A_310 = tpu.vector_load %arg13[%swap3A_309] {strides = array<i32>} : memref<2000xf32, #tpu.memory_space<vmem>>, vector<16xf32>,
    %swap3A_311 = vector.shape_cast %swap3A_310 : vector<16xf32> to vector<16xf32>
    %swap3A_312 = vector.shape_cast %broadcast_in_dim3A_308 : vector<16xf32> to vector<16xf32>
    tpu.vector_store %arg13[%swap3A_309], %swap3A_312 {strides = array<i32>} : memref<2000xf32, #tpu.memory_space<vmem>>, vector<16xf32>,
    %broadcast_in_dim3A_313 = arith.constant 0.000000e+00 : f32
    %broadcast_in_dim3A_314 = vector.broadcast %broadcast_in_dim3A_313 : f32 to vector<16xf32>
    %swap3A_315 = arith.constant 704 : index
    %swap3A_316 = tpu.vector_load %arg13[%swap3A_315] {strides = array<i32>} : memref<2000xf32, #tpu.memory_space<vmem>>, vector<16xf32>,
    %swap3A_317 = vector.shape_cast %swap3A_316 : vector<16xf32> to vector<16xf32>
    %swap3A_318 = vector.shape_cast %broadcast_in_dim3A_314 : vector<16xf32> to vector<16xf32>
    tpu.vector_store %arg13[%swap3A_315], %swap3A_318 {strides = array<i32>} : memref<2000xf32, #tpu.memory_space<vmem>>, vector<16xf32>,
    %broadcast_in_dim3A_319 = arith.constant 0.000000e+00 : f32
    %broadcast_in_dim3A_320 = vector.broadcast %broadcast_in_dim3A_319 : f32 to vector<16xf32>
    %swap3A_321 = arith.constant 720 : index
    %swap3A_322 = tpu.vector_load %arg13[%swap3A_321] {strides = array<i32>} : memref<2000xf32, #tpu.memory_space<vmem>>, vector<16xf32>,
    %swap3A_323 = vector.shape_cast %swap3A_322 : vector<16xf32> to vector<16xf32>
    %swap3A_324 = vector.shape_cast %broadcast_in_dim3A_320 : vector<16xf32> to vector<16xf32>
    tpu.vector_store %arg13[%swap3A_321], %swap3A_324 {strides = array<i32>} : memref<2000xf32, #tpu.memory_space<vmem>>, vector<16xf32>,
    %broadcast_in_dim3A_325 = arith.constant 0.000000e+00 : f32
    %broadcast_in_dim3A_326 = vector.broadcast %broadcast_in_dim3A_325 : f32 to vector<16xf32>
    %swap3A_327 = arith.constant 736 : index
    %swap3A_328 = tpu.vector_load %arg13[%swap3A_327] {strides = array<i32>} : memref<2000xf32, #tpu.memory_space<vmem>>, vector<16xf32>,
    %swap3A_329 = vector.shape_cast %swap3A_328 : vector<16xf32> to vector<16xf32>
    %swap3A_330 = vector.shape_cast %broadcast_in_dim3A_326 : vector<16xf32> to vector<16xf32>
    tpu.vector_store %arg13[%swap3A_327], %swap3A_330 {strides = array<i32>} : memref<2000xf32, #tpu.memory_space<vmem>>, vector<16xf32>,
    %broadcast_in_dim3A_331 = arith.constant 0.000000e+00 : f32
    %broadcast_in_dim3A_332 = vector.broadcast %broadcast_in_dim3A_331 : f32 to vector<16xf32>
    %swap3A_333 = arith.constant 752 : index
    %swap3A_334 = tpu.vector_load %arg13[%swap3A_333] {strides = array<i32>} : memref<2000xf32, #tpu.memory_space<vmem>>, vector<16xf32>,
    %swap3A_335 = vector.shape_cast %swap3A_334 : vector<16xf32> to vector<16xf32>
    %swap3A_336 = vector.shape_cast %broadcast_in_dim3A_332 : vector<16xf32> to vector<16xf32>
    tpu.vector_store %arg13[%swap3A_333], %swap3A_336 {strides = array<i32>} : memref<2000xf32, #tpu.memory_space<vmem>>, vector<16xf32>,
    %broadcast_in_dim3A_337 = arith.constant 0.000000e+00 : f32
    %broadcast_in_dim3A_338 = vector.broadcast %broadcast_in_dim3A_337 : f32 to vector<16xf32>
    %swap3A_339 = arith.constant 768 : index
    %swap3A_340 = tpu.vector_load %arg13[%swap3A_339] {strides = array<i32>} : memref<2000xf32, #tpu.memory_space<vmem>>, vector<16xf32>,
    %swap3A_341 = vector.shape_cast %swap3A_340 : vector<16xf32> to vector<16xf32>
    %swap3A_342 = vector.shape_cast %broadcast_in_dim3A_338 : vector<16xf32> to vector<16xf32>
    tpu.vector_store %arg13[%swap3A_339], %swap3A_342 {strides = array<i32>} : memref<2000xf32, #tpu.memory_space<vmem>>, vector<16xf32>,
    %broadcast_in_dim3A_343 = arith.constant 0.000000e+00 : f32
    %broadcast_in_dim3A_344 = vector.broadcast %broadcast_in_dim3A_343 : f32 to vector<16xf32>
    %swap3A_345 = arith.constant 784 : index
    %swap3A_346 = tpu.vector_load %arg13[%swap3A_345] {strides = array<i32>} : memref<2000xf32, #tpu.memory_space<vmem>>, vector<16xf32>,
    %swap3A_347 = vector.shape_cast %swap3A_346 : vector<16xf32> to vector<16xf32>
    %swap3A_348 = vector.shape_cast %broadcast_in_dim3A_344 : vector<16xf32> to vector<16xf32>
    tpu.vector_store %arg13[%swap3A_345], %swap3A_348 {strides = array<i32>} : memref<2000xf32, #tpu.memory_space<vmem>>, vector<16xf32>,
    %broadcast_in_dim3A_349 = arith.constant 0.000000e+00 : f32
    %broadcast_in_dim3A_350 = vector.broadcast %broadcast_in_dim3A_349 : f32 to vector<16xf32>
    %swap3A_351 = arith.constant 800 : index
    %swap3A_352 = tpu.vector_load %arg13[%swap3A_351] {strides = array<i32>} : memref<2000xf32, #tpu.memory_space<vmem>>, vector<16xf32>,
    %swap3A_353 = vector.shape_cast %swap3A_352 : vector<16xf32> to vector<16xf32>
    %swap3A_354 = vector.shape_cast %broadcast_in_dim3A_350 : vector<16xf32> to vector<16xf32>
    tpu.vector_store %arg13[%swap3A_351], %swap3A_354 {strides = array<i32>} : memref<2000xf32, #tpu.memory_space<vmem>>, vector<16xf32>,
    %broadcast_in_dim3A_355 = arith.constant 0.000000e+00 : f32
    %broadcast_in_dim3A_356 = vector.broadcast %broadcast_in_dim3A_355 : f32 to vector<16xf32>
    %swap3A_357 = arith.constant 816 : index
    %swap3A_358 = tpu.vector_load %arg13[%swap3A_357] {strides = array<i32>} : memref<2000xf32, #tpu.memory_space<vmem>>, vector<16xf32>,
    %swap3A_359 = vector.shape_cast %swap3A_358 : vector<16xf32> to vector<16xf32>
    %swap3A_360 = vector.shape_cast %broadcast_in_dim3A_356 : vector<16xf32> to vector<16xf32>
    tpu.vector_store %arg13[%swap3A_357], %swap3A_360 {strides = array<i32>} : memref<2000xf32, #tpu.memory_space<vmem>>, vector<16xf32>,
    %broadcast_in_dim3A_361 = arith.constant 0.000000e+00 : f32
    %broadcast_in_dim3A_362 = vector.broadcast %broadcast_in_dim3A_361 : f32 to vector<16xf32>
    %swap3A_363 = arith.constant 832 : index
    %swap3A_364 = tpu.vector_load %arg13[%swap3A_363] {strides = array<i32>} : memref<2000xf32, #tpu.memory_space<vmem>>, vector<16xf32>,
    %swap3A_365 = vector.shape_cast %swap3A_364 : vector<16xf32> to vector<16xf32>
    %swap3A_366 = vector.shape_cast %broadcast_in_dim3A_362 : vector<16xf32> to vector<16xf32>
    tpu.vector_store %arg13[%swap3A_363], %swap3A_366 {strides = array<i32>} : memref<2000xf32, #tpu.memory_space<vmem>>, vector<16xf32>,
    %broadcast_in_dim3A_367 = arith.constant 0.000000e+00 : f32
    %broadcast_in_dim3A_368 = vector.broadcast %broadcast_in_dim3A_367 : f32 to vector<16xf32>
    %swap3A_369 = arith.constant 848 : index
    %swap3A_370 = tpu.vector_load %arg13[%swap3A_369] {strides = array<i32>} : memref<2000xf32, #tpu.memory_space<vmem>>, vector<16xf32>,
    %swap3A_371 = vector.shape_cast %swap3A_370 : vector<16xf32> to vector<16xf32>
    %swap3A_372 = vector.shape_cast %broadcast_in_dim3A_368 : vector<16xf32> to vector<16xf32>
    tpu.vector_store %arg13[%swap3A_369], %swap3A_372 {strides = array<i32>} : memref<2000xf32, #tpu.memory_space<vmem>>, vector<16xf32>,
    %broadcast_in_dim3A_373 = arith.constant 0.000000e+00 : f32
    %broadcast_in_dim3A_374 = vector.broadcast %broadcast_in_dim3A_373 : f32 to vector<16xf32>
    %swap3A_375 = arith.constant 864 : index
    %swap3A_376 = tpu.vector_load %arg13[%swap3A_375] {strides = array<i32>} : memref<2000xf32, #tpu.memory_space<vmem>>, vector<16xf32>,
    %swap3A_377 = vector.shape_cast %swap3A_376 : vector<16xf32> to vector<16xf32>
    %swap3A_378 = vector.shape_cast %broadcast_in_dim3A_374 : vector<16xf32> to vector<16xf32>
    tpu.vector_store %arg13[%swap3A_375], %swap3A_378 {strides = array<i32>} : memref<2000xf32, #tpu.memory_space<vmem>>, vector<16xf32>,
    %broadcast_in_dim3A_379 = arith.constant 0.000000e+00 : f32
    %broadcast_in_dim3A_380 = vector.broadcast %broadcast_in_dim3A_379 : f32 to vector<16xf32>
    %swap3A_381 = arith.constant 880 : index
    %swap3A_382 = tpu.vector_load %arg13[%swap3A_381] {strides = array<i32>} : memref<2000xf32, #tpu.memory_space<vmem>>, vector<16xf32>,
    %swap3A_383 = vector.shape_cast %swap3A_382 : vector<16xf32> to vector<16xf32>
    %swap3A_384 = vector.shape_cast %broadcast_in_dim3A_380 : vector<16xf32> to vector<16xf32>
    tpu.vector_store %arg13[%swap3A_381], %swap3A_384 {strides = array<i32>} : memref<2000xf32, #tpu.memory_space<vmem>>, vector<16xf32>,
    %broadcast_in_dim3A_385 = arith.constant 0.000000e+00 : f32
    %broadcast_in_dim3A_386 = vector.broadcast %broadcast_in_dim3A_385 : f32 to vector<16xf32>
    %swap3A_387 = arith.constant 896 : index
    %swap3A_388 = tpu.vector_load %arg13[%swap3A_387] {strides = array<i32>} : memref<2000xf32, #tpu.memory_space<vmem>>, vector<16xf32>,
    %swap3A_389 = vector.shape_cast %swap3A_388 : vector<16xf32> to vector<16xf32>
    %swap3A_390 = vector.shape_cast %broadcast_in_dim3A_386 : vector<16xf32> to vector<16xf32>
    tpu.vector_store %arg13[%swap3A_387], %swap3A_390 {strides = array<i32>} : memref<2000xf32, #tpu.memory_space<vmem>>, vector<16xf32>,
    %broadcast_in_dim3A_391 = arith.constant 0.000000e+00 : f32
    %broadcast_in_dim3A_392 = vector.broadcast %broadcast_in_dim3A_391 : f32 to vector<16xf32>
    %swap3A_393 = arith.constant 912 : index
    %swap3A_394 = tpu.vector_load %arg13[%swap3A_393] {strides = array<i32>} : memref<2000xf32, #tpu.memory_space<vmem>>, vector<16xf32>,
    %swap3A_395 = vector.shape_cast %swap3A_394 : vector<16xf32> to vector<16xf32>
    %swap3A_396 = vector.shape_cast %broadcast_in_dim3A_392 : vector<16xf32> to vector<16xf32>
    tpu.vector_store %arg13[%swap3A_393], %swap3A_396 {strides = array<i32>} : memref<2000xf32, #tpu.memory_space<vmem>>, vector<16xf32>,
    %broadcast_in_dim3A_397 = arith.constant 0.000000e+00 : f32
    %broadcast_in_dim3A_398 = vector.broadcast %broadcast_in_dim3A_397 : f32 to vector<16xf32>
    %swap3A_399 = arith.constant 928 : index
    %swap3A_400 = tpu.vector_load %arg13[%swap3A_399] {strides = array<i32>} : memref<2000xf32, #tpu.memory_space<vmem>>, vector<16xf32>,
    %swap3A_401 = vector.shape_cast %swap3A_400 : vector<16xf32> to vector<16xf32>
    %swap3A_402 = vector.shape_cast %broadcast_in_dim3A_398 : vector<16xf32> to vector<16xf32>
    tpu.vector_store %arg13[%swap3A_399], %swap3A_402 {strides = array<i32>} : memref<2000xf32, #tpu.memory_space<vmem>>, vector<16xf32>,
    %broadcast_in_dim3A_403 = arith.constant 0.000000e+00 : f32
    %broadcast_in_dim3A_404 = vector.broadcast %broadcast_in_dim3A_403 : f32 to vector<16xf32>
    %swap3A_405 = arith.constant 944 : index
    %swap3A_406 = tpu.vector_load %arg13[%swap3A_405] {strides = array<i32>} : memref<2000xf32, #tpu.memory_space<vmem>>, vector<16xf32>,
    %swap3A_407 = vector.shape_cast %swap3A_406 : vector<16xf32> to vector<16xf32>
    %swap3A_408 = vector.shape_cast %broadcast_in_dim3A_404 : vector<16xf32> to vector<16xf32>
    tpu.vector_store %arg13[%swap3A_405], %swap3A_408 {strides = array<i32>} : memref<2000xf32, #tpu.memory_space<vmem>>, vector<16xf32>,
    %broadcast_in_dim3A_409 = arith.constant 0.000000e+00 : f32
    %broadcast_in_dim3A_410 = vector.broadcast %broadcast_in_dim3A_409 : f32 to vector<16xf32>
    %swap3A_411 = arith.constant 960 : index
    %swap3A_412 = tpu.vector_load %arg13[%swap3A_411] {strides = array<i32>} : memref<2000xf32, #tpu.memory_space<vmem>>, vector<16xf32>,
    %swap3A_413 = vector.shape_cast %swap3A_412 : vector<16xf32> to vector<16xf32>
    %swap3A_414 = vector.shape_cast %broadcast_in_dim3A_410 : vector<16xf32> to vector<16xf32>
    tpu.vector_store %arg13[%swap3A_411], %swap3A_414 {strides = array<i32>} : memref<2000xf32, #tpu.memory_space<vmem>>, vector<16xf32>,
    %broadcast_in_dim3A_415 = arith.constant 0.000000e+00 : f32
    %broadcast_in_dim3A_416 = vector.broadcast %broadcast_in_dim3A_415 : f32 to vector<16xf32>
    %swap3A_417 = arith.constant 976 : index
    %swap3A_418 = tpu.vector_load %arg13[%swap3A_417] {strides = array<i32>} : memref<2000xf32, #tpu.memory_space<vmem>>, vector<16xf32>,
    %swap3A_419 = vector.shape_cast %swap3A_418 : vector<16xf32> to vector<16xf32>
    %swap3A_420 = vector.shape_cast %broadcast_in_dim3A_416 : vector<16xf32> to vector<16xf32>
    tpu.vector_store %arg13[%swap3A_417], %swap3A_420 {strides = array<i32>} : memref<2000xf32, #tpu.memory_space<vmem>>, vector<16xf32>,
    %broadcast_in_dim3A_421 = arith.constant 0.000000e+00 : f32
    %broadcast_in_dim3A_422 = vector.broadcast %broadcast_in_dim3A_421 : f32 to vector<16xf32>
    %swap3A_423 = arith.constant 992 : index
    %swap3A_424 = tpu.vector_load %arg13[%swap3A_423] {strides = array<i32>} : memref<2000xf32, #tpu.memory_space<vmem>>, vector<16xf32>,
    %swap3A_425 = vector.shape_cast %swap3A_424 : vector<16xf32> to vector<16xf32>
    %swap3A_426 = vector.shape_cast %broadcast_in_dim3A_422 : vector<16xf32> to vector<16xf32>
    tpu.vector_store %arg13[%swap3A_423], %swap3A_426 {strides = array<i32>} : memref<2000xf32, #tpu.memory_space<vmem>>, vector<16xf32>,
    %broadcast_in_dim3A_427 = arith.constant 0.000000e+00 : f32
    %broadcast_in_dim3A_428 = vector.broadcast %broadcast_in_dim3A_427 : f32 to vector<16xf32>
    %swap3A_429 = arith.constant 1008 : index
    %swap3A_430 = tpu.vector_load %arg13[%swap3A_429] {strides = array<i32>} : memref<2000xf32, #tpu.memory_space<vmem>>, vector<16xf32>,
    %swap3A_431 = vector.shape_cast %swap3A_430 : vector<16xf32> to vector<16xf32>
    %swap3A_432 = vector.shape_cast %broadcast_in_dim3A_428 : vector<16xf32> to vector<16xf32>
    tpu.vector_store %arg13[%swap3A_429], %swap3A_432 {strides = array<i32>} : memref<2000xf32, #tpu.memory_space<vmem>>, vector<16xf32>,
    %broadcast_in_dim3A_433 = arith.constant 0.000000e+00 : f32
    %broadcast_in_dim3A_434 = vector.broadcast %broadcast_in_dim3A_433 : f32 to vector<16xf32>
    %swap3A_435 = arith.constant 1024 : index
    %swap3A_436 = tpu.vector_load %arg13[%swap3A_435] {strides = array<i32>} : memref<2000xf32, #tpu.memory_space<vmem>>, vector<16xf32>,
    %swap3A_437 = vector.shape_cast %swap3A_436 : vector<16xf32> to vector<16xf32>
    %swap3A_438 = vector.shape_cast %broadcast_in_dim3A_434 : vector<16xf32> to vector<16xf32>
    tpu.vector_store %arg13[%swap3A_435], %swap3A_438 {strides = array<i32>} : memref<2000xf32, #tpu.memory_space<vmem>>, vector<16xf32>,
    %broadcast_in_dim3A_439 = arith.constant 0.000000e+00 : f32
    %broadcast_in_dim3A_440 = vector.broadcast %broadcast_in_dim3A_439 : f32 to vector<16xf32>
    %swap3A_441 = arith.constant 1040 : index
    %swap3A_442 = tpu.vector_load %arg13[%swap3A_441] {strides = array<i32>} : memref<2000xf32, #tpu.memory_space<vmem>>, vector<16xf32>,
    %swap3A_443 = vector.shape_cast %swap3A_442 : vector<16xf32> to vector<16xf32>
    %swap3A_444 = vector.shape_cast %broadcast_in_dim3A_440 : vector<16xf32> to vector<16xf32>
    tpu.vector_store %arg13[%swap3A_441], %swap3A_444 {strides = array<i32>} : memref<2000xf32, #tpu.memory_space<vmem>>, vector<16xf32>,
    %broadcast_in_dim3A_445 = arith.constant 0.000000e+00 : f32
    %broadcast_in_dim3A_446 = vector.broadcast %broadcast_in_dim3A_445 : f32 to vector<16xf32>
    %swap3A_447 = arith.constant 1056 : index
    %swap3A_448 = tpu.vector_load %arg13[%swap3A_447] {strides = array<i32>} : memref<2000xf32, #tpu.memory_space<vmem>>, vector<16xf32>,
    %swap3A_449 = vector.shape_cast %swap3A_448 : vector<16xf32> to vector<16xf32>
    %swap3A_450 = vector.shape_cast %broadcast_in_dim3A_446 : vector<16xf32> to vector<16xf32>
    tpu.vector_store %arg13[%swap3A_447], %swap3A_450 {strides = array<i32>} : memref<2000xf32, #tpu.memory_space<vmem>>, vector<16xf32>,
    %broadcast_in_dim3A_451 = arith.constant 0.000000e+00 : f32
    %broadcast_in_dim3A_452 = vector.broadcast %broadcast_in_dim3A_451 : f32 to vector<16xf32>
    %swap3A_453 = arith.constant 1072 : index
    %swap3A_454 = tpu.vector_load %arg13[%swap3A_453] {strides = array<i32>} : memref<2000xf32, #tpu.memory_space<vmem>>, vector<16xf32>,
    %swap3A_455 = vector.shape_cast %swap3A_454 : vector<16xf32> to vector<16xf32>
    %swap3A_456 = vector.shape_cast %broadcast_in_dim3A_452 : vector<16xf32> to vector<16xf32>
    tpu.vector_store %arg13[%swap3A_453], %swap3A_456 {strides = array<i32>} : memref<2000xf32, #tpu.memory_space<vmem>>, vector<16xf32>,
    %broadcast_in_dim3A_457 = arith.constant 0.000000e+00 : f32
    %broadcast_in_dim3A_458 = vector.broadcast %broadcast_in_dim3A_457 : f32 to vector<16xf32>
    %swap3A_459 = arith.constant 1088 : index
    %swap3A_460 = tpu.vector_load %arg13[%swap3A_459] {strides = array<i32>} : memref<2000xf32, #tpu.memory_space<vmem>>, vector<16xf32>,
    %swap3A_461 = vector.shape_cast %swap3A_460 : vector<16xf32> to vector<16xf32>
    %swap3A_462 = vector.shape_cast %broadcast_in_dim3A_458 : vector<16xf32> to vector<16xf32>
    tpu.vector_store %arg13[%swap3A_459], %swap3A_462 {strides = array<i32>} : memref<2000xf32, #tpu.memory_space<vmem>>, vector<16xf32>,
    %broadcast_in_dim3A_463 = arith.constant 0.000000e+00 : f32
    %broadcast_in_dim3A_464 = vector.broadcast %broadcast_in_dim3A_463 : f32 to vector<16xf32>
    %swap3A_465 = arith.constant 1104 : index
    %swap3A_466 = tpu.vector_load %arg13[%swap3A_465] {strides = array<i32>} : memref<2000xf32, #tpu.memory_space<vmem>>, vector<16xf32>,
    %swap3A_467 = vector.shape_cast %swap3A_466 : vector<16xf32> to vector<16xf32>
    %swap3A_468 = vector.shape_cast %broadcast_in_dim3A_464 : vector<16xf32> to vector<16xf32>
    tpu.vector_store %arg13[%swap3A_465], %swap3A_468 {strides = array<i32>} : memref<2000xf32, #tpu.memory_space<vmem>>, vector<16xf32>,
    %broadcast_in_dim3A_469 = arith.constant 0.000000e+00 : f32
    %broadcast_in_dim3A_470 = vector.broadcast %broadcast_in_dim3A_469 : f32 to vector<16xf32>
    %swap3A_471 = arith.constant 1120 : index
    %swap3A_472 = tpu.vector_load %arg13[%swap3A_471] {strides = array<i32>} : memref<2000xf32, #tpu.memory_space<vmem>>, vector<16xf32>,
    %swap3A_473 = vector.shape_cast %swap3A_472 : vector<16xf32> to vector<16xf32>
    %swap3A_474 = vector.shape_cast %broadcast_in_dim3A_470 : vector<16xf32> to vector<16xf32>
    tpu.vector_store %arg13[%swap3A_471], %swap3A_474 {strides = array<i32>} : memref<2000xf32, #tpu.memory_space<vmem>>, vector<16xf32>,
    %broadcast_in_dim3A_475 = arith.constant 0.000000e+00 : f32
    %broadcast_in_dim3A_476 = vector.broadcast %broadcast_in_dim3A_475 : f32 to vector<16xf32>
    %swap3A_477 = arith.constant 1136 : index
    %swap3A_478 = tpu.vector_load %arg13[%swap3A_477] {strides = array<i32>} : memref<2000xf32, #tpu.memory_space<vmem>>, vector<16xf32>,
    %swap3A_479 = vector.shape_cast %swap3A_478 : vector<16xf32> to vector<16xf32>
    %swap3A_480 = vector.shape_cast %broadcast_in_dim3A_476 : vector<16xf32> to vector<16xf32>
    tpu.vector_store %arg13[%swap3A_477], %swap3A_480 {strides = array<i32>} : memref<2000xf32, #tpu.memory_space<vmem>>, vector<16xf32>,
    %broadcast_in_dim3A_481 = arith.constant 0.000000e+00 : f32
    %broadcast_in_dim3A_482 = vector.broadcast %broadcast_in_dim3A_481 : f32 to vector<16xf32>
    %swap3A_483 = arith.constant 1152 : index
    %swap3A_484 = tpu.vector_load %arg13[%swap3A_483] {strides = array<i32>} : memref<2000xf32, #tpu.memory_space<vmem>>, vector<16xf32>,
    %swap3A_485 = vector.shape_cast %swap3A_484 : vector<16xf32> to vector<16xf32>
    %swap3A_486 = vector.shape_cast %broadcast_in_dim3A_482 : vector<16xf32> to vector<16xf32>
    tpu.vector_store %arg13[%swap3A_483], %swap3A_486 {strides = array<i32>} : memref<2000xf32, #tpu.memory_space<vmem>>, vector<16xf32>,
    %broadcast_in_dim3A_487 = arith.constant 0.000000e+00 : f32
    %broadcast_in_dim3A_488 = vector.broadcast %broadcast_in_dim3A_487 : f32 to vector<16xf32>
    %swap3A_489 = arith.constant 1168 : index
    %swap3A_490 = tpu.vector_load %arg13[%swap3A_489] {strides = array<i32>} : memref<2000xf32, #tpu.memory_space<vmem>>, vector<16xf32>,
    %swap3A_491 = vector.shape_cast %swap3A_490 : vector<16xf32> to vector<16xf32>
    %swap3A_492 = vector.shape_cast %broadcast_in_dim3A_488 : vector<16xf32> to vector<16xf32>
    tpu.vector_store %arg13[%swap3A_489], %swap3A_492 {strides = array<i32>} : memref<2000xf32, #tpu.memory_space<vmem>>, vector<16xf32>,
    %broadcast_in_dim3A_493 = arith.constant 0.000000e+00 : f32
    %broadcast_in_dim3A_494 = vector.broadcast %broadcast_in_dim3A_493 : f32 to vector<16xf32>
    %swap3A_495 = arith.constant 1184 : index
    %swap3A_496 = tpu.vector_load %arg13[%swap3A_495] {strides = array<i32>} : memref<2000xf32, #tpu.memory_space<vmem>>, vector<16xf32>,
    %swap3A_497 = vector.shape_cast %swap3A_496 : vector<16xf32> to vector<16xf32>
    %swap3A_498 = vector.shape_cast %broadcast_in_dim3A_494 : vector<16xf32> to vector<16xf32>
    tpu.vector_store %arg13[%swap3A_495], %swap3A_498 {strides = array<i32>} : memref<2000xf32, #tpu.memory_space<vmem>>, vector<16xf32>,
    %broadcast_in_dim3A_499 = arith.constant 0.000000e+00 : f32
    %broadcast_in_dim3A_500 = vector.broadcast %broadcast_in_dim3A_499 : f32 to vector<16xf32>
    %swap3A_501 = arith.constant 1200 : index
    %swap3A_502 = tpu.vector_load %arg13[%swap3A_501] {strides = array<i32>} : memref<2000xf32, #tpu.memory_space<vmem>>, vector<16xf32>,
    %swap3A_503 = vector.shape_cast %swap3A_502 : vector<16xf32> to vector<16xf32>
    %swap3A_504 = vector.shape_cast %broadcast_in_dim3A_500 : vector<16xf32> to vector<16xf32>
    tpu.vector_store %arg13[%swap3A_501], %swap3A_504 {strides = array<i32>} : memref<2000xf32, #tpu.memory_space<vmem>>, vector<16xf32>,
    %broadcast_in_dim3A_505 = arith.constant 0.000000e+00 : f32
    %broadcast_in_dim3A_506 = vector.broadcast %broadcast_in_dim3A_505 : f32 to vector<16xf32>
    %swap3A_507 = arith.constant 1216 : index
    %swap3A_508 = tpu.vector_load %arg13[%swap3A_507] {strides = array<i32>} : memref<2000xf32, #tpu.memory_space<vmem>>, vector<16xf32>,
    %swap3A_509 = vector.shape_cast %swap3A_508 : vector<16xf32> to vector<16xf32>
    %swap3A_510 = vector.shape_cast %broadcast_in_dim3A_506 : vector<16xf32> to vector<16xf32>
    tpu.vector_store %arg13[%swap3A_507], %swap3A_510 {strides = array<i32>} : memref<2000xf32, #tpu.memory_space<vmem>>, vector<16xf32>,
    %broadcast_in_dim3A_511 = arith.constant 0.000000e+00 : f32
    %broadcast_in_dim3A_512 = vector.broadcast %broadcast_in_dim3A_511 : f32 to vector<16xf32>
    %swap3A_513 = arith.constant 1232 : index
    %swap3A_514 = tpu.vector_load %arg13[%swap3A_513] {strides = array<i32>} : memref<2000xf32, #tpu.memory_space<vmem>>, vector<16xf32>,
    %swap3A_515 = vector.shape_cast %swap3A_514 : vector<16xf32> to vector<16xf32>
    %swap3A_516 = vector.shape_cast %broadcast_in_dim3A_512 : vector<16xf32> to vector<16xf32>
    tpu.vector_store %arg13[%swap3A_513], %swap3A_516 {strides = array<i32>} : memref<2000xf32, #tpu.memory_space<vmem>>, vector<16xf32>,
    %broadcast_in_dim3A_517 = arith.constant 0.000000e+00 : f32
    %broadcast_in_dim3A_518 = vector.broadcast %broadcast_in_dim3A_517 : f32 to vector<16xf32>
    %swap3A_519 = arith.constant 1248 : index
    %swap3A_520 = tpu.vector_load %arg13[%swap3A_519] {strides = array<i32>} : memref<2000xf32, #tpu.memory_space<vmem>>, vector<16xf32>,
    %swap3A_521 = vector.shape_cast %swap3A_520 : vector<16xf32> to vector<16xf32>
    %swap3A_522 = vector.shape_cast %broadcast_in_dim3A_518 : vector<16xf32> to vector<16xf32>
    tpu.vector_store %arg13[%swap3A_519], %swap3A_522 {strides = array<i32>} : memref<2000xf32, #tpu.memory_space<vmem>>, vector<16xf32>,
    %broadcast_in_dim3A_523 = arith.constant 0.000000e+00 : f32
    %broadcast_in_dim3A_524 = vector.broadcast %broadcast_in_dim3A_523 : f32 to vector<16xf32>
    %swap3A_525 = arith.constant 1264 : index
    %swap3A_526 = tpu.vector_load %arg13[%swap3A_525] {strides = array<i32>} : memref<2000xf32, #tpu.memory_space<vmem>>, vector<16xf32>,
    %swap3A_527 = vector.shape_cast %swap3A_526 : vector<16xf32> to vector<16xf32>
    %swap3A_528 = vector.shape_cast %broadcast_in_dim3A_524 : vector<16xf32> to vector<16xf32>
    tpu.vector_store %arg13[%swap3A_525], %swap3A_528 {strides = array<i32>} : memref<2000xf32, #tpu.memory_space<vmem>>, vector<16xf32>,
    %broadcast_in_dim3A_529 = arith.constant 0.000000e+00 : f32
    %broadcast_in_dim3A_530 = vector.broadcast %broadcast_in_dim3A_529 : f32 to vector<16xf32>
    %swap3A_531 = arith.constant 1280 : index
    %swap3A_532 = tpu.vector_load %arg13[%swap3A_531] {strides = array<i32>} : memref<2000xf32, #tpu.memory_space<vmem>>, vector<16xf32>,
    %swap3A_533 = vector.shape_cast %swap3A_532 : vector<16xf32> to vector<16xf32>
    %swap3A_534 = vector.shape_cast %broadcast_in_dim3A_530 : vector<16xf32> to vector<16xf32>
    tpu.vector_store %arg13[%swap3A_531], %swap3A_534 {strides = array<i32>} : memref<2000xf32, #tpu.memory_space<vmem>>, vector<16xf32>,
    %broadcast_in_dim3A_535 = arith.constant 0.000000e+00 : f32
    %broadcast_in_dim3A_536 = vector.broadcast %broadcast_in_dim3A_535 : f32 to vector<16xf32>
    %swap3A_537 = arith.constant 1296 : index
    %swap3A_538 = tpu.vector_load %arg13[%swap3A_537] {strides = array<i32>} : memref<2000xf32, #tpu.memory_space<vmem>>, vector<16xf32>,
    %swap3A_539 = vector.shape_cast %swap3A_538 : vector<16xf32> to vector<16xf32>
    %swap3A_540 = vector.shape_cast %broadcast_in_dim3A_536 : vector<16xf32> to vector<16xf32>
    tpu.vector_store %arg13[%swap3A_537], %swap3A_540 {strides = array<i32>} : memref<2000xf32, #tpu.memory_space<vmem>>, vector<16xf32>,
    %broadcast_in_dim3A_541 = arith.constant 0.000000e+00 : f32
    %broadcast_in_dim3A_542 = vector.broadcast %broadcast_in_dim3A_541 : f32 to vector<16xf32>
    %swap3A_543 = arith.constant 1312 : index
    %swap3A_544 = tpu.vector_load %arg13[%swap3A_543] {strides = array<i32>} : memref<2000xf32, #tpu.memory_space<vmem>>, vector<16xf32>,
    %swap3A_545 = vector.shape_cast %swap3A_544 : vector<16xf32> to vector<16xf32>
    %swap3A_546 = vector.shape_cast %broadcast_in_dim3A_542 : vector<16xf32> to vector<16xf32>
    tpu.vector_store %arg13[%swap3A_543], %swap3A_546 {strides = array<i32>} : memref<2000xf32, #tpu.memory_space<vmem>>, vector<16xf32>,
    %broadcast_in_dim3A_547 = arith.constant 0.000000e+00 : f32
    %broadcast_in_dim3A_548 = vector.broadcast %broadcast_in_dim3A_547 : f32 to vector<16xf32>
    %swap3A_549 = arith.constant 1328 : index
    %swap3A_550 = tpu.vector_load %arg13[%swap3A_549] {strides = array<i32>} : memref<2000xf32, #tpu.memory_space<vmem>>, vector<16xf32>,
    %swap3A_551 = vector.shape_cast %swap3A_550 : vector<16xf32> to vector<16xf32>
    %swap3A_552 = vector.shape_cast %broadcast_in_dim3A_548 : vector<16xf32> to vector<16xf32>
    tpu.vector_store %arg13[%swap3A_549], %swap3A_552 {strides = array<i32>} : memref<2000xf32, #tpu.memory_space<vmem>>, vector<16xf32>,
    %broadcast_in_dim3A_553 = arith.constant 0.000000e+00 : f32
    %broadcast_in_dim3A_554 = vector.broadcast %broadcast_in_dim3A_553 : f32 to vector<16xf32>
    %swap3A_555 = arith.constant 1344 : index
    %swap3A_556 = tpu.vector_load %arg13[%swap3A_555] {strides = array<i32>} : memref<2000xf32, #tpu.memory_space<vmem>>, vector<16xf32>,
    %swap3A_557 = vector.shape_cast %swap3A_556 : vector<16xf32> to vector<16xf32>
    %swap3A_558 = vector.shape_cast %broadcast_in_dim3A_554 : vector<16xf32> to vector<16xf32>
    tpu.vector_store %arg13[%swap3A_555], %swap3A_558 {strides = array<i32>} : memref<2000xf32, #tpu.memory_space<vmem>>, vector<16xf32>,
    %broadcast_in_dim3A_559 = arith.constant 0.000000e+00 : f32
    %broadcast_in_dim3A_560 = vector.broadcast %broadcast_in_dim3A_559 : f32 to vector<16xf32>
    %swap3A_561 = arith.constant 1360 : index
    %swap3A_562 = tpu.vector_load %arg13[%swap3A_561] {strides = array<i32>} : memref<2000xf32, #tpu.memory_space<vmem>>, vector<16xf32>,
    %swap3A_563 = vector.shape_cast %swap3A_562 : vector<16xf32> to vector<16xf32>
    %swap3A_564 = vector.shape_cast %broadcast_in_dim3A_560 : vector<16xf32> to vector<16xf32>
    tpu.vector_store %arg13[%swap3A_561], %swap3A_564 {strides = array<i32>} : memref<2000xf32, #tpu.memory_space<vmem>>, vector<16xf32>,
    %broadcast_in_dim3A_565 = arith.constant 0.000000e+00 : f32
    %broadcast_in_dim3A_566 = vector.broadcast %broadcast_in_dim3A_565 : f32 to vector<16xf32>
    %swap3A_567 = arith.constant 1376 : index
    %swap3A_568 = tpu.vector_load %arg13[%swap3A_567] {strides = array<i32>} : memref<2000xf32, #tpu.memory_space<vmem>>, vector<16xf32>,
    %swap3A_569 = vector.shape_cast %swap3A_568 : vector<16xf32> to vector<16xf32>
    %swap3A_570 = vector.shape_cast %broadcast_in_dim3A_566 : vector<16xf32> to vector<16xf32>
    tpu.vector_store %arg13[%swap3A_567], %swap3A_570 {strides = array<i32>} : memref<2000xf32, #tpu.memory_space<vmem>>, vector<16xf32>,
    %broadcast_in_dim3A_571 = arith.constant 0.000000e+00 : f32
    %broadcast_in_dim3A_572 = vector.broadcast %broadcast_in_dim3A_571 : f32 to vector<16xf32>
    %swap3A_573 = arith.constant 1392 : index
    %swap3A_574 = tpu.vector_load %arg13[%swap3A_573] {strides = array<i32>} : memref<2000xf32, #tpu.memory_space<vmem>>, vector<16xf32>,
    %swap3A_575 = vector.shape_cast %swap3A_574 : vector<16xf32> to vector<16xf32>
    %swap3A_576 = vector.shape_cast %broadcast_in_dim3A_572 : vector<16xf32> to vector<16xf32>
    tpu.vector_store %arg13[%swap3A_573], %swap3A_576 {strides = array<i32>} : memref<2000xf32, #tpu.memory_space<vmem>>, vector<16xf32>,
    %broadcast_in_dim3A_577 = arith.constant 0.000000e+00 : f32
    %broadcast_in_dim3A_578 = vector.broadcast %broadcast_in_dim3A_577 : f32 to vector<16xf32>
    %swap3A_579 = arith.constant 1408 : index
    %swap3A_580 = tpu.vector_load %arg13[%swap3A_579] {strides = array<i32>} : memref<2000xf32, #tpu.memory_space<vmem>>, vector<16xf32>,
    %swap3A_581 = vector.shape_cast %swap3A_580 : vector<16xf32> to vector<16xf32>
    %swap3A_582 = vector.shape_cast %broadcast_in_dim3A_578 : vector<16xf32> to vector<16xf32>
    tpu.vector_store %arg13[%swap3A_579], %swap3A_582 {strides = array<i32>} : memref<2000xf32, #tpu.memory_space<vmem>>, vector<16xf32>,
    %broadcast_in_dim3A_583 = arith.constant 0.000000e+00 : f32
    %broadcast_in_dim3A_584 = vector.broadcast %broadcast_in_dim3A_583 : f32 to vector<16xf32>
    %swap3A_585 = arith.constant 1424 : index
    %swap3A_586 = tpu.vector_load %arg13[%swap3A_585] {strides = array<i32>} : memref<2000xf32, #tpu.memory_space<vmem>>, vector<16xf32>,
    %swap3A_587 = vector.shape_cast %swap3A_586 : vector<16xf32> to vector<16xf32>
    %swap3A_588 = vector.shape_cast %broadcast_in_dim3A_584 : vector<16xf32> to vector<16xf32>
    tpu.vector_store %arg13[%swap3A_585], %swap3A_588 {strides = array<i32>} : memref<2000xf32, #tpu.memory_space<vmem>>, vector<16xf32>,
    %broadcast_in_dim3A_589 = arith.constant 0.000000e+00 : f32
    %broadcast_in_dim3A_590 = vector.broadcast %broadcast_in_dim3A_589 : f32 to vector<16xf32>
    %swap3A_591 = arith.constant 1440 : index
    %swap3A_592 = tpu.vector_load %arg13[%swap3A_591] {strides = array<i32>} : memref<2000xf32, #tpu.memory_space<vmem>>, vector<16xf32>,
    %swap3A_593 = vector.shape_cast %swap3A_592 : vector<16xf32> to vector<16xf32>
    %swap3A_594 = vector.shape_cast %broadcast_in_dim3A_590 : vector<16xf32> to vector<16xf32>
    tpu.vector_store %arg13[%swap3A_591], %swap3A_594 {strides = array<i32>} : memref<2000xf32, #tpu.memory_space<vmem>>, vector<16xf32>,
    %broadcast_in_dim3A_595 = arith.constant 0.000000e+00 : f32
    %broadcast_in_dim3A_596 = vector.broadcast %broadcast_in_dim3A_595 : f32 to vector<16xf32>
    %swap3A_597 = arith.constant 1456 : index
    %swap3A_598 = tpu.vector_load %arg13[%swap3A_597] {strides = array<i32>} : memref<2000xf32, #tpu.memory_space<vmem>>, vector<16xf32>,
    %swap3A_599 = vector.shape_cast %swap3A_598 : vector<16xf32> to vector<16xf32>
    %swap3A_600 = vector.shape_cast %broadcast_in_dim3A_596 : vector<16xf32> to vector<16xf32>
    tpu.vector_store %arg13[%swap3A_597], %swap3A_600 {strides = array<i32>} : memref<2000xf32, #tpu.memory_space<vmem>>, vector<16xf32>,
    %broadcast_in_dim3A_601 = arith.constant 0.000000e+00 : f32
    %broadcast_in_dim3A_602 = vector.broadcast %broadcast_in_dim3A_601 : f32 to vector<16xf32>
    %swap3A_603 = arith.constant 1472 : index
    %swap3A_604 = tpu.vector_load %arg13[%swap3A_603] {strides = array<i32>} : memref<2000xf32, #tpu.memory_space<vmem>>, vector<16xf32>,
    %swap3A_605 = vector.shape_cast %swap3A_604 : vector<16xf32> to vector<16xf32>
    %swap3A_606 = vector.shape_cast %broadcast_in_dim3A_602 : vector<16xf32> to vector<16xf32>
    tpu.vector_store %arg13[%swap3A_603], %swap3A_606 {strides = array<i32>} : memref<2000xf32, #tpu.memory_space<vmem>>, vector<16xf32>,
    %broadcast_in_dim3A_607 = arith.constant 0.000000e+00 : f32
    %broadcast_in_dim3A_608 = vector.broadcast %broadcast_in_dim3A_607 : f32 to vector<16xf32>
    %swap3A_609 = arith.constant 1488 : index
    %swap3A_610 = tpu.vector_load %arg13[%swap3A_609] {strides = array<i32>} : memref<2000xf32, #tpu.memory_space<vmem>>, vector<16xf32>,
    %swap3A_611 = vector.shape_cast %swap3A_610 : vector<16xf32> to vector<16xf32>
    %swap3A_612 = vector.shape_cast %broadcast_in_dim3A_608 : vector<16xf32> to vector<16xf32>
    tpu.vector_store %arg13[%swap3A_609], %swap3A_612 {strides = array<i32>} : memref<2000xf32, #tpu.memory_space<vmem>>, vector<16xf32>,
    %broadcast_in_dim3A_613 = arith.constant 0.000000e+00 : f32
    %broadcast_in_dim3A_614 = vector.broadcast %broadcast_in_dim3A_613 : f32 to vector<16xf32>
    %swap3A_615 = arith.constant 1504 : index
    %swap3A_616 = tpu.vector_load %arg13[%swap3A_615] {strides = array<i32>} : memref<2000xf32, #tpu.memory_space<vmem>>, vector<16xf32>,
    %swap3A_617 = vector.shape_cast %swap3A_616 : vector<16xf32> to vector<16xf32>
    %swap3A_618 = vector.shape_cast %broadcast_in_dim3A_614 : vector<16xf32> to vector<16xf32>
    tpu.vector_store %arg13[%swap3A_615], %swap3A_618 {strides = array<i32>} : memref<2000xf32, #tpu.memory_space<vmem>>, vector<16xf32>,
    %broadcast_in_dim3A_619 = arith.constant 0.000000e+00 : f32
    %broadcast_in_dim3A_620 = vector.broadcast %broadcast_in_dim3A_619 : f32 to vector<16xf32>
    %swap3A_621 = arith.constant 1520 : index
    %swap3A_622 = tpu.vector_load %arg13[%swap3A_621] {strides = array<i32>} : memref<2000xf32, #tpu.memory_space<vmem>>, vector<16xf32>,
    %swap3A_623 = vector.shape_cast %swap3A_622 : vector<16xf32> to vector<16xf32>
    %swap3A_624 = vector.shape_cast %broadcast_in_dim3A_620 : vector<16xf32> to vector<16xf32>
    tpu.vector_store %arg13[%swap3A_621], %swap3A_624 {strides = array<i32>} : memref<2000xf32, #tpu.memory_space<vmem>>, vector<16xf32>,
    %broadcast_in_dim3A_625 = arith.constant 0.000000e+00 : f32
    %broadcast_in_dim3A_626 = vector.broadcast %broadcast_in_dim3A_625 : f32 to vector<16xf32>
    %swap3A_627 = arith.constant 1536 : index
    %swap3A_628 = tpu.vector_load %arg13[%swap3A_627] {strides = array<i32>} : memref<2000xf32, #tpu.memory_space<vmem>>, vector<16xf32>,
    %swap3A_629 = vector.shape_cast %swap3A_628 : vector<16xf32> to vector<16xf32>
    %swap3A_630 = vector.shape_cast %broadcast_in_dim3A_626 : vector<16xf32> to vector<16xf32>
    tpu.vector_store %arg13[%swap3A_627], %swap3A_630 {strides = array<i32>} : memref<2000xf32, #tpu.memory_space<vmem>>, vector<16xf32>,
    %broadcast_in_dim3A_631 = arith.constant 0.000000e+00 : f32
    %broadcast_in_dim3A_632 = vector.broadcast %broadcast_in_dim3A_631 : f32 to vector<16xf32>
    %swap3A_633 = arith.constant 1552 : index
    %swap3A_634 = tpu.vector_load %arg13[%swap3A_633] {strides = array<i32>} : memref<2000xf32, #tpu.memory_space<vmem>>, vector<16xf32>,
    %swap3A_635 = vector.shape_cast %swap3A_634 : vector<16xf32> to vector<16xf32>
    %swap3A_636 = vector.shape_cast %broadcast_in_dim3A_632 : vector<16xf32> to vector<16xf32>
    tpu.vector_store %arg13[%swap3A_633], %swap3A_636 {strides = array<i32>} : memref<2000xf32, #tpu.memory_space<vmem>>, vector<16xf32>,
    %broadcast_in_dim3A_637 = arith.constant 0.000000e+00 : f32
    %broadcast_in_dim3A_638 = vector.broadcast %broadcast_in_dim3A_637 : f32 to vector<16xf32>
    %swap3A_639 = arith.constant 1568 : index
    %swap3A_640 = tpu.vector_load %arg13[%swap3A_639] {strides = array<i32>} : memref<2000xf32, #tpu.memory_space<vmem>>, vector<16xf32>,
    %swap3A_641 = vector.shape_cast %swap3A_640 : vector<16xf32> to vector<16xf32>
    %swap3A_642 = vector.shape_cast %broadcast_in_dim3A_638 : vector<16xf32> to vector<16xf32>
    tpu.vector_store %arg13[%swap3A_639], %swap3A_642 {strides = array<i32>} : memref<2000xf32, #tpu.memory_space<vmem>>, vector<16xf32>,
    %broadcast_in_dim3A_643 = arith.constant 0.000000e+00 : f32
    %broadcast_in_dim3A_644 = vector.broadcast %broadcast_in_dim3A_643 : f32 to vector<16xf32>
    %swap3A_645 = arith.constant 1584 : index
    %swap3A_646 = tpu.vector_load %arg13[%swap3A_645] {strides = array<i32>} : memref<2000xf32, #tpu.memory_space<vmem>>, vector<16xf32>,
    %swap3A_647 = vector.shape_cast %swap3A_646 : vector<16xf32> to vector<16xf32>
    %swap3A_648 = vector.shape_cast %broadcast_in_dim3A_644 : vector<16xf32> to vector<16xf32>
    tpu.vector_store %arg13[%swap3A_645], %swap3A_648 {strides = array<i32>} : memref<2000xf32, #tpu.memory_space<vmem>>, vector<16xf32>,
    %broadcast_in_dim3A_649 = arith.constant 0.000000e+00 : f32
    %broadcast_in_dim3A_650 = vector.broadcast %broadcast_in_dim3A_649 : f32 to vector<16xf32>
    %swap3A_651 = arith.constant 1600 : index
    %swap3A_652 = tpu.vector_load %arg13[%swap3A_651] {strides = array<i32>} : memref<2000xf32, #tpu.memory_space<vmem>>, vector<16xf32>,
    %swap3A_653 = vector.shape_cast %swap3A_652 : vector<16xf32> to vector<16xf32>
    %swap3A_654 = vector.shape_cast %broadcast_in_dim3A_650 : vector<16xf32> to vector<16xf32>
    tpu.vector_store %arg13[%swap3A_651], %swap3A_654 {strides = array<i32>} : memref<2000xf32, #tpu.memory_space<vmem>>, vector<16xf32>,
    %broadcast_in_dim3A_655 = arith.constant 0.000000e+00 : f32
    %broadcast_in_dim3A_656 = vector.broadcast %broadcast_in_dim3A_655 : f32 to vector<16xf32>
    %swap3A_657 = arith.constant 1616 : index
    %swap3A_658 = tpu.vector_load %arg13[%swap3A_657] {strides = array<i32>} : memref<2000xf32, #tpu.memory_space<vmem>>, vector<16xf32>,
    %swap3A_659 = vector.shape_cast %swap3A_658 : vector<16xf32> to vector<16xf32>
    %swap3A_660 = vector.shape_cast %broadcast_in_dim3A_656 : vector<16xf32> to vector<16xf32>
    tpu.vector_store %arg13[%swap3A_657], %swap3A_660 {strides = array<i32>} : memref<2000xf32, #tpu.memory_space<vmem>>, vector<16xf32>,
    %broadcast_in_dim3A_661 = arith.constant 0.000000e+00 : f32
    %broadcast_in_dim3A_662 = vector.broadcast %broadcast_in_dim3A_661 : f32 to vector<16xf32>
    %swap3A_663 = arith.constant 1632 : index
    %swap3A_664 = tpu.vector_load %arg13[%swap3A_663] {strides = array<i32>} : memref<2000xf32, #tpu.memory_space<vmem>>, vector<16xf32>,
    %swap3A_665 = vector.shape_cast %swap3A_664 : vector<16xf32> to vector<16xf32>
    %swap3A_666 = vector.shape_cast %broadcast_in_dim3A_662 : vector<16xf32> to vector<16xf32>
    tpu.vector_store %arg13[%swap3A_663], %swap3A_666 {strides = array<i32>} : memref<2000xf32, #tpu.memory_space<vmem>>, vector<16xf32>,
    %broadcast_in_dim3A_667 = arith.constant 0.000000e+00 : f32
    %broadcast_in_dim3A_668 = vector.broadcast %broadcast_in_dim3A_667 : f32 to vector<16xf32>
    %swap3A_669 = arith.constant 1648 : index
    %swap3A_670 = tpu.vector_load %arg13[%swap3A_669] {strides = array<i32>} : memref<2000xf32, #tpu.memory_space<vmem>>, vector<16xf32>,
    %swap3A_671 = vector.shape_cast %swap3A_670 : vector<16xf32> to vector<16xf32>
    %swap3A_672 = vector.shape_cast %broadcast_in_dim3A_668 : vector<16xf32> to vector<16xf32>
    tpu.vector_store %arg13[%swap3A_669], %swap3A_672 {strides = array<i32>} : memref<2000xf32, #tpu.memory_space<vmem>>, vector<16xf32>,
    %broadcast_in_dim3A_673 = arith.constant 0.000000e+00 : f32
    %broadcast_in_dim3A_674 = vector.broadcast %broadcast_in_dim3A_673 : f32 to vector<16xf32>
    %swap3A_675 = arith.constant 1664 : index
    %swap3A_676 = tpu.vector_load %arg13[%swap3A_675] {strides = array<i32>} : memref<2000xf32, #tpu.memory_space<vmem>>, vector<16xf32>,
    %swap3A_677 = vector.shape_cast %swap3A_676 : vector<16xf32> to vector<16xf32>
    %swap3A_678 = vector.shape_cast %broadcast_in_dim3A_674 : vector<16xf32> to vector<16xf32>
    tpu.vector_store %arg13[%swap3A_675], %swap3A_678 {strides = array<i32>} : memref<2000xf32, #tpu.memory_space<vmem>>, vector<16xf32>,
    %broadcast_in_dim3A_679 = arith.constant 0.000000e+00 : f32
    %broadcast_in_dim3A_680 = vector.broadcast %broadcast_in_dim3A_679 : f32 to vector<16xf32>
    %swap3A_681 = arith.constant 1680 : index
    %swap3A_682 = tpu.vector_load %arg13[%swap3A_681] {strides = array<i32>} : memref<2000xf32, #tpu.memory_space<vmem>>, vector<16xf32>,
    %swap3A_683 = vector.shape_cast %swap3A_682 : vector<16xf32> to vector<16xf32>
    %swap3A_684 = vector.shape_cast %broadcast_in_dim3A_680 : vector<16xf32> to vector<16xf32>
    tpu.vector_store %arg13[%swap3A_681], %swap3A_684 {strides = array<i32>} : memref<2000xf32, #tpu.memory_space<vmem>>, vector<16xf32>,
    %broadcast_in_dim3A_685 = arith.constant 0.000000e+00 : f32
    %broadcast_in_dim3A_686 = vector.broadcast %broadcast_in_dim3A_685 : f32 to vector<16xf32>
    %swap3A_687 = arith.constant 1696 : index
    %swap3A_688 = tpu.vector_load %arg13[%swap3A_687] {strides = array<i32>} : memref<2000xf32, #tpu.memory_space<vmem>>, vector<16xf32>,
    %swap3A_689 = vector.shape_cast %swap3A_688 : vector<16xf32> to vector<16xf32>
    %swap3A_690 = vector.shape_cast %broadcast_in_dim3A_686 : vector<16xf32> to vector<16xf32>
    tpu.vector_store %arg13[%swap3A_687], %swap3A_690 {strides = array<i32>} : memref<2000xf32, #tpu.memory_space<vmem>>, vector<16xf32>,
    %broadcast_in_dim3A_691 = arith.constant 0.000000e+00 : f32
    %broadcast_in_dim3A_692 = vector.broadcast %broadcast_in_dim3A_691 : f32 to vector<16xf32>
    %swap3A_693 = arith.constant 1712 : index
    %swap3A_694 = tpu.vector_load %arg13[%swap3A_693] {strides = array<i32>} : memref<2000xf32, #tpu.memory_space<vmem>>, vector<16xf32>,
    %swap3A_695 = vector.shape_cast %swap3A_694 : vector<16xf32> to vector<16xf32>
    %swap3A_696 = vector.shape_cast %broadcast_in_dim3A_692 : vector<16xf32> to vector<16xf32>
    tpu.vector_store %arg13[%swap3A_693], %swap3A_696 {strides = array<i32>} : memref<2000xf32, #tpu.memory_space<vmem>>, vector<16xf32>,
    %broadcast_in_dim3A_697 = arith.constant 0.000000e+00 : f32
    %broadcast_in_dim3A_698 = vector.broadcast %broadcast_in_dim3A_697 : f32 to vector<16xf32>
    %swap3A_699 = arith.constant 1728 : index
    %swap3A_700 = tpu.vector_load %arg13[%swap3A_699] {strides = array<i32>} : memref<2000xf32, #tpu.memory_space<vmem>>, vector<16xf32>,
    %swap3A_701 = vector.shape_cast %swap3A_700 : vector<16xf32> to vector<16xf32>
    %swap3A_702 = vector.shape_cast %broadcast_in_dim3A_698 : vector<16xf32> to vector<16xf32>
    tpu.vector_store %arg13[%swap3A_699], %swap3A_702 {strides = array<i32>} : memref<2000xf32, #tpu.memory_space<vmem>>, vector<16xf32>,
    %broadcast_in_dim3A_703 = arith.constant 0.000000e+00 : f32
    %broadcast_in_dim3A_704 = vector.broadcast %broadcast_in_dim3A_703 : f32 to vector<16xf32>
    %swap3A_705 = arith.constant 1744 : index
    %swap3A_706 = tpu.vector_load %arg13[%swap3A_705] {strides = array<i32>} : memref<2000xf32, #tpu.memory_space<vmem>>, vector<16xf32>,
    %swap3A_707 = vector.shape_cast %swap3A_706 : vector<16xf32> to vector<16xf32>
    %swap3A_708 = vector.shape_cast %broadcast_in_dim3A_704 : vector<16xf32> to vector<16xf32>
    tpu.vector_store %arg13[%swap3A_705], %swap3A_708 {strides = array<i32>} : memref<2000xf32, #tpu.memory_space<vmem>>, vector<16xf32>,
    %broadcast_in_dim3A_709 = arith.constant 0.000000e+00 : f32
    %broadcast_in_dim3A_710 = vector.broadcast %broadcast_in_dim3A_709 : f32 to vector<16xf32>
    %swap3A_711 = arith.constant 1760 : index
    %swap3A_712 = tpu.vector_load %arg13[%swap3A_711] {strides = array<i32>} : memref<2000xf32, #tpu.memory_space<vmem>>, vector<16xf32>,
    %swap3A_713 = vector.shape_cast %swap3A_712 : vector<16xf32> to vector<16xf32>
    %swap3A_714 = vector.shape_cast %broadcast_in_dim3A_710 : vector<16xf32> to vector<16xf32>
    tpu.vector_store %arg13[%swap3A_711], %swap3A_714 {strides = array<i32>} : memref<2000xf32, #tpu.memory_space<vmem>>, vector<16xf32>,
    %broadcast_in_dim3A_715 = arith.constant 0.000000e+00 : f32
    %broadcast_in_dim3A_716 = vector.broadcast %broadcast_in_dim3A_715 : f32 to vector<16xf32>
    %swap3A_717 = arith.constant 1776 : index
    %swap3A_718 = tpu.vector_load %arg13[%swap3A_717] {strides = array<i32>} : memref<2000xf32, #tpu.memory_space<vmem>>, vector<16xf32>,
    %swap3A_719 = vector.shape_cast %swap3A_718 : vector<16xf32> to vector<16xf32>
    %swap3A_720 = vector.shape_cast %broadcast_in_dim3A_716 : vector<16xf32> to vector<16xf32>
    tpu.vector_store %arg13[%swap3A_717], %swap3A_720 {strides = array<i32>} : memref<2000xf32, #tpu.memory_space<vmem>>, vector<16xf32>,
    %broadcast_in_dim3A_721 = arith.constant 0.000000e+00 : f32
    %broadcast_in_dim3A_722 = vector.broadcast %broadcast_in_dim3A_721 : f32 to vector<16xf32>
    %swap3A_723 = arith.constant 1792 : index
    %swap3A_724 = tpu.vector_load %arg13[%swap3A_723] {strides = array<i32>} : memref<2000xf32, #tpu.memory_space<vmem>>, vector<16xf32>,
    %swap3A_725 = vector.shape_cast %swap3A_724 : vector<16xf32> to vector<16xf32>
    %swap3A_726 = vector.shape_cast %broadcast_in_dim3A_722 : vector<16xf32> to vector<16xf32>
    tpu.vector_store %arg13[%swap3A_723], %swap3A_726 {strides = array<i32>} : memref<2000xf32, #tpu.memory_space<vmem>>, vector<16xf32>,
    %broadcast_in_dim3A_727 = arith.constant 0.000000e+00 : f32
    %broadcast_in_dim3A_728 = vector.broadcast %broadcast_in_dim3A_727 : f32 to vector<16xf32>
    %swap3A_729 = arith.constant 1808 : index
    %swap3A_730 = tpu.vector_load %arg13[%swap3A_729] {strides = array<i32>} : memref<2000xf32, #tpu.memory_space<vmem>>, vector<16xf32>,
    %swap3A_731 = vector.shape_cast %swap3A_730 : vector<16xf32> to vector<16xf32>
    %swap3A_732 = vector.shape_cast %broadcast_in_dim3A_728 : vector<16xf32> to vector<16xf32>
    tpu.vector_store %arg13[%swap3A_729], %swap3A_732 {strides = array<i32>} : memref<2000xf32, #tpu.memory_space<vmem>>, vector<16xf32>,
    %broadcast_in_dim3A_733 = arith.constant 0.000000e+00 : f32
    %broadcast_in_dim3A_734 = vector.broadcast %broadcast_in_dim3A_733 : f32 to vector<16xf32>
    %swap3A_735 = arith.constant 1824 : index
    %swap3A_736 = tpu.vector_load %arg13[%swap3A_735] {strides = array<i32>} : memref<2000xf32, #tpu.memory_space<vmem>>, vector<16xf32>,
    %swap3A_737 = vector.shape_cast %swap3A_736 : vector<16xf32> to vector<16xf32>
    %swap3A_738 = vector.shape_cast %broadcast_in_dim3A_734 : vector<16xf32> to vector<16xf32>
    tpu.vector_store %arg13[%swap3A_735], %swap3A_738 {strides = array<i32>} : memref<2000xf32, #tpu.memory_space<vmem>>, vector<16xf32>,
    %broadcast_in_dim3A_739 = arith.constant 0.000000e+00 : f32
    %broadcast_in_dim3A_740 = vector.broadcast %broadcast_in_dim3A_739 : f32 to vector<16xf32>
    %swap3A_741 = arith.constant 1840 : index
    %swap3A_742 = tpu.vector_load %arg13[%swap3A_741] {strides = array<i32>} : memref<2000xf32, #tpu.memory_space<vmem>>, vector<16xf32>,
    %swap3A_743 = vector.shape_cast %swap3A_742 : vector<16xf32> to vector<16xf32>
    %swap3A_744 = vector.shape_cast %broadcast_in_dim3A_740 : vector<16xf32> to vector<16xf32>
    tpu.vector_store %arg13[%swap3A_741], %swap3A_744 {strides = array<i32>} : memref<2000xf32, #tpu.memory_space<vmem>>, vector<16xf32>,
    %broadcast_in_dim3A_745 = arith.constant 0.000000e+00 : f32
    %broadcast_in_dim3A_746 = vector.broadcast %broadcast_in_dim3A_745 : f32 to vector<16xf32>
    %swap3A_747 = arith.constant 1856 : index
    %swap3A_748 = tpu.vector_load %arg13[%swap3A_747] {strides = array<i32>} : memref<2000xf32, #tpu.memory_space<vmem>>, vector<16xf32>,
    %swap3A_749 = vector.shape_cast %swap3A_748 : vector<16xf32> to vector<16xf32>
    %swap3A_750 = vector.shape_cast %broadcast_in_dim3A_746 : vector<16xf32> to vector<16xf32>
    tpu.vector_store %arg13[%swap3A_747], %swap3A_750 {strides = array<i32>} : memref<2000xf32, #tpu.memory_space<vmem>>, vector<16xf32>,
    %broadcast_in_dim3A_751 = arith.constant 0.000000e+00 : f32
    %broadcast_in_dim3A_752 = vector.broadcast %broadcast_in_dim3A_751 : f32 to vector<16xf32>
    %swap3A_753 = arith.constant 1872 : index
    %swap3A_754 = tpu.vector_load %arg13[%swap3A_753] {strides = array<i32>} : memref<2000xf32, #tpu.memory_space<vmem>>, vector<16xf32>,
    %swap3A_755 = vector.shape_cast %swap3A_754 : vector<16xf32> to vector<16xf32>
    %swap3A_756 = vector.shape_cast %broadcast_in_dim3A_752 : vector<16xf32> to vector<16xf32>
    tpu.vector_store %arg13[%swap3A_753], %swap3A_756 {strides = array<i32>} : memref<2000xf32, #tpu.memory_space<vmem>>, vector<16xf32>,
    %broadcast_in_dim3A_757 = arith.constant 0.000000e+00 : f32
    %broadcast_in_dim3A_758 = vector.broadcast %broadcast_in_dim3A_757 : f32 to vector<16xf32>
    %swap3A_759 = arith.constant 1888 : index
    %swap3A_760 = tpu.vector_load %arg13[%swap3A_759] {strides = array<i32>} : memref<2000xf32, #tpu.memory_space<vmem>>, vector<16xf32>,
    %swap3A_761 = vector.shape_cast %swap3A_760 : vector<16xf32> to vector<16xf32>
    %swap3A_762 = vector.shape_cast %broadcast_in_dim3A_758 : vector<16xf32> to vector<16xf32>
    tpu.vector_store %arg13[%swap3A_759], %swap3A_762 {strides = array<i32>} : memref<2000xf32, #tpu.memory_space<vmem>>, vector<16xf32>,
    %broadcast_in_dim3A_763 = arith.constant 0.000000e+00 : f32
    %broadcast_in_dim3A_764 = vector.broadcast %broadcast_in_dim3A_763 : f32 to vector<16xf32>
    %swap3A_765 = arith.constant 1904 : index
    %swap3A_766 = tpu.vector_load %arg13[%swap3A_765] {strides = array<i32>} : memref<2000xf32, #tpu.memory_space<vmem>>, vector<16xf32>,
    %swap3A_767 = vector.shape_cast %swap3A_766 : vector<16xf32> to vector<16xf32>
    %swap3A_768 = vector.shape_cast %broadcast_in_dim3A_764 : vector<16xf32> to vector<16xf32>
    tpu.vector_store %arg13[%swap3A_765], %swap3A_768 {strides = array<i32>} : memref<2000xf32, #tpu.memory_space<vmem>>, vector<16xf32>,
    %broadcast_in_dim3A_769 = arith.constant 0.000000e+00 : f32
    %broadcast_in_dim3A_770 = vector.broadcast %broadcast_in_dim3A_769 : f32 to vector<16xf32>
    %swap3A_771 = arith.constant 1920 : index
    %swap3A_772 = tpu.vector_load %arg13[%swap3A_771] {strides = array<i32>} : memref<2000xf32, #tpu.memory_space<vmem>>, vector<16xf32>,
    %swap3A_773 = vector.shape_cast %swap3A_772 : vector<16xf32> to vector<16xf32>
    %swap3A_774 = vector.shape_cast %broadcast_in_dim3A_770 : vector<16xf32> to vector<16xf32>
    tpu.vector_store %arg13[%swap3A_771], %swap3A_774 {strides = array<i32>} : memref<2000xf32, #tpu.memory_space<vmem>>, vector<16xf32>,
    %broadcast_in_dim3A_775 = arith.constant 0.000000e+00 : f32
    %broadcast_in_dim3A_776 = vector.broadcast %broadcast_in_dim3A_775 : f32 to vector<16xf32>
    %swap3A_777 = arith.constant 1936 : index
    %swap3A_778 = tpu.vector_load %arg13[%swap3A_777] {strides = array<i32>} : memref<2000xf32, #tpu.memory_space<vmem>>, vector<16xf32>,
    %swap3A_779 = vector.shape_cast %swap3A_778 : vector<16xf32> to vector<16xf32>
    %swap3A_780 = vector.shape_cast %broadcast_in_dim3A_776 : vector<16xf32> to vector<16xf32>
    tpu.vector_store %arg13[%swap3A_777], %swap3A_780 {strides = array<i32>} : memref<2000xf32, #tpu.memory_space<vmem>>, vector<16xf32>,
    %broadcast_in_dim3A_781 = arith.constant 0.000000e+00 : f32
    %broadcast_in_dim3A_782 = vector.broadcast %broadcast_in_dim3A_781 : f32 to vector<16xf32>
    %swap3A_783 = arith.constant 1952 : index
    %swap3A_784 = tpu.vector_load %arg13[%swap3A_783] {strides = array<i32>} : memref<2000xf32, #tpu.memory_space<vmem>>, vector<16xf32>,
    %swap3A_785 = vector.shape_cast %swap3A_784 : vector<16xf32> to vector<16xf32>
    %swap3A_786 = vector.shape_cast %broadcast_in_dim3A_782 : vector<16xf32> to vector<16xf32>
    tpu.vector_store %arg13[%swap3A_783], %swap3A_786 {strides = array<i32>} : memref<2000xf32, #tpu.memory_space<vmem>>, vector<16xf32>,
    %broadcast_in_dim3A_787 = arith.constant 0.000000e+00 : f32
    %broadcast_in_dim3A_788 = vector.broadcast %broadcast_in_dim3A_787 : f32 to vector<16xf32>
    %swap3A_789 = arith.constant 1968 : index
    %swap3A_790 = tpu.vector_load %arg13[%swap3A_789] {strides = array<i32>} : memref<2000xf32, #tpu.memory_space<vmem>>, vector<16xf32>,
    %swap3A_791 = vector.shape_cast %swap3A_790 : vector<16xf32> to vector<16xf32>
    %swap3A_792 = vector.shape_cast %broadcast_in_dim3A_788 : vector<16xf32> to vector<16xf32>
    tpu.vector_store %arg13[%swap3A_789], %swap3A_792 {strides = array<i32>} : memref<2000xf32, #tpu.memory_space<vmem>>, vector<16xf32>,
    %broadcast_in_dim3A_793 = arith.constant 0.000000e+00 : f32
    %broadcast_in_dim3A_794 = vector.broadcast %broadcast_in_dim3A_793 : f32 to vector<16xf32>
    %swap3A_795 = arith.constant 1984 : index
    %swap3A_796 = tpu.vector_load %arg13[%swap3A_795] {strides = array<i32>} : memref<2000xf32, #tpu.memory_space<vmem>>, vector<16xf32>,
    %swap3A_797 = vector.shape_cast %swap3A_796 : vector<16xf32> to vector<16xf32>
    %swap3A_798 = vector.shape_cast %broadcast_in_dim3A_794 : vector<16xf32> to vector<16xf32>
    tpu.vector_store %arg13[%swap3A_795], %swap3A_798 {strides = array<i32>} : memref<2000xf32, #tpu.memory_space<vmem>>, vector<16xf32>,
    %lt3A = arith.constant 10 : i32
    %lt3A_799 = arith.cmpi slt, %arg1, %lt3A : i32
    %convert_element_type3A = arith.extui %lt3A_799 : i1 to i32
    %cond3A = arith.constant 0 : i32
    %cond3A_800 = arith.cmpi ne, %convert_element_type3A, %cond3A : i32
    scf.if %cond3A_800 {
      %mul3A_850 = arith.constant 1000 : i32
      %mul3A_851 = arith.muli %arg1, %mul3A_850 : i32
      "tpu.region"() ({
        %run_scoped3A = tpu.sem_alloc : memref<!tpu.dma_semaphore, #tpu.memory_space<semaphore_mem>>
        %dma_start3A_852 = arith.constant 0 : i32
        %dma_start3A_853 = tpu.memref_slice %arg14[%mul3A_851, %dma_start3A_852] : memref<10000x128xf32, #tpu.memory_space<vmem_shared>> -> memref<1000x128xf32, #tpu.memory_space<vmem_shared>>
        %dma_start3A_854 = arith.constant 0 : i32
        %dma_start3A_855 = tpu.memref_slice %arg4[%mul3A_851, %dma_start3A_854] : memref<10000x128xf32, #tpu.memory_space<hbm>> -> memref<1000x128xf32, #tpu.memory_space<hbm>>
        tpu.enqueue_dma source(%dma_start3A_855 : memref<1000x128xf32, #tpu.memory_space<hbm>>) target(%dma_start3A_853 : memref<1000x128xf32, #tpu.memory_space<vmem_shared>>) target_semaphore(%run_scoped3A : memref<!tpu.dma_semaphore, #tpu.memory_space<semaphore_mem>>)
        %dma_wait3A = arith.constant 0 : i32
        %dma_wait3A_856 = tpu.memref_slice %arg14[%mul3A_851, %dma_wait3A] : memref<10000x128xf32, #tpu.memory_space<vmem_shared>> -> memref<1000x128xf32, #tpu.memory_space<vmem_shared>>
        %dma_wait3A_857 = arith.constant 0 : i32
        %dma_wait3A_858 = tpu.memref_slice %arg4[%mul3A_851, %dma_wait3A_857] : memref<10000x128xf32, #tpu.memory_space<hbm>> -> memref<1000x128xf32, #tpu.memory_space<hbm>>
        tpu.wait_dma2 semaphore(%run_scoped3A : memref<!tpu.dma_semaphore, #tpu.memory_space<semaphore_mem>>) src(%dma_wait3A_858 : memref<1000x128xf32, #tpu.memory_space<hbm>>) dst(%dma_wait3A_856 : memref<1000x128xf32, #tpu.memory_space<vmem_shared>>)
        tpu.yield
      }) : () -> ()
    } else {
    }
    %lt3A_801 = arith.constant 5 : i32
    %lt3A_802 = arith.cmpi slt, %arg1, %lt3A_801 : i32
    %convert_element_type3A_803 = arith.extui %lt3A_802 : i1 to i32
    %cond3A_804 = arith.constant 0 : i32
    %cond3A_805 = arith.cmpi ne, %convert_element_type3A_803, %cond3A_804 : i32
    scf.if %cond3A_805 {
      %mul3A_850 = arith.constant 2000 : i32
      %mul3A_851 = arith.muli %arg1, %mul3A_850 : i32
      "tpu.region"() ({
        %run_scoped3A = tpu.sem_alloc : memref<!tpu.dma_semaphore, #tpu.memory_space<semaphore_mem>>
        %dma_start3A_852 = tpu.memref_slice %arg15[%mul3A_851] : memref<10000xf32, #tpu.memory_space<vmem_shared>> -> memref<2000xf32, #tpu.memory_space<vmem_shared>>
        %dma_start3A_853 = tpu.memref_slice %arg15[%mul3A_851] : memref<10000xf32, #tpu.memory_space<vmem_shared>> -> memref<2000xf32, #tpu.memory_space<vmem_shared>>
        tpu.enqueue_dma source(%arg13 : memref<2000xf32, #tpu.memory_space<vmem>>) target(%dma_start3A_853 : memref<2000xf32, #tpu.memory_space<vmem_shared>>) target_semaphore(%run_scoped3A : memref<!tpu.dma_semaphore, #tpu.memory_space<semaphore_mem>>)
        %dma_wait3A = tpu.memref_slice %arg15[%mul3A_851] : memref<10000xf32, #tpu.memory_space<vmem_shared>> -> memref<2000xf32, #tpu.memory_space<vmem_shared>>
        %dma_wait3A_854 = tpu.memref_slice %arg15[%mul3A_851] : memref<10000xf32, #tpu.memory_space<vmem_shared>> -> memref<2000xf32, #tpu.memory_space<vmem_shared>>
        tpu.wait_dma2 semaphore(%run_scoped3A : memref<!tpu.dma_semaphore, #tpu.memory_space<semaphore_mem>>) src(%arg13 : memref<2000xf32, #tpu.memory_space<vmem>>) dst(%dma_wait3A_854 : memref<2000xf32, #tpu.memory_space<vmem_shared>>)
        tpu.yield
      }) : () -> ()
    } else {
    }
    %barrier3A = arith.constant 0 : index
    tpu.barrier barrier_id(%barrier3A)
    %add3A_806 = arith.constant 0 : i32
    %add3A_807 = arith.addi %mul3A_2, %add3A_806 : i32
    %dma_start3A = tpu.memref_slice %arg3[%add3A_807] : memref<320000xi32, #tpu.memory_space<hbm>> -> memref<128xi32, #tpu.memory_space<hbm>>
    %dma_start3A_808 = tpu.memref_slice %arg3[%add3A_807] : memref<320000xi32, #tpu.memory_space<hbm>> -> memref<128xi32, #tpu.memory_space<hbm>>
    tpu.enqueue_dma source(%dma_start3A_808 : memref<128xi32, #tpu.memory_space<hbm>>) target(%arg8 : memref<128xi32, #tpu.memory_space<vmem>>) target_semaphore(%arg16 : memref<!tpu.dma_semaphore, #tpu.memory_space<semaphore_mem>>)
    %add3A_809 = arith.constant 0 : i32
    %add3A_810 = arith.addi %mul3A_2, %add3A_809 : i32
    %dma_start3A_811 = arith.constant 0 : i32
    %dma_start3A_812 = tpu.memref_slice %arg2[%add3A_810, %dma_start3A_811] : memref<320000x64xi32, #tpu.memory_space<hbm>> -> memref<128x64xi32, #tpu.memory_space<hbm>>
    %dma_start3A_813 = arith.constant 0 : i32
    %dma_start3A_814 = tpu.memref_slice %arg2[%add3A_810, %dma_start3A_813] : memref<320000x64xi32, #tpu.memory_space<hbm>> -> memref<128x64xi32, #tpu.memory_space<hbm>>
    tpu.enqueue_dma source(%dma_start3A_814 : memref<128x64xi32, #tpu.memory_space<hbm>>) target(%arg10 : memref<128x64xi32, #tpu.memory_space<vmem>>) target_semaphore(%arg16 : memref<!tpu.dma_semaphore, #tpu.memory_space<semaphore_mem>>)
    %scan3A = arith.constant 0 : i32
    %scan3A_815 = arith.constant -65536 : i32
    %scan3A_816 = arith.constant 0 : i32
    %scan3A_817 = arith.constant 39 : i32
    %scan3A_818 = arith.addi %scan3A_816, %scan3A_817 : i32
    %scan3A_819 = arith.constant 1 : i32
    scf.for %scan3A_850 = %scan3A_816 to %scan3A_818 step %scan3A_819  : i32 {
      %mul3A_851 = arith.constant 2 : i32
      %mul3A_852 = arith.muli %mul3A_851, %scan3A_850 : i32
      %dma_wait3A = arith.constant 0 : i32
      %dma_wait3A_853 = tpu.memref_slice %arg3[%dma_wait3A] : memref<320000xi32, #tpu.memory_space<hbm>> -> memref<128xi32, #tpu.memory_space<hbm>>
      %dma_wait3A_854 = arith.constant 0 : i32
      %dma_wait3A_855 = tpu.memref_slice %arg3[%dma_wait3A_854] : memref<320000xi32, #tpu.memory_space<hbm>> -> memref<128xi32, #tpu.memory_space<hbm>>
      tpu.wait_dma2 semaphore(%arg16 : memref<!tpu.dma_semaphore, #tpu.memory_space<semaphore_mem>>) src(%dma_wait3A_855 : memref<128xi32, #tpu.memory_space<hbm>>) dst(%arg8 : memref<128xi32, #tpu.memory_space<vmem>>)
      %dma_wait3A_856 = arith.constant 0 : i32
      %dma_wait3A_857 = arith.constant 0 : i32
      %dma_wait3A_858 = tpu.memref_slice %arg2[%dma_wait3A_856, %dma_wait3A_857] : memref<320000x64xi32, #tpu.memory_space<hbm>> -> memref<128x64xi32, #tpu.memory_space<hbm>>
      %dma_wait3A_859 = arith.constant 0 : i32
      %dma_wait3A_860 = arith.constant 0 : i32
      %dma_wait3A_861 = tpu.memref_slice %arg2[%dma_wait3A_859, %dma_wait3A_860] : memref<320000x64xi32, #tpu.memory_space<hbm>> -> memref<128x64xi32, #tpu.memory_space<hbm>>
      tpu.wait_dma2 semaphore(%arg16 : memref<!tpu.dma_semaphore, #tpu.memory_space<semaphore_mem>>) src(%dma_wait3A_861 : memref<128x64xi32, #tpu.memory_space<hbm>>) dst(%arg10 : memref<128x64xi32, #tpu.memory_space<vmem>>)
      %scan3A_862 = arith.constant 0 : i32
      %scan3A_863 = arith.constant 0 : i32
      %scan3A_864 = arith.constant 128 : i32
      %scan3A_865 = arith.addi %scan3A_863, %scan3A_864 : i32
      %scan3A_866 = arith.constant 1 : i32
      scf.for %scan3A_902 = %scan3A_863 to %scan3A_865 step %scan3A_866  : i32 {
        %get3A = arith.index_cast %scan3A_902 : i32 to index
        %get3A_903 = arith.constant 0 : index
        %get3A_904 = tpu.vector_load %arg10[%get3A, %get3A_903] {strides = array<i32>} : memref<128x64xi32, #tpu.memory_space<vmem>>, vector<1x16xi32>,
        %get3A_905 = vector.shape_cast %get3A_904 : vector<1x16xi32> to vector<16xi32>
        %shift_left3A = arith.constant 16 : i32
        %shift_left3A_906 = vector.broadcast %shift_left3A : i32 to vector<16xi32>
        %shift_left3A_907 = arith.shli %get3A_905, %shift_left3A_906 : vector<16xi32>
        %bitcast_convert_type3A = tpu.bitcast %shift_left3A_907 : vector<16xi32> -> vector<16xf32>
        %swap3A_908 = arith.index_cast %scan3A_902 : i32 to index
        %swap3A_909 = arith.constant 0 : index
        %swap3A_910 = tpu.vector_load %arg11[%swap3A_908, %swap3A_909] {strides = array<i32>} : memref<128x128xf32, #tpu.memory_space<vmem>>, vector<1x16xf32>,
        %swap3A_911 = vector.shape_cast %swap3A_910 : vector<1x16xf32> to vector<16xf32>
        %swap3A_912 = vector.shape_cast %bitcast_convert_type3A : vector<16xf32> to vector<1x16xf32>
        tpu.vector_store %arg11[%swap3A_908, %swap3A_909], %swap3A_912 {strides = array<i32>} : memref<128x128xf32, #tpu.memory_space<vmem>>, vector<1x16xf32>,
        %and3A_913 = vector.broadcast %scan3A_815 : i32 to vector<16xi32>
        %and3A_914 = arith.andi %get3A_905, %and3A_913 : vector<16xi32>
        %bitcast_convert_type3A_915 = tpu.bitcast %and3A_914 : vector<16xi32> -> vector<16xf32>
        %swap3A_916 = arith.index_cast %scan3A_902 : i32 to index
        %swap3A_917 = arith.constant 64 : index
        %swap3A_918 = tpu.vector_load %arg11[%swap3A_916, %swap3A_917] {strides = array<i32>} : memref<128x128xf32, #tpu.memory_space<vmem>>, vector<1x16xf32>,
        %swap3A_919 = vector.shape_cast %swap3A_918 : vector<1x16xf32> to vector<16xf32>
        %swap3A_920 = vector.shape_cast %bitcast_convert_type3A_915 : vector<16xf32> to vector<1x16xf32>
        tpu.vector_store %arg11[%swap3A_916, %swap3A_917], %swap3A_920 {strides = array<i32>} : memref<128x128xf32, #tpu.memory_space<vmem>>, vector<1x16xf32>,
        %get3A_921 = arith.index_cast %scan3A_902 : i32 to index
        %get3A_922 = arith.constant 16 : index
        %get3A_923 = tpu.vector_load %arg10[%get3A_921, %get3A_922] {strides = array<i32>} : memref<128x64xi32, #tpu.memory_space<vmem>>, vector<1x16xi32>,
        %get3A_924 = vector.shape_cast %get3A_923 : vector<1x16xi32> to vector<16xi32>
        %shift_left3A_925 = arith.constant 16 : i32
        %shift_left3A_926 = vector.broadcast %shift_left3A_925 : i32 to vector<16xi32>
        %shift_left3A_927 = arith.shli %get3A_924, %shift_left3A_926 : vector<16xi32>
        %bitcast_convert_type3A_928 = tpu.bitcast %shift_left3A_927 : vector<16xi32> -> vector<16xf32>
        %swap3A_929 = arith.index_cast %scan3A_902 : i32 to index
        %swap3A_930 = arith.constant 16 : index
        %swap3A_931 = tpu.vector_load %arg11[%swap3A_929, %swap3A_930] {strides = array<i32>} : memref<128x128xf32, #tpu.memory_space<vmem>>, vector<1x16xf32>,
        %swap3A_932 = vector.shape_cast %swap3A_931 : vector<1x16xf32> to vector<16xf32>
        %swap3A_933 = vector.shape_cast %bitcast_convert_type3A_928 : vector<16xf32> to vector<1x16xf32>
        tpu.vector_store %arg11[%swap3A_929, %swap3A_930], %swap3A_933 {strides = array<i32>} : memref<128x128xf32, #tpu.memory_space<vmem>>, vector<1x16xf32>,
        %and3A_934 = vector.broadcast %scan3A_815 : i32 to vector<16xi32>
        %and3A_935 = arith.andi %get3A_924, %and3A_934 : vector<16xi32>
        %bitcast_convert_type3A_936 = tpu.bitcast %and3A_935 : vector<16xi32> -> vector<16xf32>
        %swap3A_937 = arith.index_cast %scan3A_902 : i32 to index
        %swap3A_938 = arith.constant 80 : index
        %swap3A_939 = tpu.vector_load %arg11[%swap3A_937, %swap3A_938] {strides = array<i32>} : memref<128x128xf32, #tpu.memory_space<vmem>>, vector<1x16xf32>,
        %swap3A_940 = vector.shape_cast %swap3A_939 : vector<1x16xf32> to vector<16xf32>
        %swap3A_941 = vector.shape_cast %bitcast_convert_type3A_936 : vector<16xf32> to vector<1x16xf32>
        tpu.vector_store %arg11[%swap3A_937, %swap3A_938], %swap3A_941 {strides = array<i32>} : memref<128x128xf32, #tpu.memory_space<vmem>>, vector<1x16xf32>,
        %get3A_942 = arith.index_cast %scan3A_902 : i32 to index
        %get3A_943 = arith.constant 32 : index
        %get3A_944 = tpu.vector_load %arg10[%get3A_942, %get3A_943] {strides = array<i32>} : memref<128x64xi32, #tpu.memory_space<vmem>>, vector<1x16xi32>,
        %get3A_945 = vector.shape_cast %get3A_944 : vector<1x16xi32> to vector<16xi32>
        %shift_left3A_946 = arith.constant 16 : i32
        %shift_left3A_947 = vector.broadcast %shift_left3A_946 : i32 to vector<16xi32>
        %shift_left3A_948 = arith.shli %get3A_945, %shift_left3A_947 : vector<16xi32>
        %bitcast_convert_type3A_949 = tpu.bitcast %shift_left3A_948 : vector<16xi32> -> vector<16xf32>
        %swap3A_950 = arith.index_cast %scan3A_902 : i32 to index
        %swap3A_951 = arith.constant 32 : index
        %swap3A_952 = tpu.vector_load %arg11[%swap3A_950, %swap3A_951] {strides = array<i32>} : memref<128x128xf32, #tpu.memory_space<vmem>>, vector<1x16xf32>,
        %swap3A_953 = vector.shape_cast %swap3A_952 : vector<1x16xf32> to vector<16xf32>
        %swap3A_954 = vector.shape_cast %bitcast_convert_type3A_949 : vector<16xf32> to vector<1x16xf32>
        tpu.vector_store %arg11[%swap3A_950, %swap3A_951], %swap3A_954 {strides = array<i32>} : memref<128x128xf32, #tpu.memory_space<vmem>>, vector<1x16xf32>,
        %and3A_955 = vector.broadcast %scan3A_815 : i32 to vector<16xi32>
        %and3A_956 = arith.andi %get3A_945, %and3A_955 : vector<16xi32>
        %bitcast_convert_type3A_957 = tpu.bitcast %and3A_956 : vector<16xi32> -> vector<16xf32>
        %swap3A_958 = arith.index_cast %scan3A_902 : i32 to index
        %swap3A_959 = arith.constant 96 : index
        %swap3A_960 = tpu.vector_load %arg11[%swap3A_958, %swap3A_959] {strides = array<i32>} : memref<128x128xf32, #tpu.memory_space<vmem>>, vector<1x16xf32>,
        %swap3A_961 = vector.shape_cast %swap3A_960 : vector<1x16xf32> to vector<16xf32>
        %swap3A_962 = vector.shape_cast %bitcast_convert_type3A_957 : vector<16xf32> to vector<1x16xf32>
        tpu.vector_store %arg11[%swap3A_958, %swap3A_959], %swap3A_962 {strides = array<i32>} : memref<128x128xf32, #tpu.memory_space<vmem>>, vector<1x16xf32>,
        %get3A_963 = arith.index_cast %scan3A_902 : i32 to index
        %get3A_964 = arith.constant 48 : index
        %get3A_965 = tpu.vector_load %arg10[%get3A_963, %get3A_964] {strides = array<i32>} : memref<128x64xi32, #tpu.memory_space<vmem>>, vector<1x16xi32>,
        %get3A_966 = vector.shape_cast %get3A_965 : vector<1x16xi32> to vector<16xi32>
        %shift_left3A_967 = arith.constant 16 : i32
        %shift_left3A_968 = vector.broadcast %shift_left3A_967 : i32 to vector<16xi32>
        %shift_left3A_969 = arith.shli %get3A_966, %shift_left3A_968 : vector<16xi32>
        %bitcast_convert_type3A_970 = tpu.bitcast %shift_left3A_969 : vector<16xi32> -> vector<16xf32>
        %swap3A_971 = arith.index_cast %scan3A_902 : i32 to index
        %swap3A_972 = arith.constant 48 : index
        %swap3A_973 = tpu.vector_load %arg11[%swap3A_971, %swap3A_972] {strides = array<i32>} : memref<128x128xf32, #tpu.memory_space<vmem>>, vector<1x16xf32>,
        %swap3A_974 = vector.shape_cast %swap3A_973 : vector<1x16xf32> to vector<16xf32>
        %swap3A_975 = vector.shape_cast %bitcast_convert_type3A_970 : vector<16xf32> to vector<1x16xf32>
        tpu.vector_store %arg11[%swap3A_971, %swap3A_972], %swap3A_975 {strides = array<i32>} : memref<128x128xf32, #tpu.memory_space<vmem>>, vector<1x16xf32>,
        %and3A_976 = vector.broadcast %scan3A_815 : i32 to vector<16xi32>
        %and3A_977 = arith.andi %get3A_966, %and3A_976 : vector<16xi32>
        %bitcast_convert_type3A_978 = tpu.bitcast %and3A_977 : vector<16xi32> -> vector<16xf32>
        %swap3A_979 = arith.index_cast %scan3A_902 : i32 to index
        %swap3A_980 = arith.constant 112 : index
        %swap3A_981 = tpu.vector_load %arg11[%swap3A_979, %swap3A_980] {strides = array<i32>} : memref<128x128xf32, #tpu.memory_space<vmem>>, vector<1x16xf32>,
        %swap3A_982 = vector.shape_cast %swap3A_981 : vector<1x16xf32> to vector<16xf32>
        %swap3A_983 = vector.shape_cast %bitcast_convert_type3A_978 : vector<16xf32> to vector<1x16xf32>
        tpu.vector_store %arg11[%swap3A_979, %swap3A_980], %swap3A_983 {strides = array<i32>} : memref<128x128xf32, #tpu.memory_space<vmem>>, vector<1x16xf32>,
      }
      %scan3A_867 = arith.constant 128 : i32
      %add3A_868 = arith.constant 1 : i32
      %add3A_869 = arith.addi %mul3A_852, %add3A_868 : i32
      %lt3A_870 = arith.constant 78 : i32
      %lt3A_871 = arith.cmpi slt, %add3A_869, %lt3A_870 : i32
      %convert_element_type3A_872 = arith.extui %lt3A_871 : i1 to i32
      %cond3A_873 = arith.constant 0 : i32
      %cond3A_874 = arith.cmpi ne, %convert_element_type3A_872, %cond3A_873 : i32
      scf.if %cond3A_874 {
        %add3A_902 = arith.constant 1 : i32
        %add3A_903 = arith.addi %mul3A_852, %add3A_902 : i32
        %mul3A_904 = arith.constant 128 : i32
        %mul3A_905 = arith.muli %add3A_903, %mul3A_904 : i32
        %add3A_906 = arith.addi %mul3A_2, %mul3A_905 : i32
        %dma_start3A_907 = tpu.memref_slice %arg3[%add3A_906] : memref<320000xi32, #tpu.memory_space<hbm>> -> memref<128xi32, #tpu.memory_space<hbm>>
        %dma_start3A_908 = tpu.memref_slice %arg3[%add3A_906] : memref<320000xi32, #tpu.memory_space<hbm>> -> memref<128xi32, #tpu.memory_space<hbm>>
        tpu.enqueue_dma source(%dma_start3A_908 : memref<128xi32, #tpu.memory_space<hbm>>) target(%arg9 : memref<128xi32, #tpu.memory_space<vmem>>) target_semaphore(%arg16 : memref<!tpu.dma_semaphore, #tpu.memory_space<semaphore_mem>>)
        %mul3A_909 = arith.constant 128 : i32
        %mul3A_910 = arith.muli %add3A_903, %mul3A_909 : i32
        %add3A_911 = arith.addi %mul3A_2, %mul3A_910 : i32
        %dma_start3A_912 = arith.constant 0 : i32
        %dma_start3A_913 = tpu.memref_slice %arg2[%add3A_911, %dma_start3A_912] : memref<320000x64xi32, #tpu.memory_space<hbm>> -> memref<128x64xi32, #tpu.memory_space<hbm>>
        %dma_start3A_914 = arith.constant 0 : i32
        %dma_start3A_915 = tpu.memref_slice %arg2[%add3A_911, %dma_start3A_914] : memref<320000x64xi32, #tpu.memory_space<hbm>> -> memref<128x64xi32, #tpu.memory_space<hbm>>
        tpu.enqueue_dma source(%dma_start3A_915 : memref<128x64xi32, #tpu.memory_space<hbm>>) target(%arg10 : memref<128x64xi32, #tpu.memory_space<vmem>>) target_semaphore(%arg16 : memref<!tpu.dma_semaphore, #tpu.memory_space<semaphore_mem>>)
      } else {
      }
      "tpu.region"() ({
        %run_scoped3A = tpu.sem_alloc : memref<!tpu.dma_semaphore, #tpu.memory_space<semaphore_mem>>
        %dma_start3A_902 = arith.constant 0 : i32
        %dma_start3A_903 = arith.constant 0 : i32
        %dma_start3A_904 = tpu.memref_slice %arg14[%dma_start3A_902, %dma_start3A_903] : memref<10000x128xf32, #tpu.memory_space<vmem_shared>> -> memref<10000x128xf32, #tpu.memory_space<vmem_shared>>
        tpu.enqueue_indirect_dma source(%arg11 : memref<128x128xf32, #tpu.memory_space<vmem>>) target(%dma_start3A_904 : memref<10000x128xf32, #tpu.memory_space<vmem_shared>>) offsets(%arg8 : memref<128xi32, #tpu.memory_space<vmem>>) semaphore(%run_scoped3A : memref<!tpu.dma_semaphore, #tpu.memory_space<semaphore_mem>>) {add = true}
        %dma_wait3A_905 = arith.constant 0 : i32
        %dma_wait3A_906 = arith.constant 0 : i32
        %dma_wait3A_907 = tpu.memref_slice %arg14[%dma_wait3A_905, %dma_wait3A_906] : memref<10000x128xf32, #tpu.memory_space<vmem_shared>> -> memref<10000x128xf32, #tpu.memory_space<vmem_shared>>
        tpu.wait_indirect_dma semaphore(%run_scoped3A : memref<!tpu.dma_semaphore, #tpu.memory_space<semaphore_mem>>) src(%arg11 : memref<128x128xf32, #tpu.memory_space<vmem>>) dst(%dma_wait3A_907 : memref<10000x128xf32, #tpu.memory_space<vmem_shared>>)
        tpu.yield
      }) : () -> ()
      "tpu.region"() ({
        %run_scoped3A = tpu.sem_alloc : memref<!tpu.dma_semaphore, #tpu.memory_space<semaphore_mem>>
        %dma_start3A_902 = arith.constant 0 : i32
        %dma_start3A_903 = tpu.memref_slice %arg15[%dma_start3A_902] : memref<10000xf32, #tpu.memory_space<vmem_shared>> -> memref<10000xf32, #tpu.memory_space<vmem_shared>>
        tpu.enqueue_indirect_dma source(%arg12 : memref<128xf32, #tpu.memory_space<vmem>>) target(%dma_start3A_903 : memref<10000xf32, #tpu.memory_space<vmem_shared>>) offsets(%arg8 : memref<128xi32, #tpu.memory_space<vmem>>) semaphore(%run_scoped3A : memref<!tpu.dma_semaphore, #tpu.memory_space<semaphore_mem>>) {add = true}
        %dma_wait3A_904 = arith.constant 0 : i32
        %dma_wait3A_905 = tpu.memref_slice %arg15[%dma_wait3A_904] : memref<10000xf32, #tpu.memory_space<vmem_shared>> -> memref<10000xf32, #tpu.memory_space<vmem_shared>>
        tpu.wait_indirect_dma semaphore(%run_scoped3A : memref<!tpu.dma_semaphore, #tpu.memory_space<semaphore_mem>>) src(%arg12 : memref<128xf32, #tpu.memory_space<vmem>>) dst(%dma_wait3A_905 : memref<10000xf32, #tpu.memory_space<vmem_shared>>)
        tpu.yield
      }) : () -> ()
      %mul3A_875 = arith.constant 2 : i32
      %mul3A_876 = arith.muli %mul3A_875, %scan3A_850 : i32
      %add3A_877 = arith.constant 1 : i32
      %add3A_878 = arith.addi %mul3A_876, %add3A_877 : i32
      %dma_wait3A_879 = arith.constant 0 : i32
      %dma_wait3A_880 = tpu.memref_slice %arg3[%dma_wait3A_879] : memref<320000xi32, #tpu.memory_space<hbm>> -> memref<128xi32, #tpu.memory_space<hbm>>
      %dma_wait3A_881 = arith.constant 0 : i32
      %dma_wait3A_882 = tpu.memref_slice %arg3[%dma_wait3A_881] : memref<320000xi32, #tpu.memory_space<hbm>> -> memref<128xi32, #tpu.memory_space<hbm>>
      tpu.wait_dma2 semaphore(%arg16 : memref<!tpu.dma_semaphore, #tpu.memory_space<semaphore_mem>>) src(%dma_wait3A_882 : memref<128xi32, #tpu.memory_space<hbm>>) dst(%arg9 : memref<128xi32, #tpu.memory_space<vmem>>)
      %dma_wait3A_883 = arith.constant 0 : i32
      %dma_wait3A_884 = arith.constant 0 : i32
      %dma_wait3A_885 = tpu.memref_slice %arg2[%dma_wait3A_883, %dma_wait3A_884] : memref<320000x64xi32, #tpu.memory_space<hbm>> -> memref<128x64xi32, #tpu.memory_space<hbm>>
      %dma_wait3A_886 = arith.constant 0 : i32
      %dma_wait3A_887 = arith.constant 0 : i32
      %dma_wait3A_888 = tpu.memref_slice %arg2[%dma_wait3A_886, %dma_wait3A_887] : memref<320000x64xi32, #tpu.memory_space<hbm>> -> memref<128x64xi32, #tpu.memory_space<hbm>>
      tpu.wait_dma2 semaphore(%arg16 : memref<!tpu.dma_semaphore, #tpu.memory_space<semaphore_mem>>) src(%dma_wait3A_888 : memref<128x64xi32, #tpu.memory_space<hbm>>) dst(%arg10 : memref<128x64xi32, #tpu.memory_space<vmem>>)
      %scan3A_889 = arith.constant 0 : i32
      %scan3A_890 = arith.constant 0 : i32
      %scan3A_891 = arith.constant 128 : i32
      %scan3A_892 = arith.addi %scan3A_890, %scan3A_891 : i32
      %scan3A_893 = arith.constant 1 : i32
      scf.for %scan3A_902 = %scan3A_890 to %scan3A_892 step %scan3A_893  : i32 {
        %get3A = arith.index_cast %scan3A_902 : i32 to index
        %get3A_903 = arith.constant 0 : index
        %get3A_904 = tpu.vector_load %arg10[%get3A, %get3A_903] {strides = array<i32>} : memref<128x64xi32, #tpu.memory_space<vmem>>, vector<1x16xi32>,
        %get3A_905 = vector.shape_cast %get3A_904 : vector<1x16xi32> to vector<16xi32>
        %shift_left3A = arith.constant 16 : i32
        %shift_left3A_906 = vector.broadcast %shift_left3A : i32 to vector<16xi32>
        %shift_left3A_907 = arith.shli %get3A_905, %shift_left3A_906 : vector<16xi32>
        %bitcast_convert_type3A = tpu.bitcast %shift_left3A_907 : vector<16xi32> -> vector<16xf32>
        %swap3A_908 = arith.index_cast %scan3A_902 : i32 to index
        %swap3A_909 = arith.constant 0 : index
        %swap3A_910 = tpu.vector_load %arg11[%swap3A_908, %swap3A_909] {strides = array<i32>} : memref<128x128xf32, #tpu.memory_space<vmem>>, vector<1x16xf32>,
        %swap3A_911 = vector.shape_cast %swap3A_910 : vector<1x16xf32> to vector<16xf32>
        %swap3A_912 = vector.shape_cast %bitcast_convert_type3A : vector<16xf32> to vector<1x16xf32>
        tpu.vector_store %arg11[%swap3A_908, %swap3A_909], %swap3A_912 {strides = array<i32>} : memref<128x128xf32, #tpu.memory_space<vmem>>, vector<1x16xf32>,
        %and3A_913 = vector.broadcast %scan3A_815 : i32 to vector<16xi32>
        %and3A_914 = arith.andi %get3A_905, %and3A_913 : vector<16xi32>
        %bitcast_convert_type3A_915 = tpu.bitcast %and3A_914 : vector<16xi32> -> vector<16xf32>
        %swap3A_916 = arith.index_cast %scan3A_902 : i32 to index
        %swap3A_917 = arith.constant 64 : index
        %swap3A_918 = tpu.vector_load %arg11[%swap3A_916, %swap3A_917] {strides = array<i32>} : memref<128x128xf32, #tpu.memory_space<vmem>>, vector<1x16xf32>,
        %swap3A_919 = vector.shape_cast %swap3A_918 : vector<1x16xf32> to vector<16xf32>
        %swap3A_920 = vector.shape_cast %bitcast_convert_type3A_915 : vector<16xf32> to vector<1x16xf32>
        tpu.vector_store %arg11[%swap3A_916, %swap3A_917], %swap3A_920 {strides = array<i32>} : memref<128x128xf32, #tpu.memory_space<vmem>>, vector<1x16xf32>,
        %get3A_921 = arith.index_cast %scan3A_902 : i32 to index
        %get3A_922 = arith.constant 16 : index
        %get3A_923 = tpu.vector_load %arg10[%get3A_921, %get3A_922] {strides = array<i32>} : memref<128x64xi32, #tpu.memory_space<vmem>>, vector<1x16xi32>,
        %get3A_924 = vector.shape_cast %get3A_923 : vector<1x16xi32> to vector<16xi32>
        %shift_left3A_925 = arith.constant 16 : i32
        %shift_left3A_926 = vector.broadcast %shift_left3A_925 : i32 to vector<16xi32>
        %shift_left3A_927 = arith.shli %get3A_924, %shift_left3A_926 : vector<16xi32>
        %bitcast_convert_type3A_928 = tpu.bitcast %shift_left3A_927 : vector<16xi32> -> vector<16xf32>
        %swap3A_929 = arith.index_cast %scan3A_902 : i32 to index
        %swap3A_930 = arith.constant 16 : index
        %swap3A_931 = tpu.vector_load %arg11[%swap3A_929, %swap3A_930] {strides = array<i32>} : memref<128x128xf32, #tpu.memory_space<vmem>>, vector<1x16xf32>,
        %swap3A_932 = vector.shape_cast %swap3A_931 : vector<1x16xf32> to vector<16xf32>
        %swap3A_933 = vector.shape_cast %bitcast_convert_type3A_928 : vector<16xf32> to vector<1x16xf32>
        tpu.vector_store %arg11[%swap3A_929, %swap3A_930], %swap3A_933 {strides = array<i32>} : memref<128x128xf32, #tpu.memory_space<vmem>>, vector<1x16xf32>,
        %and3A_934 = vector.broadcast %scan3A_815 : i32 to vector<16xi32>
        %and3A_935 = arith.andi %get3A_924, %and3A_934 : vector<16xi32>
        %bitcast_convert_type3A_936 = tpu.bitcast %and3A_935 : vector<16xi32> -> vector<16xf32>
        %swap3A_937 = arith.index_cast %scan3A_902 : i32 to index
        %swap3A_938 = arith.constant 80 : index
        %swap3A_939 = tpu.vector_load %arg11[%swap3A_937, %swap3A_938] {strides = array<i32>} : memref<128x128xf32, #tpu.memory_space<vmem>>, vector<1x16xf32>,
        %swap3A_940 = vector.shape_cast %swap3A_939 : vector<1x16xf32> to vector<16xf32>
        %swap3A_941 = vector.shape_cast %bitcast_convert_type3A_936 : vector<16xf32> to vector<1x16xf32>
        tpu.vector_store %arg11[%swap3A_937, %swap3A_938], %swap3A_941 {strides = array<i32>} : memref<128x128xf32, #tpu.memory_space<vmem>>, vector<1x16xf32>,
        %get3A_942 = arith.index_cast %scan3A_902 : i32 to index
        %get3A_943 = arith.constant 32 : index
        %get3A_944 = tpu.vector_load %arg10[%get3A_942, %get3A_943] {strides = array<i32>} : memref<128x64xi32, #tpu.memory_space<vmem>>, vector<1x16xi32>,
        %get3A_945 = vector.shape_cast %get3A_944 : vector<1x16xi32> to vector<16xi32>
        %shift_left3A_946 = arith.constant 16 : i32
        %shift_left3A_947 = vector.broadcast %shift_left3A_946 : i32 to vector<16xi32>
        %shift_left3A_948 = arith.shli %get3A_945, %shift_left3A_947 : vector<16xi32>
        %bitcast_convert_type3A_949 = tpu.bitcast %shift_left3A_948 : vector<16xi32> -> vector<16xf32>
        %swap3A_950 = arith.index_cast %scan3A_902 : i32 to index
        %swap3A_951 = arith.constant 32 : index
        %swap3A_952 = tpu.vector_load %arg11[%swap3A_950, %swap3A_951] {strides = array<i32>} : memref<128x128xf32, #tpu.memory_space<vmem>>, vector<1x16xf32>,
        %swap3A_953 = vector.shape_cast %swap3A_952 : vector<1x16xf32> to vector<16xf32>
        %swap3A_954 = vector.shape_cast %bitcast_convert_type3A_949 : vector<16xf32> to vector<1x16xf32>
        tpu.vector_store %arg11[%swap3A_950, %swap3A_951], %swap3A_954 {strides = array<i32>} : memref<128x128xf32, #tpu.memory_space<vmem>>, vector<1x16xf32>,
        %and3A_955 = vector.broadcast %scan3A_815 : i32 to vector<16xi32>
        %and3A_956 = arith.andi %get3A_945, %and3A_955 : vector<16xi32>
        %bitcast_convert_type3A_957 = tpu.bitcast %and3A_956 : vector<16xi32> -> vector<16xf32>
        %swap3A_958 = arith.index_cast %scan3A_902 : i32 to index
        %swap3A_959 = arith.constant 96 : index
        %swap3A_960 = tpu.vector_load %arg11[%swap3A_958, %swap3A_959] {strides = array<i32>} : memref<128x128xf32, #tpu.memory_space<vmem>>, vector<1x16xf32>,
        %swap3A_961 = vector.shape_cast %swap3A_960 : vector<1x16xf32> to vector<16xf32>
        %swap3A_962 = vector.shape_cast %bitcast_convert_type3A_957 : vector<16xf32> to vector<1x16xf32>
        tpu.vector_store %arg11[%swap3A_958, %swap3A_959], %swap3A_962 {strides = array<i32>} : memref<128x128xf32, #tpu.memory_space<vmem>>, vector<1x16xf32>,
        %get3A_963 = arith.index_cast %scan3A_902 : i32 to index
        %get3A_964 = arith.constant 48 : index
        %get3A_965 = tpu.vector_load %arg10[%get3A_963, %get3A_964] {strides = array<i32>} : memref<128x64xi32, #tpu.memory_space<vmem>>, vector<1x16xi32>,
        %get3A_966 = vector.shape_cast %get3A_965 : vector<1x16xi32> to vector<16xi32>
        %shift_left3A_967 = arith.constant 16 : i32
        %shift_left3A_968 = vector.broadcast %shift_left3A_967 : i32 to vector<16xi32>
        %shift_left3A_969 = arith.shli %get3A_966, %shift_left3A_968 : vector<16xi32>
        %bitcast_convert_type3A_970 = tpu.bitcast %shift_left3A_969 : vector<16xi32> -> vector<16xf32>
        %swap3A_971 = arith.index_cast %scan3A_902 : i32 to index
        %swap3A_972 = arith.constant 48 : index
        %swap3A_973 = tpu.vector_load %arg11[%swap3A_971, %swap3A_972] {strides = array<i32>} : memref<128x128xf32, #tpu.memory_space<vmem>>, vector<1x16xf32>,
        %swap3A_974 = vector.shape_cast %swap3A_973 : vector<1x16xf32> to vector<16xf32>
        %swap3A_975 = vector.shape_cast %bitcast_convert_type3A_970 : vector<16xf32> to vector<1x16xf32>
        tpu.vector_store %arg11[%swap3A_971, %swap3A_972], %swap3A_975 {strides = array<i32>} : memref<128x128xf32, #tpu.memory_space<vmem>>, vector<1x16xf32>,
        %and3A_976 = vector.broadcast %scan3A_815 : i32 to vector<16xi32>
        %and3A_977 = arith.andi %get3A_966, %and3A_976 : vector<16xi32>
        %bitcast_convert_type3A_978 = tpu.bitcast %and3A_977 : vector<16xi32> -> vector<16xf32>
        %swap3A_979 = arith.index_cast %scan3A_902 : i32 to index
        %swap3A_980 = arith.constant 112 : index
        %swap3A_981 = tpu.vector_load %arg11[%swap3A_979, %swap3A_980] {strides = array<i32>} : memref<128x128xf32, #tpu.memory_space<vmem>>, vector<1x16xf32>,
        %swap3A_982 = vector.shape_cast %swap3A_981 : vector<1x16xf32> to vector<16xf32>
        %swap3A_983 = vector.shape_cast %bitcast_convert_type3A_978 : vector<16xf32> to vector<1x16xf32>
        tpu.vector_store %arg11[%swap3A_979, %swap3A_980], %swap3A_983 {strides = array<i32>} : memref<128x128xf32, #tpu.memory_space<vmem>>, vector<1x16xf32>,
      }
      %scan3A_894 = arith.constant 128 : i32
      %add3A_895 = arith.constant 1 : i32
      %add3A_896 = arith.addi %add3A_878, %add3A_895 : i32
      %lt3A_897 = arith.constant 78 : i32
      %lt3A_898 = arith.cmpi slt, %add3A_896, %lt3A_897 : i32
      %convert_element_type3A_899 = arith.extui %lt3A_898 : i1 to i32
      %cond3A_900 = arith.constant 0 : i32
      %cond3A_901 = arith.cmpi ne, %convert_element_type3A_899, %cond3A_900 : i32
      scf.if %cond3A_901 {
        %add3A_902 = arith.constant 1 : i32
        %add3A_903 = arith.addi %add3A_878, %add3A_902 : i32
        %mul3A_904 = arith.constant 128 : i32
        %mul3A_905 = arith.muli %add3A_903, %mul3A_904 : i32
        %add3A_906 = arith.addi %mul3A_2, %mul3A_905 : i32
        %dma_start3A_907 = tpu.memref_slice %arg3[%add3A_906] : memref<320000xi32, #tpu.memory_space<hbm>> -> memref<128xi32, #tpu.memory_space<hbm>>
        %dma_start3A_908 = tpu.memref_slice %arg3[%add3A_906] : memref<320000xi32, #tpu.memory_space<hbm>> -> memref<128xi32, #tpu.memory_space<hbm>>
        tpu.enqueue_dma source(%dma_start3A_908 : memref<128xi32, #tpu.memory_space<hbm>>) target(%arg8 : memref<128xi32, #tpu.memory_space<vmem>>) target_semaphore(%arg16 : memref<!tpu.dma_semaphore, #tpu.memory_space<semaphore_mem>>)
        %mul3A_909 = arith.constant 128 : i32
        %mul3A_910 = arith.muli %add3A_903, %mul3A_909 : i32
        %add3A_911 = arith.addi %mul3A_2, %mul3A_910 : i32
        %dma_start3A_912 = arith.constant 0 : i32
        %dma_start3A_913 = tpu.memref_slice %arg2[%add3A_911, %dma_start3A_912] : memref<320000x64xi32, #tpu.memory_space<hbm>> -> memref<128x64xi32, #tpu.memory_space<hbm>>
        %dma_start3A_914 = arith.constant 0 : i32
        %dma_start3A_915 = tpu.memref_slice %arg2[%add3A_911, %dma_start3A_914] : memref<320000x64xi32, #tpu.memory_space<hbm>> -> memref<128x64xi32, #tpu.memory_space<hbm>>
        tpu.enqueue_dma source(%dma_start3A_915 : memref<128x64xi32, #tpu.memory_space<hbm>>) target(%arg10 : memref<128x64xi32, #tpu.memory_space<vmem>>) target_semaphore(%arg16 : memref<!tpu.dma_semaphore, #tpu.memory_space<semaphore_mem>>)
      } else {
      }
      "tpu.region"() ({
        %run_scoped3A = tpu.sem_alloc : memref<!tpu.dma_semaphore, #tpu.memory_space<semaphore_mem>>
        %dma_start3A_902 = arith.constant 0 : i32
        %dma_start3A_903 = arith.constant 0 : i32
        %dma_start3A_904 = tpu.memref_slice %arg14[%dma_start3A_902, %dma_start3A_903] : memref<10000x128xf32, #tpu.memory_space<vmem_shared>> -> memref<10000x128xf32, #tpu.memory_space<vmem_shared>>
        tpu.enqueue_indirect_dma source(%arg11 : memref<128x128xf32, #tpu.memory_space<vmem>>) target(%dma_start3A_904 : memref<10000x128xf32, #tpu.memory_space<vmem_shared>>) offsets(%arg9 : memref<128xi32, #tpu.memory_space<vmem>>) semaphore(%run_scoped3A : memref<!tpu.dma_semaphore, #tpu.memory_space<semaphore_mem>>) {add = true}
        %dma_wait3A_905 = arith.constant 0 : i32
        %dma_wait3A_906 = arith.constant 0 : i32
        %dma_wait3A_907 = tpu.memref_slice %arg14[%dma_wait3A_905, %dma_wait3A_906] : memref<10000x128xf32, #tpu.memory_space<vmem_shared>> -> memref<10000x128xf32, #tpu.memory_space<vmem_shared>>
        tpu.wait_indirect_dma semaphore(%run_scoped3A : memref<!tpu.dma_semaphore, #tpu.memory_space<semaphore_mem>>) src(%arg11 : memref<128x128xf32, #tpu.memory_space<vmem>>) dst(%dma_wait3A_907 : memref<10000x128xf32, #tpu.memory_space<vmem_shared>>)
        tpu.yield
      }) : () -> ()
      "tpu.region"() ({
        %run_scoped3A = tpu.sem_alloc : memref<!tpu.dma_semaphore, #tpu.memory_space<semaphore_mem>>
        %dma_start3A_902 = arith.constant 0 : i32
        %dma_start3A_903 = tpu.memref_slice %arg15[%dma_start3A_902] : memref<10000xf32, #tpu.memory_space<vmem_shared>> -> memref<10000xf32, #tpu.memory_space<vmem_shared>>
        tpu.enqueue_indirect_dma source(%arg12 : memref<128xf32, #tpu.memory_space<vmem>>) target(%dma_start3A_903 : memref<10000xf32, #tpu.memory_space<vmem_shared>>) offsets(%arg9 : memref<128xi32, #tpu.memory_space<vmem>>) semaphore(%run_scoped3A : memref<!tpu.dma_semaphore, #tpu.memory_space<semaphore_mem>>) {add = true}
        %dma_wait3A_904 = arith.constant 0 : i32
        %dma_wait3A_905 = tpu.memref_slice %arg15[%dma_wait3A_904] : memref<10000xf32, #tpu.memory_space<vmem_shared>> -> memref<10000xf32, #tpu.memory_space<vmem_shared>>
        tpu.wait_indirect_dma semaphore(%run_scoped3A : memref<!tpu.dma_semaphore, #tpu.memory_space<semaphore_mem>>) src(%arg12 : memref<128xf32, #tpu.memory_space<vmem>>) dst(%dma_wait3A_905 : memref<10000xf32, #tpu.memory_space<vmem_shared>>)
        tpu.yield
      }) : () -> ()
    }
    %scan3A_820 = arith.constant 39 : i32
    %add3A_821 = arith.constant 9984 : i32
    %add3A_822 = arith.addi %mul3A_2, %add3A_821 : i32
    "tpu.region"() ({
      %run_scoped3A = tpu.sem_alloc : memref<!tpu.dma_semaphore, #tpu.memory_space<semaphore_mem>>
      %dma_start3A_850 = tpu.memref_slice %arg3[%add3A_822] : memref<320000xi32, #tpu.memory_space<hbm>> -> memref<16xi32, #tpu.memory_space<hbm>>
      %dma_start3A_851 = tpu.memref_slice %arg3[%add3A_822] : memref<320000xi32, #tpu.memory_space<hbm>> -> memref<16xi32, #tpu.memory_space<hbm>>
      tpu.enqueue_dma source(%dma_start3A_851 : memref<16xi32, #tpu.memory_space<hbm>>) target(%arg17 : memref<16xi32, #tpu.memory_space<vmem>>) target_semaphore(%run_scoped3A : memref<!tpu.dma_semaphore, #tpu.memory_space<semaphore_mem>>)
      %dma_wait3A = tpu.memref_slice %arg3[%add3A_822] : memref<320000xi32, #tpu.memory_space<hbm>> -> memref<16xi32, #tpu.memory_space<hbm>>
      %dma_wait3A_852 = tpu.memref_slice %arg3[%add3A_822] : memref<320000xi32, #tpu.memory_space<hbm>> -> memref<16xi32, #tpu.memory_space<hbm>>
      tpu.wait_dma2 semaphore(%run_scoped3A : memref<!tpu.dma_semaphore, #tpu.memory_space<semaphore_mem>>) src(%dma_wait3A_852 : memref<16xi32, #tpu.memory_space<hbm>>) dst(%arg17 : memref<16xi32, #tpu.memory_space<vmem>>)
      tpu.yield
    }) : () -> ()
    "tpu.region"() ({
      %run_scoped3A = tpu.sem_alloc : memref<!tpu.dma_semaphore, #tpu.memory_space<semaphore_mem>>
      %dma_start3A_850 = arith.constant 0 : i32
      %dma_start3A_851 = tpu.memref_slice %arg2[%add3A_822, %dma_start3A_850] : memref<320000x64xi32, #tpu.memory_space<hbm>> -> memref<16x64xi32, #tpu.memory_space<hbm>>
      %dma_start3A_852 = arith.constant 0 : i32
      %dma_start3A_853 = tpu.memref_slice %arg2[%add3A_822, %dma_start3A_852] : memref<320000x64xi32, #tpu.memory_space<hbm>> -> memref<16x64xi32, #tpu.memory_space<hbm>>
      tpu.enqueue_dma source(%dma_start3A_853 : memref<16x64xi32, #tpu.memory_space<hbm>>) target(%arg18 : memref<16x64xi32, #tpu.memory_space<vmem>>) target_semaphore(%run_scoped3A : memref<!tpu.dma_semaphore, #tpu.memory_space<semaphore_mem>>)
      %dma_wait3A = arith.constant 0 : i32
      %dma_wait3A_854 = tpu.memref_slice %arg2[%add3A_822, %dma_wait3A] : memref<320000x64xi32, #tpu.memory_space<hbm>> -> memref<16x64xi32, #tpu.memory_space<hbm>>
      %dma_wait3A_855 = arith.constant 0 : i32
      %dma_wait3A_856 = tpu.memref_slice %arg2[%add3A_822, %dma_wait3A_855] : memref<320000x64xi32, #tpu.memory_space<hbm>> -> memref<16x64xi32, #tpu.memory_space<hbm>>
      tpu.wait_dma2 semaphore(%run_scoped3A : memref<!tpu.dma_semaphore, #tpu.memory_space<semaphore_mem>>) src(%dma_wait3A_856 : memref<16x64xi32, #tpu.memory_space<hbm>>) dst(%arg18 : memref<16x64xi32, #tpu.memory_space<vmem>>)
      tpu.yield
    }) : () -> ()
    %scan3A_823 = arith.constant 0 : i32
    %scan3A_824 = arith.constant -65536 : i32
    %scan3A_825 = arith.constant 0 : i32
    %scan3A_826 = arith.constant 16 : i32
    %scan3A_827 = arith.addi %scan3A_825, %scan3A_826 : i32
    %scan3A_828 = arith.constant 1 : i32
    scf.for %scan3A_850 = %scan3A_825 to %scan3A_827 step %scan3A_828  : i32 {
      %get3A = arith.index_cast %scan3A_850 : i32 to index
      %get3A_851 = arith.constant 0 : index
      %get3A_852 = tpu.vector_load %arg18[%get3A, %get3A_851] {strides = array<i32>} : memref<16x64xi32, #tpu.memory_space<vmem>>, vector<1x16xi32>,
      %get3A_853 = vector.shape_cast %get3A_852 : vector<1x16xi32> to vector<16xi32>
      %shift_left3A = arith.constant 16 : i32
      %shift_left3A_854 = vector.broadcast %shift_left3A : i32 to vector<16xi32>
      %shift_left3A_855 = arith.shli %get3A_853, %shift_left3A_854 : vector<16xi32>
      %bitcast_convert_type3A = tpu.bitcast %shift_left3A_855 : vector<16xi32> -> vector<16xf32>
      %swap3A_856 = arith.index_cast %scan3A_850 : i32 to index
      %swap3A_857 = arith.constant 0 : index
      %swap3A_858 = tpu.vector_load %arg11[%swap3A_856, %swap3A_857] {strides = array<i32>} : memref<128x128xf32, #tpu.memory_space<vmem>>, vector<1x16xf32>,
      %swap3A_859 = vector.shape_cast %swap3A_858 : vector<1x16xf32> to vector<16xf32>
      %swap3A_860 = vector.shape_cast %bitcast_convert_type3A : vector<16xf32> to vector<1x16xf32>
      tpu.vector_store %arg11[%swap3A_856, %swap3A_857], %swap3A_860 {strides = array<i32>} : memref<128x128xf32, #tpu.memory_space<vmem>>, vector<1x16xf32>,
      %and3A_861 = vector.broadcast %scan3A_824 : i32 to vector<16xi32>
      %and3A_862 = arith.andi %get3A_853, %and3A_861 : vector<16xi32>
      %bitcast_convert_type3A_863 = tpu.bitcast %and3A_862 : vector<16xi32> -> vector<16xf32>
      %swap3A_864 = arith.index_cast %scan3A_850 : i32 to index
      %swap3A_865 = arith.constant 64 : index
      %swap3A_866 = tpu.vector_load %arg11[%swap3A_864, %swap3A_865] {strides = array<i32>} : memref<128x128xf32, #tpu.memory_space<vmem>>, vector<1x16xf32>,
      %swap3A_867 = vector.shape_cast %swap3A_866 : vector<1x16xf32> to vector<16xf32>
      %swap3A_868 = vector.shape_cast %bitcast_convert_type3A_863 : vector<16xf32> to vector<1x16xf32>
      tpu.vector_store %arg11[%swap3A_864, %swap3A_865], %swap3A_868 {strides = array<i32>} : memref<128x128xf32, #tpu.memory_space<vmem>>, vector<1x16xf32>,
      %get3A_869 = arith.index_cast %scan3A_850 : i32 to index
      %get3A_870 = arith.constant 16 : index
      %get3A_871 = tpu.vector_load %arg18[%get3A_869, %get3A_870] {strides = array<i32>} : memref<16x64xi32, #tpu.memory_space<vmem>>, vector<1x16xi32>,
      %get3A_872 = vector.shape_cast %get3A_871 : vector<1x16xi32> to vector<16xi32>
      %shift_left3A_873 = arith.constant 16 : i32
      %shift_left3A_874 = vector.broadcast %shift_left3A_873 : i32 to vector<16xi32>
      %shift_left3A_875 = arith.shli %get3A_872, %shift_left3A_874 : vector<16xi32>
      %bitcast_convert_type3A_876 = tpu.bitcast %shift_left3A_875 : vector<16xi32> -> vector<16xf32>
      %swap3A_877 = arith.index_cast %scan3A_850 : i32 to index
      %swap3A_878 = arith.constant 16 : index
      %swap3A_879 = tpu.vector_load %arg11[%swap3A_877, %swap3A_878] {strides = array<i32>} : memref<128x128xf32, #tpu.memory_space<vmem>>, vector<1x16xf32>,
      %swap3A_880 = vector.shape_cast %swap3A_879 : vector<1x16xf32> to vector<16xf32>
      %swap3A_881 = vector.shape_cast %bitcast_convert_type3A_876 : vector<16xf32> to vector<1x16xf32>
      tpu.vector_store %arg11[%swap3A_877, %swap3A_878], %swap3A_881 {strides = array<i32>} : memref<128x128xf32, #tpu.memory_space<vmem>>, vector<1x16xf32>,
      %and3A_882 = vector.broadcast %scan3A_824 : i32 to vector<16xi32>
      %and3A_883 = arith.andi %get3A_872, %and3A_882 : vector<16xi32>
      %bitcast_convert_type3A_884 = tpu.bitcast %and3A_883 : vector<16xi32> -> vector<16xf32>
      %swap3A_885 = arith.index_cast %scan3A_850 : i32 to index
      %swap3A_886 = arith.constant 80 : index
      %swap3A_887 = tpu.vector_load %arg11[%swap3A_885, %swap3A_886] {strides = array<i32>} : memref<128x128xf32, #tpu.memory_space<vmem>>, vector<1x16xf32>,
      %swap3A_888 = vector.shape_cast %swap3A_887 : vector<1x16xf32> to vector<16xf32>
      %swap3A_889 = vector.shape_cast %bitcast_convert_type3A_884 : vector<16xf32> to vector<1x16xf32>
      tpu.vector_store %arg11[%swap3A_885, %swap3A_886], %swap3A_889 {strides = array<i32>} : memref<128x128xf32, #tpu.memory_space<vmem>>, vector<1x16xf32>,
      %get3A_890 = arith.index_cast %scan3A_850 : i32 to index
      %get3A_891 = arith.constant 32 : index
      %get3A_892 = tpu.vector_load %arg18[%get3A_890, %get3A_891] {strides = array<i32>} : memref<16x64xi32, #tpu.memory_space<vmem>>, vector<1x16xi32>,
      %get3A_893 = vector.shape_cast %get3A_892 : vector<1x16xi32> to vector<16xi32>
      %shift_left3A_894 = arith.constant 16 : i32
      %shift_left3A_895 = vector.broadcast %shift_left3A_894 : i32 to vector<16xi32>
      %shift_left3A_896 = arith.shli %get3A_893, %shift_left3A_895 : vector<16xi32>
      %bitcast_convert_type3A_897 = tpu.bitcast %shift_left3A_896 : vector<16xi32> -> vector<16xf32>
      %swap3A_898 = arith.index_cast %scan3A_850 : i32 to index
      %swap3A_899 = arith.constant 32 : index
      %swap3A_900 = tpu.vector_load %arg11[%swap3A_898, %swap3A_899] {strides = array<i32>} : memref<128x128xf32, #tpu.memory_space<vmem>>, vector<1x16xf32>,
      %swap3A_901 = vector.shape_cast %swap3A_900 : vector<1x16xf32> to vector<16xf32>
      %swap3A_902 = vector.shape_cast %bitcast_convert_type3A_897 : vector<16xf32> to vector<1x16xf32>
      tpu.vector_store %arg11[%swap3A_898, %swap3A_899], %swap3A_902 {strides = array<i32>} : memref<128x128xf32, #tpu.memory_space<vmem>>, vector<1x16xf32>,
      %and3A_903 = vector.broadcast %scan3A_824 : i32 to vector<16xi32>
      %and3A_904 = arith.andi %get3A_893, %and3A_903 : vector<16xi32>
      %bitcast_convert_type3A_905 = tpu.bitcast %and3A_904 : vector<16xi32> -> vector<16xf32>
      %swap3A_906 = arith.index_cast %scan3A_850 : i32 to index
      %swap3A_907 = arith.constant 96 : index
      %swap3A_908 = tpu.vector_load %arg11[%swap3A_906, %swap3A_907] {strides = array<i32>} : memref<128x128xf32, #tpu.memory_space<vmem>>, vector<1x16xf32>,
      %swap3A_909 = vector.shape_cast %swap3A_908 : vector<1x16xf32> to vector<16xf32>
      %swap3A_910 = vector.shape_cast %bitcast_convert_type3A_905 : vector<16xf32> to vector<1x16xf32>
      tpu.vector_store %arg11[%swap3A_906, %swap3A_907], %swap3A_910 {strides = array<i32>} : memref<128x128xf32, #tpu.memory_space<vmem>>, vector<1x16xf32>,
      %get3A_911 = arith.index_cast %scan3A_850 : i32 to index
      %get3A_912 = arith.constant 48 : index
      %get3A_913 = tpu.vector_load %arg18[%get3A_911, %get3A_912] {strides = array<i32>} : memref<16x64xi32, #tpu.memory_space<vmem>>, vector<1x16xi32>,
      %get3A_914 = vector.shape_cast %get3A_913 : vector<1x16xi32> to vector<16xi32>
      %shift_left3A_915 = arith.constant 16 : i32
      %shift_left3A_916 = vector.broadcast %shift_left3A_915 : i32 to vector<16xi32>
      %shift_left3A_917 = arith.shli %get3A_914, %shift_left3A_916 : vector<16xi32>
      %bitcast_convert_type3A_918 = tpu.bitcast %shift_left3A_917 : vector<16xi32> -> vector<16xf32>
      %swap3A_919 = arith.index_cast %scan3A_850 : i32 to index
      %swap3A_920 = arith.constant 48 : index
      %swap3A_921 = tpu.vector_load %arg11[%swap3A_919, %swap3A_920] {strides = array<i32>} : memref<128x128xf32, #tpu.memory_space<vmem>>, vector<1x16xf32>,
      %swap3A_922 = vector.shape_cast %swap3A_921 : vector<1x16xf32> to vector<16xf32>
      %swap3A_923 = vector.shape_cast %bitcast_convert_type3A_918 : vector<16xf32> to vector<1x16xf32>
      tpu.vector_store %arg11[%swap3A_919, %swap3A_920], %swap3A_923 {strides = array<i32>} : memref<128x128xf32, #tpu.memory_space<vmem>>, vector<1x16xf32>,
      %and3A_924 = vector.broadcast %scan3A_824 : i32 to vector<16xi32>
      %and3A_925 = arith.andi %get3A_914, %and3A_924 : vector<16xi32>
      %bitcast_convert_type3A_926 = tpu.bitcast %and3A_925 : vector<16xi32> -> vector<16xf32>
      %swap3A_927 = arith.index_cast %scan3A_850 : i32 to index
      %swap3A_928 = arith.constant 112 : index
      %swap3A_929 = tpu.vector_load %arg11[%swap3A_927, %swap3A_928] {strides = array<i32>} : memref<128x128xf32, #tpu.memory_space<vmem>>, vector<1x16xf32>,
      %swap3A_930 = vector.shape_cast %swap3A_929 : vector<1x16xf32> to vector<16xf32>
      %swap3A_931 = vector.shape_cast %bitcast_convert_type3A_926 : vector<16xf32> to vector<1x16xf32>
      tpu.vector_store %arg11[%swap3A_927, %swap3A_928], %swap3A_931 {strides = array<i32>} : memref<128x128xf32, #tpu.memory_space<vmem>>, vector<1x16xf32>,
    }
    %scan3A_829 = arith.constant 16 : i32
    "tpu.region"() ({
      %run_scoped3A = tpu.sem_alloc : memref<!tpu.dma_semaphore, #tpu.memory_space<semaphore_mem>>
      %dma_start3A_850 = arith.constant 0 : i32
      %dma_start3A_851 = arith.constant 0 : i32
      %dma_start3A_852 = tpu.memref_slice %arg11[%dma_start3A_850, %dma_start3A_851] : memref<128x128xf32, #tpu.memory_space<vmem>> -> memref<16x128xf32, #tpu.memory_space<vmem>>
      %dma_start3A_853 = arith.constant 0 : i32
      %dma_start3A_854 = arith.constant 0 : i32
      %dma_start3A_855 = tpu.memref_slice %arg14[%dma_start3A_853, %dma_start3A_854] : memref<10000x128xf32, #tpu.memory_space<vmem_shared>> -> memref<10000x128xf32, #tpu.memory_space<vmem_shared>>
      tpu.enqueue_indirect_dma source(%dma_start3A_852 : memref<16x128xf32, #tpu.memory_space<vmem>>) target(%dma_start3A_855 : memref<10000x128xf32, #tpu.memory_space<vmem_shared>>) offsets(%arg17 : memref<16xi32, #tpu.memory_space<vmem>>) semaphore(%run_scoped3A : memref<!tpu.dma_semaphore, #tpu.memory_space<semaphore_mem>>) {add = true}
      %dma_wait3A = arith.constant 0 : i32
      %dma_wait3A_856 = arith.constant 0 : i32
      %dma_wait3A_857 = tpu.memref_slice %arg11[%dma_wait3A, %dma_wait3A_856] : memref<128x128xf32, #tpu.memory_space<vmem>> -> memref<16x128xf32, #tpu.memory_space<vmem>>
      %dma_wait3A_858 = arith.constant 0 : i32
      %dma_wait3A_859 = arith.constant 0 : i32
      %dma_wait3A_860 = tpu.memref_slice %arg14[%dma_wait3A_858, %dma_wait3A_859] : memref<10000x128xf32, #tpu.memory_space<vmem_shared>> -> memref<10000x128xf32, #tpu.memory_space<vmem_shared>>
      tpu.wait_indirect_dma semaphore(%run_scoped3A : memref<!tpu.dma_semaphore, #tpu.memory_space<semaphore_mem>>) src(%dma_wait3A_857 : memref<16x128xf32, #tpu.memory_space<vmem>>) dst(%dma_wait3A_860 : memref<10000x128xf32, #tpu.memory_space<vmem_shared>>)
      tpu.yield
    }) : () -> ()
    "tpu.region"() ({
      %run_scoped3A = tpu.sem_alloc : memref<!tpu.dma_semaphore, #tpu.memory_space<semaphore_mem>>
      %dma_start3A_850 = arith.constant 0 : i32
      %dma_start3A_851 = tpu.memref_slice %arg12[%dma_start3A_850] : memref<128xf32, #tpu.memory_space<vmem>> -> memref<16xf32, #tpu.memory_space<vmem>>
      %dma_start3A_852 = arith.constant 0 : i32
      %dma_start3A_853 = tpu.memref_slice %arg15[%dma_start3A_852] : memref<10000xf32, #tpu.memory_space<vmem_shared>> -> memref<10000xf32, #tpu.memory_space<vmem_shared>>
      tpu.enqueue_indirect_dma source(%dma_start3A_851 : memref<16xf32, #tpu.memory_space<vmem>>) target(%dma_start3A_853 : memref<10000xf32, #tpu.memory_space<vmem_shared>>) offsets(%arg17 : memref<16xi32, #tpu.memory_space<vmem>>) semaphore(%run_scoped3A : memref<!tpu.dma_semaphore, #tpu.memory_space<semaphore_mem>>) {add = true}
      %dma_wait3A = arith.constant 0 : i32
      %dma_wait3A_854 = tpu.memref_slice %arg12[%dma_wait3A] : memref<128xf32, #tpu.memory_space<vmem>> -> memref<16xf32, #tpu.memory_space<vmem>>
      %dma_wait3A_855 = arith.constant 0 : i32
      %dma_wait3A_856 = tpu.memref_slice %arg15[%dma_wait3A_855] : memref<10000xf32, #tpu.memory_space<vmem_shared>> -> memref<10000xf32, #tpu.memory_space<vmem_shared>>
      tpu.wait_indirect_dma semaphore(%run_scoped3A : memref<!tpu.dma_semaphore, #tpu.memory_space<semaphore_mem>>) src(%dma_wait3A_854 : memref<16xf32, #tpu.memory_space<vmem>>) dst(%dma_wait3A_856 : memref<10000xf32, #tpu.memory_space<vmem_shared>>)
      tpu.yield
    }) : () -> ()
    %barrier3A_830 = arith.constant 0 : index
    tpu.barrier barrier_id(%barrier3A_830)
    %lt3A_831 = arith.constant 10 : i32
    %lt3A_832 = arith.cmpi slt, %arg1, %lt3A_831 : i32
    %convert_element_type3A_833 = arith.extui %lt3A_832 : i1 to i32
    %cond3A_834 = arith.constant 0 : i32
    %cond3A_835 = arith.cmpi ne, %convert_element_type3A_833, %cond3A_834 : i32
    scf.if %cond3A_835 {
      %mul3A_850 = arith.constant 1000 : i32
      %mul3A_851 = arith.muli %arg1, %mul3A_850 : i32
      "tpu.region"() ({
        %run_scoped3A = tpu.sem_alloc : memref<!tpu.dma_semaphore, #tpu.memory_space<semaphore_mem>>
        %dma_start3A_852 = arith.constant 0 : i32
        %dma_start3A_853 = tpu.memref_slice %arg5[%arg0, %mul3A_851, %dma_start3A_852] : memref<2x10000x128xf32, #tpu.memory_space<hbm>> -> memref<1x1000x128xf32, #tpu.memory_space<hbm>>
        %dma_start3A_854 = tpu.memref_squeeze %dma_start3A_853 : memref<1x1000x128xf32, #tpu.memory_space<hbm>> -> memref<1000x128xf32, #tpu.memory_space<hbm>>
        %dma_start3A_855 = arith.constant 0 : i32
        %dma_start3A_856 = tpu.memref_slice %arg14[%mul3A_851, %dma_start3A_855] : memref<10000x128xf32, #tpu.memory_space<vmem_shared>> -> memref<1000x128xf32, #tpu.memory_space<vmem_shared>>
        tpu.enqueue_dma source(%dma_start3A_856 : memref<1000x128xf32, #tpu.memory_space<vmem_shared>>) target(%dma_start3A_854 : memref<1000x128xf32, #tpu.memory_space<hbm>>) target_semaphore(%run_scoped3A : memref<!tpu.dma_semaphore, #tpu.memory_space<semaphore_mem>>)
        %dma_wait3A = arith.constant 0 : i32
        %dma_wait3A_857 = tpu.memref_slice %arg5[%arg0, %mul3A_851, %dma_wait3A] : memref<2x10000x128xf32, #tpu.memory_space<hbm>> -> memref<1x1000x128xf32, #tpu.memory_space<hbm>>
        %dma_wait3A_858 = tpu.memref_squeeze %dma_wait3A_857 : memref<1x1000x128xf32, #tpu.memory_space<hbm>> -> memref<1000x128xf32, #tpu.memory_space<hbm>>
        %dma_wait3A_859 = arith.constant 0 : i32
        %dma_wait3A_860 = tpu.memref_slice %arg14[%mul3A_851, %dma_wait3A_859] : memref<10000x128xf32, #tpu.memory_space<vmem_shared>> -> memref<1000x128xf32, #tpu.memory_space<vmem_shared>>
        tpu.wait_dma2 semaphore(%run_scoped3A : memref<!tpu.dma_semaphore, #tpu.memory_space<semaphore_mem>>) src(%dma_wait3A_860 : memref<1000x128xf32, #tpu.memory_space<vmem_shared>>) dst(%dma_wait3A_858 : memref<1000x128xf32, #tpu.memory_space<hbm>>)
        tpu.yield
      }) : () -> ()
    } else {
    }
    %lt3A_836 = arith.constant 5 : i32
    %lt3A_837 = arith.cmpi slt, %arg1, %lt3A_836 : i32
    %eq3A = arith.constant 0 : i32
    %eq3A_838 = arith.cmpi eq, %arg0, %eq3A : i32
    %and3A = arith.andi %lt3A_837, %eq3A_838 : i1
    %convert_element_type3A_839 = arith.extui %and3A : i1 to i32
    %cond3A_840 = arith.constant 0 : i32
    %cond3A_841 = arith.cmpi ne, %convert_element_type3A_839, %cond3A_840 : i32
    scf.if %cond3A_841 {
      %mul3A_850 = arith.constant 2000 : i32
      %mul3A_851 = arith.muli %arg1, %mul3A_850 : i32
      "tpu.region"() ({
        %run_scoped3A = tpu.sem_alloc : memref<!tpu.dma_semaphore, #tpu.memory_space<semaphore_mem>>
        %dma_start3A_852 = tpu.memref_slice %arg15[%mul3A_851] : memref<10000xf32, #tpu.memory_space<vmem_shared>> -> memref<2000xf32, #tpu.memory_space<vmem_shared>>
        %dma_start3A_853 = tpu.memref_slice %arg15[%mul3A_851] : memref<10000xf32, #tpu.memory_space<vmem_shared>> -> memref<2000xf32, #tpu.memory_space<vmem_shared>>
        tpu.enqueue_dma source(%dma_start3A_853 : memref<2000xf32, #tpu.memory_space<vmem_shared>>) target(%arg13 : memref<2000xf32, #tpu.memory_space<vmem>>) target_semaphore(%run_scoped3A : memref<!tpu.dma_semaphore, #tpu.memory_space<semaphore_mem>>)
        %dma_wait3A = tpu.memref_slice %arg15[%mul3A_851] : memref<10000xf32, #tpu.memory_space<vmem_shared>> -> memref<2000xf32, #tpu.memory_space<vmem_shared>>
        %dma_wait3A_854 = tpu.memref_slice %arg15[%mul3A_851] : memref<10000xf32, #tpu.memory_space<vmem_shared>> -> memref<2000xf32, #tpu.memory_space<vmem_shared>>
        tpu.wait_dma2 semaphore(%run_scoped3A : memref<!tpu.dma_semaphore, #tpu.memory_space<semaphore_mem>>) src(%dma_wait3A_854 : memref<2000xf32, #tpu.memory_space<vmem_shared>>) dst(%arg13 : memref<2000xf32, #tpu.memory_space<vmem>>)
        tpu.yield
      }) : () -> ()
      "tpu.region"() ({
        %run_scoped3A = tpu.sem_alloc : memref<!tpu.dma_semaphore, #tpu.memory_space<semaphore_mem>>
        %dma_start3A_852 = tpu.memref_slice %arg6[%mul3A_851] : memref<10000xf32, #tpu.memory_space<hbm>> -> memref<2000xf32, #tpu.memory_space<hbm>>
        %dma_start3A_853 = tpu.memref_slice %arg6[%mul3A_851] : memref<10000xf32, #tpu.memory_space<hbm>> -> memref<2000xf32, #tpu.memory_space<hbm>>
        tpu.enqueue_dma source(%arg13 : memref<2000xf32, #tpu.memory_space<vmem>>) target(%dma_start3A_853 : memref<2000xf32, #tpu.memory_space<hbm>>) target_semaphore(%run_scoped3A : memref<!tpu.dma_semaphore, #tpu.memory_space<semaphore_mem>>)
        %dma_wait3A = tpu.memref_slice %arg6[%mul3A_851] : memref<10000xf32, #tpu.memory_space<hbm>> -> memref<2000xf32, #tpu.memory_space<hbm>>
        %dma_wait3A_854 = tpu.memref_slice %arg6[%mul3A_851] : memref<10000xf32, #tpu.memory_space<hbm>> -> memref<2000xf32, #tpu.memory_space<hbm>>
        tpu.wait_dma2 semaphore(%run_scoped3A : memref<!tpu.dma_semaphore, #tpu.memory_space<semaphore_mem>>) src(%arg13 : memref<2000xf32, #tpu.memory_space<vmem>>) dst(%dma_wait3A_854 : memref<2000xf32, #tpu.memory_space<hbm>>)
        tpu.yield
      }) : () -> ()
    } else {
    }
    %lt3A_842 = arith.constant 5 : i32
    %lt3A_843 = arith.cmpi slt, %arg1, %lt3A_842 : i32
    %eq3A_844 = arith.constant 1 : i32
    %eq3A_845 = arith.cmpi eq, %arg0, %eq3A_844 : i32
    %and3A_846 = arith.andi %lt3A_843, %eq3A_845 : i1
    %convert_element_type3A_847 = arith.extui %and3A_846 : i1 to i32
    %cond3A_848 = arith.constant 0 : i32
    %cond3A_849 = arith.cmpi ne, %convert_element_type3A_847, %cond3A_848 : i32
    scf.if %cond3A_849 {
      %mul3A_850 = arith.constant 2000 : i32
      %mul3A_851 = arith.muli %arg1, %mul3A_850 : i32
      "tpu.region"() ({
        %run_scoped3A = tpu.sem_alloc : memref<!tpu.dma_semaphore, #tpu.memory_space<semaphore_mem>>
        %dma_start3A_852 = tpu.memref_slice %arg15[%mul3A_851] : memref<10000xf32, #tpu.memory_space<vmem_shared>> -> memref<2000xf32, #tpu.memory_space<vmem_shared>>
        %dma_start3A_853 = tpu.memref_slice %arg15[%mul3A_851] : memref<10000xf32, #tpu.memory_space<vmem_shared>> -> memref<2000xf32, #tpu.memory_space<vmem_shared>>
        tpu.enqueue_dma source(%dma_start3A_853 : memref<2000xf32, #tpu.memory_space<vmem_shared>>) target(%arg13 : memref<2000xf32, #tpu.memory_space<vmem>>) target_semaphore(%run_scoped3A : memref<!tpu.dma_semaphore, #tpu.memory_space<semaphore_mem>>)
        %dma_wait3A = tpu.memref_slice %arg15[%mul3A_851] : memref<10000xf32, #tpu.memory_space<vmem_shared>> -> memref<2000xf32, #tpu.memory_space<vmem_shared>>
        %dma_wait3A_854 = tpu.memref_slice %arg15[%mul3A_851] : memref<10000xf32, #tpu.memory_space<vmem_shared>> -> memref<2000xf32, #tpu.memory_space<vmem_shared>>
        tpu.wait_dma2 semaphore(%run_scoped3A : memref<!tpu.dma_semaphore, #tpu.memory_space<semaphore_mem>>) src(%dma_wait3A_854 : memref<2000xf32, #tpu.memory_space<vmem_shared>>) dst(%arg13 : memref<2000xf32, #tpu.memory_space<vmem>>)
        tpu.yield
      }) : () -> ()
      "tpu.region"() ({
        %run_scoped3A = tpu.sem_alloc : memref<!tpu.dma_semaphore, #tpu.memory_space<semaphore_mem>>
        %dma_start3A_852 = tpu.memref_slice %arg7[%mul3A_851] : memref<10000xf32, #tpu.memory_space<hbm>> -> memref<2000xf32, #tpu.memory_space<hbm>>
        %dma_start3A_853 = tpu.memref_slice %arg7[%mul3A_851] : memref<10000xf32, #tpu.memory_space<hbm>> -> memref<2000xf32, #tpu.memory_space<hbm>>
        tpu.enqueue_dma source(%arg13 : memref<2000xf32, #tpu.memory_space<vmem>>) target(%dma_start3A_853 : memref<2000xf32, #tpu.memory_space<hbm>>) target_semaphore(%run_scoped3A : memref<!tpu.dma_semaphore, #tpu.memory_space<semaphore_mem>>)
        %dma_wait3A = tpu.memref_slice %arg7[%mul3A_851] : memref<10000xf32, #tpu.memory_space<hbm>> -> memref<2000xf32, #tpu.memory_space<hbm>>
        %dma_wait3A_854 = tpu.memref_slice %arg7[%mul3A_851] : memref<10000xf32, #tpu.memory_space<hbm>> -> memref<2000xf32, #tpu.memory_space<hbm>>
        tpu.wait_dma2 semaphore(%run_scoped3A : memref<!tpu.dma_semaphore, #tpu.memory_space<semaphore_mem>>) src(%arg13 : memref<2000xf32, #tpu.memory_space<vmem>>) dst(%dma_wait3A_854 : memref<2000xf32, #tpu.memory_space<hbm>>)
        tpu.yield
      }) : () -> ()
    } else {
    }
    return
  }
}

#map = affine_map<(d0, d1) -> (0, 0)>
#map1 = affine_map<(d0, d1) -> (0)>
module attributes {stable_mosaic.version = 14 : i64} {
  func.func @_rewritten_body(%arg0: i32, %arg1: i32, %arg2: memref<10000x128xf32, #tpu.memory_space<hbm>>, %arg3: memref<10000x128xf32, #tpu.memory_space<hbm>>, %arg4: memref<320000xi32, #tpu.memory_space<hbm>>, %arg5: memref<320000xi32, #tpu.memory_space<hbm>>, %arg6: memref<1xi32, #tpu.memory_space<hbm>>, %arg7: memref<1xi32, #tpu.memory_space<hbm>>, %arg8: memref<320000x64xi32, #tpu.memory_space<hbm>>, %arg9: memref<10000xi32, #tpu.memory_space<vmem>>, %arg10: memref<10000xi32, #tpu.memory_space<vmem>>, %arg11: memref<128x128xf32, #tpu.memory_space<vmem>>, %arg12: memref<128x128xf32, #tpu.memory_space<vmem>>, %arg13: memref<128x128xf32, #tpu.memory_space<vmem>>, %arg14: memref<128x128xf32, #tpu.memory_space<vmem>>, %arg15: memref<128x64xi32, #tpu.memory_space<vmem>>, %arg16: memref<128x64xi32, #tpu.memory_space<vmem>>, %arg17: memref<!tpu.dma_semaphore, #tpu.memory_space<semaphore_mem>>, %arg18: memref<!tpu.dma_semaphore, #tpu.memory_space<semaphore_mem>>, %arg19: memref<!tpu.dma_semaphore, #tpu.memory_space<semaphore_mem>>, %arg20: memref<!tpu.dma_semaphore, #tpu.memory_space<semaphore_mem>>, %arg21: memref<16xi32, #tpu.memory_space<vmem>>, %arg22: memref<16xi32, #tpu.memory_space<vmem>>, %arg23: memref<16x128xf32, #tpu.memory_space<vmem>>, %arg24: memref<16x128xf32, #tpu.memory_space<vmem>>, %arg25: memref<16x64xi32, #tpu.memory_space<vmem>>) attributes {dimension_semantics = [#tpu.dimension_semantics<core_parallel>, #tpu.dimension_semantics<subcore_parallel>], iteration_bounds = array<i64: 2, 16>, scalar_prefetch = 0 : i64, scratch_operands = 17 : i64, tpu.core_type = #tpu.core_type<sc_vector_subcore>, window_params = [{transform_indices = #map}, {transform_indices = #map}, {transform_indices = #map1}, {transform_indices = #map1}, {transform_indices = #map1}, {transform_indices = #map1}, {transform_indices = #map}]} {
    %empty_ref3A = memref.alloca() : memref<16xi32, #tpu.memory_space<vmem>>
    %empty_ref3A_0 = memref.alloca() : memref<16xi32, #tpu.memory_space<vmem>>
    "tpu.region"() ({
      %run_scoped3A = tpu.sem_alloc : memref<!tpu.dma_semaphore, #tpu.memory_space<semaphore_mem>>
      %dma_start3A_64 = arith.constant 0 : i32
      %dma_start3A_65 = tpu.memref_slice %empty_ref3A[%dma_start3A_64] : memref<16xi32, #tpu.memory_space<vmem>> -> memref<1xi32, #tpu.memory_space<vmem>>
      %dma_start3A_66 = arith.constant 0 : i32
      %dma_start3A_67 = tpu.memref_slice %empty_ref3A[%dma_start3A_66] : memref<16xi32, #tpu.memory_space<vmem>> -> memref<1xi32, #tpu.memory_space<vmem>>
      tpu.enqueue_dma source(%arg6 : memref<1xi32, #tpu.memory_space<hbm>>) target(%dma_start3A_67 : memref<1xi32, #tpu.memory_space<vmem>>) target_semaphore(%run_scoped3A : memref<!tpu.dma_semaphore, #tpu.memory_space<semaphore_mem>>)
      %dma_start3A_68 = arith.constant 0 : i32
      %dma_start3A_69 = tpu.memref_slice %empty_ref3A_0[%dma_start3A_68] : memref<16xi32, #tpu.memory_space<vmem>> -> memref<1xi32, #tpu.memory_space<vmem>>
      %dma_start3A_70 = arith.constant 0 : i32
      %dma_start3A_71 = tpu.memref_slice %empty_ref3A_0[%dma_start3A_70] : memref<16xi32, #tpu.memory_space<vmem>> -> memref<1xi32, #tpu.memory_space<vmem>>
      tpu.enqueue_dma source(%arg7 : memref<1xi32, #tpu.memory_space<hbm>>) target(%dma_start3A_71 : memref<1xi32, #tpu.memory_space<vmem>>) target_semaphore(%run_scoped3A : memref<!tpu.dma_semaphore, #tpu.memory_space<semaphore_mem>>)
      %dma_wait3A_72 = arith.constant 0 : i32
      %dma_wait3A_73 = tpu.memref_slice %empty_ref3A[%dma_wait3A_72] : memref<16xi32, #tpu.memory_space<vmem>> -> memref<1xi32, #tpu.memory_space<vmem>>
      %dma_wait3A_74 = arith.constant 0 : i32
      %dma_wait3A_75 = tpu.memref_slice %empty_ref3A[%dma_wait3A_74] : memref<16xi32, #tpu.memory_space<vmem>> -> memref<1xi32, #tpu.memory_space<vmem>>
      tpu.wait_dma2 semaphore(%run_scoped3A : memref<!tpu.dma_semaphore, #tpu.memory_space<semaphore_mem>>) src(%arg6 : memref<1xi32, #tpu.memory_space<hbm>>) dst(%dma_wait3A_75 : memref<1xi32, #tpu.memory_space<vmem>>)
      %dma_wait3A_76 = arith.constant 0 : i32
      %dma_wait3A_77 = tpu.memref_slice %empty_ref3A_0[%dma_wait3A_76] : memref<16xi32, #tpu.memory_space<vmem>> -> memref<1xi32, #tpu.memory_space<vmem>>
      %dma_wait3A_78 = arith.constant 0 : i32
      %dma_wait3A_79 = tpu.memref_slice %empty_ref3A_0[%dma_wait3A_78] : memref<16xi32, #tpu.memory_space<vmem>> -> memref<1xi32, #tpu.memory_space<vmem>>
      tpu.wait_dma2 semaphore(%run_scoped3A : memref<!tpu.dma_semaphore, #tpu.memory_space<semaphore_mem>>) src(%arg7 : memref<1xi32, #tpu.memory_space<hbm>>) dst(%dma_wait3A_79 : memref<1xi32, #tpu.memory_space<vmem>>)
      tpu.yield
    }) : () -> ()
    %get3A = arith.constant 0 : index
    %get3A_1 = tpu.vector_load %empty_ref3A[%get3A] {strides = array<i32>} : memref<16xi32, #tpu.memory_space<vmem>>, vector<16xi32>,
    %get3A_2 = vector.shape_cast %get3A_1 : vector<16xi32> to vector<16xi32>
    %slice3A = vector.extract_strided_slice %get3A_2 {offsets = [0], sizes = [1], strides = [1]} : vector<16xi32> to vector<1xi32>
    %squeeze3A = vector.extract %slice3A[0] : i32 from vector<1xi32>
    %get3A_3 = arith.constant 0 : index
    %get3A_4 = tpu.vector_load %empty_ref3A_0[%get3A_3] {strides = array<i32>} : memref<16xi32, #tpu.memory_space<vmem>>, vector<16xi32>,
    %get3A_5 = vector.shape_cast %get3A_4 : vector<16xi32> to vector<16xi32>
    %slice3A_6 = vector.extract_strided_slice %get3A_5 {offsets = [0], sizes = [1], strides = [1]} : vector<16xi32> to vector<1xi32>
    %squeeze3A_7 = vector.extract %slice3A_6[0] : i32 from vector<1xi32>
    %mul3A = arith.constant 2 : i32
    %mul3A_8 = arith.muli %arg1, %mul3A : i32
    %add3A = arith.addi %mul3A_8, %arg0 : i32
    %mul3A_9 = arith.constant 10000 : i32
    %mul3A_10 = arith.muli %add3A, %mul3A_9 : i32
    %add3A_11 = arith.constant 0 : i32
    %add3A_12 = arith.addi %add3A_11, %mul3A_10 : i32
    "tpu.region"() ({
      %run_scoped3A = tpu.sem_alloc : memref<!tpu.dma_semaphore, #tpu.memory_space<semaphore_mem>>
      %dma_start3A_64 = tpu.memref_slice %arg4[%add3A_12] : memref<320000xi32, #tpu.memory_space<hbm>> -> memref<10000xi32, #tpu.memory_space<hbm>>
      %dma_start3A_65 = tpu.memref_slice %arg4[%add3A_12] : memref<320000xi32, #tpu.memory_space<hbm>> -> memref<10000xi32, #tpu.memory_space<hbm>>
      tpu.enqueue_dma source(%dma_start3A_65 : memref<10000xi32, #tpu.memory_space<hbm>>) target(%arg9 : memref<10000xi32, #tpu.memory_space<vmem>>) target_semaphore(%run_scoped3A : memref<!tpu.dma_semaphore, #tpu.memory_space<semaphore_mem>>)
      %dma_wait3A_66 = tpu.memref_slice %arg4[%add3A_12] : memref<320000xi32, #tpu.memory_space<hbm>> -> memref<10000xi32, #tpu.memory_space<hbm>>
      %dma_wait3A_67 = tpu.memref_slice %arg4[%add3A_12] : memref<320000xi32, #tpu.memory_space<hbm>> -> memref<10000xi32, #tpu.memory_space<hbm>>
      tpu.wait_dma2 semaphore(%run_scoped3A : memref<!tpu.dma_semaphore, #tpu.memory_space<semaphore_mem>>) src(%dma_wait3A_67 : memref<10000xi32, #tpu.memory_space<hbm>>) dst(%arg9 : memref<10000xi32, #tpu.memory_space<vmem>>)
      tpu.yield
    }) : () -> ()
    %add3A_13 = arith.constant 0 : i32
    %add3A_14 = arith.addi %add3A_13, %mul3A_10 : i32
    "tpu.region"() ({
      %run_scoped3A = tpu.sem_alloc : memref<!tpu.dma_semaphore, #tpu.memory_space<semaphore_mem>>
      %dma_start3A_64 = tpu.memref_slice %arg5[%add3A_14] : memref<320000xi32, #tpu.memory_space<hbm>> -> memref<10000xi32, #tpu.memory_space<hbm>>
      %dma_start3A_65 = tpu.memref_slice %arg5[%add3A_14] : memref<320000xi32, #tpu.memory_space<hbm>> -> memref<10000xi32, #tpu.memory_space<hbm>>
      tpu.enqueue_dma source(%dma_start3A_65 : memref<10000xi32, #tpu.memory_space<hbm>>) target(%arg10 : memref<10000xi32, #tpu.memory_space<vmem>>) target_semaphore(%run_scoped3A : memref<!tpu.dma_semaphore, #tpu.memory_space<semaphore_mem>>)
      %dma_wait3A_66 = tpu.memref_slice %arg5[%add3A_14] : memref<320000xi32, #tpu.memory_space<hbm>> -> memref<10000xi32, #tpu.memory_space<hbm>>
      %dma_wait3A_67 = tpu.memref_slice %arg5[%add3A_14] : memref<320000xi32, #tpu.memory_space<hbm>> -> memref<10000xi32, #tpu.memory_space<hbm>>
      tpu.wait_dma2 semaphore(%run_scoped3A : memref<!tpu.dma_semaphore, #tpu.memory_space<semaphore_mem>>) src(%dma_wait3A_67 : memref<10000xi32, #tpu.memory_space<hbm>>) dst(%arg10 : memref<10000xi32, #tpu.memory_space<vmem>>)
      tpu.yield
    }) : () -> ()
    %dma_start3A = arith.constant 0 : i32
    %dma_start3A_15 = tpu.memref_slice %arg9[%dma_start3A] : memref<10000xi32, #tpu.memory_space<vmem>> -> memref<128xi32, #tpu.memory_space<vmem>>
    %dma_start3A_16 = arith.constant 0 : i32
    %dma_start3A_17 = arith.constant 0 : i32
    %dma_start3A_18 = tpu.memref_slice %arg2[%dma_start3A_16, %dma_start3A_17] : memref<10000x128xf32, #tpu.memory_space<hbm>> -> memref<10000x128xf32, #tpu.memory_space<hbm>>
    tpu.enqueue_indirect_dma source(%dma_start3A_18 : memref<10000x128xf32, #tpu.memory_space<hbm>>) target(%arg11 : memref<128x128xf32, #tpu.memory_space<vmem>>) offsets(%dma_start3A_15 : memref<128xi32, #tpu.memory_space<vmem>>) semaphore(%arg17 : memref<!tpu.dma_semaphore, #tpu.memory_space<semaphore_mem>>)
    %dma_start3A_19 = arith.constant 0 : i32
    %dma_start3A_20 = tpu.memref_slice %arg10[%dma_start3A_19] : memref<10000xi32, #tpu.memory_space<vmem>> -> memref<128xi32, #tpu.memory_space<vmem>>
    %dma_start3A_21 = arith.constant 0 : i32
    %dma_start3A_22 = arith.constant 0 : i32
    %dma_start3A_23 = tpu.memref_slice %arg3[%dma_start3A_21, %dma_start3A_22] : memref<10000x128xf32, #tpu.memory_space<hbm>> -> memref<10000x128xf32, #tpu.memory_space<hbm>>
    tpu.enqueue_indirect_dma source(%dma_start3A_23 : memref<10000x128xf32, #tpu.memory_space<hbm>>) target(%arg13 : memref<128x128xf32, #tpu.memory_space<vmem>>) offsets(%dma_start3A_20 : memref<128xi32, #tpu.memory_space<vmem>>) semaphore(%arg17 : memref<!tpu.dma_semaphore, #tpu.memory_space<semaphore_mem>>)
    %scan3A = arith.constant 0 : i32
    %scan3A_24 = arith.constant 0 : i32
    %scan3A_25 = arith.constant 39 : i32
    %scan3A_26 = arith.addi %scan3A_24, %scan3A_25 : i32
    %scan3A_27 = arith.constant 1 : i32
    scf.for %scan3A_64 = %scan3A_24 to %scan3A_26 step %scan3A_27  : i32 {
      %mul3A_65 = arith.constant 2 : i32
      %mul3A_66 = arith.muli %mul3A_65, %scan3A_64 : i32
      %add3A_67 = arith.constant 1 : i32
      %add3A_68 = arith.addi %mul3A_66, %add3A_67 : i32
      %lt3A = arith.constant 78 : i32
      %lt3A_69 = arith.cmpi slt, %add3A_68, %lt3A : i32
      %convert_element_type3A = arith.extui %lt3A_69 : i1 to i32
      %cond3A = arith.constant 0 : i32
      %cond3A_70 = arith.cmpi ne, %convert_element_type3A, %cond3A : i32
      scf.if %cond3A_70 {
        %add3A_141 = arith.constant 1 : i32
        %add3A_142 = arith.addi %mul3A_66, %add3A_141 : i32
        %mul3A_143 = arith.constant 128 : i32
        %mul3A_144 = arith.muli %add3A_142, %mul3A_143 : i32
        %dma_start3A_145 = tpu.memref_slice %arg9[%mul3A_144] : memref<10000xi32, #tpu.memory_space<vmem>> -> memref<128xi32, #tpu.memory_space<vmem>>
        %dma_start3A_146 = arith.constant 0 : i32
        %dma_start3A_147 = arith.constant 0 : i32
        %dma_start3A_148 = tpu.memref_slice %arg2[%dma_start3A_146, %dma_start3A_147] : memref<10000x128xf32, #tpu.memory_space<hbm>> -> memref<10000x128xf32, #tpu.memory_space<hbm>>
        tpu.enqueue_indirect_dma source(%dma_start3A_148 : memref<10000x128xf32, #tpu.memory_space<hbm>>) target(%arg12 : memref<128x128xf32, #tpu.memory_space<vmem>>) offsets(%dma_start3A_145 : memref<128xi32, #tpu.memory_space<vmem>>) semaphore(%arg18 : memref<!tpu.dma_semaphore, #tpu.memory_space<semaphore_mem>>)
        %mul3A_149 = arith.constant 128 : i32
        %mul3A_150 = arith.muli %add3A_142, %mul3A_149 : i32
        %dma_start3A_151 = tpu.memref_slice %arg10[%mul3A_150] : memref<10000xi32, #tpu.memory_space<vmem>> -> memref<128xi32, #tpu.memory_space<vmem>>
        %dma_start3A_152 = arith.constant 0 : i32
        %dma_start3A_153 = arith.constant 0 : i32
        %dma_start3A_154 = tpu.memref_slice %arg3[%dma_start3A_152, %dma_start3A_153] : memref<10000x128xf32, #tpu.memory_space<hbm>> -> memref<10000x128xf32, #tpu.memory_space<hbm>>
        tpu.enqueue_indirect_dma source(%dma_start3A_154 : memref<10000x128xf32, #tpu.memory_space<hbm>>) target(%arg14 : memref<128x128xf32, #tpu.memory_space<vmem>>) offsets(%dma_start3A_151 : memref<128xi32, #tpu.memory_space<vmem>>) semaphore(%arg18 : memref<!tpu.dma_semaphore, #tpu.memory_space<semaphore_mem>>)
      } else {
      }
      %dma_wait3A_71 = arith.constant 0 : i32
      %dma_wait3A_72 = arith.constant 0 : i32
      %dma_wait3A_73 = tpu.memref_slice %arg2[%dma_wait3A_71, %dma_wait3A_72] : memref<10000x128xf32, #tpu.memory_space<hbm>> -> memref<128x128xf32, #tpu.memory_space<hbm>>
      %dma_wait3A_74 = arith.constant 0 : i32
      %dma_wait3A_75 = arith.constant 0 : i32
      %dma_wait3A_76 = tpu.memref_slice %arg2[%dma_wait3A_74, %dma_wait3A_75] : memref<10000x128xf32, #tpu.memory_space<hbm>> -> memref<128x128xf32, #tpu.memory_space<hbm>>
      tpu.wait_dma2 semaphore(%arg17 : memref<!tpu.dma_semaphore, #tpu.memory_space<semaphore_mem>>) src(%dma_wait3A_76 : memref<128x128xf32, #tpu.memory_space<hbm>>) dst(%arg11 : memref<128x128xf32, #tpu.memory_space<vmem>>)
      %dma_wait3A_77 = arith.constant 0 : i32
      %dma_wait3A_78 = arith.constant 0 : i32
      %dma_wait3A_79 = tpu.memref_slice %arg3[%dma_wait3A_77, %dma_wait3A_78] : memref<10000x128xf32, #tpu.memory_space<hbm>> -> memref<128x128xf32, #tpu.memory_space<hbm>>
      %dma_wait3A_80 = arith.constant 0 : i32
      %dma_wait3A_81 = arith.constant 0 : i32
      %dma_wait3A_82 = tpu.memref_slice %arg3[%dma_wait3A_80, %dma_wait3A_81] : memref<10000x128xf32, #tpu.memory_space<hbm>> -> memref<128x128xf32, #tpu.memory_space<hbm>>
      tpu.wait_dma2 semaphore(%arg17 : memref<!tpu.dma_semaphore, #tpu.memory_space<semaphore_mem>>) src(%dma_wait3A_82 : memref<128x128xf32, #tpu.memory_space<hbm>>) dst(%arg13 : memref<128x128xf32, #tpu.memory_space<vmem>>)
      %ge3A = arith.constant 2 : i32
      %ge3A_83 = arith.cmpi sge, %mul3A_66, %ge3A : i32
      %convert_element_type3A_84 = arith.extui %ge3A_83 : i1 to i32
      %cond3A_85 = arith.constant 0 : i32
      %cond3A_86 = arith.cmpi ne, %convert_element_type3A_84, %cond3A_85 : i32
      scf.if %cond3A_86 {
        %dma_wait3A_141 = arith.constant 0 : i32
        %dma_wait3A_142 = arith.constant 0 : i32
        %dma_wait3A_143 = tpu.memref_slice %arg8[%dma_wait3A_141, %dma_wait3A_142] : memref<320000x64xi32, #tpu.memory_space<hbm>> -> memref<128x64xi32, #tpu.memory_space<hbm>>
        %dma_wait3A_144 = arith.constant 0 : i32
        %dma_wait3A_145 = arith.constant 0 : i32
        %dma_wait3A_146 = tpu.memref_slice %arg8[%dma_wait3A_144, %dma_wait3A_145] : memref<320000x64xi32, #tpu.memory_space<hbm>> -> memref<128x64xi32, #tpu.memory_space<hbm>>
        tpu.wait_dma2 semaphore(%arg19 : memref<!tpu.dma_semaphore, #tpu.memory_space<semaphore_mem>>) src(%arg15 : memref<128x64xi32, #tpu.memory_space<vmem>>) dst(%dma_wait3A_146 : memref<128x64xi32, #tpu.memory_space<hbm>>)
      } else {
      }
      %scan3A_87 = arith.constant 0 : i32
      %scan3A_88 = arith.constant 0 : i32
      %scan3A_89 = arith.constant 128 : i32
      %scan3A_90 = arith.addi %scan3A_88, %scan3A_89 : i32
      %scan3A_91 = arith.constant 1 : i32
      scf.for %scan3A_141 = %scan3A_88 to %scan3A_90 step %scan3A_91  : i32 {
        %get3A_142 = arith.index_cast %scan3A_141 : i32 to index
        %get3A_143 = arith.constant 0 : index
        %get3A_144 = tpu.vector_load %arg11[%get3A_142, %get3A_143] {strides = array<i32>} : memref<128x128xf32, #tpu.memory_space<vmem>>, vector<1x16xf32>,
        %get3A_145 = vector.shape_cast %get3A_144 : vector<1x16xf32> to vector<16xf32>
        %get3A_146 = arith.index_cast %scan3A_141 : i32 to index
        %get3A_147 = arith.constant 0 : index
        %get3A_148 = tpu.vector_load %arg13[%get3A_146, %get3A_147] {strides = array<i32>} : memref<128x128xf32, #tpu.memory_space<vmem>>, vector<1x16xf32>,
        %get3A_149 = vector.shape_cast %get3A_148 : vector<1x16xf32> to vector<16xf32>
        %add3A_150 = arith.addf %get3A_145, %get3A_149 : vector<16xf32>
        %get3A_151 = arith.index_cast %scan3A_141 : i32 to index
        %get3A_152 = arith.constant 16 : index
        %get3A_153 = tpu.vector_load %arg11[%get3A_151, %get3A_152] {strides = array<i32>} : memref<128x128xf32, #tpu.memory_space<vmem>>, vector<1x16xf32>,
        %get3A_154 = vector.shape_cast %get3A_153 : vector<1x16xf32> to vector<16xf32>
        %get3A_155 = arith.index_cast %scan3A_141 : i32 to index
        %get3A_156 = arith.constant 16 : index
        %get3A_157 = tpu.vector_load %arg13[%get3A_155, %get3A_156] {strides = array<i32>} : memref<128x128xf32, #tpu.memory_space<vmem>>, vector<1x16xf32>,
        %get3A_158 = vector.shape_cast %get3A_157 : vector<1x16xf32> to vector<16xf32>
        %add3A_159 = arith.addf %get3A_154, %get3A_158 : vector<16xf32>
        %get3A_160 = arith.index_cast %scan3A_141 : i32 to index
        %get3A_161 = arith.constant 32 : index
        %get3A_162 = tpu.vector_load %arg11[%get3A_160, %get3A_161] {strides = array<i32>} : memref<128x128xf32, #tpu.memory_space<vmem>>, vector<1x16xf32>,
        %get3A_163 = vector.shape_cast %get3A_162 : vector<1x16xf32> to vector<16xf32>
        %get3A_164 = arith.index_cast %scan3A_141 : i32 to index
        %get3A_165 = arith.constant 32 : index
        %get3A_166 = tpu.vector_load %arg13[%get3A_164, %get3A_165] {strides = array<i32>} : memref<128x128xf32, #tpu.memory_space<vmem>>, vector<1x16xf32>,
        %get3A_167 = vector.shape_cast %get3A_166 : vector<1x16xf32> to vector<16xf32>
        %add3A_168 = arith.addf %get3A_163, %get3A_167 : vector<16xf32>
        %get3A_169 = arith.index_cast %scan3A_141 : i32 to index
        %get3A_170 = arith.constant 48 : index
        %get3A_171 = tpu.vector_load %arg11[%get3A_169, %get3A_170] {strides = array<i32>} : memref<128x128xf32, #tpu.memory_space<vmem>>, vector<1x16xf32>,
        %get3A_172 = vector.shape_cast %get3A_171 : vector<1x16xf32> to vector<16xf32>
        %get3A_173 = arith.index_cast %scan3A_141 : i32 to index
        %get3A_174 = arith.constant 48 : index
        %get3A_175 = tpu.vector_load %arg13[%get3A_173, %get3A_174] {strides = array<i32>} : memref<128x128xf32, #tpu.memory_space<vmem>>, vector<1x16xf32>,
        %get3A_176 = vector.shape_cast %get3A_175 : vector<1x16xf32> to vector<16xf32>
        %add3A_177 = arith.addf %get3A_172, %get3A_176 : vector<16xf32>
        %get3A_178 = arith.index_cast %scan3A_141 : i32 to index
        %get3A_179 = arith.constant 64 : index
        %get3A_180 = tpu.vector_load %arg11[%get3A_178, %get3A_179] {strides = array<i32>} : memref<128x128xf32, #tpu.memory_space<vmem>>, vector<1x16xf32>,
        %get3A_181 = vector.shape_cast %get3A_180 : vector<1x16xf32> to vector<16xf32>
        %get3A_182 = arith.index_cast %scan3A_141 : i32 to index
        %get3A_183 = arith.constant 64 : index
        %get3A_184 = tpu.vector_load %arg13[%get3A_182, %get3A_183] {strides = array<i32>} : memref<128x128xf32, #tpu.memory_space<vmem>>, vector<1x16xf32>,
        %get3A_185 = vector.shape_cast %get3A_184 : vector<1x16xf32> to vector<16xf32>
        %add3A_186 = arith.addf %get3A_181, %get3A_185 : vector<16xf32>
        %get3A_187 = arith.index_cast %scan3A_141 : i32 to index
        %get3A_188 = arith.constant 80 : index
        %get3A_189 = tpu.vector_load %arg11[%get3A_187, %get3A_188] {strides = array<i32>} : memref<128x128xf32, #tpu.memory_space<vmem>>, vector<1x16xf32>,
        %get3A_190 = vector.shape_cast %get3A_189 : vector<1x16xf32> to vector<16xf32>
        %get3A_191 = arith.index_cast %scan3A_141 : i32 to index
        %get3A_192 = arith.constant 80 : index
        %get3A_193 = tpu.vector_load %arg13[%get3A_191, %get3A_192] {strides = array<i32>} : memref<128x128xf32, #tpu.memory_space<vmem>>, vector<1x16xf32>,
        %get3A_194 = vector.shape_cast %get3A_193 : vector<1x16xf32> to vector<16xf32>
        %add3A_195 = arith.addf %get3A_190, %get3A_194 : vector<16xf32>
        %get3A_196 = arith.index_cast %scan3A_141 : i32 to index
        %get3A_197 = arith.constant 96 : index
        %get3A_198 = tpu.vector_load %arg11[%get3A_196, %get3A_197] {strides = array<i32>} : memref<128x128xf32, #tpu.memory_space<vmem>>, vector<1x16xf32>,
        %get3A_199 = vector.shape_cast %get3A_198 : vector<1x16xf32> to vector<16xf32>
        %get3A_200 = arith.index_cast %scan3A_141 : i32 to index
        %get3A_201 = arith.constant 96 : index
        %get3A_202 = tpu.vector_load %arg13[%get3A_200, %get3A_201] {strides = array<i32>} : memref<128x128xf32, #tpu.memory_space<vmem>>, vector<1x16xf32>,
        %get3A_203 = vector.shape_cast %get3A_202 : vector<1x16xf32> to vector<16xf32>
        %add3A_204 = arith.addf %get3A_199, %get3A_203 : vector<16xf32>
        %get3A_205 = arith.index_cast %scan3A_141 : i32 to index
        %get3A_206 = arith.constant 112 : index
        %get3A_207 = tpu.vector_load %arg11[%get3A_205, %get3A_206] {strides = array<i32>} : memref<128x128xf32, #tpu.memory_space<vmem>>, vector<1x16xf32>,
        %get3A_208 = vector.shape_cast %get3A_207 : vector<1x16xf32> to vector<16xf32>
        %get3A_209 = arith.index_cast %scan3A_141 : i32 to index
        %get3A_210 = arith.constant 112 : index
        %get3A_211 = tpu.vector_load %arg13[%get3A_209, %get3A_210] {strides = array<i32>} : memref<128x128xf32, #tpu.memory_space<vmem>>, vector<1x16xf32>,
        %get3A_212 = vector.shape_cast %get3A_211 : vector<1x16xf32> to vector<16xf32>
        %add3A_213 = arith.addf %get3A_208, %get3A_212 : vector<16xf32>
        %bitcast_convert_type3A = tpu.bitcast %add3A_150 : vector<16xf32> -> vector<16xi32>
        %bitcast_convert_type3A_214 = tpu.bitcast %add3A_186 : vector<16xf32> -> vector<16xi32>
        %add3A_215 = vector.broadcast %squeeze3A : i32 to vector<16xi32>
        %add3A_216 = arith.addi %bitcast_convert_type3A, %add3A_215 : vector<16xi32>
        %shift_right_logical3A = arith.constant 16 : i32
        %shift_right_logical3A_217 = vector.broadcast %shift_right_logical3A : i32 to vector<16xi32>
        %shift_right_logical3A_218 = arith.shrui %add3A_216, %shift_right_logical3A_217 : vector<16xi32>
        %add3A_219 = vector.broadcast %squeeze3A : i32 to vector<16xi32>
        %add3A_220 = arith.addi %bitcast_convert_type3A_214, %add3A_219 : vector<16xi32>
        %and3A = vector.broadcast %squeeze3A_7 : i32 to vector<16xi32>
        %and3A_221 = arith.andi %add3A_220, %and3A : vector<16xi32>
        %or3A = arith.ori %and3A_221, %shift_right_logical3A_218 : vector<16xi32>
        %swap3A = arith.index_cast %scan3A_141 : i32 to index
        %swap3A_222 = arith.constant 0 : index
        %swap3A_223 = tpu.vector_load %arg15[%swap3A, %swap3A_222] {strides = array<i32>} : memref<128x64xi32, #tpu.memory_space<vmem>>, vector<1x16xi32>,
        %swap3A_224 = vector.shape_cast %swap3A_223 : vector<1x16xi32> to vector<16xi32>
        %swap3A_225 = vector.shape_cast %or3A : vector<16xi32> to vector<1x16xi32>
        tpu.vector_store %arg15[%swap3A, %swap3A_222], %swap3A_225 {strides = array<i32>} : memref<128x64xi32, #tpu.memory_space<vmem>>, vector<1x16xi32>,
        %bitcast_convert_type3A_226 = tpu.bitcast %add3A_159 : vector<16xf32> -> vector<16xi32>
        %bitcast_convert_type3A_227 = tpu.bitcast %add3A_195 : vector<16xf32> -> vector<16xi32>
        %add3A_228 = vector.broadcast %squeeze3A : i32 to vector<16xi32>
        %add3A_229 = arith.addi %bitcast_convert_type3A_226, %add3A_228 : vector<16xi32>
        %shift_right_logical3A_230 = arith.constant 16 : i32
        %shift_right_logical3A_231 = vector.broadcast %shift_right_logical3A_230 : i32 to vector<16xi32>
        %shift_right_logical3A_232 = arith.shrui %add3A_229, %shift_right_logical3A_231 : vector<16xi32>
        %add3A_233 = vector.broadcast %squeeze3A : i32 to vector<16xi32>
        %add3A_234 = arith.addi %bitcast_convert_type3A_227, %add3A_233 : vector<16xi32>
        %and3A_235 = vector.broadcast %squeeze3A_7 : i32 to vector<16xi32>
        %and3A_236 = arith.andi %add3A_234, %and3A_235 : vector<16xi32>
        %or3A_237 = arith.ori %and3A_236, %shift_right_logical3A_232 : vector<16xi32>
        %swap3A_238 = arith.index_cast %scan3A_141 : i32 to index
        %swap3A_239 = arith.constant 16 : index
        %swap3A_240 = tpu.vector_load %arg15[%swap3A_238, %swap3A_239] {strides = array<i32>} : memref<128x64xi32, #tpu.memory_space<vmem>>, vector<1x16xi32>,
        %swap3A_241 = vector.shape_cast %swap3A_240 : vector<1x16xi32> to vector<16xi32>
        %swap3A_242 = vector.shape_cast %or3A_237 : vector<16xi32> to vector<1x16xi32>
        tpu.vector_store %arg15[%swap3A_238, %swap3A_239], %swap3A_242 {strides = array<i32>} : memref<128x64xi32, #tpu.memory_space<vmem>>, vector<1x16xi32>,
        %bitcast_convert_type3A_243 = tpu.bitcast %add3A_168 : vector<16xf32> -> vector<16xi32>
        %bitcast_convert_type3A_244 = tpu.bitcast %add3A_204 : vector<16xf32> -> vector<16xi32>
        %add3A_245 = vector.broadcast %squeeze3A : i32 to vector<16xi32>
        %add3A_246 = arith.addi %bitcast_convert_type3A_243, %add3A_245 : vector<16xi32>
        %shift_right_logical3A_247 = arith.constant 16 : i32
        %shift_right_logical3A_248 = vector.broadcast %shift_right_logical3A_247 : i32 to vector<16xi32>
        %shift_right_logical3A_249 = arith.shrui %add3A_246, %shift_right_logical3A_248 : vector<16xi32>
        %add3A_250 = vector.broadcast %squeeze3A : i32 to vector<16xi32>
        %add3A_251 = arith.addi %bitcast_convert_type3A_244, %add3A_250 : vector<16xi32>
        %and3A_252 = vector.broadcast %squeeze3A_7 : i32 to vector<16xi32>
        %and3A_253 = arith.andi %add3A_251, %and3A_252 : vector<16xi32>
        %or3A_254 = arith.ori %and3A_253, %shift_right_logical3A_249 : vector<16xi32>
        %swap3A_255 = arith.index_cast %scan3A_141 : i32 to index
        %swap3A_256 = arith.constant 32 : index
        %swap3A_257 = tpu.vector_load %arg15[%swap3A_255, %swap3A_256] {strides = array<i32>} : memref<128x64xi32, #tpu.memory_space<vmem>>, vector<1x16xi32>,
        %swap3A_258 = vector.shape_cast %swap3A_257 : vector<1x16xi32> to vector<16xi32>
        %swap3A_259 = vector.shape_cast %or3A_254 : vector<16xi32> to vector<1x16xi32>
        tpu.vector_store %arg15[%swap3A_255, %swap3A_256], %swap3A_259 {strides = array<i32>} : memref<128x64xi32, #tpu.memory_space<vmem>>, vector<1x16xi32>,
        %bitcast_convert_type3A_260 = tpu.bitcast %add3A_177 : vector<16xf32> -> vector<16xi32>
        %bitcast_convert_type3A_261 = tpu.bitcast %add3A_213 : vector<16xf32> -> vector<16xi32>
        %add3A_262 = vector.broadcast %squeeze3A : i32 to vector<16xi32>
        %add3A_263 = arith.addi %bitcast_convert_type3A_260, %add3A_262 : vector<16xi32>
        %shift_right_logical3A_264 = arith.constant 16 : i32
        %shift_right_logical3A_265 = vector.broadcast %shift_right_logical3A_264 : i32 to vector<16xi32>
        %shift_right_logical3A_266 = arith.shrui %add3A_263, %shift_right_logical3A_265 : vector<16xi32>
        %add3A_267 = vector.broadcast %squeeze3A : i32 to vector<16xi32>
        %add3A_268 = arith.addi %bitcast_convert_type3A_261, %add3A_267 : vector<16xi32>
        %and3A_269 = vector.broadcast %squeeze3A_7 : i32 to vector<16xi32>
        %and3A_270 = arith.andi %add3A_268, %and3A_269 : vector<16xi32>
        %or3A_271 = arith.ori %and3A_270, %shift_right_logical3A_266 : vector<16xi32>
        %swap3A_272 = arith.index_cast %scan3A_141 : i32 to index
        %swap3A_273 = arith.constant 48 : index
        %swap3A_274 = tpu.vector_load %arg15[%swap3A_272, %swap3A_273] {strides = array<i32>} : memref<128x64xi32, #tpu.memory_space<vmem>>, vector<1x16xi32>,
        %swap3A_275 = vector.shape_cast %swap3A_274 : vector<1x16xi32> to vector<16xi32>
        %swap3A_276 = vector.shape_cast %or3A_271 : vector<16xi32> to vector<1x16xi32>
        tpu.vector_store %arg15[%swap3A_272, %swap3A_273], %swap3A_276 {strides = array<i32>} : memref<128x64xi32, #tpu.memory_space<vmem>>, vector<1x16xi32>,
      }
      %scan3A_92 = arith.constant 128 : i32
      %mul3A_93 = arith.constant 128 : i32
      %mul3A_94 = arith.muli %mul3A_66, %mul3A_93 : i32
      %add3A_95 = arith.addi %mul3A_10, %mul3A_94 : i32
      %dma_start3A_96 = arith.constant 0 : i32
      %dma_start3A_97 = tpu.memref_slice %arg8[%add3A_95, %dma_start3A_96] : memref<320000x64xi32, #tpu.memory_space<hbm>> -> memref<128x64xi32, #tpu.memory_space<hbm>>
      %dma_start3A_98 = arith.constant 0 : i32
      %dma_start3A_99 = tpu.memref_slice %arg8[%add3A_95, %dma_start3A_98] : memref<320000x64xi32, #tpu.memory_space<hbm>> -> memref<128x64xi32, #tpu.memory_space<hbm>>
      tpu.enqueue_dma source(%arg15 : memref<128x64xi32, #tpu.memory_space<vmem>>) target(%dma_start3A_99 : memref<128x64xi32, #tpu.memory_space<hbm>>) target_semaphore(%arg19 : memref<!tpu.dma_semaphore, #tpu.memory_space<semaphore_mem>>)
      %mul3A_100 = arith.constant 2 : i32
      %mul3A_101 = arith.muli %mul3A_100, %scan3A_64 : i32
      %add3A_102 = arith.constant 1 : i32
      %add3A_103 = arith.addi %mul3A_101, %add3A_102 : i32
      %add3A_104 = arith.constant 1 : i32
      %add3A_105 = arith.addi %add3A_103, %add3A_104 : i32
      %lt3A_106 = arith.constant 78 : i32
      %lt3A_107 = arith.cmpi slt, %add3A_105, %lt3A_106 : i32
      %convert_element_type3A_108 = arith.extui %lt3A_107 : i1 to i32
      %cond3A_109 = arith.constant 0 : i32
      %cond3A_110 = arith.cmpi ne, %convert_element_type3A_108, %cond3A_109 : i32
      scf.if %cond3A_110 {
        %add3A_141 = arith.constant 1 : i32
        %add3A_142 = arith.addi %add3A_103, %add3A_141 : i32
        %mul3A_143 = arith.constant 128 : i32
        %mul3A_144 = arith.muli %add3A_142, %mul3A_143 : i32
        %dma_start3A_145 = tpu.memref_slice %arg9[%mul3A_144] : memref<10000xi32, #tpu.memory_space<vmem>> -> memref<128xi32, #tpu.memory_space<vmem>>
        %dma_start3A_146 = arith.constant 0 : i32
        %dma_start3A_147 = arith.constant 0 : i32
        %dma_start3A_148 = tpu.memref_slice %arg2[%dma_start3A_146, %dma_start3A_147] : memref<10000x128xf32, #tpu.memory_space<hbm>> -> memref<10000x128xf32, #tpu.memory_space<hbm>>
        tpu.enqueue_indirect_dma source(%dma_start3A_148 : memref<10000x128xf32, #tpu.memory_space<hbm>>) target(%arg11 : memref<128x128xf32, #tpu.memory_space<vmem>>) offsets(%dma_start3A_145 : memref<128xi32, #tpu.memory_space<vmem>>) semaphore(%arg17 : memref<!tpu.dma_semaphore, #tpu.memory_space<semaphore_mem>>)
        %mul3A_149 = arith.constant 128 : i32
        %mul3A_150 = arith.muli %add3A_142, %mul3A_149 : i32
        %dma_start3A_151 = tpu.memref_slice %arg10[%mul3A_150] : memref<10000xi32, #tpu.memory_space<vmem>> -> memref<128xi32, #tpu.memory_space<vmem>>
        %dma_start3A_152 = arith.constant 0 : i32
        %dma_start3A_153 = arith.constant 0 : i32
        %dma_start3A_154 = tpu.memref_slice %arg3[%dma_start3A_152, %dma_start3A_153] : memref<10000x128xf32, #tpu.memory_space<hbm>> -> memref<10000x128xf32, #tpu.memory_space<hbm>>
        tpu.enqueue_indirect_dma source(%dma_start3A_154 : memref<10000x128xf32, #tpu.memory_space<hbm>>) target(%arg13 : memref<128x128xf32, #tpu.memory_space<vmem>>) offsets(%dma_start3A_151 : memref<128xi32, #tpu.memory_space<vmem>>) semaphore(%arg17 : memref<!tpu.dma_semaphore, #tpu.memory_space<semaphore_mem>>)
      } else {
      }
      %dma_wait3A_111 = arith.constant 0 : i32
      %dma_wait3A_112 = arith.constant 0 : i32
      %dma_wait3A_113 = tpu.memref_slice %arg2[%dma_wait3A_111, %dma_wait3A_112] : memref<10000x128xf32, #tpu.memory_space<hbm>> -> memref<128x128xf32, #tpu.memory_space<hbm>>
      %dma_wait3A_114 = arith.constant 0 : i32
      %dma_wait3A_115 = arith.constant 0 : i32
      %dma_wait3A_116 = tpu.memref_slice %arg2[%dma_wait3A_114, %dma_wait3A_115] : memref<10000x128xf32, #tpu.memory_space<hbm>> -> memref<128x128xf32, #tpu.memory_space<hbm>>
      tpu.wait_dma2 semaphore(%arg18 : memref<!tpu.dma_semaphore, #tpu.memory_space<semaphore_mem>>) src(%dma_wait3A_116 : memref<128x128xf32, #tpu.memory_space<hbm>>) dst(%arg12 : memref<128x128xf32, #tpu.memory_space<vmem>>)
      %dma_wait3A_117 = arith.constant 0 : i32
      %dma_wait3A_118 = arith.constant 0 : i32
      %dma_wait3A_119 = tpu.memref_slice %arg3[%dma_wait3A_117, %dma_wait3A_118] : memref<10000x128xf32, #tpu.memory_space<hbm>> -> memref<128x128xf32, #tpu.memory_space<hbm>>
      %dma_wait3A_120 = arith.constant 0 : i32
      %dma_wait3A_121 = arith.constant 0 : i32
      %dma_wait3A_122 = tpu.memref_slice %arg3[%dma_wait3A_120, %dma_wait3A_121] : memref<10000x128xf32, #tpu.memory_space<hbm>> -> memref<128x128xf32, #tpu.memory_space<hbm>>
      tpu.wait_dma2 semaphore(%arg18 : memref<!tpu.dma_semaphore, #tpu.memory_space<semaphore_mem>>) src(%dma_wait3A_122 : memref<128x128xf32, #tpu.memory_space<hbm>>) dst(%arg14 : memref<128x128xf32, #tpu.memory_space<vmem>>)
      %ge3A_123 = arith.constant 2 : i32
      %ge3A_124 = arith.cmpi sge, %add3A_103, %ge3A_123 : i32
      %convert_element_type3A_125 = arith.extui %ge3A_124 : i1 to i32
      %cond3A_126 = arith.constant 0 : i32
      %cond3A_127 = arith.cmpi ne, %convert_element_type3A_125, %cond3A_126 : i32
      scf.if %cond3A_127 {
        %dma_wait3A_141 = arith.constant 0 : i32
        %dma_wait3A_142 = arith.constant 0 : i32
        %dma_wait3A_143 = tpu.memref_slice %arg8[%dma_wait3A_141, %dma_wait3A_142] : memref<320000x64xi32, #tpu.memory_space<hbm>> -> memref<128x64xi32, #tpu.memory_space<hbm>>
        %dma_wait3A_144 = arith.constant 0 : i32
        %dma_wait3A_145 = arith.constant 0 : i32
        %dma_wait3A_146 = tpu.memref_slice %arg8[%dma_wait3A_144, %dma_wait3A_145] : memref<320000x64xi32, #tpu.memory_space<hbm>> -> memref<128x64xi32, #tpu.memory_space<hbm>>
        tpu.wait_dma2 semaphore(%arg20 : memref<!tpu.dma_semaphore, #tpu.memory_space<semaphore_mem>>) src(%arg16 : memref<128x64xi32, #tpu.memory_space<vmem>>) dst(%dma_wait3A_146 : memref<128x64xi32, #tpu.memory_space<hbm>>)
      } else {
      }
      %scan3A_128 = arith.constant 0 : i32
      %scan3A_129 = arith.constant 0 : i32
      %scan3A_130 = arith.constant 128 : i32
      %scan3A_131 = arith.addi %scan3A_129, %scan3A_130 : i32
      %scan3A_132 = arith.constant 1 : i32
      scf.for %scan3A_141 = %scan3A_129 to %scan3A_131 step %scan3A_132  : i32 {
        %get3A_142 = arith.index_cast %scan3A_141 : i32 to index
        %get3A_143 = arith.constant 0 : index
        %get3A_144 = tpu.vector_load %arg12[%get3A_142, %get3A_143] {strides = array<i32>} : memref<128x128xf32, #tpu.memory_space<vmem>>, vector<1x16xf32>,
        %get3A_145 = vector.shape_cast %get3A_144 : vector<1x16xf32> to vector<16xf32>
        %get3A_146 = arith.index_cast %scan3A_141 : i32 to index
        %get3A_147 = arith.constant 0 : index
        %get3A_148 = tpu.vector_load %arg14[%get3A_146, %get3A_147] {strides = array<i32>} : memref<128x128xf32, #tpu.memory_space<vmem>>, vector<1x16xf32>,
        %get3A_149 = vector.shape_cast %get3A_148 : vector<1x16xf32> to vector<16xf32>
        %add3A_150 = arith.addf %get3A_145, %get3A_149 : vector<16xf32>
        %get3A_151 = arith.index_cast %scan3A_141 : i32 to index
        %get3A_152 = arith.constant 16 : index
        %get3A_153 = tpu.vector_load %arg12[%get3A_151, %get3A_152] {strides = array<i32>} : memref<128x128xf32, #tpu.memory_space<vmem>>, vector<1x16xf32>,
        %get3A_154 = vector.shape_cast %get3A_153 : vector<1x16xf32> to vector<16xf32>
        %get3A_155 = arith.index_cast %scan3A_141 : i32 to index
        %get3A_156 = arith.constant 16 : index
        %get3A_157 = tpu.vector_load %arg14[%get3A_155, %get3A_156] {strides = array<i32>} : memref<128x128xf32, #tpu.memory_space<vmem>>, vector<1x16xf32>,
        %get3A_158 = vector.shape_cast %get3A_157 : vector<1x16xf32> to vector<16xf32>
        %add3A_159 = arith.addf %get3A_154, %get3A_158 : vector<16xf32>
        %get3A_160 = arith.index_cast %scan3A_141 : i32 to index
        %get3A_161 = arith.constant 32 : index
        %get3A_162 = tpu.vector_load %arg12[%get3A_160, %get3A_161] {strides = array<i32>} : memref<128x128xf32, #tpu.memory_space<vmem>>, vector<1x16xf32>,
        %get3A_163 = vector.shape_cast %get3A_162 : vector<1x16xf32> to vector<16xf32>
        %get3A_164 = arith.index_cast %scan3A_141 : i32 to index
        %get3A_165 = arith.constant 32 : index
        %get3A_166 = tpu.vector_load %arg14[%get3A_164, %get3A_165] {strides = array<i32>} : memref<128x128xf32, #tpu.memory_space<vmem>>, vector<1x16xf32>,
        %get3A_167 = vector.shape_cast %get3A_166 : vector<1x16xf32> to vector<16xf32>
        %add3A_168 = arith.addf %get3A_163, %get3A_167 : vector<16xf32>
        %get3A_169 = arith.index_cast %scan3A_141 : i32 to index
        %get3A_170 = arith.constant 48 : index
        %get3A_171 = tpu.vector_load %arg12[%get3A_169, %get3A_170] {strides = array<i32>} : memref<128x128xf32, #tpu.memory_space<vmem>>, vector<1x16xf32>,
        %get3A_172 = vector.shape_cast %get3A_171 : vector<1x16xf32> to vector<16xf32>
        %get3A_173 = arith.index_cast %scan3A_141 : i32 to index
        %get3A_174 = arith.constant 48 : index
        %get3A_175 = tpu.vector_load %arg14[%get3A_173, %get3A_174] {strides = array<i32>} : memref<128x128xf32, #tpu.memory_space<vmem>>, vector<1x16xf32>,
        %get3A_176 = vector.shape_cast %get3A_175 : vector<1x16xf32> to vector<16xf32>
        %add3A_177 = arith.addf %get3A_172, %get3A_176 : vector<16xf32>
        %get3A_178 = arith.index_cast %scan3A_141 : i32 to index
        %get3A_179 = arith.constant 64 : index
        %get3A_180 = tpu.vector_load %arg12[%get3A_178, %get3A_179] {strides = array<i32>} : memref<128x128xf32, #tpu.memory_space<vmem>>, vector<1x16xf32>,
        %get3A_181 = vector.shape_cast %get3A_180 : vector<1x16xf32> to vector<16xf32>
        %get3A_182 = arith.index_cast %scan3A_141 : i32 to index
        %get3A_183 = arith.constant 64 : index
        %get3A_184 = tpu.vector_load %arg14[%get3A_182, %get3A_183] {strides = array<i32>} : memref<128x128xf32, #tpu.memory_space<vmem>>, vector<1x16xf32>,
        %get3A_185 = vector.shape_cast %get3A_184 : vector<1x16xf32> to vector<16xf32>
        %add3A_186 = arith.addf %get3A_181, %get3A_185 : vector<16xf32>
        %get3A_187 = arith.index_cast %scan3A_141 : i32 to index
        %get3A_188 = arith.constant 80 : index
        %get3A_189 = tpu.vector_load %arg12[%get3A_187, %get3A_188] {strides = array<i32>} : memref<128x128xf32, #tpu.memory_space<vmem>>, vector<1x16xf32>,
        %get3A_190 = vector.shape_cast %get3A_189 : vector<1x16xf32> to vector<16xf32>
        %get3A_191 = arith.index_cast %scan3A_141 : i32 to index
        %get3A_192 = arith.constant 80 : index
        %get3A_193 = tpu.vector_load %arg14[%get3A_191, %get3A_192] {strides = array<i32>} : memref<128x128xf32, #tpu.memory_space<vmem>>, vector<1x16xf32>,
        %get3A_194 = vector.shape_cast %get3A_193 : vector<1x16xf32> to vector<16xf32>
        %add3A_195 = arith.addf %get3A_190, %get3A_194 : vector<16xf32>
        %get3A_196 = arith.index_cast %scan3A_141 : i32 to index
        %get3A_197 = arith.constant 96 : index
        %get3A_198 = tpu.vector_load %arg12[%get3A_196, %get3A_197] {strides = array<i32>} : memref<128x128xf32, #tpu.memory_space<vmem>>, vector<1x16xf32>,
        %get3A_199 = vector.shape_cast %get3A_198 : vector<1x16xf32> to vector<16xf32>
        %get3A_200 = arith.index_cast %scan3A_141 : i32 to index
        %get3A_201 = arith.constant 96 : index
        %get3A_202 = tpu.vector_load %arg14[%get3A_200, %get3A_201] {strides = array<i32>} : memref<128x128xf32, #tpu.memory_space<vmem>>, vector<1x16xf32>,
        %get3A_203 = vector.shape_cast %get3A_202 : vector<1x16xf32> to vector<16xf32>
        %add3A_204 = arith.addf %get3A_199, %get3A_203 : vector<16xf32>
        %get3A_205 = arith.index_cast %scan3A_141 : i32 to index
        %get3A_206 = arith.constant 112 : index
        %get3A_207 = tpu.vector_load %arg12[%get3A_205, %get3A_206] {strides = array<i32>} : memref<128x128xf32, #tpu.memory_space<vmem>>, vector<1x16xf32>,
        %get3A_208 = vector.shape_cast %get3A_207 : vector<1x16xf32> to vector<16xf32>
        %get3A_209 = arith.index_cast %scan3A_141 : i32 to index
        %get3A_210 = arith.constant 112 : index
        %get3A_211 = tpu.vector_load %arg14[%get3A_209, %get3A_210] {strides = array<i32>} : memref<128x128xf32, #tpu.memory_space<vmem>>, vector<1x16xf32>,
        %get3A_212 = vector.shape_cast %get3A_211 : vector<1x16xf32> to vector<16xf32>
        %add3A_213 = arith.addf %get3A_208, %get3A_212 : vector<16xf32>
        %bitcast_convert_type3A = tpu.bitcast %add3A_150 : vector<16xf32> -> vector<16xi32>
        %bitcast_convert_type3A_214 = tpu.bitcast %add3A_186 : vector<16xf32> -> vector<16xi32>
        %add3A_215 = vector.broadcast %squeeze3A : i32 to vector<16xi32>
        %add3A_216 = arith.addi %bitcast_convert_type3A, %add3A_215 : vector<16xi32>
        %shift_right_logical3A = arith.constant 16 : i32
        %shift_right_logical3A_217 = vector.broadcast %shift_right_logical3A : i32 to vector<16xi32>
        %shift_right_logical3A_218 = arith.shrui %add3A_216, %shift_right_logical3A_217 : vector<16xi32>
        %add3A_219 = vector.broadcast %squeeze3A : i32 to vector<16xi32>
        %add3A_220 = arith.addi %bitcast_convert_type3A_214, %add3A_219 : vector<16xi32>
        %and3A = vector.broadcast %squeeze3A_7 : i32 to vector<16xi32>
        %and3A_221 = arith.andi %add3A_220, %and3A : vector<16xi32>
        %or3A = arith.ori %and3A_221, %shift_right_logical3A_218 : vector<16xi32>
        %swap3A = arith.index_cast %scan3A_141 : i32 to index
        %swap3A_222 = arith.constant 0 : index
        %swap3A_223 = tpu.vector_load %arg16[%swap3A, %swap3A_222] {strides = array<i32>} : memref<128x64xi32, #tpu.memory_space<vmem>>, vector<1x16xi32>,
        %swap3A_224 = vector.shape_cast %swap3A_223 : vector<1x16xi32> to vector<16xi32>
        %swap3A_225 = vector.shape_cast %or3A : vector<16xi32> to vector<1x16xi32>
        tpu.vector_store %arg16[%swap3A, %swap3A_222], %swap3A_225 {strides = array<i32>} : memref<128x64xi32, #tpu.memory_space<vmem>>, vector<1x16xi32>,
        %bitcast_convert_type3A_226 = tpu.bitcast %add3A_159 : vector<16xf32> -> vector<16xi32>
        %bitcast_convert_type3A_227 = tpu.bitcast %add3A_195 : vector<16xf32> -> vector<16xi32>
        %add3A_228 = vector.broadcast %squeeze3A : i32 to vector<16xi32>
        %add3A_229 = arith.addi %bitcast_convert_type3A_226, %add3A_228 : vector<16xi32>
        %shift_right_logical3A_230 = arith.constant 16 : i32
        %shift_right_logical3A_231 = vector.broadcast %shift_right_logical3A_230 : i32 to vector<16xi32>
        %shift_right_logical3A_232 = arith.shrui %add3A_229, %shift_right_logical3A_231 : vector<16xi32>
        %add3A_233 = vector.broadcast %squeeze3A : i32 to vector<16xi32>
        %add3A_234 = arith.addi %bitcast_convert_type3A_227, %add3A_233 : vector<16xi32>
        %and3A_235 = vector.broadcast %squeeze3A_7 : i32 to vector<16xi32>
        %and3A_236 = arith.andi %add3A_234, %and3A_235 : vector<16xi32>
        %or3A_237 = arith.ori %and3A_236, %shift_right_logical3A_232 : vector<16xi32>
        %swap3A_238 = arith.index_cast %scan3A_141 : i32 to index
        %swap3A_239 = arith.constant 16 : index
        %swap3A_240 = tpu.vector_load %arg16[%swap3A_238, %swap3A_239] {strides = array<i32>} : memref<128x64xi32, #tpu.memory_space<vmem>>, vector<1x16xi32>,
        %swap3A_241 = vector.shape_cast %swap3A_240 : vector<1x16xi32> to vector<16xi32>
        %swap3A_242 = vector.shape_cast %or3A_237 : vector<16xi32> to vector<1x16xi32>
        tpu.vector_store %arg16[%swap3A_238, %swap3A_239], %swap3A_242 {strides = array<i32>} : memref<128x64xi32, #tpu.memory_space<vmem>>, vector<1x16xi32>,
        %bitcast_convert_type3A_243 = tpu.bitcast %add3A_168 : vector<16xf32> -> vector<16xi32>
        %bitcast_convert_type3A_244 = tpu.bitcast %add3A_204 : vector<16xf32> -> vector<16xi32>
        %add3A_245 = vector.broadcast %squeeze3A : i32 to vector<16xi32>
        %add3A_246 = arith.addi %bitcast_convert_type3A_243, %add3A_245 : vector<16xi32>
        %shift_right_logical3A_247 = arith.constant 16 : i32
        %shift_right_logical3A_248 = vector.broadcast %shift_right_logical3A_247 : i32 to vector<16xi32>
        %shift_right_logical3A_249 = arith.shrui %add3A_246, %shift_right_logical3A_248 : vector<16xi32>
        %add3A_250 = vector.broadcast %squeeze3A : i32 to vector<16xi32>
        %add3A_251 = arith.addi %bitcast_convert_type3A_244, %add3A_250 : vector<16xi32>
        %and3A_252 = vector.broadcast %squeeze3A_7 : i32 to vector<16xi32>
        %and3A_253 = arith.andi %add3A_251, %and3A_252 : vector<16xi32>
        %or3A_254 = arith.ori %and3A_253, %shift_right_logical3A_249 : vector<16xi32>
        %swap3A_255 = arith.index_cast %scan3A_141 : i32 to index
        %swap3A_256 = arith.constant 32 : index
        %swap3A_257 = tpu.vector_load %arg16[%swap3A_255, %swap3A_256] {strides = array<i32>} : memref<128x64xi32, #tpu.memory_space<vmem>>, vector<1x16xi32>,
        %swap3A_258 = vector.shape_cast %swap3A_257 : vector<1x16xi32> to vector<16xi32>
        %swap3A_259 = vector.shape_cast %or3A_254 : vector<16xi32> to vector<1x16xi32>
        tpu.vector_store %arg16[%swap3A_255, %swap3A_256], %swap3A_259 {strides = array<i32>} : memref<128x64xi32, #tpu.memory_space<vmem>>, vector<1x16xi32>,
        %bitcast_convert_type3A_260 = tpu.bitcast %add3A_177 : vector<16xf32> -> vector<16xi32>
        %bitcast_convert_type3A_261 = tpu.bitcast %add3A_213 : vector<16xf32> -> vector<16xi32>
        %add3A_262 = vector.broadcast %squeeze3A : i32 to vector<16xi32>
        %add3A_263 = arith.addi %bitcast_convert_type3A_260, %add3A_262 : vector<16xi32>
        %shift_right_logical3A_264 = arith.constant 16 : i32
        %shift_right_logical3A_265 = vector.broadcast %shift_right_logical3A_264 : i32 to vector<16xi32>
        %shift_right_logical3A_266 = arith.shrui %add3A_263, %shift_right_logical3A_265 : vector<16xi32>
        %add3A_267 = vector.broadcast %squeeze3A : i32 to vector<16xi32>
        %add3A_268 = arith.addi %bitcast_convert_type3A_261, %add3A_267 : vector<16xi32>
        %and3A_269 = vector.broadcast %squeeze3A_7 : i32 to vector<16xi32>
        %and3A_270 = arith.andi %add3A_268, %and3A_269 : vector<16xi32>
        %or3A_271 = arith.ori %and3A_270, %shift_right_logical3A_266 : vector<16xi32>
        %swap3A_272 = arith.index_cast %scan3A_141 : i32 to index
        %swap3A_273 = arith.constant 48 : index
        %swap3A_274 = tpu.vector_load %arg16[%swap3A_272, %swap3A_273] {strides = array<i32>} : memref<128x64xi32, #tpu.memory_space<vmem>>, vector<1x16xi32>,
        %swap3A_275 = vector.shape_cast %swap3A_274 : vector<1x16xi32> to vector<16xi32>
        %swap3A_276 = vector.shape_cast %or3A_271 : vector<16xi32> to vector<1x16xi32>
        tpu.vector_store %arg16[%swap3A_272, %swap3A_273], %swap3A_276 {strides = array<i32>} : memref<128x64xi32, #tpu.memory_space<vmem>>, vector<1x16xi32>,
      }
      %scan3A_133 = arith.constant 128 : i32
      %mul3A_134 = arith.constant 128 : i32
      %mul3A_135 = arith.muli %add3A_103, %mul3A_134 : i32
      %add3A_136 = arith.addi %mul3A_10, %mul3A_135 : i32
      %dma_start3A_137 = arith.constant 0 : i32
      %dma_start3A_138 = tpu.memref_slice %arg8[%add3A_136, %dma_start3A_137] : memref<320000x64xi32, #tpu.memory_space<hbm>> -> memref<128x64xi32, #tpu.memory_space<hbm>>
      %dma_start3A_139 = arith.constant 0 : i32
      %dma_start3A_140 = tpu.memref_slice %arg8[%add3A_136, %dma_start3A_139] : memref<320000x64xi32, #tpu.memory_space<hbm>> -> memref<128x64xi32, #tpu.memory_space<hbm>>
      tpu.enqueue_dma source(%arg16 : memref<128x64xi32, #tpu.memory_space<vmem>>) target(%dma_start3A_140 : memref<128x64xi32, #tpu.memory_space<hbm>>) target_semaphore(%arg20 : memref<!tpu.dma_semaphore, #tpu.memory_space<semaphore_mem>>)
    }
    %scan3A_28 = arith.constant 39 : i32
    %dma_wait3A = arith.constant 0 : i32
    %dma_wait3A_29 = arith.constant 0 : i32
    %dma_wait3A_30 = tpu.memref_slice %arg8[%dma_wait3A, %dma_wait3A_29] : memref<320000x64xi32, #tpu.memory_space<hbm>> -> memref<128x64xi32, #tpu.memory_space<hbm>>
    %dma_wait3A_31 = arith.constant 0 : i32
    %dma_wait3A_32 = arith.constant 0 : i32
    %dma_wait3A_33 = tpu.memref_slice %arg8[%dma_wait3A_31, %dma_wait3A_32] : memref<320000x64xi32, #tpu.memory_space<hbm>> -> memref<128x64xi32, #tpu.memory_space<hbm>>
    tpu.wait_dma2 semaphore(%arg19 : memref<!tpu.dma_semaphore, #tpu.memory_space<semaphore_mem>>) src(%arg15 : memref<128x64xi32, #tpu.memory_space<vmem>>) dst(%dma_wait3A_33 : memref<128x64xi32, #tpu.memory_space<hbm>>)
    %dma_wait3A_34 = arith.constant 0 : i32
    %dma_wait3A_35 = arith.constant 0 : i32
    %dma_wait3A_36 = tpu.memref_slice %arg8[%dma_wait3A_34, %dma_wait3A_35] : memref<320000x64xi32, #tpu.memory_space<hbm>> -> memref<128x64xi32, #tpu.memory_space<hbm>>
    %dma_wait3A_37 = arith.constant 0 : i32
    %dma_wait3A_38 = arith.constant 0 : i32
    %dma_wait3A_39 = tpu.memref_slice %arg8[%dma_wait3A_37, %dma_wait3A_38] : memref<320000x64xi32, #tpu.memory_space<hbm>> -> memref<128x64xi32, #tpu.memory_space<hbm>>
    tpu.wait_dma2 semaphore(%arg20 : memref<!tpu.dma_semaphore, #tpu.memory_space<semaphore_mem>>) src(%arg16 : memref<128x64xi32, #tpu.memory_space<vmem>>) dst(%dma_wait3A_39 : memref<128x64xi32, #tpu.memory_space<hbm>>)
    %add3A_40 = arith.constant 9984 : i32
    %add3A_41 = arith.addi %mul3A_10, %add3A_40 : i32
    %add3A_42 = arith.constant 0 : i32
    %add3A_43 = arith.addi %add3A_42, %add3A_41 : i32
    "tpu.region"() ({
      %run_scoped3A = tpu.sem_alloc : memref<!tpu.dma_semaphore, #tpu.memory_space<semaphore_mem>>
      %dma_start3A_64 = tpu.memref_slice %arg4[%add3A_43] : memref<320000xi32, #tpu.memory_space<hbm>> -> memref<16xi32, #tpu.memory_space<hbm>>
      %dma_start3A_65 = tpu.memref_slice %arg4[%add3A_43] : memref<320000xi32, #tpu.memory_space<hbm>> -> memref<16xi32, #tpu.memory_space<hbm>>
      tpu.enqueue_dma source(%dma_start3A_65 : memref<16xi32, #tpu.memory_space<hbm>>) target(%arg21 : memref<16xi32, #tpu.memory_space<vmem>>) target_semaphore(%run_scoped3A : memref<!tpu.dma_semaphore, #tpu.memory_space<semaphore_mem>>)
      %dma_wait3A_66 = tpu.memref_slice %arg4[%add3A_43] : memref<320000xi32, #tpu.memory_space<hbm>> -> memref<16xi32, #tpu.memory_space<hbm>>
      %dma_wait3A_67 = tpu.memref_slice %arg4[%add3A_43] : memref<320000xi32, #tpu.memory_space<hbm>> -> memref<16xi32, #tpu.memory_space<hbm>>
      tpu.wait_dma2 semaphore(%run_scoped3A : memref<!tpu.dma_semaphore, #tpu.memory_space<semaphore_mem>>) src(%dma_wait3A_67 : memref<16xi32, #tpu.memory_space<hbm>>) dst(%arg21 : memref<16xi32, #tpu.memory_space<vmem>>)
      tpu.yield
    }) : () -> ()
    %add3A_44 = arith.constant 0 : i32
    %add3A_45 = arith.addi %add3A_44, %add3A_41 : i32
    "tpu.region"() ({
      %run_scoped3A = tpu.sem_alloc : memref<!tpu.dma_semaphore, #tpu.memory_space<semaphore_mem>>
      %dma_start3A_64 = tpu.memref_slice %arg5[%add3A_45] : memref<320000xi32, #tpu.memory_space<hbm>> -> memref<16xi32, #tpu.memory_space<hbm>>
      %dma_start3A_65 = tpu.memref_slice %arg5[%add3A_45] : memref<320000xi32, #tpu.memory_space<hbm>> -> memref<16xi32, #tpu.memory_space<hbm>>
      tpu.enqueue_dma source(%dma_start3A_65 : memref<16xi32, #tpu.memory_space<hbm>>) target(%arg22 : memref<16xi32, #tpu.memory_space<vmem>>) target_semaphore(%run_scoped3A : memref<!tpu.dma_semaphore, #tpu.memory_space<semaphore_mem>>)
      %dma_wait3A_66 = tpu.memref_slice %arg5[%add3A_45] : memref<320000xi32, #tpu.memory_space<hbm>> -> memref<16xi32, #tpu.memory_space<hbm>>
      %dma_wait3A_67 = tpu.memref_slice %arg5[%add3A_45] : memref<320000xi32, #tpu.memory_space<hbm>> -> memref<16xi32, #tpu.memory_space<hbm>>
      tpu.wait_dma2 semaphore(%run_scoped3A : memref<!tpu.dma_semaphore, #tpu.memory_space<semaphore_mem>>) src(%dma_wait3A_67 : memref<16xi32, #tpu.memory_space<hbm>>) dst(%arg22 : memref<16xi32, #tpu.memory_space<vmem>>)
      tpu.yield
    }) : () -> ()
    %dma_start3A_46 = arith.constant 0 : i32
    %dma_start3A_47 = arith.constant 0 : i32
    %dma_start3A_48 = tpu.memref_slice %arg2[%dma_start3A_46, %dma_start3A_47] : memref<10000x128xf32, #tpu.memory_space<hbm>> -> memref<10000x128xf32, #tpu.memory_space<hbm>>
    tpu.enqueue_indirect_dma source(%dma_start3A_48 : memref<10000x128xf32, #tpu.memory_space<hbm>>) target(%arg23 : memref<16x128xf32, #tpu.memory_space<vmem>>) offsets(%arg21 : memref<16xi32, #tpu.memory_space<vmem>>) semaphore(%arg17 : memref<!tpu.dma_semaphore, #tpu.memory_space<semaphore_mem>>)
    %dma_wait3A_49 = arith.constant 0 : i32
    %dma_wait3A_50 = arith.constant 0 : i32
    %dma_wait3A_51 = tpu.memref_slice %arg2[%dma_wait3A_49, %dma_wait3A_50] : memref<10000x128xf32, #tpu.memory_space<hbm>> -> memref<10000x128xf32, #tpu.memory_space<hbm>>
    tpu.wait_indirect_dma semaphore(%arg17 : memref<!tpu.dma_semaphore, #tpu.memory_space<semaphore_mem>>) src(%dma_wait3A_51 : memref<10000x128xf32, #tpu.memory_space<hbm>>) dst(%arg23 : memref<16x128xf32, #tpu.memory_space<vmem>>)
    %dma_start3A_52 = arith.constant 0 : i32
    %dma_start3A_53 = arith.constant 0 : i32
    %dma_start3A_54 = tpu.memref_slice %arg3[%dma_start3A_52, %dma_start3A_53] : memref<10000x128xf32, #tpu.memory_space<hbm>> -> memref<10000x128xf32, #tpu.memory_space<hbm>>
    tpu.enqueue_indirect_dma source(%dma_start3A_54 : memref<10000x128xf32, #tpu.memory_space<hbm>>) target(%arg24 : memref<16x128xf32, #tpu.memory_space<vmem>>) offsets(%arg22 : memref<16xi32, #tpu.memory_space<vmem>>) semaphore(%arg18 : memref<!tpu.dma_semaphore, #tpu.memory_space<semaphore_mem>>)
    %dma_wait3A_55 = arith.constant 0 : i32
    %dma_wait3A_56 = arith.constant 0 : i32
    %dma_wait3A_57 = tpu.memref_slice %arg3[%dma_wait3A_55, %dma_wait3A_56] : memref<10000x128xf32, #tpu.memory_space<hbm>> -> memref<10000x128xf32, #tpu.memory_space<hbm>>
    tpu.wait_indirect_dma semaphore(%arg18 : memref<!tpu.dma_semaphore, #tpu.memory_space<semaphore_mem>>) src(%dma_wait3A_57 : memref<10000x128xf32, #tpu.memory_space<hbm>>) dst(%arg24 : memref<16x128xf32, #tpu.memory_space<vmem>>)
    %scan3A_58 = arith.constant 0 : i32
    %scan3A_59 = arith.constant 0 : i32
    %scan3A_60 = arith.constant 16 : i32
    %scan3A_61 = arith.addi %scan3A_59, %scan3A_60 : i32
    %scan3A_62 = arith.constant 1 : i32
    scf.for %scan3A_64 = %scan3A_59 to %scan3A_61 step %scan3A_62  : i32 {
      %get3A_65 = arith.index_cast %scan3A_64 : i32 to index
      %get3A_66 = arith.constant 0 : index
      %get3A_67 = tpu.vector_load %arg23[%get3A_65, %get3A_66] {strides = array<i32>} : memref<16x128xf32, #tpu.memory_space<vmem>>, vector<1x16xf32>,
      %get3A_68 = vector.shape_cast %get3A_67 : vector<1x16xf32> to vector<16xf32>
      %get3A_69 = arith.index_cast %scan3A_64 : i32 to index
      %get3A_70 = arith.constant 0 : index
      %get3A_71 = tpu.vector_load %arg24[%get3A_69, %get3A_70] {strides = array<i32>} : memref<16x128xf32, #tpu.memory_space<vmem>>, vector<1x16xf32>,
      %get3A_72 = vector.shape_cast %get3A_71 : vector<1x16xf32> to vector<16xf32>
      %add3A_73 = arith.addf %get3A_68, %get3A_72 : vector<16xf32>
      %get3A_74 = arith.index_cast %scan3A_64 : i32 to index
      %get3A_75 = arith.constant 16 : index
      %get3A_76 = tpu.vector_load %arg23[%get3A_74, %get3A_75] {strides = array<i32>} : memref<16x128xf32, #tpu.memory_space<vmem>>, vector<1x16xf32>,
      %get3A_77 = vector.shape_cast %get3A_76 : vector<1x16xf32> to vector<16xf32>
      %get3A_78 = arith.index_cast %scan3A_64 : i32 to index
      %get3A_79 = arith.constant 16 : index
      %get3A_80 = tpu.vector_load %arg24[%get3A_78, %get3A_79] {strides = array<i32>} : memref<16x128xf32, #tpu.memory_space<vmem>>, vector<1x16xf32>,
      %get3A_81 = vector.shape_cast %get3A_80 : vector<1x16xf32> to vector<16xf32>
      %add3A_82 = arith.addf %get3A_77, %get3A_81 : vector<16xf32>
      %get3A_83 = arith.index_cast %scan3A_64 : i32 to index
      %get3A_84 = arith.constant 32 : index
      %get3A_85 = tpu.vector_load %arg23[%get3A_83, %get3A_84] {strides = array<i32>} : memref<16x128xf32, #tpu.memory_space<vmem>>, vector<1x16xf32>,
      %get3A_86 = vector.shape_cast %get3A_85 : vector<1x16xf32> to vector<16xf32>
      %get3A_87 = arith.index_cast %scan3A_64 : i32 to index
      %get3A_88 = arith.constant 32 : index
      %get3A_89 = tpu.vector_load %arg24[%get3A_87, %get3A_88] {strides = array<i32>} : memref<16x128xf32, #tpu.memory_space<vmem>>, vector<1x16xf32>,
      %get3A_90 = vector.shape_cast %get3A_89 : vector<1x16xf32> to vector<16xf32>
      %add3A_91 = arith.addf %get3A_86, %get3A_90 : vector<16xf32>
      %get3A_92 = arith.index_cast %scan3A_64 : i32 to index
      %get3A_93 = arith.constant 48 : index
      %get3A_94 = tpu.vector_load %arg23[%get3A_92, %get3A_93] {strides = array<i32>} : memref<16x128xf32, #tpu.memory_space<vmem>>, vector<1x16xf32>,
      %get3A_95 = vector.shape_cast %get3A_94 : vector<1x16xf32> to vector<16xf32>
      %get3A_96 = arith.index_cast %scan3A_64 : i32 to index
      %get3A_97 = arith.constant 48 : index
      %get3A_98 = tpu.vector_load %arg24[%get3A_96, %get3A_97] {strides = array<i32>} : memref<16x128xf32, #tpu.memory_space<vmem>>, vector<1x16xf32>,
      %get3A_99 = vector.shape_cast %get3A_98 : vector<1x16xf32> to vector<16xf32>
      %add3A_100 = arith.addf %get3A_95, %get3A_99 : vector<16xf32>
      %get3A_101 = arith.index_cast %scan3A_64 : i32 to index
      %get3A_102 = arith.constant 64 : index
      %get3A_103 = tpu.vector_load %arg23[%get3A_101, %get3A_102] {strides = array<i32>} : memref<16x128xf32, #tpu.memory_space<vmem>>, vector<1x16xf32>,
      %get3A_104 = vector.shape_cast %get3A_103 : vector<1x16xf32> to vector<16xf32>
      %get3A_105 = arith.index_cast %scan3A_64 : i32 to index
      %get3A_106 = arith.constant 64 : index
      %get3A_107 = tpu.vector_load %arg24[%get3A_105, %get3A_106] {strides = array<i32>} : memref<16x128xf32, #tpu.memory_space<vmem>>, vector<1x16xf32>,
      %get3A_108 = vector.shape_cast %get3A_107 : vector<1x16xf32> to vector<16xf32>
      %add3A_109 = arith.addf %get3A_104, %get3A_108 : vector<16xf32>
      %get3A_110 = arith.index_cast %scan3A_64 : i32 to index
      %get3A_111 = arith.constant 80 : index
      %get3A_112 = tpu.vector_load %arg23[%get3A_110, %get3A_111] {strides = array<i32>} : memref<16x128xf32, #tpu.memory_space<vmem>>, vector<1x16xf32>,
      %get3A_113 = vector.shape_cast %get3A_112 : vector<1x16xf32> to vector<16xf32>
      %get3A_114 = arith.index_cast %scan3A_64 : i32 to index
      %get3A_115 = arith.constant 80 : index
      %get3A_116 = tpu.vector_load %arg24[%get3A_114, %get3A_115] {strides = array<i32>} : memref<16x128xf32, #tpu.memory_space<vmem>>, vector<1x16xf32>,
      %get3A_117 = vector.shape_cast %get3A_116 : vector<1x16xf32> to vector<16xf32>
      %add3A_118 = arith.addf %get3A_113, %get3A_117 : vector<16xf32>
      %get3A_119 = arith.index_cast %scan3A_64 : i32 to index
      %get3A_120 = arith.constant 96 : index
      %get3A_121 = tpu.vector_load %arg23[%get3A_119, %get3A_120] {strides = array<i32>} : memref<16x128xf32, #tpu.memory_space<vmem>>, vector<1x16xf32>,
      %get3A_122 = vector.shape_cast %get3A_121 : vector<1x16xf32> to vector<16xf32>
      %get3A_123 = arith.index_cast %scan3A_64 : i32 to index
      %get3A_124 = arith.constant 96 : index
      %get3A_125 = tpu.vector_load %arg24[%get3A_123, %get3A_124] {strides = array<i32>} : memref<16x128xf32, #tpu.memory_space<vmem>>, vector<1x16xf32>,
      %get3A_126 = vector.shape_cast %get3A_125 : vector<1x16xf32> to vector<16xf32>
      %add3A_127 = arith.addf %get3A_122, %get3A_126 : vector<16xf32>
      %get3A_128 = arith.index_cast %scan3A_64 : i32 to index
      %get3A_129 = arith.constant 112 : index
      %get3A_130 = tpu.vector_load %arg23[%get3A_128, %get3A_129] {strides = array<i32>} : memref<16x128xf32, #tpu.memory_space<vmem>>, vector<1x16xf32>,
      %get3A_131 = vector.shape_cast %get3A_130 : vector<1x16xf32> to vector<16xf32>
      %get3A_132 = arith.index_cast %scan3A_64 : i32 to index
      %get3A_133 = arith.constant 112 : index
      %get3A_134 = tpu.vector_load %arg24[%get3A_132, %get3A_133] {strides = array<i32>} : memref<16x128xf32, #tpu.memory_space<vmem>>, vector<1x16xf32>,
      %get3A_135 = vector.shape_cast %get3A_134 : vector<1x16xf32> to vector<16xf32>
      %add3A_136 = arith.addf %get3A_131, %get3A_135 : vector<16xf32>
      %bitcast_convert_type3A = tpu.bitcast %add3A_73 : vector<16xf32> -> vector<16xi32>
      %bitcast_convert_type3A_137 = tpu.bitcast %add3A_109 : vector<16xf32> -> vector<16xi32>
      %add3A_138 = vector.broadcast %squeeze3A : i32 to vector<16xi32>
      %add3A_139 = arith.addi %bitcast_convert_type3A, %add3A_138 : vector<16xi32>
      %shift_right_logical3A = arith.constant 16 : i32
      %shift_right_logical3A_140 = vector.broadcast %shift_right_logical3A : i32 to vector<16xi32>
      %shift_right_logical3A_141 = arith.shrui %add3A_139, %shift_right_logical3A_140 : vector<16xi32>
      %add3A_142 = vector.broadcast %squeeze3A : i32 to vector<16xi32>
      %add3A_143 = arith.addi %bitcast_convert_type3A_137, %add3A_142 : vector<16xi32>
      %and3A = vector.broadcast %squeeze3A_7 : i32 to vector<16xi32>
      %and3A_144 = arith.andi %add3A_143, %and3A : vector<16xi32>
      %or3A = arith.ori %and3A_144, %shift_right_logical3A_141 : vector<16xi32>
      %swap3A = arith.index_cast %scan3A_64 : i32 to index
      %swap3A_145 = arith.constant 0 : index
      %swap3A_146 = tpu.vector_load %arg25[%swap3A, %swap3A_145] {strides = array<i32>} : memref<16x64xi32, #tpu.memory_space<vmem>>, vector<1x16xi32>,
      %swap3A_147 = vector.shape_cast %swap3A_146 : vector<1x16xi32> to vector<16xi32>
      %swap3A_148 = vector.shape_cast %or3A : vector<16xi32> to vector<1x16xi32>
      tpu.vector_store %arg25[%swap3A, %swap3A_145], %swap3A_148 {strides = array<i32>} : memref<16x64xi32, #tpu.memory_space<vmem>>, vector<1x16xi32>,
      %bitcast_convert_type3A_149 = tpu.bitcast %add3A_82 : vector<16xf32> -> vector<16xi32>
      %bitcast_convert_type3A_150 = tpu.bitcast %add3A_118 : vector<16xf32> -> vector<16xi32>
      %add3A_151 = vector.broadcast %squeeze3A : i32 to vector<16xi32>
      %add3A_152 = arith.addi %bitcast_convert_type3A_149, %add3A_151 : vector<16xi32>
      %shift_right_logical3A_153 = arith.constant 16 : i32
      %shift_right_logical3A_154 = vector.broadcast %shift_right_logical3A_153 : i32 to vector<16xi32>
      %shift_right_logical3A_155 = arith.shrui %add3A_152, %shift_right_logical3A_154 : vector<16xi32>
      %add3A_156 = vector.broadcast %squeeze3A : i32 to vector<16xi32>
      %add3A_157 = arith.addi %bitcast_convert_type3A_150, %add3A_156 : vector<16xi32>
      %and3A_158 = vector.broadcast %squeeze3A_7 : i32 to vector<16xi32>
      %and3A_159 = arith.andi %add3A_157, %and3A_158 : vector<16xi32>
      %or3A_160 = arith.ori %and3A_159, %shift_right_logical3A_155 : vector<16xi32>
      %swap3A_161 = arith.index_cast %scan3A_64 : i32 to index
      %swap3A_162 = arith.constant 16 : index
      %swap3A_163 = tpu.vector_load %arg25[%swap3A_161, %swap3A_162] {strides = array<i32>} : memref<16x64xi32, #tpu.memory_space<vmem>>, vector<1x16xi32>,
      %swap3A_164 = vector.shape_cast %swap3A_163 : vector<1x16xi32> to vector<16xi32>
      %swap3A_165 = vector.shape_cast %or3A_160 : vector<16xi32> to vector<1x16xi32>
      tpu.vector_store %arg25[%swap3A_161, %swap3A_162], %swap3A_165 {strides = array<i32>} : memref<16x64xi32, #tpu.memory_space<vmem>>, vector<1x16xi32>,
      %bitcast_convert_type3A_166 = tpu.bitcast %add3A_91 : vector<16xf32> -> vector<16xi32>
      %bitcast_convert_type3A_167 = tpu.bitcast %add3A_127 : vector<16xf32> -> vector<16xi32>
      %add3A_168 = vector.broadcast %squeeze3A : i32 to vector<16xi32>
      %add3A_169 = arith.addi %bitcast_convert_type3A_166, %add3A_168 : vector<16xi32>
      %shift_right_logical3A_170 = arith.constant 16 : i32
      %shift_right_logical3A_171 = vector.broadcast %shift_right_logical3A_170 : i32 to vector<16xi32>
      %shift_right_logical3A_172 = arith.shrui %add3A_169, %shift_right_logical3A_171 : vector<16xi32>
      %add3A_173 = vector.broadcast %squeeze3A : i32 to vector<16xi32>
      %add3A_174 = arith.addi %bitcast_convert_type3A_167, %add3A_173 : vector<16xi32>
      %and3A_175 = vector.broadcast %squeeze3A_7 : i32 to vector<16xi32>
      %and3A_176 = arith.andi %add3A_174, %and3A_175 : vector<16xi32>
      %or3A_177 = arith.ori %and3A_176, %shift_right_logical3A_172 : vector<16xi32>
      %swap3A_178 = arith.index_cast %scan3A_64 : i32 to index
      %swap3A_179 = arith.constant 32 : index
      %swap3A_180 = tpu.vector_load %arg25[%swap3A_178, %swap3A_179] {strides = array<i32>} : memref<16x64xi32, #tpu.memory_space<vmem>>, vector<1x16xi32>,
      %swap3A_181 = vector.shape_cast %swap3A_180 : vector<1x16xi32> to vector<16xi32>
      %swap3A_182 = vector.shape_cast %or3A_177 : vector<16xi32> to vector<1x16xi32>
      tpu.vector_store %arg25[%swap3A_178, %swap3A_179], %swap3A_182 {strides = array<i32>} : memref<16x64xi32, #tpu.memory_space<vmem>>, vector<1x16xi32>,
      %bitcast_convert_type3A_183 = tpu.bitcast %add3A_100 : vector<16xf32> -> vector<16xi32>
      %bitcast_convert_type3A_184 = tpu.bitcast %add3A_136 : vector<16xf32> -> vector<16xi32>
      %add3A_185 = vector.broadcast %squeeze3A : i32 to vector<16xi32>
      %add3A_186 = arith.addi %bitcast_convert_type3A_183, %add3A_185 : vector<16xi32>
      %shift_right_logical3A_187 = arith.constant 16 : i32
      %shift_right_logical3A_188 = vector.broadcast %shift_right_logical3A_187 : i32 to vector<16xi32>
      %shift_right_logical3A_189 = arith.shrui %add3A_186, %shift_right_logical3A_188 : vector<16xi32>
      %add3A_190 = vector.broadcast %squeeze3A : i32 to vector<16xi32>
      %add3A_191 = arith.addi %bitcast_convert_type3A_184, %add3A_190 : vector<16xi32>
      %and3A_192 = vector.broadcast %squeeze3A_7 : i32 to vector<16xi32>
      %and3A_193 = arith.andi %add3A_191, %and3A_192 : vector<16xi32>
      %or3A_194 = arith.ori %and3A_193, %shift_right_logical3A_189 : vector<16xi32>
      %swap3A_195 = arith.index_cast %scan3A_64 : i32 to index
      %swap3A_196 = arith.constant 48 : index
      %swap3A_197 = tpu.vector_load %arg25[%swap3A_195, %swap3A_196] {strides = array<i32>} : memref<16x64xi32, #tpu.memory_space<vmem>>, vector<1x16xi32>,
      %swap3A_198 = vector.shape_cast %swap3A_197 : vector<1x16xi32> to vector<16xi32>
      %swap3A_199 = vector.shape_cast %or3A_194 : vector<16xi32> to vector<1x16xi32>
      tpu.vector_store %arg25[%swap3A_195, %swap3A_196], %swap3A_199 {strides = array<i32>} : memref<16x64xi32, #tpu.memory_space<vmem>>, vector<1x16xi32>,
    }
    %scan3A_63 = arith.constant 16 : i32
    "tpu.region"() ({
      %run_scoped3A = tpu.sem_alloc : memref<!tpu.dma_semaphore, #tpu.memory_space<semaphore_mem>>
      %dma_start3A_64 = arith.constant 0 : i32
      %dma_start3A_65 = tpu.memref_slice %arg8[%add3A_41, %dma_start3A_64] : memref<320000x64xi32, #tpu.memory_space<hbm>> -> memref<16x64xi32, #tpu.memory_space<hbm>>
      %dma_start3A_66 = arith.constant 0 : i32
      %dma_start3A_67 = tpu.memref_slice %arg8[%add3A_41, %dma_start3A_66] : memref<320000x64xi32, #tpu.memory_space<hbm>> -> memref<16x64xi32, #tpu.memory_space<hbm>>
      tpu.enqueue_dma source(%arg25 : memref<16x64xi32, #tpu.memory_space<vmem>>) target(%dma_start3A_67 : memref<16x64xi32, #tpu.memory_space<hbm>>) target_semaphore(%run_scoped3A : memref<!tpu.dma_semaphore, #tpu.memory_space<semaphore_mem>>)
      %dma_wait3A_68 = arith.constant 0 : i32
      %dma_wait3A_69 = tpu.memref_slice %arg8[%add3A_41, %dma_wait3A_68] : memref<320000x64xi32, #tpu.memory_space<hbm>> -> memref<16x64xi32, #tpu.memory_space<hbm>>
      %dma_wait3A_70 = arith.constant 0 : i32
      %dma_wait3A_71 = tpu.memref_slice %arg8[%add3A_41, %dma_wait3A_70] : memref<320000x64xi32, #tpu.memory_space<hbm>> -> memref<16x64xi32, #tpu.memory_space<hbm>>
      tpu.wait_dma2 semaphore(%run_scoped3A : memref<!tpu.dma_semaphore, #tpu.memory_space<semaphore_mem>>) src(%arg25 : memref<16x64xi32, #tpu.memory_space<vmem>>) dst(%dma_wait3A_71 : memref<16x64xi32, #tpu.memory_space<hbm>>)
      tpu.yield
    }) : () -> ()
    return
  }
}

module attributes {stable_mosaic.version = 14 : i64} {
  func.func @body(%arg0: i32, %arg1: memref<2000x128xf32, #tpu.memory_space<vmem>>, %arg2: memref<128x128xf32, #tpu.memory_space<vmem>>, %arg3: memref<128x128xf32, #tpu.memory_space<vmem>>, %arg4: memref<1x128xf32, #tpu.memory_space<vmem>>, %arg5: memref<2000x128xf32, #tpu.memory_space<vmem>>, %arg6: memref<2000x128xf32, #tpu.memory_space<vmem>>) attributes {dimension_semantics = [#tpu.dimension_semantics<arbitrary>], iteration_bounds = array<i64: 5>, scalar_prefetch = 0 : i64, scratch_operands = 0 : i64, tpu.core_type = #tpu.core_type<tc>, window_params = [{transform_indices = @transform_0, window_bounds = array<i64: 2000, 128>}, {pipeline_mode = #tpu.pipeline_mode<synchronous>, transform_indices = @transform_1, window_bounds = array<i64: 128, 128>}, {pipeline_mode = #tpu.pipeline_mode<synchronous>, transform_indices = @transform_2, window_bounds = array<i64: 128, 128>}, {pipeline_mode = #tpu.pipeline_mode<synchronous>, transform_indices = @transform_3, window_bounds = array<i64: 1, 128>}, {transform_indices = @transform_4, window_bounds = array<i64: 2000, 128>}, {transform_indices = @transform_5, window_bounds = array<i64: 2000, 128>}]} {
    %get3A = arith.constant 0 : index
    %get3A_0 = arith.constant 0 : index
    %get3A_1 = vector.load %arg1[%get3A, %get3A_0] : memref<2000x128xf32, #tpu.memory_space<vmem>>, vector<2000x128xf32>
    %get3A_2 = arith.constant 0 : index
    %get3A_3 = arith.constant 0 : index
    %get3A_4 = vector.load %arg2[%get3A_2, %get3A_3] : memref<128x128xf32, #tpu.memory_space<vmem>>, vector<128x128xf32>
    %dot_general3A = arith.constant dense<0.000000e+00> : vector<2000x128xf32>
    %dot_general3A_5 = tpu.matmul %get3A_1, %get3A_4, %dot_general3A {dimension_numbers = #tpu.dot_dimension_numbers<[1], [0], [0], [1], [0, 0, 1, 1], [], []>, transpose_lhs_hint = false} : vector<2000x128xf32>, vector<128x128xf32>, vector<2000x128xf32> -> vector<2000x128xf32>
    %get3A_6 = arith.constant 0 : index
    %get3A_7 = arith.constant 0 : index
    %get3A_8 = vector.load %arg4[%get3A_6, %get3A_7] : memref<1x128xf32, #tpu.memory_space<vmem>>, vector<1x128xf32>
    %add3A = vector.broadcast %get3A_8 : vector<1x128xf32> to vector<2000x128xf32>
    %add3A_9 = arith.addf %dot_general3A_5, %add3A : vector<2000x128xf32>
    %swap3A = arith.constant 0 : index
    %swap3A_10 = arith.constant 0 : index
    %swap3A_11 = vector.load %arg5[%swap3A, %swap3A_10] : memref<2000x128xf32, #tpu.memory_space<vmem>>, vector<2000x128xf32>
    tpu.vector_store %arg5[%swap3A, %swap3A_10], %add3A_9 {strides = array<i32>} : memref<2000x128xf32, #tpu.memory_space<vmem>>, vector<2000x128xf32>,
    %get3A_12 = arith.constant 0 : index
    %get3A_13 = arith.constant 0 : index
    %get3A_14 = vector.load %arg3[%get3A_12, %get3A_13] : memref<128x128xf32, #tpu.memory_space<vmem>>, vector<128x128xf32>
    %dot_general3A_15 = arith.constant dense<0.000000e+00> : vector<2000x128xf32>
    %dot_general3A_16 = tpu.matmul %get3A_1, %get3A_14, %dot_general3A_15 {dimension_numbers = #tpu.dot_dimension_numbers<[1], [0], [0], [1], [0, 0, 1, 1], [], []>, transpose_lhs_hint = false} : vector<2000x128xf32>, vector<128x128xf32>, vector<2000x128xf32> -> vector<2000x128xf32>
    %swap3A_17 = arith.constant 0 : index
    %swap3A_18 = arith.constant 0 : index
    %swap3A_19 = vector.load %arg6[%swap3A_17, %swap3A_18] : memref<2000x128xf32, #tpu.memory_space<vmem>>, vector<2000x128xf32>
    tpu.vector_store %arg6[%swap3A_17, %swap3A_18], %dot_general3A_16 {strides = array<i32>} : memref<2000x128xf32, #tpu.memory_space<vmem>>, vector<2000x128xf32>,
    return
  }
  func.func @transform_0(%arg0: i32) -> (i32, i32) {
    %c0_i32 = arith.constant 0 : i32
    %c0_i32_0 = arith.constant 0 : i32
    return %arg0, %c0_i32 : i32, i32
  }
  func.func @transform_1(%arg0: i32) -> (i32, i32) {
    %c0_i32 = arith.constant 0 : i32
    %c0_i32_0 = arith.constant 0 : i32
    %c0_i32_1 = arith.constant 0 : i32
    return %c0_i32, %c0_i32_0 : i32, i32
  }
  func.func @transform_2(%arg0: i32) -> (i32, i32) {
    %c0_i32 = arith.constant 0 : i32
    %c0_i32_0 = arith.constant 0 : i32
    %c0_i32_1 = arith.constant 0 : i32
    return %c0_i32, %c0_i32_0 : i32, i32
  }
  func.func @transform_3(%arg0: i32) -> (i32, i32) {
    %c0_i32 = arith.constant 0 : i32
    %c0_i32_0 = arith.constant 0 : i32
    %c0_i32_1 = arith.constant 0 : i32
    return %c0_i32, %c0_i32_0 : i32, i32
  }
  func.func @transform_4(%arg0: i32) -> (i32, i32) {
    %c0_i32 = arith.constant 0 : i32
    %c0_i32_0 = arith.constant 0 : i32
    return %arg0, %c0_i32 : i32, i32
  }
  func.func @transform_5(%arg0: i32) -> (i32, i32) {
    %c0_i32 = arith.constant 0 : i32
    %c0_i32_0 = arith.constant 0 : i32
    return %arg0, %c0_i32 : i32, i32
  }
}

module attributes {stable_mosaic.version = 14 : i64} {
  func.func @body(%arg0: i32, %arg1: memref<4000x128xf32, #tpu.memory_space<vmem>>, %arg2: memref<4000x64xi32, #tpu.memory_space<vmem>>, %arg3: memref<128x128xf32, #tpu.memory_space<vmem>>, %arg4: memref<128x128xf32, #tpu.memory_space<vmem>>, %arg5: memref<1x128xf32, #tpu.memory_space<vmem>>, %arg6: memref<128x128xf32, #tpu.memory_space<vmem>>, %arg7: memref<1x128xf32, #tpu.memory_space<vmem>>, %arg8: memref<4000x64xi32, #tpu.memory_space<vmem>>) attributes {dimension_semantics = [#tpu.dimension_semantics<arbitrary>], iteration_bounds = array<i64: 80>, scalar_prefetch = 0 : i64, scratch_operands = 0 : i64, tpu.core_type = #tpu.core_type<tc>, window_params = [{transform_indices = @transform_0, window_bounds = array<i64: 4000, 128>}, {transform_indices = @transform_1, window_bounds = array<i64: 4000, 64>}, {pipeline_mode = #tpu.pipeline_mode<synchronous>, transform_indices = @transform_2, window_bounds = array<i64: 128, 128>}, {pipeline_mode = #tpu.pipeline_mode<synchronous>, transform_indices = @transform_3, window_bounds = array<i64: 128, 128>}, {pipeline_mode = #tpu.pipeline_mode<synchronous>, transform_indices = @transform_4, window_bounds = array<i64: 1, 128>}, {pipeline_mode = #tpu.pipeline_mode<synchronous>, transform_indices = @transform_5, window_bounds = array<i64: 128, 128>}, {pipeline_mode = #tpu.pipeline_mode<synchronous>, transform_indices = @transform_6, window_bounds = array<i64: 1, 128>}, {transform_indices = @transform_7, window_bounds = array<i64: 4000, 64>}]} {
    %get3A = arith.constant 0 : index
    %get3A_0 = arith.constant 0 : index
    %get3A_1 = vector.load %arg2[%get3A, %get3A_0] : memref<4000x64xi32, #tpu.memory_space<vmem>>, vector<4000x64xi32>
    %shift_left3A = arith.constant 16 : i32
    %shift_left3A_2 = vector.broadcast %shift_left3A : i32 to vector<4000x64xi32>
    %shift_left3A_3 = arith.shli %get3A_1, %shift_left3A_2 : vector<4000x64xi32>
    %bitcast_convert_type3A = tpu.bitcast %shift_left3A_3 : vector<4000x64xi32> -> vector<4000x64xf32>
    %and3A = arith.constant -65536 : i32
    %and3A_4 = vector.broadcast %and3A : i32 to vector<4000x64xi32>
    %and3A_5 = arith.andi %get3A_1, %and3A_4 : vector<4000x64xi32>
    %bitcast_convert_type3A_6 = tpu.bitcast %and3A_5 : vector<4000x64xi32> -> vector<4000x64xf32>
    %concatenate3A = tpu.concatenate %bitcast_convert_type3A, %bitcast_convert_type3A_6 in 1 : vector<4000x64xf32>, vector<4000x64xf32> -> vector<4000x128xf32>
    %get3A_7 = arith.constant 0 : index
    %get3A_8 = arith.constant 0 : index
    %get3A_9 = vector.load %arg1[%get3A_7, %get3A_8] : memref<4000x128xf32, #tpu.memory_space<vmem>>, vector<4000x128xf32>
    %get3A_10 = arith.constant 0 : index
    %get3A_11 = arith.constant 0 : index
    %get3A_12 = vector.load %arg3[%get3A_10, %get3A_11] : memref<128x128xf32, #tpu.memory_space<vmem>>, vector<128x128xf32>
    %dot_general3A = arith.constant dense<0.000000e+00> : vector<4000x128xf32>
    %dot_general3A_13 = tpu.matmul %get3A_9, %get3A_12, %dot_general3A {dimension_numbers = #tpu.dot_dimension_numbers<[1], [0], [0], [1], [0, 0, 1, 1], [], []>, transpose_lhs_hint = false} : vector<4000x128xf32>, vector<128x128xf32>, vector<4000x128xf32> -> vector<4000x128xf32>
    %add3A = arith.addf %dot_general3A_13, %concatenate3A : vector<4000x128xf32>
    %max3A = arith.constant 0.000000e+00 : f32
    %max3A_14 = vector.broadcast %max3A : f32 to vector<4000x128xf32>
    %max3A_15 = arith.maximumf %add3A, %max3A_14 : vector<4000x128xf32>
    %get3A_16 = arith.constant 0 : index
    %get3A_17 = arith.constant 0 : index
    %get3A_18 = vector.load %arg4[%get3A_16, %get3A_17] : memref<128x128xf32, #tpu.memory_space<vmem>>, vector<128x128xf32>
    %dot_general3A_19 = arith.constant dense<0.000000e+00> : vector<4000x128xf32>
    %dot_general3A_20 = tpu.matmul %max3A_15, %get3A_18, %dot_general3A_19 {dimension_numbers = #tpu.dot_dimension_numbers<[1], [0], [0], [1], [0, 0, 1, 1], [], []>, transpose_lhs_hint = false} : vector<4000x128xf32>, vector<128x128xf32>, vector<4000x128xf32> -> vector<4000x128xf32>
    %get3A_21 = arith.constant 0 : index
    %get3A_22 = arith.constant 0 : index
    %get3A_23 = vector.load %arg5[%get3A_21, %get3A_22] : memref<1x128xf32, #tpu.memory_space<vmem>>, vector<1x128xf32>
    %add3A_24 = vector.broadcast %get3A_23 : vector<1x128xf32> to vector<4000x128xf32>
    %add3A_25 = arith.addf %dot_general3A_20, %add3A_24 : vector<4000x128xf32>
    %max3A_26 = arith.constant 0.000000e+00 : f32
    %max3A_27 = vector.broadcast %max3A_26 : f32 to vector<4000x128xf32>
    %max3A_28 = arith.maximumf %add3A_25, %max3A_27 : vector<4000x128xf32>
    %get3A_29 = arith.constant 0 : index
    %get3A_30 = arith.constant 0 : index
    %get3A_31 = vector.load %arg6[%get3A_29, %get3A_30] : memref<128x128xf32, #tpu.memory_space<vmem>>, vector<128x128xf32>
    %dot_general3A_32 = arith.constant dense<0.000000e+00> : vector<4000x128xf32>
    %dot_general3A_33 = tpu.matmul %max3A_28, %get3A_31, %dot_general3A_32 {dimension_numbers = #tpu.dot_dimension_numbers<[1], [0], [0], [1], [0, 0, 1, 1], [], []>, transpose_lhs_hint = false} : vector<4000x128xf32>, vector<128x128xf32>, vector<4000x128xf32> -> vector<4000x128xf32>
    %get3A_34 = arith.constant 0 : index
    %get3A_35 = arith.constant 0 : index
    %get3A_36 = vector.load %arg7[%get3A_34, %get3A_35] : memref<1x128xf32, #tpu.memory_space<vmem>>, vector<1x128xf32>
    %add3A_37 = vector.broadcast %get3A_36 : vector<1x128xf32> to vector<4000x128xf32>
    %add3A_38 = arith.addf %dot_general3A_33, %add3A_37 : vector<4000x128xf32>
    %slice3A = vector.extract_strided_slice %add3A_38 {offsets = [0, 0], sizes = [4000, 64], strides = [1, 1]} : vector<4000x128xf32> to vector<4000x64xf32>
    %bitcast_convert_type3A_39 = tpu.bitcast %slice3A : vector<4000x64xf32> -> vector<4000x64xi32>
    %slice3A_40 = vector.extract_strided_slice %add3A_38 {offsets = [0, 64], sizes = [4000, 64], strides = [1, 1]} : vector<4000x128xf32> to vector<4000x64xf32>
    %bitcast_convert_type3A_41 = tpu.bitcast %slice3A_40 : vector<4000x64xf32> -> vector<4000x64xi32>
    %add3A_42 = arith.constant 32768 : i32
    %add3A_43 = vector.broadcast %add3A_42 : i32 to vector<4000x64xi32>
    %add3A_44 = arith.addi %bitcast_convert_type3A_41, %add3A_43 : vector<4000x64xi32>
    %and3A_45 = arith.constant -65536 : i32
    %and3A_46 = vector.broadcast %and3A_45 : i32 to vector<4000x64xi32>
    %and3A_47 = arith.andi %add3A_44, %and3A_46 : vector<4000x64xi32>
    %add3A_48 = arith.constant 32768 : i32
    %add3A_49 = vector.broadcast %add3A_48 : i32 to vector<4000x64xi32>
    %add3A_50 = arith.addi %bitcast_convert_type3A_39, %add3A_49 : vector<4000x64xi32>
    %shift_right_logical3A = arith.constant 16 : i32
    %shift_right_logical3A_51 = vector.broadcast %shift_right_logical3A : i32 to vector<4000x64xi32>
    %shift_right_logical3A_52 = arith.shrui %add3A_50, %shift_right_logical3A_51 : vector<4000x64xi32>
    %or3A = arith.ori %and3A_47, %shift_right_logical3A_52 : vector<4000x64xi32>
    %swap3A = arith.constant 0 : index
    %swap3A_53 = arith.constant 0 : index
    %swap3A_54 = vector.load %arg8[%swap3A, %swap3A_53] : memref<4000x64xi32, #tpu.memory_space<vmem>>, vector<4000x64xi32>
    tpu.vector_store %arg8[%swap3A, %swap3A_53], %or3A {strides = array<i32>} : memref<4000x64xi32, #tpu.memory_space<vmem>>, vector<4000x64xi32>,
    return
  }
  func.func @transform_0(%arg0: i32) -> (i32, i32) {
    %add3A = arith.constant 0 : i32
    %add3A_0 = arith.addi %arg0, %add3A : i32
    %c0_i32 = arith.constant 0 : i32
    %c0_i32_1 = arith.constant 0 : i32
    return %add3A_0, %c0_i32 : i32, i32
  }
  func.func @transform_1(%arg0: i32) -> (i32, i32) {
    %c0_i32 = arith.constant 0 : i32
    %c0_i32_0 = arith.constant 0 : i32
    return %arg0, %c0_i32 : i32, i32
  }
  func.func @transform_2(%arg0: i32) -> (i32, i32) {
    %c0_i32 = arith.constant 0 : i32
    %c0_i32_0 = arith.constant 0 : i32
    %c0_i32_1 = arith.constant 0 : i32
    return %c0_i32, %c0_i32_0 : i32, i32
  }
  func.func @transform_3(%arg0: i32) -> (i32, i32) {
    %c0_i32 = arith.constant 0 : i32
    %c0_i32_0 = arith.constant 0 : i32
    %c0_i32_1 = arith.constant 0 : i32
    return %c0_i32, %c0_i32_0 : i32, i32
  }
  func.func @transform_4(%arg0: i32) -> (i32, i32) {
    %c0_i32 = arith.constant 0 : i32
    %c0_i32_0 = arith.constant 0 : i32
    %c0_i32_1 = arith.constant 0 : i32
    return %c0_i32, %c0_i32_0 : i32, i32
  }
  func.func @transform_5(%arg0: i32) -> (i32, i32) {
    %c0_i32 = arith.constant 0 : i32
    %c0_i32_0 = arith.constant 0 : i32
    %c0_i32_1 = arith.constant 0 : i32
    return %c0_i32, %c0_i32_0 : i32, i32
  }
  func.func @transform_6(%arg0: i32) -> (i32, i32) {
    %c0_i32 = arith.constant 0 : i32
    %c0_i32_0 = arith.constant 0 : i32
    %c0_i32_1 = arith.constant 0 : i32
    return %c0_i32, %c0_i32_0 : i32, i32
  }
  func.func @transform_7(%arg0: i32) -> (i32, i32) {
    %c0_i32 = arith.constant 0 : i32
    %c0_i32_0 = arith.constant 0 : i32
    return %arg0, %c0_i32 : i32, i32
  }
}

module attributes {stable_mosaic.version = 14 : i64} {
  func.func @body(%arg0: i32, %arg1: memref<2000x128xf32, #tpu.memory_space<vmem>>, %arg2: memref<2x2000x128xf32, #tpu.memory_space<vmem>>, %arg3: memref<2x2000x1xf32, #tpu.memory_space<vmem>>, %arg4: memref<128x512xf32, #tpu.memory_space<vmem>>, %arg5: memref<1x512xf32, #tpu.memory_space<vmem>>, %arg6: memref<512x128xf32, #tpu.memory_space<vmem>>, %arg7: memref<1x128xf32, #tpu.memory_space<vmem>>, %arg8: memref<1x128xf32, #tpu.memory_space<vmem>>, %arg9: memref<1x128xf32, #tpu.memory_space<vmem>>, %arg10: memref<1x128xf32, #tpu.memory_space<vmem>>, %arg11: memref<1x128xf32, #tpu.memory_space<vmem>>, %arg12: memref<2000x128xf32, #tpu.memory_space<vmem>>) attributes {dimension_semantics = [#tpu.dimension_semantics<arbitrary>], iteration_bounds = array<i64: 5>, scalar_prefetch = 0 : i64, scratch_operands = 0 : i64, tpu.core_type = #tpu.core_type<tc>, window_params = [{transform_indices = @transform_0, window_bounds = array<i64: 2000, 128>}, {transform_indices = @transform_1, window_bounds = array<i64: 2, 2000, 128>}, {transform_indices = @transform_2, window_bounds = array<i64: 2, 2000, 1>}, {pipeline_mode = #tpu.pipeline_mode<synchronous>, transform_indices = @transform_3, window_bounds = array<i64: 128, 512>}, {pipeline_mode = #tpu.pipeline_mode<synchronous>, transform_indices = @transform_4, window_bounds = array<i64: 1, 512>}, {pipeline_mode = #tpu.pipeline_mode<synchronous>, transform_indices = @transform_5, window_bounds = array<i64: 512, 128>}, {pipeline_mode = #tpu.pipeline_mode<synchronous>, transform_indices = @transform_6, window_bounds = array<i64: 1, 128>}, {pipeline_mode = #tpu.pipeline_mode<synchronous>, transform_indices = @transform_7, window_bounds = array<i64: 1, 128>}, {pipeline_mode = #tpu.pipeline_mode<synchronous>, transform_indices = @transform_8, window_bounds = array<i64: 1, 128>}, {pipeline_mode = #tpu.pipeline_mode<synchronous>, transform_indices = @transform_9, window_bounds = array<i64: 1, 128>}, {pipeline_mode = #tpu.pipeline_mode<synchronous>, transform_indices = @transform_10, window_bounds = array<i64: 1, 128>}, {transform_indices = @transform_11, window_bounds = array<i64: 2000, 128>}]} {
    %get3A = arith.constant 0 : index
    %get3A_0 = arith.constant 0 : index
    %get3A_1 = arith.constant 0 : index
    %get3A_2 = vector.load %arg2[%get3A, %get3A_0, %get3A_1] : memref<2x2000x128xf32, #tpu.memory_space<vmem>>, vector<1x2000x128xf32>
    %get3A_3 = vector.shape_cast %get3A_2 : vector<1x2000x128xf32> to vector<2000x128xf32>
    %get3A_4 = arith.constant 0 : index
    %get3A_5 = arith.constant 0 : index
    %get3A_6 = arith.constant 0 : index
    %get3A_7 = vector.load %arg3[%get3A_4, %get3A_5, %get3A_6] : memref<2x2000x1xf32, #tpu.memory_space<vmem>>, vector<1x2000x1xf32>
    %get3A_8 = vector.shape_cast %get3A_7 : vector<1x2000x1xf32> to vector<2000x1xf32>
    %get3A_9 = arith.constant 1 : index
    %get3A_10 = arith.constant 0 : index
    %get3A_11 = arith.constant 0 : index
    %get3A_12 = vector.load %arg2[%get3A_9, %get3A_10, %get3A_11] : memref<2x2000x128xf32, #tpu.memory_space<vmem>>, vector<1x2000x128xf32>
    %get3A_13 = vector.shape_cast %get3A_12 : vector<1x2000x128xf32> to vector<2000x128xf32>
    %add3A = arith.addf %get3A_3, %get3A_13 : vector<2000x128xf32>
    %get3A_14 = arith.constant 1 : index
    %get3A_15 = arith.constant 0 : index
    %get3A_16 = arith.constant 0 : index
    %get3A_17 = vector.load %arg3[%get3A_14, %get3A_15, %get3A_16] : memref<2x2000x1xf32, #tpu.memory_space<vmem>>, vector<1x2000x1xf32>
    %get3A_18 = vector.shape_cast %get3A_17 : vector<1x2000x1xf32> to vector<2000x1xf32>
    %add3A_19 = arith.addf %get3A_8, %get3A_18 : vector<2000x1xf32>
    %gt3A = arith.constant 0.000000e+00 : f32
    %gt3A_20 = vector.broadcast %gt3A : f32 to vector<2000x1xf32>
    %gt3A_21 = arith.cmpf ogt, %add3A_19, %gt3A_20 : vector<2000x1xf32>
    %jit3A = arith.constant 1.000000e+00 : f32
    %broadcast_in_dim3A = vector.broadcast %jit3A : f32 to vector<2000x1xf32>
    %select_n3A = arith.select %gt3A_21, %add3A_19, %broadcast_in_dim3A : vector<2000x1xi1>, vector<2000x1xf32>
    %div3A = arith.constant 1.000000e+00 : f32
    %div3A_22 = vector.broadcast %div3A : f32 to vector<2000x1xf32>
    %div3A_23 = arith.divf %div3A_22, %select_n3A : vector<2000x1xf32>
    %jit3A_24 = arith.constant 0.000000e+00 : f32
    %broadcast_in_dim3A_25 = vector.broadcast %jit3A_24 : f32 to vector<2000x1xf32>
    %select_n3A_26 = arith.select %gt3A_21, %div3A_23, %broadcast_in_dim3A_25 : vector<2000x1xi1>, vector<2000x1xf32>
    %get3A_27 = arith.constant 0 : index
    %get3A_28 = arith.constant 0 : index
    %get3A_29 = vector.load %arg1[%get3A_27, %get3A_28] : memref<2000x128xf32, #tpu.memory_space<vmem>>, vector<2000x128xf32>
    %mul3A = vector.broadcast %select_n3A_26 : vector<2000x1xf32> to vector<2000x128xf32>
    %mul3A_30 = arith.mulf %add3A, %mul3A : vector<2000x128xf32>
    %add3A_31 = arith.addf %get3A_29, %mul3A_30 : vector<2000x128xf32>
    %reduce_sum3A = arith.constant dense<0.000000e+00> : vector<2000xf32>
    %reduce_sum3A_32 = vector.multi_reduction <add>, %add3A_31, %reduce_sum3A [1] : vector<2000x128xf32> to vector<2000xf32>
    %broadcast_in_dim3A_33 = vector.shape_cast %reduce_sum3A_32 : vector<2000xf32> to vector<2000x1xf32>
    %div3A_34 = arith.constant 1.280000e+02 : f32
    %div3A_35 = vector.broadcast %div3A_34 : f32 to vector<2000x1xf32>
    %div3A_36 = arith.divf %broadcast_in_dim3A_33, %div3A_35 : vector<2000x1xf32>
    %sub3A = vector.broadcast %div3A_36 : vector<2000x1xf32> to vector<2000x128xf32>
    %sub3A_37 = arith.subf %add3A_31, %sub3A : vector<2000x128xf32>
    %integer_pow3A = arith.mulf %sub3A_37, %sub3A_37 : vector<2000x128xf32>
    %reduce_sum3A_38 = arith.constant dense<0.000000e+00> : vector<2000xf32>
    %reduce_sum3A_39 = vector.multi_reduction <add>, %integer_pow3A, %reduce_sum3A_38 [1] : vector<2000x128xf32> to vector<2000xf32>
    %broadcast_in_dim3A_40 = vector.shape_cast %reduce_sum3A_39 : vector<2000xf32> to vector<2000x1xf32>
    %div3A_41 = arith.constant 1.280000e+02 : f32
    %div3A_42 = vector.broadcast %div3A_41 : f32 to vector<2000x1xf32>
    %div3A_43 = arith.divf %broadcast_in_dim3A_40, %div3A_42 : vector<2000x1xf32>
    %sub3A_44 = vector.broadcast %div3A_36 : vector<2000x1xf32> to vector<2000x128xf32>
    %sub3A_45 = arith.subf %add3A_31, %sub3A_44 : vector<2000x128xf32>
    %add3A_46 = arith.constant 9.99999974E-6 : f32
    %add3A_47 = vector.broadcast %add3A_46 : f32 to vector<2000x1xf32>
    %add3A_48 = arith.addf %div3A_43, %add3A_47 : vector<2000x1xf32>
    %rsqrt3A = math.rsqrt %add3A_48 : vector<2000x1xf32>
    %mul3A_49 = vector.broadcast %rsqrt3A : vector<2000x1xf32> to vector<2000x128xf32>
    %mul3A_50 = arith.mulf %sub3A_45, %mul3A_49 : vector<2000x128xf32>
    %get3A_51 = arith.constant 0 : index
    %get3A_52 = arith.constant 0 : index
    %get3A_53 = vector.load %arg8[%get3A_51, %get3A_52] : memref<1x128xf32, #tpu.memory_space<vmem>>, vector<1x128xf32>
    %mul3A_54 = vector.broadcast %get3A_53 : vector<1x128xf32> to vector<2000x128xf32>
    %mul3A_55 = arith.mulf %mul3A_50, %mul3A_54 : vector<2000x128xf32>
    %get3A_56 = arith.constant 0 : index
    %get3A_57 = arith.constant 0 : index
    %get3A_58 = vector.load %arg9[%get3A_56, %get3A_57] : memref<1x128xf32, #tpu.memory_space<vmem>>, vector<1x128xf32>
    %add3A_59 = vector.broadcast %get3A_58 : vector<1x128xf32> to vector<2000x128xf32>
    %add3A_60 = arith.addf %mul3A_55, %add3A_59 : vector<2000x128xf32>
    %get3A_61 = arith.constant 0 : index
    %get3A_62 = arith.constant 0 : index
    %get3A_63 = vector.load %arg4[%get3A_61, %get3A_62] : memref<128x512xf32, #tpu.memory_space<vmem>>, vector<128x512xf32>
    %dot_general3A = arith.constant dense<0.000000e+00> : vector<2000x512xf32>
    %dot_general3A_64 = tpu.matmul %add3A_60, %get3A_63, %dot_general3A {dimension_numbers = #tpu.dot_dimension_numbers<[1], [0], [0], [1], [0, 0, 1, 1], [], []>, transpose_lhs_hint = false} : vector<2000x128xf32>, vector<128x512xf32>, vector<2000x512xf32> -> vector<2000x512xf32>
    %get3A_65 = arith.constant 0 : index
    %get3A_66 = arith.constant 0 : index
    %get3A_67 = vector.load %arg5[%get3A_65, %get3A_66] : memref<1x512xf32, #tpu.memory_space<vmem>>, vector<1x512xf32>
    %add3A_68 = vector.broadcast %get3A_67 : vector<1x512xf32> to vector<2000x512xf32>
    %add3A_69 = arith.addf %dot_general3A_64, %add3A_68 : vector<2000x512xf32>
    %max3A = arith.constant 0.000000e+00 : f32
    %max3A_70 = vector.broadcast %max3A : f32 to vector<2000x512xf32>
    %max3A_71 = arith.maximumf %add3A_69, %max3A_70 : vector<2000x512xf32>
    %get3A_72 = arith.constant 0 : index
    %get3A_73 = arith.constant 0 : index
    %get3A_74 = vector.load %arg6[%get3A_72, %get3A_73] : memref<512x128xf32, #tpu.memory_space<vmem>>, vector<512x128xf32>
    %dot_general3A_75 = arith.constant dense<0.000000e+00> : vector<2000x128xf32>
    %dot_general3A_76 = tpu.matmul %max3A_71, %get3A_74, %dot_general3A_75 {dimension_numbers = #tpu.dot_dimension_numbers<[1], [0], [0], [1], [0, 0, 1, 1], [], []>, transpose_lhs_hint = false} : vector<2000x512xf32>, vector<512x128xf32>, vector<2000x128xf32> -> vector<2000x128xf32>
    %add3A_77 = arith.addf %add3A_60, %dot_general3A_76 : vector<2000x128xf32>
    %get3A_78 = arith.constant 0 : index
    %get3A_79 = arith.constant 0 : index
    %get3A_80 = vector.load %arg7[%get3A_78, %get3A_79] : memref<1x128xf32, #tpu.memory_space<vmem>>, vector<1x128xf32>
    %add3A_81 = vector.broadcast %get3A_80 : vector<1x128xf32> to vector<2000x128xf32>
    %add3A_82 = arith.addf %add3A_77, %add3A_81 : vector<2000x128xf32>
    %reduce_sum3A_83 = arith.constant dense<0.000000e+00> : vector<2000xf32>
    %reduce_sum3A_84 = vector.multi_reduction <add>, %add3A_82, %reduce_sum3A_83 [1] : vector<2000x128xf32> to vector<2000xf32>
    %broadcast_in_dim3A_85 = vector.shape_cast %reduce_sum3A_84 : vector<2000xf32> to vector<2000x1xf32>
    %div3A_86 = arith.constant 1.280000e+02 : f32
    %div3A_87 = vector.broadcast %div3A_86 : f32 to vector<2000x1xf32>
    %div3A_88 = arith.divf %broadcast_in_dim3A_85, %div3A_87 : vector<2000x1xf32>
    %sub3A_89 = vector.broadcast %div3A_88 : vector<2000x1xf32> to vector<2000x128xf32>
    %sub3A_90 = arith.subf %add3A_82, %sub3A_89 : vector<2000x128xf32>
    %integer_pow3A_91 = arith.mulf %sub3A_90, %sub3A_90 : vector<2000x128xf32>
    %reduce_sum3A_92 = arith.constant dense<0.000000e+00> : vector<2000xf32>
    %reduce_sum3A_93 = vector.multi_reduction <add>, %integer_pow3A_91, %reduce_sum3A_92 [1] : vector<2000x128xf32> to vector<2000xf32>
    %broadcast_in_dim3A_94 = vector.shape_cast %reduce_sum3A_93 : vector<2000xf32> to vector<2000x1xf32>
    %div3A_95 = arith.constant 1.280000e+02 : f32
    %div3A_96 = vector.broadcast %div3A_95 : f32 to vector<2000x1xf32>
    %div3A_97 = arith.divf %broadcast_in_dim3A_94, %div3A_96 : vector<2000x1xf32>
    %sub3A_98 = vector.broadcast %div3A_88 : vector<2000x1xf32> to vector<2000x128xf32>
    %sub3A_99 = arith.subf %add3A_82, %sub3A_98 : vector<2000x128xf32>
    %add3A_100 = arith.constant 9.99999974E-6 : f32
    %add3A_101 = vector.broadcast %add3A_100 : f32 to vector<2000x1xf32>
    %add3A_102 = arith.addf %div3A_97, %add3A_101 : vector<2000x1xf32>
    %rsqrt3A_103 = math.rsqrt %add3A_102 : vector<2000x1xf32>
    %mul3A_104 = vector.broadcast %rsqrt3A_103 : vector<2000x1xf32> to vector<2000x128xf32>
    %mul3A_105 = arith.mulf %sub3A_99, %mul3A_104 : vector<2000x128xf32>
    %get3A_106 = arith.constant 0 : index
    %get3A_107 = arith.constant 0 : index
    %get3A_108 = vector.load %arg10[%get3A_106, %get3A_107] : memref<1x128xf32, #tpu.memory_space<vmem>>, vector<1x128xf32>
    %mul3A_109 = vector.broadcast %get3A_108 : vector<1x128xf32> to vector<2000x128xf32>
    %mul3A_110 = arith.mulf %mul3A_105, %mul3A_109 : vector<2000x128xf32>
    %get3A_111 = arith.constant 0 : index
    %get3A_112 = arith.constant 0 : index
    %get3A_113 = vector.load %arg11[%get3A_111, %get3A_112] : memref<1x128xf32, #tpu.memory_space<vmem>>, vector<1x128xf32>
    %add3A_114 = vector.broadcast %get3A_113 : vector<1x128xf32> to vector<2000x128xf32>
    %add3A_115 = arith.addf %mul3A_110, %add3A_114 : vector<2000x128xf32>
    %swap3A = arith.constant 0 : index
    %swap3A_116 = arith.constant 0 : index
    %swap3A_117 = vector.load %arg12[%swap3A, %swap3A_116] : memref<2000x128xf32, #tpu.memory_space<vmem>>, vector<2000x128xf32>
    tpu.vector_store %arg12[%swap3A, %swap3A_116], %add3A_115 {strides = array<i32>} : memref<2000x128xf32, #tpu.memory_space<vmem>>, vector<2000x128xf32>,
    return
  }
  func.func @transform_0(%arg0: i32) -> (i32, i32) {
    %c0_i32 = arith.constant 0 : i32
    %c0_i32_0 = arith.constant 0 : i32
    return %arg0, %c0_i32 : i32, i32
  }
  func.func @transform_1(%arg0: i32) -> (i32, i32, i32) {
    %c0_i32 = arith.constant 0 : i32
    %c0_i32_0 = arith.constant 0 : i32
    %c0_i32_1 = arith.constant 0 : i32
    return %c0_i32, %arg0, %c0_i32_0 : i32, i32, i32
  }
  func.func @transform_2(%arg0: i32) -> (i32, i32, i32) {
    %c0_i32 = arith.constant 0 : i32
    %c0_i32_0 = arith.constant 0 : i32
    %c0_i32_1 = arith.constant 0 : i32
    return %c0_i32, %arg0, %c0_i32_0 : i32, i32, i32
  }
  func.func @transform_3(%arg0: i32) -> (i32, i32) {
    %c0_i32 = arith.constant 0 : i32
    %c0_i32_0 = arith.constant 0 : i32
    %c0_i32_1 = arith.constant 0 : i32
    return %c0_i32, %c0_i32_0 : i32, i32
  }
  func.func @transform_4(%arg0: i32) -> (i32, i32) {
    %c0_i32 = arith.constant 0 : i32
    %c0_i32_0 = arith.constant 0 : i32
    %c0_i32_1 = arith.constant 0 : i32
    return %c0_i32, %c0_i32_0 : i32, i32
  }
  func.func @transform_5(%arg0: i32) -> (i32, i32) {
    %c0_i32 = arith.constant 0 : i32
    %c0_i32_0 = arith.constant 0 : i32
    %c0_i32_1 = arith.constant 0 : i32
    return %c0_i32, %c0_i32_0 : i32, i32
  }
  func.func @transform_6(%arg0: i32) -> (i32, i32) {
    %c0_i32 = arith.constant 0 : i32
    %c0_i32_0 = arith.constant 0 : i32
    %c0_i32_1 = arith.constant 0 : i32
    return %c0_i32, %c0_i32_0 : i32, i32
  }
  func.func @transform_7(%arg0: i32) -> (i32, i32) {
    %c0_i32 = arith.constant 0 : i32
    %c0_i32_0 = arith.constant 0 : i32
    %c0_i32_1 = arith.constant 0 : i32
    return %c0_i32, %c0_i32_0 : i32, i32
  }
  func.func @transform_8(%arg0: i32) -> (i32, i32) {
    %c0_i32 = arith.constant 0 : i32
    %c0_i32_0 = arith.constant 0 : i32
    %c0_i32_1 = arith.constant 0 : i32
    return %c0_i32, %c0_i32_0 : i32, i32
  }
  func.func @transform_9(%arg0: i32) -> (i32, i32) {
    %c0_i32 = arith.constant 0 : i32
    %c0_i32_0 = arith.constant 0 : i32
    %c0_i32_1 = arith.constant 0 : i32
    return %c0_i32, %c0_i32_0 : i32, i32
  }
  func.func @transform_10(%arg0: i32) -> (i32, i32) {
    %c0_i32 = arith.constant 0 : i32
    %c0_i32_0 = arith.constant 0 : i32
    %c0_i32_1 = arith.constant 0 : i32
    return %c0_i32, %c0_i32_0 : i32, i32
  }
  func.func @transform_11(%arg0: i32) -> (i32, i32) {
    %c0_i32 = arith.constant 0 : i32
    %c0_i32_0 = arith.constant 0 : i32
    return %arg0, %c0_i32 : i32, i32
  }
}

</mosaic_0001>

<sc_bundles>
// kernel: kernel.10.cloned.1.call-start
scs
__scs_entry_jumppad:
0x0: {  	(pc) =	sbr.rel $0x88, $3  }
0x1: {  	(tag) =	ssettag $0x0;
	lr =	simm.s32 $0x1  }
0x2: {  	[smem:$0x3F90] =	sst lr;
	_ =	strace $0xD0000000  }
0x3: {  	_ = 	snop  }
0x4: {  	_ = 	snop  }
0x5: {  	_ = 	snop  }
0x6: {  	_ = 	snop  }
0x7: {  	_ = 	snop  }
__scs_overlays_trampoline_lowered:
0x8: {  	[smem:$0x3F9F] =	sst s0  }
0x9: {  	[smem:$0x3FA0] =	sst s1  }
0xa: {  	[smem:$0x3FA1] =	sst s2  }
0xb: {  	[smem:$0x3FA2] =	sst s3  }
0xc: {  	[smem:$0x3FA3] =	sst s4  }
0xd: {  	[smem:$0x3FA4] =	sst s5  }
0xe: {  	[smem:$0x3FA5] =	sst s6  }
0xf: {  	[smem:$0x3FA6] =	sst s7  }
0x10: {  	[smem:$0x3FA7] =	sst s8  }
0x11: {  	[smem:$0x3FA8] =	sst s9;
	s0 =	simm.s32 @!p0 $0x0  }
0x12: {  	s1 =	sld [smem:$0x3F8E];
	s0 =	simm.s32 @p0 $0x1  }
0x13: {  	[smem:$0x3FA9] =	sst s0;
	s0 =	simm.s32 @!p1 $0x0  }
0x14: {  	s2 =	sld [smem:$0x3F8D];
	s0 =	simm.s32 @p1 $0x1  }
0x15: {  	[smem:$0x3FAA] =	sst s0;
	s0 =	simm.s32 @!p2 $0x0  }
0x16: {  	s3 =	sld [smem:$0x3FDB];
	s0 =	simm.s32 @p2 $0x1  }
0x17: {  	s4 =	simm.s32 $0x1BF5;
	[smem:$0x3FAC] =	sst s0  }
0x18: {  	s0 =	sld [smem:$0x3F8F];
	_ =	swait.ge [sflag:s4], $0x0  }
0x19: {  	s7 =	sld [smem:$0x3F90]  }
0x1a: {  	s8 =	sadd.s32 $0xFFFFE003, lr  }
0x1b: {  	s9 =	sadd.s32 $0xFFFFFEF7, lr;
	s5 =	simm.s32 $0xFFFFFFFF;
	p2 =	slt.u32 s8, $0xFFFFF086  }
0x1c: {  	p1 =	slt.u32 s9, $0xF7A;
	s5 =	simm.s32 @!p2 $0x0  }
0x1d: {  	s5 =	simm.s32 @p1 $0x1;
	p0 =	seq.s32 s7, s2  }
0x1e: {  	s7 =	smul.u32 @!p0 $0xF7A, s2;
	p2 =	seq.s32 @!p0 s5, $0x0  }
0x1f: {  	s9 =	smul.u32 $0xF7A, s1;
	s8 =	simm.s32 @!p0 $0x1BF5;
	p2 =	por !p2, p0  }
0x20: {  	[sflag:s8] =	ssyncset.s32 @!p0 $0xFFFFF086;
	s6 =	sadd.s32 @!p0 s3, s7;
	s7 =	simm.s32 @!p0 $0x108  }
0x21: {  	s3 =	sadd.s32 s3, s9;
	s6 =	sadd.s32 @!p0 $0x88, s6;
	s7 =	simm.s32 @p2 $0x1082  }
0x22: {  	[simem:s7], [sflag:s8] =	dma.local @!p0 [hbm:s6], $0xF7A  }
0x23: {  	s9 =	sor.u32 $0xD0000000, s2;
	s6 =	simm.s32 $0x108;
	_ =	swait.ge @!p0 [sflag:s8], $0x0  }
0x24: {  	s3 =	sadd.s32 $0x88, s3;
	s6 =	simm.s32 @!p1 $0x1082;
	[sflag:s4] =	ssyncset.s32 $0xFFFFF086  }
0x25: {  	[simem:s6], [sflag:s4] =	dma.local [hbm:s3], $0xF7A  }
0x26: {  	[smem:$0x3F90] =	sst s1;
	(tag) =	ssettag s2;
	_ =	strace s9  }
0x27: {  	s1 =	sld [smem:$0x3FA0]  }
0x28: {  	s2 =	sld [smem:$0x3FA1]  }
0x29: {  	s4 =	sld [smem:$0x3FA3]  }
0x2a: {  	p0 =	seq.s32 s5, $0x0;
	s5 =	sld [smem:$0x3FA4]  }
0x2b: {  	s6 =	sld [smem:$0x3FA5]  }
0x2c: {  	s7 =	sld [smem:$0x3FA6]  }
0x2d: {  	s3 =	simm.s32 $0x108;
	s8 =	sld [smem:$0x3FA7]  }
0x2e: {  	s3 =	simm.s32 @!p0 $0x1082;
	s9 =	sld [smem:$0x3FA8]  }
0x2f: {  	lr =	sadd.s32 s0, s3;
	s0 =	sld [smem:$0x3F9F]  }
0x30: {  	s3 =	sld [smem:$0x3FA2]  }
0x31: {  	[smem:$0x3FAB] =	sst s10  }
0x32: {  	s10 =	sld [smem:$0x3FA9];
	_ =	sdelay $0x3  }
0x33: {  	p0 =	seq.s32 s10, $0x1;
	s10 =	sld [smem:$0x3FAB];
	_ =	sdelay $0x3  }
0x34: {  	[smem:$0x3FAB] =	sst s10  }
0x35: {  	s10 =	sld [smem:$0x3FAA];
	_ =	sdelay $0x3  }
0x36: {  	p1 =	seq.s32 s10, $0x1;
	s10 =	sld [smem:$0x3FAB];
	_ =	sdelay $0x3  }
0x37: {  	[smem:$0x3FAB] =	sst s10  }
0x38: {  	s10 =	sld [smem:$0x3FAC]  }
0x39: {  	_ = 	snop;
	(pc) =	sbr.ind lr, $3  }
0x3a: {  	_ = 	snop  }
0x3b: {  	_ = 	snop  }
0x3c: {  	p2 =	seq.s32 s10, $0x1;
	s10 =	sld [smem:$0x3FAB]  }
0x3d: {  	_ =	shalt  }
0x3e: {  	_ =	shalt  }
0x3f: {  	_ =	shalt  }
0x40: {  	_ =	shalt  }
0x41: {  	_ =	shalt  }
0x42: {  	_ =	shalt  }
0x43: {  	_ =	shalt  }
0x44: {  	_ =	shalt  }
0x45: {  	_ =	shalt  }
0x46: {  	_ =	shalt  }
0x47: {  	_ =	shalt  }
0x48: {  	_ =	shalt  }
0x49: {  	_ =	shalt  }
0x4a: {  	_ =	shalt  }
0x4b: {  	_ =	shalt  }
0x4c: {  	_ =	shalt  }
0x4d: {  	_ =	shalt  }
0x4e: {  	_ =	shalt  }
0x4f: {  	_ =	shalt  }
0x50: {  	_ =	shalt  }
0x51: {  	_ =	shalt  }
0x52: {  	_ =	shalt  }
0x53: {  	_ =	shalt  }
0x54: {  	_ =	shalt  }
0x55: {  	_ =	shalt  }
0x56: {  	_ =	shalt  }
0x57: {  	_ =	shalt  }
0x58: {  	_ =	shalt  }
0x59: {  	_ =	shalt  }
0x5a: {  	_ =	shalt  }
0x5b: {  	_ =	shalt  }
0x5c: {  	_ =	shalt  }
0x5d: {  	_ =	shalt  }
0x5e: {  	_ =	shalt  }
0x5f: {  	_ =	shalt  }
0x60: {  	_ =	shalt  }
0x61: {  	_ =	shalt  }
0x62: {  	_ =	shalt  }
0x63: {  	_ =	shalt  }
0x64: {  	_ =	shalt  }
0x65: {  	_ =	shalt  }
0x66: {  	_ =	shalt  }
0x67: {  	_ =	shalt  }
0x68: {  	_ =	shalt  }
0x69: {  	_ =	shalt  }
0x6a: {  	_ =	shalt  }
0x6b: {  	_ =	shalt  }
0x6c: {  	_ =	shalt  }
0x6d: {  	_ =	shalt  }
0x6e: {  	_ =	shalt  }
0x6f: {  	_ =	shalt  }
0x70: {  	_ =	shalt  }
0x71: {  	_ =	shalt  }
0x72: {  	_ =	shalt  }
0x73: {  	_ =	shalt  }
0x74: {  	_ =	shalt  }
0x75: {  	_ =	shalt  }
0x76: {  	_ =	shalt  }
0x77: {  	_ =	shalt  }
0x78: {  	_ =	shalt  }
0x79: {  	_ =	shalt  }
0x7a: {  	_ =	shalt  }
0x7b: {  	_ =	shalt  }
0x7c: {  	_ =	shalt  }
0x7d: {  	_ =	shalt  }
0x7e: {  	_ =	shalt  }
0x7f: {  	_ =	shalt  }
0x80: {  	_ =	shalt  }
0x81: {  	_ =	shalt  }
0x82: {  	_ =	shalt  }
0x83: {  	_ =	shalt  }
0x84: {  	_ =	shalt  }
0x85: {  	_ =	shalt  }
0x86: {  	_ =	shalt  }
0x87: {  	_ =	shalt  }
.Lfunc_end0:
.L_simem_size_0:
called_computation.1_lowered:
.L_overlay_start_0:
0x88: {  	s2 =	sld [smem:$0x3FD9]  }
0x89: {  	s3 =	sld [smem:$0x3FFE];
	_ =	sdelay $0x1  }
0x8a: {  	s1 =	srdreg.scid  }
0x8b: {  	s0 =	sand.u32 $0x1, s1  }
0x8c: {  	s17 =	sshll.u32 s0, $0xA;
	s2 =	sadd.s32 s3, s2  }
0x8d: {  	s2 =	sadd.s32 s2, s17  }
0x8e: {  	[smem:$0x3FB7] =	sst s2  }
0x8f: {  	_ = 	snop  }
0x90: {  	s2 =	sld [smem:$0x3FD0];
	(tm) =	ssettm $0x1  }
0x91: {  	s18 =	sld [smem:$0x3FFB];
	_ =	sdelay $0x3  }
0x92: {  	_ =	strace s18  }
0x93: {  	s3 =	sld [smem:$0x3FFC];
	_ =	sdelay $0x3  }
0x94: {  	_ =	strace s3  }
0x95: {  	s3 =	sld [smem:$0x3FFD];
	_ =	sdelay $0x3  }
0x96: {  	_ =	strace s3  }
0x97: {  	_ =	strace $0x8FFFFFFF  }
0x98: {  	s19 =	sld [smem:$0x3FDB];
	_ =	sdelay $0x1  }
0x99: {  	s4 =	simm.s32 $_scs_section_size  }
0x9a: {  	s5 =	simm.s32 $_size__tile_overlayer_lowered;
	s6 =	simm.s32 $_tile_overlayer_lowered  }
0x9b: {  	s22 =	simm.s32 $0x1BFF;
	s21 =	sshll.u32 s6, $0x1;
	s3 =	sadd.s32 s4, s19  }
0x9c: {  	s7 =	simm.s32 $0x0;
	s20 =	sshll.u32 s5, $0x1;
	s5 =	sadd.s32 s21, s3  }
0x9d: {  	[timem:s7], [sflag:s22] =	dma.local [hbm:s5], s20  }
0x9e: {  	_ =	swait.ge [sflag:s22], s20  }
0x9f: {  	s4 =	ssub.s32 $0x0, s20;
	[sflag:s22] =	ssyncset.done $0x0  }
0xa0: {  	[sflag:s22] =	ssyncadd.s32 s4;
	_ =	sdelay $0x1  }
0xa1: {  	s23 =	simm.s32 $0x1B8B  }
0xa2: {  	_ =	swait.ge [sflag:s23], $0x1  }
0xa3: {  	[sflag:s23] =	ssyncset.done $0x0  }
0xa4: {  	s25 =	simm.s32 $0x1B8E;
	s24 =	sld [smem:$0x3FFE];
	[sflag:s23] =	ssyncadd.s32 $0xFFFFFFFF  }
0xa5: {  	s26 =	simm.s32 $execute0_lowered;
	[smem:$0x3FD2] =	sst s25  }
0xa6: {  	s5 =	sshll.u32 s26, $0x1;
	_ =	strace $0x80000049;
	[dreg:$0x1] =	wrdreg $0xFFFFFFFF  }
0xa7: {  	s28 =	simm.s32 $_size_execute0_lowered;
	s3 =	sadd.s32 s3, s5;
	[dreg:$0x0] =	wrdreg $0x0  }
0xa8: {  	s5 =	sshll.u32 s28, $0x1;
	[dreg:$0x2] =	wrdreg s3  }
0xa9: {  	[dreg:$0x3] =	wrdreg s5  }
0xaa: {  	[dreg:$0x4] =	wrdreg $0xC0  }
0xab: {  	_ =	task [dreg:s7], $0x5FFFF  }
0xac: {  	[dreg:$0x1] =	wrdreg $0xFFFFFFFF  }
0xad: {  	[dreg:$0x0] =	wrdreg $0x60  }
0xae: {  	[dreg:$0x2] =	wrdreg s24  }
0xaf: {  	[dreg:$0x3] =	wrdreg s2  }
0xb0: {  	[dreg:$0x4] =	wrdreg $0x89800  }
0xb1: {  	[dreg:$0x5] =	wrdreg $0x1C2000  }
0xb2: {  	[dreg:$0x6] =	wrdreg $0x9  }
0xb3: {  	_ =	task.clear_ibuf [dreg:s7], $0x7FFFF;
	_ =	strace $0x90000049  }
0xb4: {  	s29 =	simm.s32 $0x9;
	_ =	strace $0x8000004B  }
0xb5: {  	_ =	swait.ge [sflag:s29], $0x1  }
0xb6: {  	[sflag:s29] =	ssyncadd.s32 $0xFFFFFFFF  }
0xb7: {  	_ =	strace $0x9000004B  }
0xb8: {  	_ =	sfence  }
0xb9: {  	s30 =	sld [smem:$0x0];
	_ =	sdelay $0x2  }
0xba: {  	s31 =	sshll.u32 s1, $0xD;
	s1 =	sshrl.u32 s1, $0x2  }
0xbb: {  	s3 =	sand.u32 $0x4000, s31;
	s1 =	sadd.s32 s1, s30  }
0xbc: {  	s0 =	sor.u32 s3, s0;
	s1 =	sshll.u32 s1, $0x11  }
0xbd: {  	s0 =	sor.u32 s1, s0  }
0xbe: {  	s0 =	sadd.s32 $0x8F2B, s0  }
0xbf: {  	[sflag:s0] =	ssyncadd.remote.s32 $0x1  }
0xc0: {  	_ =	sfence.sel $0xFFFF  }
0xc1: {  	[dreg:$0x0] =	wrdreg $0xFFFFFFFF;
	(pc) =	sbr.abs _section_cstart, $3  }
0xc2: {  	[dreg:$0x1] =	wrdreg $0xFFFFFFFF  }
0xc3: {  	_ =	task.clear_ibuf [dreg:s7], $0x2FFFF;
	_ =	strace $0x9FFFFFFF  }
0xc4: {  	(tm) =	ssettm $0x7FFFFFFF  }
0xc5: {  	_ =	shalt  }
tec
execute0_lowered:
.L_overlay_start_1:
0x0: {  	(tag) =	ssettag $0x1  }
0x1: {  	s0 =	rddreg [dreg:$0x0]  }
0x2: {  	s3 =	rddreg [dreg:$0x1]  }
0x3: {  	s1 =	rddreg [dreg:$0x2];
	s20 =	stileid.u32  }
0x4: {  	s2 =	rddreg [dreg:$0x3];
	s7 =	smul.u32 $0x1F400, s20  }
0x5: {  	s4 =	srdreg.scid;
	s5 =	simm.s32 $0x0;
	s9 =	smul.u32 $0x7D0, s20  }
0x6: {  	s28 =	simm.s32 $0x8100;
	s29 =	simm.s32 $0x1C478;
	s11 =	smul.u32 $0x7D000, s20  }
0x7: {  	s31 =	simm.s32 $0x10;
	s4 =	sand.u32 $0x1, s4;
	s12 =	smul.u32 $0x3E80, s20  }
0x8: {  	[smem:$0x7FF] =	sst s5;
	s5 =	sadd.s32 $0x520800, s0;
	s14 =	smul.u32 $0x1F40, s20  }
0x9: {  	s8 =	sshll.u32 s20, $0x1;
	p1 =	sgt.u32 s20, $0x9;
	s6 =	smul.u32 $0x138800, s4  }
0xa: {  	_ =	strace $0x8000004A;
	s8 =	sor.u32 s4, s8;
	s23 =	ssub.s32 $0x2, s4  }
0xb: {  	p0 =	seq.s32 s4, $0x1;
	p3 =	sgt.u32 @!p1 s20, $0x4;
	p4 =	sne.s32 s4, $0x0  }
0xc: {  	s22 =	sshrl.u32 s9, $0x3;
	s13 =	sshrl.u32 s23, $0x1;
	s11 =	sshrl.u32 s11, $0x2  }
0xd: {  	s3 =	sadd.s32 s3, s12;
	s24 =	sshrl.u32 s14, $0x2;
	s16 =	sadd.s32 s9, s2  }
0xe: {  	p2 =	por p3, p1;
	p3 =	por !p3, p1;
	s7 =	sadd.s32 s7, s6  }
0xf: {  	s6 =	sadd.s32 $0xD400, s0;
	s19 =	ssub.s32 s23, s13;
	s21 =	sadd.s32 s11, s1  }
0x10: {  	[dreg:$0x5] =	wrdreg s3;
	s3 =	sadd.s32 s24, s2;
	s23 =	simm.s32 $0x1  }
0x11: {  	s24 =	simm.s32 $0x80;
	s10 =	sshrl.u32 s7, $0x3;
	s7 =	smul.u32 $0x2710, s8  }
0x12: {  	s8 =	smul.u32 $0x27100, s8;
	[dreg:$0x6] =	wrdreg s3;
	s19 =	smax.u32 s19, $0x1  }
0x13: {  	s21 =	sshrl.u32 @!p1 s21, $0x3;
	s15 =	sadd.s32 s10, s0;
	s0 =	sadd.s32 s22, s0  }
0x14: {  	s22 =	simm.s32 $0x100;
	s25 =	sshrl.u32 s7, $0x3;
	s26 =	sadd.s32 $0x2700, s7  }
0x15: {  	s11 =	sadd.s32 s5, s8;
	s12 =	sadd.s32 $0x100, s7;
	s15 =	sadd.s32 $0x17200, s15  }
0x16: {  	s17 =	sadd.s32 $0x2E00, s0;
	s18 =	sadd.s32 $0x3400, s0;
	s0 =	sshll.u32 @!p1 s20, $0x6  }
0x17: {  	s10 =	sadd.s32 s6, s25;
	s30 =	sshrl.u32 s26, $0x3;
	s3 =	sshll.u32 s26, $0x4  }
0x18: {  	s20 =	sor.u32 @!p1 $0x1C02, s0;
	s25 =	simm.s32 $0x4100;
	s26 =	simm.s32 $0x2  }
0x19: {  	v0 =	vimm.f32 $1.000000000e+00;
	v1 =	vimm.f32 $0.0e+00;
	s0 =	simm.s32 $0x0;
	s13 =	sadd.s32 s6, s30;
	s14 =	sadd.s32 s5, s3  }
.LBB2_1:
0x1a: {  	[tilespmem:$0x8100] =	vst v0  }
0x1b: {  	[tilespmem:$0x8110] =	vst v0  }
0x1c: {  	[tilespmem:$0x8120] =	vst v0  }
0x1d: {  	[tilespmem:$0x8130] =	vst v0  }
0x1e: {  	[tilespmem:$0x8140] =	vst v0  }
0x1f: {  	[tilespmem:$0x8150] =	vst v0  }
0x20: {  	[tilespmem:$0x8160] =	vst v0  }
0x21: {  	[tilespmem:$0x8170] =	vst v0  }
0x22: {  	[tilespmem:$0x8180] =	vst v1  }
0x23: {  	[tilespmem:$0x8190] =	vst v1  }
0x24: {  	[tilespmem:$0x81A0] =	vst v1  }
0x25: {  	[tilespmem:$0x81B0] =	vst v1  }
0x26: {  	[tilespmem:$0x81C0] =	vst v1  }
0x27: {  	[tilespmem:$0x81D0] =	vst v1  }
0x28: {  	[tilespmem:$0x81E0] =	vst v1  }
0x29: {  	[tilespmem:$0x81F0] =	vst v1  }
0x2a: {  	[tilespmem:$0x8200] =	vst v1  }
0x2b: {  	[tilespmem:$0x8210] =	vst v1  }
0x2c: {  	[tilespmem:$0x8220] =	vst v1  }
0x2d: {  	[tilespmem:$0x8230] =	vst v1  }
0x2e: {  	[tilespmem:$0x8240] =	vst v1  }
0x2f: {  	[tilespmem:$0x8250] =	vst v1  }
0x30: {  	[tilespmem:$0x8260] =	vst v1  }
0x31: {  	[tilespmem:$0x8270] =	vst v1  }
0x32: {  	[tilespmem:$0x8280] =	vst v1  }
0x33: {  	[tilespmem:$0x8290] =	vst v1  }
0x34: {  	[tilespmem:$0x82A0] =	vst v1  }
0x35: {  	[tilespmem:$0x82B0] =	vst v1  }
0x36: {  	[tilespmem:$0x82C0] =	vst v1  }
0x37: {  	[tilespmem:$0x82D0] =	vst v1  }
0x38: {  	[tilespmem:$0x82E0] =	vst v1  }
0x39: {  	[tilespmem:$0x82F0] =	vst v1  }
0x3a: {  	[tilespmem:$0x8300] =	vst v1  }
0x3b: {  	[tilespmem:$0x8310] =	vst v1  }
0x3c: {  	[tilespmem:$0x8320] =	vst v1  }
0x3d: {  	[tilespmem:$0x8330] =	vst v1  }
0x3e: {  	[tilespmem:$0x8340] =	vst v1  }
0x3f: {  	[tilespmem:$0x8350] =	vst v1  }
0x40: {  	[tilespmem:$0x8360] =	vst v1  }
0x41: {  	[tilespmem:$0x8370] =	vst v1  }
0x42: {  	[tilespmem:$0x8380] =	vst v1  }
0x43: {  	[tilespmem:$0x8390] =	vst v1  }
0x44: {  	[tilespmem:$0x83A0] =	vst v1  }
0x45: {  	[tilespmem:$0x83B0] =	vst v1  }
0x46: {  	[tilespmem:$0x83C0] =	vst v1  }
0x47: {  	[tilespmem:$0x83D0] =	vst v1  }
0x48: {  	[tilespmem:$0x83E0] =	vst v1  }
0x49: {  	[tilespmem:$0x83F0] =	vst v1  }
0x4a: {  	[tilespmem:$0x8400] =	vst v1  }
0x4b: {  	[tilespmem:$0x8410] =	vst v1  }
0x4c: {  	[tilespmem:$0x8420] =	vst v1  }
0x4d: {  	[tilespmem:$0x8430] =	vst v1  }
0x4e: {  	[tilespmem:$0x8440] =	vst v1  }
0x4f: {  	[tilespmem:$0x8450] =	vst v1  }
0x50: {  	[tilespmem:$0x8460] =	vst v1  }
0x51: {  	[tilespmem:$0x8470] =	vst v1  }
0x52: {  	[tilespmem:$0x8480] =	vst v1  }
0x53: {  	[tilespmem:$0x8490] =	vst v1  }
0x54: {  	[tilespmem:$0x84A0] =	vst v1  }
0x55: {  	[tilespmem:$0x84B0] =	vst v1  }
0x56: {  	[tilespmem:$0x84C0] =	vst v1  }
0x57: {  	[tilespmem:$0x84D0] =	vst v1  }
0x58: {  	[tilespmem:$0x84E0] =	vst v1  }
0x59: {  	[tilespmem:$0x84F0] =	vst v1  }
0x5a: {  	[tilespmem:$0x8500] =	vst v1  }
0x5b: {  	[tilespmem:$0x8510] =	vst v1  }
0x5c: {  	[tilespmem:$0x8520] =	vst v1  }
0x5d: {  	[tilespmem:$0x8530] =	vst v1  }
0x5e: {  	[tilespmem:$0x8540] =	vst v1  }
0x5f: {  	[tilespmem:$0x8550] =	vst v1  }
0x60: {  	[tilespmem:$0x8560] =	vst v1  }
0x61: {  	[tilespmem:$0x8570] =	vst v1  }
0x62: {  	[tilespmem:$0x8580] =	vst v1  }
0x63: {  	[tilespmem:$0x8590] =	vst v1  }
0x64: {  	[tilespmem:$0x85A0] =	vst v1  }
0x65: {  	[tilespmem:$0x85B0] =	vst v1  }
0x66: {  	[tilespmem:$0x85C0] =	vst v1  }
0x67: {  	[tilespmem:$0x85D0] =	vst v1  }
0x68: {  	[tilespmem:$0x85E0] =	vst v1  }
0x69: {  	[tilespmem:$0x85F0] =	vst v1  }
0x6a: {  	[tilespmem:$0x8600] =	vst v1  }
0x6b: {  	[tilespmem:$0x8610] =	vst v1  }
0x6c: {  	[tilespmem:$0x8620] =	vst v1  }
0x6d: {  	[tilespmem:$0x8630] =	vst v1  }
0x6e: {  	[tilespmem:$0x8640] =	vst v1  }
0x6f: {  	[tilespmem:$0x8650] =	vst v1  }
0x70: {  	[tilespmem:$0x8660] =	vst v1  }
0x71: {  	[tilespmem:$0x8670] =	vst v1  }
0x72: {  	[tilespmem:$0x8680] =	vst v1  }
0x73: {  	[tilespmem:$0x8690] =	vst v1  }
0x74: {  	[tilespmem:$0x86A0] =	vst v1  }
0x75: {  	[tilespmem:$0x86B0] =	vst v1  }
0x76: {  	[tilespmem:$0x86C0] =	vst v1  }
0x77: {  	[tilespmem:$0x86D0] =	vst v1  }
0x78: {  	[tilespmem:$0x86E0] =	vst v1  }
0x79: {  	[tilespmem:$0x86F0] =	vst v1  }
0x7a: {  	[tilespmem:$0x8700] =	vst v1  }
0x7b: {  	[tilespmem:$0x8710] =	vst v1  }
0x7c: {  	[tilespmem:$0x8720] =	vst v1  }
0x7d: {  	[tilespmem:$0x8730] =	vst v1  }
0x7e: {  	[tilespmem:$0x8740] =	vst v1  }
0x7f: {  	[tilespmem:$0x8750] =	vst v1  }
0x80: {  	[tilespmem:$0x8760] =	vst v1  }
0x81: {  	[tilespmem:$0x8770] =	vst v1  }
0x82: {  	[tilespmem:$0x8780] =	vst v1  }
0x83: {  	[tilespmem:$0x8790] =	vst v1  }
0x84: {  	[tilespmem:$0x87A0] =	vst v1  }
0x85: {  	[tilespmem:$0x87B0] =	vst v1  }
0x86: {  	[tilespmem:$0x87C0] =	vst v1  }
0x87: {  	[tilespmem:$0x87D0] =	vst v1  }
0x88: {  	[tilespmem:$0x87E0] =	vst v1  }
0x89: {  	[tilespmem:$0x87F0] =	vst v1  }
0x8a: {  	[tilespmem:$0x8800] =	vst v1  }
0x8b: {  	[tilespmem:$0x8810] =	vst v1  }
0x8c: {  	[tilespmem:$0x8820] =	vst v1  }
0x8d: {  	[tilespmem:$0x8830] =	vst v1  }
0x8e: {  	[tilespmem:$0x8840] =	vst v1  }
0x8f: {  	[tilespmem:$0x8850] =	vst v1  }
0x90: {  	[tilespmem:$0x8860] =	vst v1  }
0x91: {  	[tilespmem:$0x8870] =	vst v1  }
0x92: {  	[tilespmem:$0x8880] =	vst v1  }
0x93: {  	[tilespmem:$0x8890] =	vst v1  }
0x94: {  	[tilespmem:$0x88A0] =	vst v1  }
0x95: {  	[tilespmem:$0x88B0] =	vst v1  }
0x96: {  	[tilespmem:$0x88C0] =	vst v1  }
0x97: {  	[tilespmem:$0x88D0] =	vst v1  }
0x98: {  	[tilespmem:$0x88E0] =	vst v1  }
0x99: {  	[tilespmem:$0x88F0] =	vst v1  }
0x9a: {  	[tilespmem:$0x8900] =	vst v1  }
0x9b: {  	[tilespmem:$0x8910] =	vst v1  }
0x9c: {  	[tilespmem:$0x8920] =	vst v1  }
0x9d: {  	[tilespmem:$0x8930] =	vst v1  }
0x9e: {  	[tilespmem:$0x8940] =	vst v1;
	s3 =	rddreg [dreg:$0x5]  }
0x9f: {  	[spmem:s21], [sflag:s20] =	dma.local @!p1 [hbm:s3], $0x3E80  }
0xa0: {  	s3 =	simm.s32 @!p1 $0x2  }
0xa1: {  	_ =	swait.ge @!p1 [sflag:s3], $0x3E80  }
0xa2: {  	[sflag:s3] =	ssyncset.done @!p1 $0x0  }
0xa3: {  	s4 =	rddreg [dreg:$0x6];
	[sflag:s3] =	ssyncadd.s32 @!p1 $0xFFFFC180;
	s3 =	simm.s32 @!p2 $0x8180  }
0xa4: {  	[spmem:s4] =	stream.linear.scatter @!p2 [tilespmem:s3], [sflag:$0x2], $0x7D0, $0x38;
	[tilespmem:$0x1CCF8] =	vst v63  }
0xa5: {  	s3 =	simm.s32 @!p2 $0x2  }
0xa6: {  	_ =	swait.ge @!p2 [sflag:s3], $0x7D0  }
0xa7: {  	s30 =	simm.s32 $0x0;
	[sflag:s3] =	ssyncset.done @!p2 $0x0  }
0xa8: {  	p5 =	por @!p1 $0x0, $0x0;
	p6 =	por @!p2 $0x1, $0x1;
	[sflag:s3] =	ssyncadd.s32 @!p2 $0xFFFFF830  }
0xa9: {  	p6 =	por @!p3 p5, p5;
	p5 =	por $0x0, $0x0;
	[bflag:$0x0] =	sbarrier.arrive $0xFFFF  }
0xaa: {  	[tilespmem:s30], [sflag:$0x1] =	stream.linear.gather [hbm4b:s10+s30], $0x80, $0x38;
	[tilespmem:$0x1CCF8] =	vst v63  }
0xab: {  	p5 =	por @!p1 p6, p6;
	s3 =	simm.s32 $0x0  }
0xac: {  	[tilespmem:s22], [sflag:$0x1] =	stream.linear.gather [hbm4b:s11+s30], $0x4000, $0x38;
	[tilespmem:$0x1CCF8] =	vst v63  }
.LBB2_2:
0xad: {  	_ =	swait.ge [sflag:s23], $0x80  }
0xae: {  	[sflag:s23] =	ssyncset.done $0x0  }
0xaf: {  	[sflag:s23] =	ssyncadd.s32 $0xFFFFFF80  }
0xb0: {  	_ =	swait.ge [sflag:s23], $0x4000  }
0xb1: {  	[sflag:s23] =	ssyncset.done $0x0  }
0xb2: {  	s30 =	simm.s32 $0x0;
	[sflag:s23] =	ssyncadd.s32 $0xFFFFC000  }
0xb3: {  	v2 =	vld [tilespmem:s30+$0x130]  }
0xb4: {  	v4 =	vld [tilespmem:s30+$0x100]  }
0xb5: {  	v5 =	vld [tilespmem:s30+$0x110]  }
0xb6: {  	v3 =	vld [tilespmem:s30+$0x120];
	_ =	sdelay $0x1  }
0xb7: {  	v6 =	vand.u32 $0xFFFF0000, v2  }
0xb8: {  	v2 =	vshll.u32 v2, $0x10;
	v7 =	vshll.u32 v4, $0x10;
	[tilespmem:s30+$0x4170] =	vst v6  }
0xb9: {  	s4 =	simm.s32 $0x80;
	s8 =	simm.s32 $0x400;
	v4 =	vand.u32 $0xFFFF0000, v4;
	[tilespmem:s30+$0x4100] =	vst v7;
	v6 =	vshll.u32 v5, $0x10;
	v5 =	vand.u32 $0xFFFF0000, v5  }
.LBB2_3:
0xba: {  	p6 =	sne.s32 s8, $0xFE00;
	v7 =	vld [tilespmem:s4+$0x130];
	[tilespmem:s30+$0x4140] =	vst v4;
	v4 =	vshll.u32 v3, $0x10;
	v8 =	vand.u32 $0xFFFF0000, v3  }
0xbb: {  	v9 =	vld [tilespmem:s4+$0x100];
	[tilespmem:s30+$0x4110] =	vst v6  }
0xbc: {  	v10 =	vld [tilespmem:s4+$0x110];
	[tilespmem:s30+$0x4150] =	vst v5  }
.Ltmp0:
0xbd: {  	v3 =	vld [tilespmem:s4+$0x120];
	[tilespmem:s30+$0x4120] =	vst v4;
	(pc) =	sbr.rel @p6 .LBB2_3-.Ltmp0, $4  }
0xbe: {  	[tilespmem:s30+$0x4160] =	vst v8  }
0xbf: {  	v5 =	vand.u32 $0xFFFF0000, v7;
	[tilespmem:s30+$0x4130] =	vst v2;
	v2 =	vshll.u32 v7, $0x10;
	s30 =	smov.u32 s4  }
0xc0: {  	v6 =	vshll.u32 v9, $0x10;
	v4 =	vand.u32 $0xFFFF0000, v9;
	[tilespmem:s30+$0x4170] =	vst v5  }
0xc1: {  	s4 =	sshra.s32 s8, $0x2;
	s8 =	sadd.s32 $0x200, s8;
	[tilespmem:s30+$0x4100] =	vst v6;
	v6 =	vshll.u32 v10, $0x10;
	v5 =	vand.u32 $0xFFFF0000, v10  }
0xc2: {  	v7 =	vld [tilespmem:s4+$0x130];
	[tilespmem:s30+$0x4140] =	vst v4  }
0xc3: {  	v4 =	vld [tilespmem:s4+$0x100];
	[tilespmem:s30+$0x4110] =	vst v6  }
0xc4: {  	v6 =	vld [tilespmem:s4+$0x110];
	[tilespmem:s30+$0x4150] =	vst v5;
	v5 =	vshll.u32 v3, $0x10  }
0xc5: {  	v3 =	vand.u32 $0xFFFF0000, v3;
	v8 =	vld [tilespmem:s4+$0x120];
	[tilespmem:s30+$0x4120] =	vst v5  }
0xc6: {  	[tilespmem:s30+$0x4160] =	vst v3  }
0xc7: {  	[tilespmem:s30+$0x4130] =	vst v2;
	v3 =	vand.u32 $0xFFFF0000, v7  }
0xc8: {  	v2 =	vshll.u32 v4, $0x10;
	[tilespmem:s4+$0x4170] =	vst v3  }
0xc9: {  	v3 =	vand.u32 $0xFFFF0000, v4;
	[tilespmem:s4+$0x4100] =	vst v2  }
0xca: {  	v2 =	vshll.u32 v6, $0x10;
	[tilespmem:s4+$0x4140] =	vst v3  }
0xcb: {  	s30 =	sshll.u32 s3, $0x8;
	v3 =	vand.u32 $0xFFFF0000, v6;
	[tilespmem:s4+$0x4110] =	vst v2  }
0xcc: {  	s8 =	sadd.s32 s30, s7;
	v2 =	vshll.u32 v8, $0x10;
	[tilespmem:s4+$0x4150] =	vst v3  }
0xcd: {  	s8 =	sadd.s32 $0x80, s8;
	v3 =	vand.u32 $0xFFFF0000, v8;
	[tilespmem:s4+$0x4120] =	vst v2  }
0xce: {  	s9 =	sshrl.u32 s8, $0x3;
	v2 =	vshll.u32 v7, $0x10;
	[tilespmem:s4+$0x4160] =	vst v3  }
0xcf: {  	s8 =	sshll.u32 s8, $0x4;
	[tilespmem:s4+$0x4130] =	vst v2;
	s4 =	sadd.s32 s6, s9;
	s9 =	simm.s32 $0x0  }
0xd0: {  	[tilespmem:s24], [sflag:$0x1] =	stream.linear.gather [hbm4b:s4+s9], $0x80, $0x38;
	[tilespmem:$0x1CCF8] =	vst v63  }
0xd1: {  	s4 =	sadd.s32 s5, s8  }
0xd2: {  	[tilespmem:s22], [sflag:$0x1] =	stream.linear.gather [hbm4b:s4+s9], $0x4000, $0x38;
	[tilespmem:$0x1CCF8] =	vst v63  }
0xd3: {  	_ = 	snop  }
0xd4: {  	[spmem:s1] =	stream.indirect.scatter.add.f32 [tilespmem:s25], [sflag:$0x2], $0x80, s9, s24, $0xb8;
	[tilespmem:$0x1CCF8] =	vst v63  }
0xd5: {  	_ =	swait.ge [sflag:s26], $0x4000  }
0xd6: {  	[sflag:s26] =	ssyncset.done $0x0  }
0xd7: {  	[sflag:s26] =	ssyncadd.s32 $0xFFFFC000  }
0xd8: {  	[spmem:s2] =	stream.indirect.scatter.add.f32 [tilespmem:s28], [sflag:$0x2], $0x1, s9, s24, $0xb8;
	[tilespmem:$0x1CCF8] =	vst v63  }
0xd9: {  	_ =	swait.ge [sflag:s26], $0x80  }
0xda: {  	[sflag:s26] =	ssyncset.done $0x0  }
0xdb: {  	[sflag:s26] =	ssyncadd.s32 $0xFFFFFF80  }
0xdc: {  	_ =	swait.ge [sflag:s23], $0x80  }
0xdd: {  	[sflag:s23] =	ssyncset.done $0x0  }
0xde: {  	[sflag:s23] =	ssyncadd.s32 $0xFFFFFF80  }
0xdf: {  	_ =	swait.ge [sflag:s23], $0x4000  }
0xe0: {  	[sflag:s23] =	ssyncset.done $0x0  }
0xe1: {  	s8 =	simm.s32 $0x0;
	[sflag:s23] =	ssyncadd.s32 $0xFFFFC000  }
0xe2: {  	v2 =	vld [tilespmem:s8+$0x130]  }
0xe3: {  	v4 =	vld [tilespmem:s8+$0x100]  }
0xe4: {  	v5 =	vld [tilespmem:s8+$0x110]  }
0xe5: {  	v3 =	vld [tilespmem:s8+$0x120];
	_ =	sdelay $0x1  }
0xe6: {  	v6 =	vand.u32 $0xFFFF0000, v2  }
0xe7: {  	v2 =	vshll.u32 v2, $0x10;
	v7 =	vshll.u32 v4, $0x10;
	[tilespmem:s8+$0x4170] =	vst v6  }
0xe8: {  	s4 =	simm.s32 $0x80;
	s9 =	simm.s32 $0x400;
	v4 =	vand.u32 $0xFFFF0000, v4;
	[tilespmem:s8+$0x4100] =	vst v7;
	v6 =	vshll.u32 v5, $0x10;
	v5 =	vand.u32 $0xFFFF0000, v5  }
.LBB2_5:
0xe9: {  	p6 =	sne.s32 s9, $0xFE00;
	v7 =	vld [tilespmem:s4+$0x130];
	[tilespmem:s8+$0x4140] =	vst v4;
	v4 =	vshll.u32 v3, $0x10;
	v8 =	vand.u32 $0xFFFF0000, v3  }
0xea: {  	v9 =	vld [tilespmem:s4+$0x100];
	[tilespmem:s8+$0x4110] =	vst v6  }
0xeb: {  	v10 =	vld [tilespmem:s4+$0x110];
	[tilespmem:s8+$0x4150] =	vst v5  }
.Ltmp1:
0xec: {  	v3 =	vld [tilespmem:s4+$0x120];
	[tilespmem:s8+$0x4120] =	vst v4;
	(pc) =	sbr.rel @p6 .LBB2_5-.Ltmp1, $4  }
0xed: {  	[tilespmem:s8+$0x4160] =	vst v8  }
0xee: {  	v5 =	vand.u32 $0xFFFF0000, v7;
	[tilespmem:s8+$0x4130] =	vst v2;
	v2 =	vshll.u32 v7, $0x10;
	s8 =	smov.u32 s4  }
0xef: {  	v6 =	vshll.u32 v9, $0x10;
	v4 =	vand.u32 $0xFFFF0000, v9;
	[tilespmem:s8+$0x4170] =	vst v5  }
0xf0: {  	s4 =	sshra.s32 s9, $0x2;
	s9 =	sadd.s32 $0x200, s9;
	[tilespmem:s8+$0x4100] =	vst v6;
	v6 =	vshll.u32 v10, $0x10;
	v5 =	vand.u32 $0xFFFF0000, v10  }
0xf1: {  	v7 =	vld [tilespmem:s4+$0x130];
	[tilespmem:s8+$0x4140] =	vst v4  }
0xf2: {  	v4 =	vld [tilespmem:s4+$0x100];
	[tilespmem:s8+$0x4110] =	vst v6  }
0xf3: {  	v63 =	vshll.u32 v3, $0x10;
	v6 =	vld [tilespmem:s4+$0x110];
	[tilespmem:s8+$0x4150] =	vst v5  }
0xf4: {  	v3 =	vand.u32 $0xFFFF0000, v3;
	v8 =	vld [tilespmem:s4+$0x120];
	[tilespmem:s8+$0x4120] =	vst v63  }
0xf5: {  	[tilespmem:s8+$0x4160] =	vst v3  }
0xf6: {  	[tilespmem:s8+$0x4130] =	vst v2;
	v3 =	vand.u32 $0xFFFF0000, v7  }
0xf7: {  	v2 =	vshll.u32 v4, $0x10;
	[tilespmem:s4+$0x4170] =	vst v3  }
0xf8: {  	v3 =	vand.u32 $0xFFFF0000, v4;
	[tilespmem:s4+$0x4100] =	vst v2  }
0xf9: {  	v2 =	vshll.u32 v6, $0x10;
	[tilespmem:s4+$0x4140] =	vst v3  }
0xfa: {  	v3 =	vand.u32 $0xFFFF0000, v6;
	[tilespmem:s4+$0x4110] =	vst v2  }
0xfb: {  	p6 =	seq.s32 s3, $0x26;
	v2 =	vshll.u32 v8, $0x10;
	[tilespmem:s4+$0x4150] =	vst v3  }
0xfc: {  	s8 =	sadd.s32 @!p6 s30, s12;
	v3 =	vand.u32 $0xFFFF0000, v8;
	[tilespmem:s4+$0x4120] =	vst v2  }
0xfd: {  	s9 =	sshrl.u32 @!p6 s8, $0x3;
	v2 =	vshll.u32 v7, $0x10;
	[tilespmem:s4+$0x4160] =	vst v3  }
0xfe: {  	[tilespmem:s4+$0x4130] =	vst v2;
	s4 =	sadd.s32 @!p6 s6, s9;
	s9 =	simm.s32 @!p6 $0x0  }
0xff: {  	[tilespmem:s9], [sflag:$0x1] =	stream.linear.gather @!p6 [hbm4b:s4+s9], $0x80, $0x38;
	[tilespmem:$0x1CCF8] =	vst v63  }
0x100: {  	s4 =	sshll.u32 @!p6 s8, $0x4  }
0x101: {  	s8 =	simm.s32 @!p6 $0x100;
	s4 =	sadd.s32 @!p6 s5, s4  }
0x102: {  	[tilespmem:s8], [sflag:$0x1] =	stream.linear.gather @!p6 [hbm4b:s4+s9], $0x4000, $0x38;
	[tilespmem:$0x1CCF8] =	vst v63  }
0x103: {  	_ = 	snop  }
0x104: {  	[spmem:s1] =	stream.indirect.scatter.add.f32 [tilespmem:s25], [sflag:$0x2], $0x80, s24, s24, $0xb8;
	[tilespmem:$0x1CCF8] =	vst v63  }
0x105: {  	s3 =	sadd.s32 $0x1, s3;
	_ =	swait.ge [sflag:s26], $0x4000  }
0x106: {  	p6 =	sne.s32 s3, $0x27;
	[sflag:s26] =	ssyncset.done $0x0  }
.Ltmp2:
0x107: {  	[sflag:s26] =	ssyncadd.s32 $0xFFFFC000;
	(pc) =	sbr.rel @p6 .LBB2_2-.Ltmp2, $4  }
0x108: {  	[spmem:s2] =	stream.indirect.scatter.add.f32 [tilespmem:s28], [sflag:$0x2], $0x1, s24, s24, $0xb8;
	[tilespmem:$0x1CCF8] =	vst v63  }
0x109: {  	_ =	swait.ge [sflag:s26], $0x80  }
0x10a: {  	[sflag:s26] =	ssyncset.done $0x0  }
0x10b: {  	[sflag:s26] =	ssyncadd.s32 $0xFFFFFF80  }
0x10c: {  	s3 =	simm.s32 $0x0  }
0x10d: {  	[tilespmem:s29], [sflag:$0x2] =	stream.linear.gather [hbm4b:s13+s3], $0x10, $0x38;
	[tilespmem:$0x1CCF8] =	vst v63  }
0x10e: {  	_ =	swait.ge [sflag:s26], $0x10  }
0x10f: {  	[sflag:s26] =	ssyncset.done $0x0  }
0x110: {  	s4 =	simm.s32 $0x1C4F8;
	[sflag:s26] =	ssyncadd.s32 $0xFFFFFFF0  }
0x111: {  	[tilespmem:s4], [sflag:$0x2] =	stream.linear.gather [hbm4b:s14+s3], $0x800, $0x38;
	[tilespmem:$0x1CCF8] =	vst v63  }
0x112: {  	_ =	swait.ge [sflag:s26], $0x800  }
0x113: {  	[sflag:s26] =	ssyncset.done $0x0  }
0x114: {  	s4 =	simm.s32 $0x0;
	[sflag:s26] =	ssyncadd.s32 $0xFFFFF800  }
0x115: {  	v2 =	vld [tilespmem:s4+$0x1C528]  }
0x116: {  	v4 =	vld [tilespmem:s4+$0x1C4F8]  }
0x117: {  	v5 =	vld [tilespmem:s4+$0x1C508]  }
0x118: {  	v3 =	vld [tilespmem:s4+$0x1C518];
	_ =	sdelay $0x1  }
0x119: {  	v6 =	vand.u32 $0xFFFF0000, v2  }
0x11a: {  	v2 =	vshll.u32 v2, $0x10;
	v7 =	vshll.u32 v4, $0x10;
	[tilespmem:s4+$0x4170] =	vst v6  }
0x11b: {  	s8 =	simm.s32 $0x400;
	s3 =	simm.s32 $0x80;
	v4 =	vand.u32 $0xFFFF0000, v4;
	[tilespmem:s4+$0x4100] =	vst v7;
	v6 =	vshll.u32 v5, $0x10;
	v5 =	vand.u32 $0xFFFF0000, v5  }
.LBB2_8:
0x11c: {  	p6 =	sne.s32 s8, $0x1E00;
	v7 =	vld [tilespmem:s3+$0x1C528];
	[tilespmem:s4+$0x4140] =	vst v4;
	v4 =	vshll.u32 v3, $0x10;
	v8 =	vand.u32 $0xFFFF0000, v3  }
0x11d: {  	v9 =	vld [tilespmem:s3+$0x1C4F8];
	[tilespmem:s4+$0x4110] =	vst v6  }
0x11e: {  	v10 =	vld [tilespmem:s3+$0x1C508];
	[tilespmem:s4+$0x4150] =	vst v5  }
.Ltmp3:
0x11f: {  	v3 =	vld [tilespmem:s3+$0x1C518];
	[tilespmem:s4+$0x4120] =	vst v4;
	(pc) =	sbr.rel @p6 .LBB2_8-.Ltmp3, $4  }
0x120: {  	[tilespmem:s4+$0x4160] =	vst v8  }
0x121: {  	v5 =	vand.u32 $0xFFFF0000, v7;
	[tilespmem:s4+$0x4130] =	vst v2;
	v2 =	vshll.u32 v7, $0x10;
	s4 =	smov.u32 s3  }
0x122: {  	v6 =	vshll.u32 v9, $0x10;
	v4 =	vand.u32 $0xFFFF0000, v9;
	[tilespmem:s4+$0x4170] =	vst v5  }
0x123: {  	s3 =	sshra.s32 s8, $0x2;
	s8 =	sadd.s32 $0x200, s8;
	[tilespmem:s4+$0x4100] =	vst v6;
	v6 =	vshll.u32 v10, $0x10;
	v5 =	vand.u32 $0xFFFF0000, v10  }
0x124: {  	v7 =	vld [tilespmem:s3+$0x1C528];
	[tilespmem:s4+$0x4140] =	vst v4  }
0x125: {  	v4 =	vld [tilespmem:s3+$0x1C4F8];
	[tilespmem:s4+$0x4110] =	vst v6  }
0x126: {  	v63 =	vshll.u32 v3, $0x10;
	v6 =	vld [tilespmem:s3+$0x1C508];
	[tilespmem:s4+$0x4150] =	vst v5  }
0x127: {  	v3 =	vand.u32 $0xFFFF0000, v3;
	v8 =	vld [tilespmem:s3+$0x1C518];
	[tilespmem:s4+$0x4120] =	vst v63  }
0x128: {  	[tilespmem:s4+$0x4160] =	vst v3  }
0x129: {  	[tilespmem:s4+$0x4130] =	vst v2;
	v3 =	vand.u32 $0xFFFF0000, v7  }
0x12a: {  	v2 =	vshll.u32 v4, $0x10;
	[tilespmem:s3+$0x4170] =	vst v3  }
0x12b: {  	v3 =	vand.u32 $0xFFFF0000, v4;
	[tilespmem:s3+$0x4100] =	vst v2  }
0x12c: {  	v2 =	vshll.u32 v6, $0x10;
	[tilespmem:s3+$0x4140] =	vst v3  }
0x12d: {  	v3 =	vand.u32 $0xFFFF0000, v6;
	[tilespmem:s3+$0x4110] =	vst v2  }
0x12e: {  	v2 =	vshll.u32 v8, $0x10;
	[tilespmem:s3+$0x4150] =	vst v3  }
0x12f: {  	v3 =	vand.u32 $0xFFFF0000, v8;
	[tilespmem:s3+$0x4120] =	vst v2  }
0x130: {  	v2 =	vshll.u32 v7, $0x10;
	[tilespmem:s3+$0x4160] =	vst v3  }
0x131: {  	[tilespmem:s3+$0x4130] =	vst v2  }
0x132: {  	[spmem:s1] =	stream.indirect.scatter.add.f32 [tilespmem:s25], [sflag:$0x2], $0x80, s29, s31, $0xb8;
	[tilespmem:$0x1CCF8] =	vst v63  }
0x133: {  	_ =	swait.ge [sflag:s26], $0x800  }
0x134: {  	[sflag:s26] =	ssyncset.done $0x0  }
0x135: {  	[sflag:s26] =	ssyncadd.s32 $0xFFFFF800  }
0x136: {  	[spmem:s2] =	stream.indirect.scatter.add.f32 [tilespmem:s28], [sflag:$0x2], $0x1, s29, s31, $0xb8;
	[tilespmem:$0x1CCF8] =	vst v63  }
0x137: {  	_ =	swait.ge [sflag:s26], $0x10  }
0x138: {  	[sflag:s26] =	ssyncset.done $0x0  }
0x139: {  	[sflag:s26] =	ssyncadd.s32 $0xFFFFFFF0  }
0x13a: {  	s3 =	simm.s32 @!p1 $0x2;
	[bflag:$0x0] =	sbarrier.arrive $0xFFFF  }
0x13b: {  	[hbm:s15], [sflag:s20] =	dma.local @!p1 [spmem:s21], $0x3E80  }
0x13c: {  	p6 =	por !p5, !p5;
	_ =	swait.ge @!p1 [sflag:s3], $0x3E80  }
0x13d: {  	p6 =	por p4, p6;
	[sflag:s3] =	ssyncset.done @!p1 $0x0  }
0x13e: {  	s4 =	simm.s32 @!p6 $0x2;
	[sflag:s3] =	ssyncadd.s32 @!p1 $0xFFFFC180;
	s3 =	simm.s32 @!p6 $0x8180  }
0x13f: {  	[tilespmem:s3], [sflag:$0x2] =	stream.linear.gather @!p6 [spmem:s16], $0x7D0, $0x38;
	[tilespmem:$0x1CCF8] =	vst v63  }
0x140: {  	_ =	swait.ge @!p6 [sflag:s4], $0x7D0  }
0x141: {  	[sflag:s4] =	ssyncset.done @!p6 $0x0  }
0x142: {  	s8 =	simm.s32 @!p6 $0x0;
	[sflag:s4] =	ssyncadd.s32 @!p6 $0xFFFFF830  }
0x143: {  	[hbm4b:s17+s8] =	stream.linear.scatter @!p6 [tilespmem:s3], [sflag:$0x2], $0x7D0, $0x38;
	[tilespmem:$0x1CCF8] =	vst v63  }
0x144: {  	p5 =	por !p5, !p0;
	_ =	swait.ge @!p6 [sflag:s4], $0x7D0  }
0x145: {  	p5 =	por !p5, !p5;
	[sflag:s4] =	ssyncset.done @!p6 $0x0  }
0x146: {  	s3 =	simm.s32 @p5 $0x8180;
	[sflag:s4] =	ssyncadd.s32 @!p6 $0xFFFFF830;
	s4 =	simm.s32 @p5 $0x2  }
0x147: {  	[tilespmem:s3], [sflag:$0x2] =	stream.linear.gather @p5 [spmem:s16], $0x7D0, $0x38;
	[tilespmem:$0x1CCF8] =	vst v63  }
0x148: {  	s0 =	sadd.s32 $0x1, s0;
	_ =	swait.ge @p5 [sflag:s4], $0x7D0  }
0x149: {  	p6 =	sne.s32 s0, s19;
	[sflag:s4] =	ssyncset.done @p5 $0x0  }
.Ltmp4:
0x14a: {  	s8 =	simm.s32 @p5 $0x0;
	[sflag:s4] =	ssyncadd.s32 @p5 $0xFFFFF830;
	(pc) =	sbr.rel @p6 .LBB2_1-.Ltmp4, $4  }
0x14b: {  	[hbm4b:s18+s8] =	stream.linear.scatter @p5 [tilespmem:s3], [sflag:$0x2], $0x7D0, $0x38;
	[tilespmem:$0x1CCF8] =	vst v63  }
0x14c: {  	_ =	swait.ge @p5 [sflag:s4], $0x7D0  }
0x14d: {  	[sflag:s4] =	ssyncset.done @p5 $0x0  }
0x14e: {  	[sflag:s4] =	ssyncadd.s32 @p5 $0xFFFFF830  }
0x14f: {  	_ =	sfence.sel $0x180000  }
0x150: {  	[bflag:$0x0] =	sbarrier.arrive $0xFFFF  }
0x151: {  	_ =	strace $0x9000004A  }
0x152: {  	s0 =	stileid.u32;
	[bflag:$0x2] =	sbarrier.arrive $0xFFFF  }
0x153: {  	p0 =	sne.s32 s0, $0x0;
	s0 =	rddreg [dreg:$0x4]  }
0x154: {  	s0 =	sadd.s32 @!p0 $0x100000, s0  }
0x155: {  	[sflag:s0] =	ssyncadd.tile.s32 @!p0 $0x1;
	_ =	shalt  }
.Lfunc_end2:
_tile_overlayer_lowered:
.L_overlay_start_2:
0x156: {  	(tag) =	ssettag $0x2  }
0x157: {  	s0 =	rddreg [dreg:$0x0];
	s2 =	stileid.u32  }
0x158: {  	s1 =	rddreg [dreg:$0x1];
	p0 =	sne.s32 s2, $0x0  }
0x159: {  	s3 =	rddreg [dreg:$0x2];
	[bflag:$0x3] =	sbarrier.arrive $0xFFFF;
	s2 =	simm.s32 @!p0 $0x1C02  }
0x15a: {  	[timem:s3], [sflag:s2] =	dma.local @!p0 [hbm:s0], s1  }
0x15b: {  	s0 =	simm.s32 @!p0 $0x2  }
0x15c: {  	_ =	swait.ge @!p0 [sflag:s0], s1  }
0x15d: {  	s1 =	ssub.s32 @!p0 $0x0, s1;
	[sflag:s0] =	ssyncset.done @!p0 $0x0  }
0x15e: {  	[sflag:s0] =	ssyncadd.s32 @!p0 s1  }
0x15f: {  	[bflag:$0x3] =	sbarrier.arrive $0xFFFF  }
0x160: {  	_ =	shalt  }

// kernel: kernel.7.cloned.1.call-start
scs
__scs_entry_jumppad:
0x0: {  	(pc) =	sbr.rel $0x88, $3  }
0x1: {  	(tag) =	ssettag $0x0;
	lr =	simm.s32 $0x1  }
0x2: {  	[smem:$0x3F90] =	sst lr;
	_ =	strace $0xD0000000  }
0x3: {  	_ = 	snop  }
0x4: {  	_ = 	snop  }
0x5: {  	_ = 	snop  }
0x6: {  	_ = 	snop  }
0x7: {  	_ = 	snop  }
__scs_overlays_trampoline_lowered:
0x8: {  	[smem:$0x3F9F] =	sst s0  }
0x9: {  	[smem:$0x3FA0] =	sst s1  }
0xa: {  	[smem:$0x3FA1] =	sst s2  }
0xb: {  	[smem:$0x3FA2] =	sst s3  }
0xc: {  	[smem:$0x3FA3] =	sst s4  }
0xd: {  	[smem:$0x3FA4] =	sst s5  }
0xe: {  	[smem:$0x3FA5] =	sst s6  }
0xf: {  	[smem:$0x3FA6] =	sst s7  }
0x10: {  	[smem:$0x3FA7] =	sst s8  }
0x11: {  	[smem:$0x3FA8] =	sst s9;
	s0 =	simm.s32 @!p0 $0x0  }
0x12: {  	s1 =	sld [smem:$0x3F8E];
	s0 =	simm.s32 @p0 $0x1  }
0x13: {  	[smem:$0x3FA9] =	sst s0;
	s0 =	simm.s32 @!p1 $0x0  }
0x14: {  	s2 =	sld [smem:$0x3F8D];
	s0 =	simm.s32 @p1 $0x1  }
0x15: {  	[smem:$0x3FAA] =	sst s0;
	s0 =	simm.s32 @!p2 $0x0  }
0x16: {  	s3 =	sld [smem:$0x3FDB];
	s0 =	simm.s32 @p2 $0x1  }
0x17: {  	s4 =	simm.s32 $0x1BF5;
	[smem:$0x3FAC] =	sst s0  }
0x18: {  	s0 =	sld [smem:$0x3F8F];
	_ =	swait.ge [sflag:s4], $0x0  }
0x19: {  	s7 =	sld [smem:$0x3F90]  }
0x1a: {  	s8 =	sadd.s32 $0xFFFFE003, lr  }
0x1b: {  	s9 =	sadd.s32 $0xFFFFFEF7, lr;
	s5 =	simm.s32 $0xFFFFFFFF;
	p2 =	slt.u32 s8, $0xFFFFF086  }
0x1c: {  	p1 =	slt.u32 s9, $0xF7A;
	s5 =	simm.s32 @!p2 $0x0  }
0x1d: {  	s5 =	simm.s32 @p1 $0x1;
	p0 =	seq.s32 s7, s2  }
0x1e: {  	s7 =	smul.u32 @!p0 $0xF7A, s2;
	p2 =	seq.s32 @!p0 s5, $0x0  }
0x1f: {  	s9 =	smul.u32 $0xF7A, s1;
	s8 =	simm.s32 @!p0 $0x1BF5;
	p2 =	por !p2, p0  }
0x20: {  	[sflag:s8] =	ssyncset.s32 @!p0 $0xFFFFF086;
	s6 =	sadd.s32 @!p0 s3, s7;
	s7 =	simm.s32 @!p0 $0x108  }
0x21: {  	s3 =	sadd.s32 s3, s9;
	s6 =	sadd.s32 @!p0 $0x88, s6;
	s7 =	simm.s32 @p2 $0x1082  }
0x22: {  	[simem:s7], [sflag:s8] =	dma.local @!p0 [hbm:s6], $0xF7A  }
0x23: {  	s9 =	sor.u32 $0xD0000000, s2;
	s6 =	simm.s32 $0x108;
	_ =	swait.ge @!p0 [sflag:s8], $0x0  }
0x24: {  	s3 =	sadd.s32 $0x88, s3;
	s6 =	simm.s32 @!p1 $0x1082;
	[sflag:s4] =	ssyncset.s32 $0xFFFFF086  }
0x25: {  	[simem:s6], [sflag:s4] =	dma.local [hbm:s3], $0xF7A  }
0x26: {  	[smem:$0x3F90] =	sst s1;
	(tag) =	ssettag s2;
	_ =	strace s9  }
0x27: {  	s1 =	sld [smem:$0x3FA0]  }
0x28: {  	s2 =	sld [smem:$0x3FA1]  }
0x29: {  	s4 =	sld [smem:$0x3FA3]  }
0x2a: {  	p0 =	seq.s32 s5, $0x0;
	s5 =	sld [smem:$0x3FA4]  }
0x2b: {  	s6 =	sld [smem:$0x3FA5]  }
0x2c: {  	s7 =	sld [smem:$0x3FA6]  }
0x2d: {  	s3 =	simm.s32 $0x108;
	s8 =	sld [smem:$0x3FA7]  }
0x2e: {  	s3 =	simm.s32 @!p0 $0x1082;
	s9 =	sld [smem:$0x3FA8]  }
0x2f: {  	lr =	sadd.s32 s0, s3;
	s0 =	sld [smem:$0x3F9F]  }
0x30: {  	s3 =	sld [smem:$0x3FA2]  }
0x31: {  	[smem:$0x3FAB] =	sst s10  }
0x32: {  	s10 =	sld [smem:$0x3FA9];
	_ =	sdelay $0x3  }
0x33: {  	p0 =	seq.s32 s10, $0x1;
	s10 =	sld [smem:$0x3FAB];
	_ =	sdelay $0x3  }
0x34: {  	[smem:$0x3FAB] =	sst s10  }
0x35: {  	s10 =	sld [smem:$0x3FAA];
	_ =	sdelay $0x3  }
0x36: {  	p1 =	seq.s32 s10, $0x1;
	s10 =	sld [smem:$0x3FAB];
	_ =	sdelay $0x3  }
0x37: {  	[smem:$0x3FAB] =	sst s10  }
0x38: {  	s10 =	sld [smem:$0x3FAC]  }
0x39: {  	_ = 	snop;
	(pc) =	sbr.ind lr, $3  }
0x3a: {  	_ = 	snop  }
0x3b: {  	_ = 	snop  }
0x3c: {  	p2 =	seq.s32 s10, $0x1;
	s10 =	sld [smem:$0x3FAB]  }
0x3d: {  	_ =	shalt  }
0x3e: {  	_ =	shalt  }
0x3f: {  	_ =	shalt  }
0x40: {  	_ =	shalt  }
0x41: {  	_ =	shalt  }
0x42: {  	_ =	shalt  }
0x43: {  	_ =	shalt  }
0x44: {  	_ =	shalt  }
0x45: {  	_ =	shalt  }
0x46: {  	_ =	shalt  }
0x47: {  	_ =	shalt  }
0x48: {  	_ =	shalt  }
0x49: {  	_ =	shalt  }
0x4a: {  	_ =	shalt  }
0x4b: {  	_ =	shalt  }
0x4c: {  	_ =	shalt  }
0x4d: {  	_ =	shalt  }
0x4e: {  	_ =	shalt  }
0x4f: {  	_ =	shalt  }
0x50: {  	_ =	shalt  }
0x51: {  	_ =	shalt  }
0x52: {  	_ =	shalt  }
0x53: {  	_ =	shalt  }
0x54: {  	_ =	shalt  }
0x55: {  	_ =	shalt  }
0x56: {  	_ =	shalt  }
0x57: {  	_ =	shalt  }
0x58: {  	_ =	shalt  }
0x59: {  	_ =	shalt  }
0x5a: {  	_ =	shalt  }
0x5b: {  	_ =	shalt  }
0x5c: {  	_ =	shalt  }
0x5d: {  	_ =	shalt  }
0x5e: {  	_ =	shalt  }
0x5f: {  	_ =	shalt  }
0x60: {  	_ =	shalt  }
0x61: {  	_ =	shalt  }
0x62: {  	_ =	shalt  }
0x63: {  	_ =	shalt  }
0x64: {  	_ =	shalt  }
0x65: {  	_ =	shalt  }
0x66: {  	_ =	shalt  }
0x67: {  	_ =	shalt  }
0x68: {  	_ =	shalt  }
0x69: {  	_ =	shalt  }
0x6a: {  	_ =	shalt  }
0x6b: {  	_ =	shalt  }
0x6c: {  	_ =	shalt  }
0x6d: {  	_ =	shalt  }
0x6e: {  	_ =	shalt  }
0x6f: {  	_ =	shalt  }
0x70: {  	_ =	shalt  }
0x71: {  	_ =	shalt  }
0x72: {  	_ =	shalt  }
0x73: {  	_ =	shalt  }
0x74: {  	_ =	shalt  }
0x75: {  	_ =	shalt  }
0x76: {  	_ =	shalt  }
0x77: {  	_ =	shalt  }
0x78: {  	_ =	shalt  }
0x79: {  	_ =	shalt  }
0x7a: {  	_ =	shalt  }
0x7b: {  	_ =	shalt  }
0x7c: {  	_ =	shalt  }
0x7d: {  	_ =	shalt  }
0x7e: {  	_ =	shalt  }
0x7f: {  	_ =	shalt  }
0x80: {  	_ =	shalt  }
0x81: {  	_ =	shalt  }
0x82: {  	_ =	shalt  }
0x83: {  	_ =	shalt  }
0x84: {  	_ =	shalt  }
0x85: {  	_ =	shalt  }
0x86: {  	_ =	shalt  }
0x87: {  	_ =	shalt  }
.Lfunc_end0:
.L_simem_size_0:
called_computation_lowered:
.L_overlay_start_0:
0x88: {  	s2 =	sld [smem:$0x3FD9]  }
0x89: {  	s3 =	sld [smem:$0x3FFE];
	_ =	sdelay $0x1  }
0x8a: {  	s1 =	srdreg.scid  }
0x8b: {  	s0 =	sand.u32 $0x1, s1  }
0x8c: {  	s17 =	sshll.u32 s0, $0xA;
	s2 =	sadd.s32 s3, s2  }
0x8d: {  	s2 =	sadd.s32 s2, s17  }
0x8e: {  	[smem:$0x3FB7] =	sst s2  }
0x8f: {  	_ = 	snop  }
0x90: {  	s2 =	sld [smem:$0x3FD0];
	(tm) =	ssettm $0x1  }
0x91: {  	s18 =	sld [smem:$0x3FFB];
	_ =	sdelay $0x3  }
0x92: {  	_ =	strace s18  }
0x93: {  	s3 =	sld [smem:$0x3FFC];
	_ =	sdelay $0x3  }
0x94: {  	_ =	strace s3  }
0x95: {  	s3 =	sld [smem:$0x3FFD];
	_ =	sdelay $0x3  }
0x96: {  	_ =	strace s3  }
0x97: {  	_ =	strace $0x8FFFFFFF  }
0x98: {  	s19 =	sld [smem:$0x3FDB];
	_ =	sdelay $0x1  }
0x99: {  	s4 =	simm.s32 $_scs_section_size  }
0x9a: {  	s5 =	simm.s32 $_size__tile_overlayer_lowered;
	s6 =	simm.s32 $_tile_overlayer_lowered  }
0x9b: {  	s22 =	simm.s32 $0x1BFF;
	s21 =	sshll.u32 s6, $0x1;
	s3 =	sadd.s32 s4, s19  }
0x9c: {  	s7 =	simm.s32 $0x0;
	s20 =	sshll.u32 s5, $0x1;
	s5 =	sadd.s32 s21, s3  }
0x9d: {  	[timem:s7], [sflag:s22] =	dma.local [hbm:s5], s20  }
0x9e: {  	_ =	swait.ge [sflag:s22], s20  }
0x9f: {  	s4 =	ssub.s32 $0x0, s20;
	[sflag:s22] =	ssyncset.done $0x0  }
0xa0: {  	[sflag:s22] =	ssyncadd.s32 s4;
	_ =	sdelay $0x1  }
0xa1: {  	s23 =	simm.s32 $0x1B8B  }
0xa2: {  	_ =	swait.ge [sflag:s23], $0x1  }
0xa3: {  	[sflag:s23] =	ssyncset.done $0x0  }
0xa4: {  	s25 =	simm.s32 $0x1B8E;
	s24 =	sld [smem:$0x3FFE];
	[sflag:s23] =	ssyncadd.s32 $0xFFFFFFFF  }
0xa5: {  	s26 =	simm.s32 $execute0_lowered;
	[smem:$0x3FD2] =	sst s25  }
0xa6: {  	s5 =	sshll.u32 s26, $0x1;
	_ =	strace $0x80000046;
	[dreg:$0x1] =	wrdreg $0xFFFFFFFF  }
0xa7: {  	s28 =	simm.s32 $_size_execute0_lowered;
	s3 =	sadd.s32 s3, s5;
	[dreg:$0x0] =	wrdreg $0x0  }
0xa8: {  	s5 =	sshll.u32 s28, $0x1;
	[dreg:$0x2] =	wrdreg s3  }
0xa9: {  	[dreg:$0x3] =	wrdreg s5  }
0xaa: {  	[dreg:$0x4] =	wrdreg $0xC0  }
0xab: {  	_ =	task [dreg:s7], $0x5FFFF  }
0xac: {  	[dreg:$0x1] =	wrdreg $0xFFFFFFFF  }
0xad: {  	[dreg:$0x0] =	wrdreg $0x60  }
0xae: {  	[dreg:$0x2] =	wrdreg s2  }
0xaf: {  	[dreg:$0x3] =	wrdreg s24  }
0xb0: {  	[dreg:$0x4] =	wrdreg $0x9  }
0xb1: {  	_ =	task.clear_ibuf [dreg:s7], $0x5FFFF;
	_ =	strace $0x90000046  }
0xb2: {  	s29 =	simm.s32 $0x9;
	_ =	strace $0x80000048  }
0xb3: {  	_ =	swait.ge [sflag:s29], $0x1  }
0xb4: {  	[sflag:s29] =	ssyncadd.s32 $0xFFFFFFFF  }
0xb5: {  	_ =	strace $0x90000048  }
0xb6: {  	_ =	sfence  }
0xb7: {  	s30 =	sld [smem:$0x0];
	_ =	sdelay $0x2  }
0xb8: {  	s31 =	sshll.u32 s1, $0xD;
	s1 =	sshrl.u32 s1, $0x2  }
0xb9: {  	s3 =	sand.u32 $0x4000, s31;
	s1 =	sadd.s32 s1, s30  }
0xba: {  	s0 =	sor.u32 s3, s0;
	s1 =	sshll.u32 s1, $0x11  }
0xbb: {  	s0 =	sor.u32 s1, s0  }
0xbc: {  	s0 =	sadd.s32 $0x8F2B, s0  }
0xbd: {  	[sflag:s0] =	ssyncadd.remote.s32 $0x1  }
0xbe: {  	_ =	sfence.sel $0xFFFF  }
0xbf: {  	[dreg:$0x0] =	wrdreg $0xFFFFFFFF;
	(pc) =	sbr.abs _section_cstart, $3  }
0xc0: {  	[dreg:$0x1] =	wrdreg $0xFFFFFFFF  }
0xc1: {  	_ =	task.clear_ibuf [dreg:s7], $0x2FFFF;
	_ =	strace $0x9FFFFFFF  }
0xc2: {  	(tm) =	ssettm $0x7FFFFFFF  }
0xc3: {  	_ =	shalt  }
tec
execute0_lowered:
.L_overlay_start_1:
0x0: {  	(tag) =	ssettag $0x1  }
0x1: {  	s1 =	rddreg [dreg:$0x0]  }
0x2: {  	s0 =	rddreg [dreg:$0x1];
	s3 =	simm.s32 $0x0;
	s2 =	srdreg.scid  }
0x3: {  	s4 =	stileid.u32;
	s17 =	simm.s32 $0x5;
	s18 =	simm.s32 $0x2780  }
0x4: {  	s19 =	simm.s32 $0x80;
	s28 =	simm.s32 $0x18F00;
	s29 =	simm.s32 $0x3  }
0x5: {  	s30 =	simm.s32 $0x4;
	s31 =	simm.s32 $0x1CF00;
	s21 =	simm.s32 $0x0  }
0x6: {  	[smem:$0x7FF] =	sst s3;
	s2 =	sand.u32 $0x1, s2;
	s5 =	sshll.u32 s4, $0x1  }
0x7: {  	s4 =	sadd.s32 $0x17200, s0;
	s6 =	sadd.s32 $0x3600, s0;
	s12 =	sadd.s32 $0xD400, s0  }
0x8: {  	s7 =	sadd.s32 $0x3E600, s0;
	s22 =	sadd.s32 $0x3E400, s0;
	_ =	strace $0x80000047  }
0x9: {  	s5 =	sor.u32 s2, s5;
	[dreg:$0x3] =	wrdreg s7;
	s2 =	ssub.s32 $0x2, s2  }
0xa: {  	[dreg:$0x4] =	wrdreg s22;
	s9 =	smul.u32 $0x2710, s5;
	s23 =	sshrl.u32 s2, $0x1  }
0xb: {  	s7 =	sadd.s32 $0x3E800, s0;
	s22 =	simm.s32 $0x8F00;
	s0 =	ssub.s32 s2, s23  }
0xc: {  	s23 =	simm.s32 $0x10F00;
	s10 =	sshrl.u32 s9, $0x3;
	s25 =	sadd.s32 $0x2700, s9  }
0xd: {  	s14 =	smax.u32 s0, $0x1;
	s0 =	simm.s32 $0x1CF80;
	s24 =	sadd.s32 s6, s10  }
0xe: {  	s9 =	sadd.s32 s12, s10;
	s10 =	smul.u32 $0x138800, s5;
	s26 =	sshrl.u32 s25, $0x3  }
0xf: {  	s2 =	sshll.u32 s25, $0x4;
	s25 =	simm.s32 $0x14F00;
	[dreg:$0x5] =	wrdreg s24  }
0x10: {  	s11 =	sadd.s32 s6, s26;
	s12 =	sadd.s32 s12, s26;
	s13 =	sadd.s32 s7, s2  }
0x11: {  	s24 =	simm.s32 $0x1;
	s26 =	simm.s32 $0x2;
	s2 =	simm.s32 $0x10  }
.LBB2_1:
0x12: {  	s5 =	rddreg [dreg:$0x3];
	s6 =	simm.s32 $0x1E800  }
0x13: {  	[tilespmem:s6], [sflag:$0x5] =	stream.linear.gather [hbm4b:s5+s3], $0x1, $0x38;
	[tilespmem:$0x1E900] =	vst v63  }
0x14: {  	s8 =	simm.s32 $0x1E880;
	s6 =	rddreg [dreg:$0x4]  }
0x15: {  	[tilespmem:s8], [sflag:$0x5] =	stream.linear.gather [hbm4b:s6+s3], $0x1, $0x38;
	[tilespmem:$0x1E900] =	vst v63  }
0x16: {  	_ =	swait.ge [sflag:s17], $0x1  }
0x17: {  	[sflag:s17] =	ssyncset.done $0x0  }
0x18: {  	[sflag:s17] =	ssyncadd.s32 $0xFFFFFFFF  }
0x19: {  	_ =	swait.ge [sflag:s17], $0x1  }
0x1a: {  	[sflag:s17] =	ssyncset.done $0x0  }
0x1b: {  	[sflag:s17] =	ssyncadd.s32 $0xFFFFFFFF  }
0x1c: {  	s15 =	rddreg [dreg:$0x5];
	v1 =	vld.msk [tilespmem:$0x1E800 ss:$0x0], $0xffff  }
0x1d: {  	v0 =	vld.msk [tilespmem:$0x1E880 ss:$0x0], $0xffff;
	[tilespmem:s3], [sflag:$0x5] =	stream.linear.gather [hbm4b:s15+s3], $0x2710, $0x38  }
0x1e: {  	_ =	swait.ge [sflag:s17], $0x2710  }
0x1f: {  	[sflag:s17] =	ssyncset.done $0x0  }
0x20: {  	[sflag:s17] =	ssyncadd.s32 $0xFFFFD8F0  }
0x21: {  	[tilespmem:s18], [sflag:$0x5] =	stream.linear.gather [hbm4b:s9+s3], $0x2710, $0x38;
	[tilespmem:$0x1E900] =	vst v63  }
0x22: {  	_ =	swait.ge [sflag:s17], $0x2710  }
0x23: {  	[sflag:s17] =	ssyncset.done $0x0  }
0x24: {  	s16 =	simm.s32 $0x4F00;
	[sflag:s17] =	ssyncadd.s32 $0xFFFFD8F0  }
0x25: {  	[tilespmem:s16], [sflag:$0x1] =	stream.indirect.gather [hbm4b:s1+s19], $0x80, s3, s19, $0xb8;
	[tilespmem:$0x1E900] =	vst v63  }
0x26: {  	s20 =	simm.s32 $0xCF00;
	s15 =	simm.s32 $0x0  }
0x27: {  	[tilespmem:s20], [sflag:$0x1] =	stream.indirect.gather [hbm4b:s4+s19], $0x80, s18, s19, $0xb8;
	[tilespmem:$0x1E900] =	vst v63  }
.LBB2_2:
0x28: {  	s16 =	sshllo.u32 s15, $0x1  }
0x29: {  	s5 =	sshll.u32 s16, $0x7  }
0x2a: {  	[tilespmem:s22], [sflag:$0x2] =	stream.indirect.gather [hbm4b:s1+s19], $0x80, s5, s19, $0xb8;
	[tilespmem:$0x1E900] =	vst v63  }
0x2b: {  	s5 =	sadd.s32 $0x2780, s5  }
0x2c: {  	[tilespmem:s23], [sflag:$0x2] =	stream.indirect.gather [hbm4b:s4+s19], $0x80, s5, s19, $0xb8;
	[tilespmem:$0x1E900] =	vst v63  }
0x2d: {  	_ =	swait.ge [sflag:s24], $0x4000  }
0x2e: {  	[sflag:s24] =	ssyncset.done $0x0  }
0x2f: {  	[sflag:s24] =	ssyncadd.s32 $0xFFFFC000  }
0x30: {  	_ =	swait.ge [sflag:s24], $0x4000  }
0x31: {  	p0 =	seq.s32 s15, $0x0;
	[sflag:s24] =	ssyncset.done $0x0  }
0x32: {  	s5 =	simm.s32 @!p0 $0x3;
	[sflag:s24] =	ssyncadd.s32 $0xFFFFC000  }
0x33: {  	_ =	swait.ge @!p0 [sflag:s5], $0x4000  }
0x34: {  	[sflag:s5] =	ssyncset.done @!p0 $0x0  }
0x35: {  	s20 =	simm.s32 $0x0;
	[sflag:s5] =	ssyncadd.s32 @!p0 $0xFFFFC000  }
0x36: {  	v2 =	vld [tilespmem:s20+$0x4F30]  }
0x37: {  	v3 =	vld [tilespmem:s20+$0xCF30]  }
0x38: {  	v4 =	vld [tilespmem:s20+$0x4F70]  }
0x39: {  	v5 =	vld [tilespmem:s20+$0xCF70]  }
0x3a: {  	v6 =	vld [tilespmem:s20+$0x4F00]  }
0x3b: {  	v7 =	vld [tilespmem:s20+$0xCF00]  }
0x3c: {  	v8 =	vld [tilespmem:s20+$0x4F10]  }
0x3d: {  	v9 =	vld [tilespmem:s20+$0xCF10]  }
0x3e: {  	v10 =	vld [tilespmem:s20+$0x4F20]  }
0x3f: {  	v11 =	vld [tilespmem:s20+$0xCF40]  }
0x40: {  	v12 =	vld [tilespmem:s20+$0x4F50]  }
0x41: {  	v2 =	vadd.f32 v3, v2;
	v3 =	vadd.f32 v5, v4;
	v4 =	vld [tilespmem:s20+$0xCF20]  }
0x42: {  	v5 =	vld [tilespmem:s20+$0x4F40]  }
0x43: {  	v13 =	vld [tilespmem:s20+$0xCF50];
	v2 =	vadd.s32 v2, v1;
	v3 =	vadd.s32 v3, v1  }
0x44: {  	v2 =	vshrl.u32 v2, $0x10;
	v3 =	vand.u32 v0, v3  }
0x45: {  	v2 =	vor.u32 v2, v3  }
0x46: {  	v3 =	vadd.f32 v9, v8;
	v8 =	vld [tilespmem:s20+$0xCF60];
	[tilespmem:s20+$0x14F30] =	vst v2;
	v2 =	vadd.f32 v7, v6  }
0x47: {  	s5 =	simm.s32 $0x80;
	v6 =	vld [tilespmem:s20+$0x4F60];
	v4 =	vadd.f32 v4, v10;
	v11 =	vadd.f32 v11, v5  }
0x48: {  	v10 =	vadd.f32 v13, v12;
	v3 =	vadd.s32 v3, v1;
	v5 =	vld [tilespmem:s5+$0x4F70]  }
0x49: {  	v7 =	vadd.s32 v2, v1;
	v2 =	vld [tilespmem:s5+$0x4F30];
	v4 =	vadd.s32 v4, v1;
	v11 =	vadd.s32 v11, v1  }
0x4a: {  	s6 =	simm.s32 $0x400;
	v9 =	vshrl.u32 v7, $0x10;
	v7 =	vshrl.u32 v3, $0x10;
	v3 =	vld [tilespmem:s5+$0xCF30];
	v4 =	vshrl.u32 v4, $0x10  }
.LBB2_3:
0x4b: {  	p1 =	sne.s32 s6, $0xFE00;
	v12 =	vld [tilespmem:s5+$0xCF70];
	v11 =	vand.u32 v0, v11  }
0x4c: {  	v13 =	vld [tilespmem:s5+$0x4F00];
	v6 =	vadd.f32 v8, v6;
	v8 =	vor.u32 v9, v11;
	v9 =	vadd.s32 v10, v1  }
0x4d: {  	v10 =	vld [tilespmem:s5+$0xCF00];
	[tilespmem:s20+$0x14F00] =	vst v8;
	v8 =	vand.u32 v0, v9  }
0x4e: {  	v9 =	vld [tilespmem:s5+$0x4F10];
	v7 =	vor.u32 v7, v8;
	v6 =	vadd.s32 v6, v1  }
0x4f: {  	v8 =	vld [tilespmem:s5+$0xCF10];
	[tilespmem:s20+$0x14F10] =	vst v7;
	v6 =	vand.u32 v0, v6  }
0x50: {  	v2 =	vadd.f32 v3, v2;
	v7 =	vld [tilespmem:s5+$0x4F20];
	v3 =	vadd.f32 v12, v5;
	v4 =	vor.u32 v4, v6  }
0x51: {  	v5 =	vld [tilespmem:s5+$0xCF20];
	[tilespmem:s20+$0x14F20] =	vst v4;
	s20 =	smov.u32 s5  }
0x52: {  	v2 =	vadd.s32 v2, v1;
	v4 =	vadd.f32 v10, v13;
	v10 =	vld [tilespmem:s20+$0x4F40];
	v3 =	vadd.s32 v3, v1  }
0x53: {  	v2 =	vshrl.u32 v2, $0x10;
	v11 =	vld [tilespmem:s20+$0xCF40];
	v3 =	vand.u32 v0, v3  }
0x54: {  	v8 =	vadd.f32 v8, v9;
	v12 =	vld [tilespmem:s20+$0x4F50];
	v4 =	vadd.s32 v4, v1;
	v2 =	vor.u32 v2, v3  }
0x55: {  	v13 =	vld [tilespmem:s20+$0xCF50];
	v9 =	vshrl.u32 v4, $0x10;
	[tilespmem:s20+$0x14F30] =	vst v2  }
.Ltmp0:
0x56: {  	v3 =	vadd.f32 v5, v7;
	v6 =	vld [tilespmem:s20+$0x4F60];
	v2 =	vadd.s32 v8, v1;
	(pc) =	sbr.rel @p1 .LBB2_3-.Ltmp0, $4  }
0x57: {  	s5 =	sshra.s32 s6, $0x2;
	v8 =	vld [tilespmem:s20+$0xCF60];
	v7 =	vshrl.u32 v2, $0x10  }
0x58: {  	v2 =	vld [tilespmem:s5+$0x4F30];
	v11 =	vadd.f32 v11, v10;
	v4 =	vadd.s32 v3, v1  }
0x59: {  	v3 =	vld [tilespmem:s5+$0xCF30];
	v4 =	vshrl.u32 v4, $0x10  }
0x5a: {  	s6 =	sadd.s32 $0x200, s6;
	v5 =	vld [tilespmem:s5+$0x4F70];
	v10 =	vadd.f32 v13, v12;
	v11 =	vadd.s32 v11, v1  }
0x5b: {  	v12 =	vld [tilespmem:s5+$0xCF70];
	v11 =	vand.u32 v0, v11  }
0x5c: {  	v13 =	vld [tilespmem:s5+$0x4F00];
	v9 =	vor.u32 v9, v11;
	v10 =	vadd.s32 v10, v1;
	v6 =	vadd.f32 v8, v6  }
0x5d: {  	v11 =	vld [tilespmem:s5+$0xCF00];
	[tilespmem:s20+$0x14F00] =	vst v9;
	v8 =	vand.u32 v0, v10  }
0x5e: {  	v9 =	vld [tilespmem:s5+$0x4F10];
	v7 =	vor.u32 v7, v8;
	v6 =	vadd.s32 v6, v1  }
0x5f: {  	v8 =	vld [tilespmem:s5+$0xCF10];
	[tilespmem:s20+$0x14F10] =	vst v7;
	v6 =	vand.u32 v0, v6  }
0x60: {  	v7 =	vld [tilespmem:s5+$0x4F20];
	v4 =	vor.u32 v4, v6  }
0x61: {  	v6 =	vld [tilespmem:s5+$0xCF20];
	[tilespmem:s20+$0x14F20] =	vst v4  }
0x62: {  	v2 =	vadd.f32 v3, v2;
	v3 =	vadd.f32 v12, v5;
	v4 =	vld [tilespmem:s5+$0x4F40]  }
0x63: {  	v5 =	vld [tilespmem:s5+$0xCF40]  }
0x64: {  	v2 =	vadd.s32 v2, v1;
	v3 =	vadd.s32 v3, v1;
	v10 =	vld [tilespmem:s5+$0x4F50]  }
0x65: {  	v2 =	vshrl.u32 v2, $0x10;
	v61 =	vld [tilespmem:s5+$0xCF60];
	v3 =	vand.u32 v0, v3  }
0x66: {  	v2 =	vor.u32 v2, v3;
	v3 =	vld [tilespmem:s5+$0xCF50]  }
0x67: {  	v11 =	vadd.f32 v11, v13;
	[tilespmem:s5+$0x14F30] =	vst v2;
	v2 =	vld [tilespmem:s5+$0x4F60];
	_ =	sdelay $0x1  }
0x68: {  	v8 =	vadd.f32 v8, v9;
	v9 =	vadd.s32 v11, v1  }
0x69: {  	v9 =	vshrl.u32 v9, $0x10;
	v4 =	vadd.f32 v5, v4  }
0x6a: {  	v5 =	vadd.f32 v6, v7;
	v6 =	vadd.s32 v8, v1;
	v3 =	vadd.f32 v3, v10  }
0x6b: {  	v6 =	vshrl.u32 v6, $0x10;
	v4 =	vadd.s32 v4, v1;
	v2 =	vadd.f32 v61, v2  }
0x6c: {  	v5 =	vadd.s32 v5, v1;
	v4 =	vand.u32 v0, v4;
	v3 =	vadd.s32 v3, v1  }
0x6d: {  	s6 =	sshll.u32 s15, $0xF;
	v4 =	vor.u32 v9, v4;
	v3 =	vand.u32 v0, v3;
	v2 =	vadd.s32 v2, v1  }
0x6e: {  	s6 =	sadd.s32 s10, s6;
	v5 =	vshrl.u32 v5, $0x10;
	[tilespmem:s5+$0x14F00] =	vst v4;
	v3 =	vor.u32 v6, v3;
	v2 =	vand.u32 v0, v2  }
0x6f: {  	p1 =	seq.s32 s15, $0x26;
	s6 =	sshrl.u32 s6, $0x3;
	[tilespmem:s5+$0x14F10] =	vst v3;
	v2 =	vor.u32 v5, v2  }
0x70: {  	s20 =	sadd.s32 s7, s6;
	[tilespmem:s5+$0x14F20] =	vst v2;
	s5 =	sshll.u32 @!p1 s15, $0x8  }
0x71: {  	[hbm4b:s20+s3] =	stream.linear.scatter [tilespmem:s25], [sflag:$0x3], $0x4000, $0x38;
	[tilespmem:$0x1E900] =	vst v63  }
0x72: {  	s8 =	simm.s32 @!p1 $0x4F00;
	s6 =	sadd.s32 @!p1 $0x100, s5;
	s20 =	simm.s32 @!p1 $0x80  }
0x73: {  	[tilespmem:s8], [sflag:$0x1] =	stream.indirect.gather @!p1 [hbm4b:s1+s20], $0x80, s6, s20, $0xb8;
	[tilespmem:$0x1E900] =	vst v63  }
0x74: {  	s5 =	sadd.s32 @!p1 $0x2880, s5;
	s6 =	simm.s32 @!p1 $0xCF00  }
0x75: {  	[tilespmem:s6], [sflag:$0x1] =	stream.indirect.gather @!p1 [hbm4b:s4+s20], $0x80, s5, s20, $0xb8;
	[tilespmem:$0x1E900] =	vst v63  }
0x76: {  	_ =	swait.ge [sflag:s26], $0x4000  }
0x77: {  	[sflag:s26] =	ssyncset.done $0x0  }
0x78: {  	[sflag:s26] =	ssyncadd.s32 $0xFFFFC000  }
0x79: {  	_ =	swait.ge [sflag:s26], $0x4000  }
0x7a: {  	[sflag:s26] =	ssyncset.done $0x0  }
0x7b: {  	s5 =	simm.s32 @!p0 $0x4;
	[sflag:s26] =	ssyncadd.s32 $0xFFFFC000  }
0x7c: {  	_ =	swait.ge @!p0 [sflag:s5], $0x4000  }
0x7d: {  	[sflag:s5] =	ssyncset.done @!p0 $0x0  }
0x7e: {  	s20 =	simm.s32 $0x0;
	[sflag:s5] =	ssyncadd.s32 @!p0 $0xFFFFC000  }
0x7f: {  	v2 =	vld [tilespmem:s20+$0x8F30]  }
0x80: {  	v3 =	vld [tilespmem:s20+$0x10F30]  }
0x81: {  	v4 =	vld [tilespmem:s20+$0x8F70]  }
0x82: {  	v5 =	vld [tilespmem:s20+$0x10F70]  }
0x83: {  	v6 =	vld [tilespmem:s20+$0x8F00]  }
0x84: {  	v7 =	vld [tilespmem:s20+$0x10F00]  }
0x85: {  	v8 =	vld [tilespmem:s20+$0x8F10]  }
0x86: {  	v9 =	vld [tilespmem:s20+$0x10F10]  }
0x87: {  	v10 =	vld [tilespmem:s20+$0x8F20]  }
0x88: {  	v11 =	vld [tilespmem:s20+$0x10F40]  }
0x89: {  	v62 =	vld [tilespmem:s20+$0x8F50]  }
0x8a: {  	v2 =	vadd.f32 v3, v2;
	v3 =	vadd.f32 v5, v4;
	v4 =	vld [tilespmem:s20+$0x10F20]  }
0x8b: {  	v5 =	vld [tilespmem:s20+$0x8F40]  }
0x8c: {  	v63 =	vld [tilespmem:s20+$0x10F50];
	v2 =	vadd.s32 v2, v1;
	v3 =	vadd.s32 v3, v1  }
0x8d: {  	v2 =	vshrl.u32 v2, $0x10;
	v3 =	vand.u32 v0, v3  }
0x8e: {  	v2 =	vor.u32 v2, v3  }
0x8f: {  	v3 =	vadd.f32 v9, v8;
	v8 =	vld [tilespmem:s20+$0x10F60];
	[tilespmem:s20+$0x18F30] =	vst v2;
	v2 =	vadd.f32 v7, v6  }
0x90: {  	s5 =	simm.s32 $0x80;
	v6 =	vld [tilespmem:s20+$0x8F60];
	v4 =	vadd.f32 v4, v10;
	v11 =	vadd.f32 v11, v5  }
0x91: {  	v10 =	vadd.f32 v63, v62;
	v3 =	vadd.s32 v3, v1;
	v5 =	vld [tilespmem:s5+$0x8F70]  }
0x92: {  	v7 =	vadd.s32 v2, v1;
	v2 =	vld [tilespmem:s5+$0x8F30];
	v4 =	vadd.s32 v4, v1;
	v11 =	vadd.s32 v11, v1  }
0x93: {  	s6 =	simm.s32 $0x400;
	v9 =	vshrl.u32 v7, $0x10;
	v7 =	vshrl.u32 v3, $0x10;
	v3 =	vld [tilespmem:s5+$0x10F30];
	v4 =	vshrl.u32 v4, $0x10  }
.LBB2_5:
0x94: {  	p0 =	sne.s32 s6, $0xFE00;
	v12 =	vld [tilespmem:s5+$0x10F70];
	v11 =	vand.u32 v0, v11  }
0x95: {  	v13 =	vld [tilespmem:s5+$0x8F00];
	v6 =	vadd.f32 v8, v6;
	v8 =	vor.u32 v9, v11;
	v9 =	vadd.s32 v10, v1  }
0x96: {  	v10 =	vld [tilespmem:s5+$0x10F00];
	[tilespmem:s20+$0x18F00] =	vst v8;
	v8 =	vand.u32 v0, v9  }
0x97: {  	v9 =	vld [tilespmem:s5+$0x8F10];
	v7 =	vor.u32 v7, v8;
	v6 =	vadd.s32 v6, v1  }
0x98: {  	v8 =	vld [tilespmem:s5+$0x10F10];
	[tilespmem:s20+$0x18F10] =	vst v7;
	v6 =	vand.u32 v0, v6  }
0x99: {  	v2 =	vadd.f32 v3, v2;
	v7 =	vld [tilespmem:s5+$0x8F20];
	v3 =	vadd.f32 v12, v5;
	v4 =	vor.u32 v4, v6  }
0x9a: {  	v5 =	vld [tilespmem:s5+$0x10F20];
	[tilespmem:s20+$0x18F20] =	vst v4;
	s20 =	smov.u32 s5  }
0x9b: {  	v2 =	vadd.s32 v2, v1;
	v4 =	vadd.f32 v10, v13;
	v10 =	vld [tilespmem:s20+$0x8F40];
	v3 =	vadd.s32 v3, v1  }
0x9c: {  	v2 =	vshrl.u32 v2, $0x10;
	v11 =	vld [tilespmem:s20+$0x10F40];
	v3 =	vand.u32 v0, v3  }
0x9d: {  	v8 =	vadd.f32 v8, v9;
	v12 =	vld [tilespmem:s20+$0x8F50];
	v4 =	vadd.s32 v4, v1;
	v2 =	vor.u32 v2, v3  }
0x9e: {  	v13 =	vld [tilespmem:s20+$0x10F50];
	v9 =	vshrl.u32 v4, $0x10;
	[tilespmem:s20+$0x18F30] =	vst v2  }
.Ltmp1:
0x9f: {  	v3 =	vadd.f32 v5, v7;
	v6 =	vld [tilespmem:s20+$0x8F60];
	v2 =	vadd.s32 v8, v1;
	(pc) =	sbr.rel @p0 .LBB2_5-.Ltmp1, $4  }
0xa0: {  	s5 =	sshra.s32 s6, $0x2;
	v8 =	vld [tilespmem:s20+$0x10F60];
	v7 =	vshrl.u32 v2, $0x10  }
0xa1: {  	v2 =	vld [tilespmem:s5+$0x8F30];
	v11 =	vadd.f32 v11, v10;
	v4 =	vadd.s32 v3, v1  }
0xa2: {  	v3 =	vld [tilespmem:s5+$0x10F30];
	v4 =	vshrl.u32 v4, $0x10  }
0xa3: {  	s6 =	sadd.s32 $0x200, s6;
	v5 =	vld [tilespmem:s5+$0x8F70];
	v10 =	vadd.f32 v13, v12;
	v11 =	vadd.s32 v11, v1  }
0xa4: {  	v12 =	vld [tilespmem:s5+$0x10F70];
	v11 =	vand.u32 v0, v11  }
0xa5: {  	v13 =	vld [tilespmem:s5+$0x8F00];
	v9 =	vor.u32 v9, v11;
	v10 =	vadd.s32 v10, v1;
	v6 =	vadd.f32 v8, v6  }
0xa6: {  	v54 =	vld [tilespmem:s5+$0x10F00];
	[tilespmem:s20+$0x18F00] =	vst v9;
	v55 =	vand.u32 v0, v10  }
0xa7: {  	v9 =	vld [tilespmem:s5+$0x8F10];
	v7 =	vor.u32 v7, v55;
	v6 =	vadd.s32 v6, v1  }
0xa8: {  	v56 =	vld [tilespmem:s5+$0x10F10];
	[tilespmem:s20+$0x18F10] =	vst v7;
	v6 =	vand.u32 v0, v6  }
0xa9: {  	v7 =	vld [tilespmem:s5+$0x8F20];
	v4 =	vor.u32 v4, v6  }
0xaa: {  	v57 =	vld [tilespmem:s5+$0x10F20];
	[tilespmem:s20+$0x18F20] =	vst v4  }
0xab: {  	v2 =	vadd.f32 v3, v2;
	v3 =	vadd.f32 v12, v5;
	v4 =	vld [tilespmem:s5+$0x8F40]  }
0xac: {  	v58 =	vld [tilespmem:s5+$0x10F40]  }
0xad: {  	v2 =	vadd.s32 v2, v1;
	v3 =	vadd.s32 v3, v1;
	v59 =	vld [tilespmem:s5+$0x8F50]  }
0xae: {  	v2 =	vshrl.u32 v2, $0x10;
	v60 =	vld [tilespmem:s5+$0x10F60];
	v3 =	vand.u32 v0, v3  }
0xaf: {  	v2 =	vor.u32 v2, v3;
	v3 =	vld [tilespmem:s5+$0x10F50]  }
0xb0: {  	v11 =	vadd.f32 v54, v13;
	[tilespmem:s5+$0x18F30] =	vst v2;
	v2 =	vld [tilespmem:s5+$0x8F60];
	_ =	sdelay $0x1  }
0xb1: {  	v61 =	vadd.s32 v11, v1;
	v8 =	vadd.f32 v56, v9  }
0xb2: {  	v9 =	vshrl.u32 v61, $0x10;
	v4 =	vadd.f32 v58, v4  }
0xb3: {  	v62 =	vadd.f32 v57, v7;
	v63 =	vadd.s32 v8, v1;
	v3 =	vadd.f32 v3, v59  }
0xb4: {  	s15 =	sadd.s32 $0x1, s15;
	v6 =	vshrl.u32 v63, $0x10;
	v4 =	vadd.s32 v4, v1;
	v2 =	vadd.f32 v60, v2  }
0xb5: {  	p0 =	sne.s32 s15, $0x27;
	v5 =	vadd.s32 v62, v1;
	v4 =	vand.u32 v0, v4;
	v3 =	vadd.s32 v3, v1  }
.Ltmp2:
0xb6: {  	s6 =	sshll.u32 s16, $0xE;
	v4 =	vor.u32 v9, v4;
	v3 =	vand.u32 v0, v3;
	v2 =	vadd.s32 v2, v1;
	(pc) =	sbr.rel @p0 .LBB2_2-.Ltmp2, $4  }
0xb7: {  	s6 =	sadd.s32 s10, s6;
	v5 =	vshrl.u32 v5, $0x10;
	[tilespmem:s5+$0x18F00] =	vst v4;
	v3 =	vor.u32 v6, v3;
	v2 =	vand.u32 v0, v2  }
0xb8: {  	s6 =	sshrl.u32 s6, $0x3;
	[tilespmem:s5+$0x18F10] =	vst v3;
	v2 =	vor.u32 v5, v2  }
0xb9: {  	s20 =	sadd.s32 s7, s6;
	[tilespmem:s5+$0x18F20] =	vst v2  }
0xba: {  	[hbm4b:s20+s3] =	stream.linear.scatter [tilespmem:s28], [sflag:$0x4], $0x4000, $0x38;
	[tilespmem:$0x1E900] =	vst v63  }
0xbb: {  	_ =	swait.ge [sflag:s29], $0x4000  }
0xbc: {  	[sflag:s29] =	ssyncset.done $0x0  }
0xbd: {  	[sflag:s29] =	ssyncadd.s32 $0xFFFFC000  }
0xbe: {  	_ =	swait.ge [sflag:s30], $0x4000  }
0xbf: {  	[sflag:s30] =	ssyncset.done $0x0  }
0xc0: {  	s5 =	simm.s32 $0x0;
	[sflag:s30] =	ssyncadd.s32 $0xFFFFC000  }
0xc1: {  	[tilespmem:s31], [sflag:$0x5] =	stream.linear.gather [hbm4b:s11+s5], $0x10, $0x38;
	[tilespmem:$0x1E900] =	vst v63  }
0xc2: {  	_ =	swait.ge [sflag:s17], $0x10  }
0xc3: {  	[sflag:s17] =	ssyncset.done $0x0  }
0xc4: {  	[sflag:s17] =	ssyncadd.s32 $0xFFFFFFF0  }
0xc5: {  	[tilespmem:s0], [sflag:$0x5] =	stream.linear.gather [hbm4b:s12+s5], $0x10, $0x38;
	[tilespmem:$0x1E900] =	vst v63  }
0xc6: {  	_ =	swait.ge [sflag:s17], $0x10  }
0xc7: {  	[sflag:s17] =	ssyncset.done $0x0  }
0xc8: {  	s16 =	simm.s32 $0x1D000;
	[sflag:s17] =	ssyncadd.s32 $0xFFFFFFF0  }
0xc9: {  	[tilespmem:s16], [sflag:$0x1] =	stream.indirect.gather [hbm4b:s1+s2], $0x80, s31, s2, $0xb8;
	[tilespmem:$0x1E900] =	vst v63  }
0xca: {  	_ =	swait.ge [sflag:s24], $0x800  }
0xcb: {  	[sflag:s24] =	ssyncset.done $0x0  }
0xcc: {  	s20 =	simm.s32 $0x1D800;
	[sflag:s24] =	ssyncadd.s32 $0xFFFFF800  }
0xcd: {  	[tilespmem:s20], [sflag:$0x2] =	stream.indirect.gather [hbm4b:s4+s2], $0x80, s0, s2, $0xb8;
	[tilespmem:$0x1E900] =	vst v63  }
0xce: {  	_ =	swait.ge [sflag:s26], $0x800  }
0xcf: {  	[sflag:s26] =	ssyncset.done $0x0  }
0xd0: {  	s15 =	simm.s32 $0x0;
	[sflag:s26] =	ssyncadd.s32 $0xFFFFF800  }
0xd1: {  	v2 =	vld [tilespmem:s15+$0x1D030]  }
0xd2: {  	v3 =	vld [tilespmem:s15+$0x1D830]  }
0xd3: {  	v4 =	vld [tilespmem:s15+$0x1D070]  }
0xd4: {  	v5 =	vld [tilespmem:s15+$0x1D870]  }
0xd5: {  	v6 =	vld [tilespmem:s15+$0x1D000]  }
0xd6: {  	v7 =	vld [tilespmem:s15+$0x1D800]  }
0xd7: {  	v8 =	vld [tilespmem:s15+$0x1D010]  }
0xd8: {  	v9 =	vld [tilespmem:s15+$0x1D810]  }
0xd9: {  	v10 =	vld [tilespmem:s15+$0x1D020]  }
0xda: {  	v11 =	vld [tilespmem:s15+$0x1D840]  }
0xdb: {  	v12 =	vld [tilespmem:s15+$0x1D050]  }
0xdc: {  	v2 =	vadd.f32 v3, v2;
	v3 =	vadd.f32 v5, v4;
	v4 =	vld [tilespmem:s15+$0x1D820]  }
0xdd: {  	v5 =	vld [tilespmem:s15+$0x1D040]  }
0xde: {  	v13 =	vld [tilespmem:s15+$0x1D850];
	v2 =	vadd.s32 v2, v1;
	v3 =	vadd.s32 v3, v1  }
0xdf: {  	v2 =	vshrl.u32 v2, $0x10;
	v3 =	vand.u32 v0, v3  }
0xe0: {  	v2 =	vor.u32 v2, v3  }
0xe1: {  	v3 =	vadd.f32 v9, v8;
	v8 =	vld [tilespmem:s15+$0x1D860];
	[tilespmem:s15+$0x1E030] =	vst v2;
	v2 =	vadd.f32 v7, v6  }
0xe2: {  	s5 =	simm.s32 $0x80;
	v6 =	vld [tilespmem:s15+$0x1D060];
	v4 =	vadd.f32 v4, v10;
	v11 =	vadd.f32 v11, v5  }
0xe3: {  	v10 =	vadd.f32 v13, v12;
	v3 =	vadd.s32 v3, v1;
	v5 =	vld [tilespmem:s5+$0x1D070]  }
0xe4: {  	v7 =	vadd.s32 v2, v1;
	v2 =	vld [tilespmem:s5+$0x1D030];
	v4 =	vadd.s32 v4, v1;
	v11 =	vadd.s32 v11, v1  }
0xe5: {  	s6 =	simm.s32 $0x400;
	v9 =	vshrl.u32 v7, $0x10;
	v7 =	vshrl.u32 v3, $0x10;
	v3 =	vld [tilespmem:s5+$0x1D830];
	v4 =	vshrl.u32 v4, $0x10  }
.LBB2_8:
0xe6: {  	p0 =	sne.s32 s6, $0x1E00;
	v12 =	vld [tilespmem:s5+$0x1D870];
	v11 =	vand.u32 v0, v11  }
0xe7: {  	v13 =	vld [tilespmem:s5+$0x1D000];
	v6 =	vadd.f32 v8, v6;
	v8 =	vor.u32 v9, v11;
	v9 =	vadd.s32 v10, v1  }
0xe8: {  	v10 =	vld [tilespmem:s5+$0x1D800];
	[tilespmem:s15+$0x1E000] =	vst v8;
	v8 =	vand.u32 v0, v9  }
0xe9: {  	v9 =	vld [tilespmem:s5+$0x1D010];
	v7 =	vor.u32 v7, v8;
	v6 =	vadd.s32 v6, v1  }
0xea: {  	v8 =	vld [tilespmem:s5+$0x1D810];
	[tilespmem:s15+$0x1E010] =	vst v7;
	v6 =	vand.u32 v0, v6  }
0xeb: {  	v2 =	vadd.f32 v3, v2;
	v7 =	vld [tilespmem:s5+$0x1D020];
	v3 =	vadd.f32 v12, v5;
	v4 =	vor.u32 v4, v6  }
0xec: {  	v5 =	vld [tilespmem:s5+$0x1D820];
	[tilespmem:s15+$0x1E020] =	vst v4;
	s15 =	smov.u32 s5  }
0xed: {  	v2 =	vadd.s32 v2, v1;
	v4 =	vadd.f32 v10, v13;
	v10 =	vld [tilespmem:s15+$0x1D040];
	v3 =	vadd.s32 v3, v1  }
0xee: {  	v2 =	vshrl.u32 v2, $0x10;
	v11 =	vld [tilespmem:s15+$0x1D840];
	v3 =	vand.u32 v0, v3  }
0xef: {  	v8 =	vadd.f32 v8, v9;
	v12 =	vld [tilespmem:s15+$0x1D050];
	v4 =	vadd.s32 v4, v1;
	v2 =	vor.u32 v2, v3  }
0xf0: {  	v13 =	vld [tilespmem:s15+$0x1D850];
	v9 =	vshrl.u32 v4, $0x10;
	[tilespmem:s15+$0x1E030] =	vst v2  }
.Ltmp3:
0xf1: {  	v3 =	vadd.f32 v5, v7;
	v6 =	vld [tilespmem:s15+$0x1D060];
	v2 =	vadd.s32 v8, v1;
	(pc) =	sbr.rel @p0 .LBB2_8-.Ltmp3, $4  }
0xf2: {  	s5 =	sshra.s32 s6, $0x2;
	v8 =	vld [tilespmem:s15+$0x1D860];
	v7 =	vshrl.u32 v2, $0x10  }
0xf3: {  	v2 =	vld [tilespmem:s5+$0x1D030];
	v11 =	vadd.f32 v11, v10;
	v4 =	vadd.s32 v3, v1  }
0xf4: {  	v3 =	vld [tilespmem:s5+$0x1D830];
	v4 =	vshrl.u32 v4, $0x10  }
0xf5: {  	s6 =	sadd.s32 $0x200, s6;
	v5 =	vld [tilespmem:s5+$0x1D070];
	v10 =	vadd.f32 v13, v12;
	v11 =	vadd.s32 v11, v1  }
0xf6: {  	v12 =	vld [tilespmem:s5+$0x1D870];
	v11 =	vand.u32 v0, v11  }
0xf7: {  	v13 =	vld [tilespmem:s5+$0x1D000];
	v9 =	vor.u32 v9, v11;
	v10 =	vadd.s32 v10, v1;
	v6 =	vadd.f32 v8, v6  }
0xf8: {  	v48 =	vld [tilespmem:s5+$0x1D800];
	[tilespmem:s15+$0x1E000] =	vst v9;
	v49 =	vand.u32 v0, v10  }
0xf9: {  	v9 =	vld [tilespmem:s5+$0x1D010];
	v7 =	vor.u32 v7, v49;
	v6 =	vadd.s32 v6, v1  }
0xfa: {  	v50 =	vld [tilespmem:s5+$0x1D810];
	[tilespmem:s15+$0x1E010] =	vst v7;
	v6 =	vand.u32 v0, v6  }
0xfb: {  	v7 =	vld [tilespmem:s5+$0x1D020];
	v4 =	vor.u32 v4, v6  }
0xfc: {  	v51 =	vld [tilespmem:s5+$0x1D820];
	[tilespmem:s15+$0x1E020] =	vst v4  }
0xfd: {  	v4 =	vld [tilespmem:s5+$0x1D040]  }
0xfe: {  	v53 =	vld [tilespmem:s5+$0x1D840]  }
0xff: {  	v54 =	vld [tilespmem:s5+$0x1D050]  }
0x100: {  	v2 =	vadd.f32 v3, v2;
	v55 =	vld [tilespmem:s5+$0x1D850]  }
0x101: {  	v52 =	vadd.f32 v12, v5;
	v56 =	vld [tilespmem:s5+$0x1D060]  }
0x102: {  	v2 =	vadd.s32 v2, v1;
	v11 =	vadd.f32 v48, v13;
	v57 =	vld [tilespmem:s5+$0x1D860]  }
0x103: {  	v2 =	vshrl.u32 v2, $0x10;
	v3 =	vadd.s32 v52, v1  }
0x104: {  	v58 =	vadd.s32 v11, v1;
	v3 =	vand.u32 v0, v3;
	v8 =	vadd.f32 v50, v9  }
0x105: {  	v9 =	vshrl.u32 v58, $0x10;
	v2 =	vor.u32 v2, v3;
	v4 =	vadd.f32 v53, v4  }
0x106: {  	v59 =	vadd.f32 v51, v7;
	v60 =	vadd.s32 v8, v1;
	v3 =	vadd.f32 v55, v54  }
0x107: {  	[tilespmem:s5+$0x1E030] =	vst v2;
	v6 =	vshrl.u32 v60, $0x10;
	v2 =	vadd.f32 v57, v56;
	v4 =	vadd.s32 v4, v1  }
0x108: {  	v5 =	vadd.s32 v59, v1;
	v3 =	vadd.s32 v3, v1;
	v4 =	vand.u32 v0, v4  }
0x109: {  	v61 =	vadd.s32 v2, v1;
	v3 =	vand.u32 v0, v3;
	v4 =	vor.u32 v9, v4  }
0x10a: {  	s21 =	sadd.s32 $0x1, s21;
	v62 =	vshrl.u32 v5, $0x10;
	v63 =	vand.u32 v0, v61;
	v3 =	vor.u32 v6, v3;
	[tilespmem:s5+$0x1E000] =	vst v4  }
0x10b: {  	p0 =	sne.s32 s21, s14;
	v0 =	vor.u32 v62, v63;
	[tilespmem:s5+$0x1E010] =	vst v3  }
.Ltmp4:
0x10c: {  	s20 =	simm.s32 $0x1E000;
	[tilespmem:s5+$0x1E020] =	vst v0;
	(pc) =	sbr.rel @p0 .LBB2_1-.Ltmp4, $4  }
0x10d: {  	[hbm4b:s13+s3] =	stream.linear.scatter [tilespmem:s20], [sflag:$0x5], $0x800, $0x38;
	[tilespmem:$0x1E900] =	vst v63  }
0x10e: {  	_ =	swait.ge [sflag:s17], $0x800  }
0x10f: {  	[sflag:s17] =	ssyncset.done $0x0  }
0x110: {  	[sflag:s17] =	ssyncadd.s32 $0xFFFFF800  }
0x111: {  	_ =	sfence.sel $0x180000  }
0x112: {  	[bflag:$0x0] =	sbarrier.arrive $0xFFFF  }
0x113: {  	_ =	strace $0x90000047  }
0x114: {  	s0 =	stileid.u32;
	[bflag:$0x2] =	sbarrier.arrive $0xFFFF  }
0x115: {  	p0 =	sne.s32 s0, $0x0;
	s0 =	rddreg [dreg:$0x2]  }
0x116: {  	s0 =	sadd.s32 @!p0 $0x100000, s0  }
0x117: {  	[sflag:s0] =	ssyncadd.tile.s32 @!p0 $0x1;
	_ =	shalt  }
.Lfunc_end2:
_tile_overlayer_lowered:
.L_overlay_start_2:
0x118: {  	(tag) =	ssettag $0x2  }
0x119: {  	s0 =	rddreg [dreg:$0x0];
	s2 =	stileid.u32  }
0x11a: {  	s1 =	rddreg [dreg:$0x1];
	p0 =	sne.s32 s2, $0x0  }
0x11b: {  	s3 =	rddreg [dreg:$0x2];
	[bflag:$0x3] =	sbarrier.arrive $0xFFFF;
	s2 =	simm.s32 @!p0 $0x1C05  }
0x11c: {  	[timem:s3], [sflag:s2] =	dma.local @!p0 [hbm:s0], s1  }
0x11d: {  	s0 =	simm.s32 @!p0 $0x5  }
0x11e: {  	_ =	swait.ge @!p0 [sflag:s0], s1  }
0x11f: {  	s1 =	ssub.s32 @!p0 $0x0, s1;
	[sflag:s0] =	ssyncset.done @!p0 $0x0  }
0x120: {  	[sflag:s0] =	ssyncadd.s32 @!p0 s1  }
0x121: {  	[bflag:$0x3] =	sbarrier.arrive $0xFFFF  }
0x122: {  	_ =	shalt  }

</sc_bundles>
